<compile_context>
chip_gen: v7x
topology: tpu7x:2x2x1
jax: 0.10.2.dev20260603
libtpu: 0.0.44.dev20260713+nightly
codegen_flags: <defaults>
</compile_context>

<pallas_src>
import functools

import jax
import jax.numpy as jnp
from jax import lax
from jax.experimental import pallas as pl
from jax.experimental.pallas import tpu as pltpu
from jax.experimental.pallas import tpu_sc as plsc

NSIG = 100000
NL = 16
LD = 32
PD = 2
OD = 2
CD = PD + OD
B = 4096
NC = 2
NS = 16
NW = NC * NS

H0 = 49920
H1 = NSIG - H0
SHIFT = 17

_mesh = plsc.VectorSubcoreMesh(core_axis_name="c", subcore_axis_name="s")


@functools.partial(
    pl.kernel,
    mesh=_mesh,
    compiler_params=pltpu.CompilerParams(needs_layout_passes=False),
    out_type=(
        jax.ShapeDtypeStruct((NL, CD, B), jnp.float32),
        jax.ShapeDtypeStruct((NL, LD, B), jnp.float32),
        jax.ShapeDtypeStruct((NL, 1, B), jnp.float32),
    ),
    scratch_types=[
        pltpu.VMEM((B,), jnp.int32),
        pltpu.VMEM((H1,), jnp.float32),
        pltpu.VMEM((H1,), jnp.float32),
        pltpu.VMEM((B + 16,), jnp.int32),
        pltpu.VMEM((B + 16,), jnp.int32),
        pltpu.VMEM((B + 16,), jnp.float32),
        pltpu.VMEM((B + 16,), jnp.float32),
        pltpu.SemaphoreType.DMA,
        pltpu.SemaphoreType.DMA,
        pltpu.SemaphoreType.DMA,
        pltpu.SemaphoreType.DMA,
    ],
)
def _gather_kernel(idx_hbm, pp_hbm, po_hbm, c_hbm, gw_hbm,
                   out_p, out_a, out_gw,
                   idx_v, buf0, buf1, listA, listB, ob0, ob1,
                   sb0, sb1, so0, so1):
    wid = lax.axis_index("s") * NC + lax.axis_index("c")
    bufs = (buf0, buf1)
    obufs = (ob0, ob1)
    bsems = (sb0, sb1)
    osems = (so0, so1)

    lpp = wid // PD
    dpp = wid % PD
    planes = [(c_hbm, (l, wid), out_a.at[l, wid]) for l in range(NL)]
    planes.append((pp_hbm, (lpp, dpp), out_p.at[lpp, dpp]))
    planes.append((po_hbm, (lpp, dpp), out_p.at[lpp, PD + dpp]))
    gwl = wid % NL
    planes.append((gw_hbm, (gwl, 0), out_gw.at[gwl, 0]))
    npl = len(planes)
    gw_pi = npl - 1
    nu = 2 * npl

    def half_src(pi, h):
        tab, (i0, i1), _ = planes[pi]
        if h == 0:
            return tab.at[i0, i1, pl.ds(0, H0)]
        return tab.at[i0, i1, pl.ds(H0, H1)]

    def start(u):
        pi, h = divmod(u, 2)
        dst = bufs[u % 2].at[pl.ds(0, H0)] if h == 0 else bufs[u % 2]
        desc = pltpu.make_async_copy(half_src(pi, h), dst, bsems[u % 2])
        if pi == gw_pi:
            pl.when(wid < NL)(desc.start)
        else:
            desc.start()
        return desc

    def prep_body(i, carry):
        offA, offB = carry
        iv = idx_v[pl.ds(i * 16, 16)]
        pos = lax.iota(jnp.int32, 16) + i * 16
        pw = lax.shift_left(pos, SHIFT)
        mA = iv < H0
        plsc.store_compressed(listA.at[pl.ds(offA, 16)], iv | pw, mask=mA)
        plsc.store_compressed(listB.at[pl.ds(offB, 16)], (iv - H0) | pw,
                              mask=jnp.logical_not(mA))
        cA = jnp.sum(mA.astype(jnp.int32))
        return (offA + cA, offB + (16 - cA))

    handles = {0: start(0), 1: start(1)}
    pltpu.sync_copy(idx_hbm, idx_v)
    nA, nB = lax.fori_loop(0, B // 16, prep_body, (0, 0))
    dump = jnp.full((16,), B << SHIFT, jnp.int32)
    listA[pl.ds(nA, 16)] = dump
    listB[pl.ds(nB, 16)] = dump

    def gather_half(lst, n, buf, obuf):
        def body(g, carry):
            w = lst[pl.ds(g * 16, 16)]
            ivl = w & ((1 << SHIFT) - 1)
            pos = lax.shift_right_logical(w, SHIFT)
            plsc.store_scatter(obuf, [pos], plsc.load_gather(buf, [ivl]))
            return carry

        lax.fori_loop(0, (n + 15) // 16, body, 0)

    def guarded(pi, fn):
        if pi == gw_pi:
            pl.when(wid < NL)(fn)
        else:
            fn()

    out_handles = [None] * npl
    for u in range(nu):
        pi, h = divmod(u, 2)
        if h == 0 and pi >= 2:
            guarded(pi - 2, out_handles[pi - 2].wait)
        guarded(pi, handles[u].wait)
        if h == 0:
            guarded(pi, lambda: gather_half(listA, nA, bufs[u % 2],
                                            obufs[pi % 2]))
        else:
            guarded(pi, lambda: gather_half(listB, nB, bufs[u % 2],
                                            obufs[pi % 2]))
            out_handles[pi] = pltpu.make_async_copy(
                obufs[pi % 2].at[pl.ds(0, B)], planes[pi][2], osems[pi % 2])
            guarded(pi, out_handles[pi].start)
        if u + 2 < nu:
            handles[u + 2] = start(u + 2)
    guarded(npl - 2, out_handles[npl - 2].wait)
    guarded(npl - 1, out_handles[npl - 1].wait)


def kernel(idx, p_pos, p_ori, c, gaussian_window):
    ppT = jnp.transpose(p_pos, (1, 2, 0))
    poT = jnp.transpose(p_ori, (1, 2, 0))
    cT = jnp.transpose(c, (1, 2, 0))
    gwT = jnp.transpose(gaussian_window, (1, 2, 0))
    pT, aT, gwoT = _gather_kernel(idx.astype(jnp.int32), ppT, poT, cT, gwT)
    return (
        jnp.transpose(pT, (2, 0, 1)),
        jnp.transpose(aT, (2, 0, 1)),
        jnp.transpose(gwoT, (2, 0, 1)),
    )

# --- scband reference (transcript-rebuilt; emitter-appended) ---
"""Pipeline reference for scband-position-orientation-feature-autodecoder-38663295598611 (READ-ONLY COPY).

The authoritative reference and input builder live on the scoring server;
editing this copy changes nothing except your own understanding.
"""

import jax, jax.numpy as jnp
import numpy as np

NUM_SIGNALS = 100000
NUM_LATENTS = 16
LATENT_DIM = 32
NUM_POS_DIMS = 2
NUM_ORI_DIMS = 2
BATCH = 4096


def _init_positions_grid():
    # grid of num_latents positions in [-1, 1]^num_pos_dims, broadcast over signals
    n_per_dim = int(round(NUM_LATENTS ** (1.0 / NUM_POS_DIMS)))
    lin = jnp.linspace(-1.0, 1.0, n_per_dim)
    grid = jnp.stack(jnp.meshgrid(lin, lin, indexing='ij'), axis=-1).reshape(NUM_LATENTS, NUM_POS_DIMS)
    return jnp.broadcast_to(grid[None, :, :], (NUM_SIGNALS, NUM_LATENTS, NUM_POS_DIMS)).astype(jnp.float32)


def setup_inputs(seed: int = 0) -> dict:
    key = jax.random.key(seed)
    k_idx = jax.random.fold_in(key, 1)
    idx = jax.random.randint(k_idx, (BATCH,), 0, NUM_SIGNALS, dtype=jnp.int64 if jax.config.read('jax_enable_x64') else jnp.int32)
    # learned parameters (as initialized by flax setup)
    p_pos = _init_positions_grid()
    p_ori = jnp.zeros((NUM_SIGNALS, NUM_LATENTS, NUM_ORI_DIMS), dtype=jnp.float32)
    c = jnp.ones((NUM_SIGNALS, NUM_LATENTS, LATENT_DIM), dtype=jnp.float32)
    n_per_dim = int(round(NUM_LATENTS ** (1.0 / NUM_POS_DIMS)))
    gw_init = NUM_POS_DIMS / n_per_dim
    gaussian_window = jnp.full((NUM_SIGNALS, NUM_LATENTS, 1), gw_init, dtype=jnp.float32)
    return {"idx": idx, "p_pos": p_pos, "p_ori": p_ori, "c": c, "gaussian_window": gaussian_window}


def reference(idx, p_pos, p_ori, c, gaussian_window):
    # faithful translation of __call__: pure gathers over the signal axis
    pp = jnp.take(p_pos, idx, axis=0)
    po = jnp.take(p_ori, idx, axis=0)
    p = jnp.concatenate((pp, po), axis=-1)
    a = jnp.take(c, idx, axis=0)
    gw = jnp.take(gaussian_window, idx, axis=0)
    return (p, a, gw)

if __name__ == "__main__":
    import jax
    _d = setup_inputs()
    print(jax.jit(kernel)(*tuple(_d.values())))

</pallas_src>

<mosaic_0001>
#map = affine_map<(d0, d1) -> (0)>
#map1 = affine_map<(d0, d1) -> (0, 0, 0)>
module attributes {stable_mosaic.version = 14 : i64} {
  func.func @_gather_kernel(%arg0: i32, %arg1: i32, %arg2: memref<4096xi32, #tpu.memory_space<hbm>>, %arg3: memref<16x2x100000xf32, #tpu.memory_space<hbm>>, %arg4: memref<16x2x100000xf32, #tpu.memory_space<hbm>>, %arg5: memref<16x32x100000xf32, #tpu.memory_space<hbm>>, %arg6: memref<16x1x100000xf32, #tpu.memory_space<hbm>>, %arg7: memref<16x4x4096xf32, #tpu.memory_space<hbm>>, %arg8: memref<16x32x4096xf32, #tpu.memory_space<hbm>>, %arg9: memref<16x1x4096xf32, #tpu.memory_space<hbm>>, %arg10: memref<4096xi32, #tpu.memory_space<vmem>>, %arg11: memref<50080xf32, #tpu.memory_space<vmem>>, %arg12: memref<50080xf32, #tpu.memory_space<vmem>>, %arg13: memref<4112xi32, #tpu.memory_space<vmem>>, %arg14: memref<4112xi32, #tpu.memory_space<vmem>>, %arg15: memref<4112xf32, #tpu.memory_space<vmem>>, %arg16: memref<4112xf32, #tpu.memory_space<vmem>>, %arg17: memref<!tpu.dma_semaphore, #tpu.memory_space<semaphore_mem>>, %arg18: memref<!tpu.dma_semaphore, #tpu.memory_space<semaphore_mem>>, %arg19: memref<!tpu.dma_semaphore, #tpu.memory_space<semaphore_mem>>, %arg20: memref<!tpu.dma_semaphore, #tpu.memory_space<semaphore_mem>>) attributes {dimension_semantics = [#tpu.dimension_semantics<core_parallel>, #tpu.dimension_semantics<subcore_parallel>], iteration_bounds = array<i64: 2, 16>, scalar_prefetch = 0 : i64, scratch_operands = 11 : i64, tpu.core_type = #tpu.core_type<sc_vector_subcore>, window_params = [{transform_indices = #map}, {transform_indices = #map1}, {transform_indices = #map1}, {transform_indices = #map1}, {transform_indices = #map1}, {transform_indices = #map1}, {transform_indices = #map1}, {transform_indices = #map1}]} {
    %mul3A = arith.constant 2 : i32
    %mul3A_0 = arith.muli %arg1, %mul3A : i32
    %add3A = arith.addi %mul3A_0, %arg0 : i32
    %jit3A = arith.constant 2 : i32
    %div3A = arith.divsi %add3A, %jit3A : i32
    %sign3A = arith.constant 0 : i32
    %sign3A_1 = arith.cmpi sgt, %add3A, %sign3A : i32
    %sign3A_2 = arith.extui %sign3A_1 : i1 to i32
    %sign3A_3 = arith.constant 0 : i32
    %sign3A_4 = arith.cmpi slt, %add3A, %sign3A_3 : i32
    %sign3A_5 = arith.extui %sign3A_4 : i1 to i32
    %sign3A_6 = arith.subi %sign3A_2, %sign3A_5 : i32
    %sign3A_7 = arith.constant 0 : i32
    %sign3A_8 = arith.cmpi sgt, %jit3A, %sign3A_7 : i32
    %sign3A_9 = arith.extui %sign3A_8 : i1 to i32
    %sign3A_10 = arith.constant 0 : i32
    %sign3A_11 = arith.cmpi slt, %jit3A, %sign3A_10 : i32
    %sign3A_12 = arith.extui %sign3A_11 : i1 to i32
    %sign3A_13 = arith.subi %sign3A_9, %sign3A_12 : i32
    %ne3A = arith.cmpi ne, %sign3A_6, %sign3A_13 : i32
    %rem3A = arith.remsi %add3A, %jit3A : i32
    %ne3A_14 = arith.constant 0 : i32
    %ne3A_15 = arith.cmpi ne, %rem3A, %ne3A_14 : i32
    %and3A = arith.andi %ne3A, %ne3A_15 : i1
    %sub3A = arith.constant 1 : i32
    %sub3A_16 = arith.subi %div3A, %sub3A : i32
    %select_n3A = arith.select %and3A, %sub3A_16, %div3A : i32
    %jit3A_17 = arith.constant 2 : i32
    %eq3A = arith.constant 0 : i32
    %eq3A_18 = arith.cmpi eq, %jit3A_17, %eq3A : i32
    %jit3A_19 = arith.constant 1 : i32
    %select_n3A_20 = arith.select %eq3A_18, %jit3A_19, %jit3A_17 : i32
    %rem3A_21 = arith.remsi %add3A, %select_n3A_20 : i32
    %ne3A_22 = arith.constant 0 : i32
    %ne3A_23 = arith.cmpi ne, %rem3A_21, %ne3A_22 : i32
    %lt3A = arith.constant 0 : i32
    %lt3A_24 = arith.cmpi slt, %rem3A_21, %lt3A : i32
    %lt3A_25 = arith.constant 0 : i32
    %lt3A_26 = arith.cmpi slt, %select_n3A_20, %lt3A_25 : i32
    %ne3A_27 = arith.xori %lt3A_24, %lt3A_26 : i1
    %and3A_28 = arith.andi %ne3A_27, %ne3A_23 : i1
    %add3A_29 = arith.addi %rem3A_21, %select_n3A_20 : i32
    %select_n3A_30 = arith.select %and3A_28, %add3A_29, %rem3A_21 : i32
    %add3A_31 = arith.constant 2 : i32
    %add3A_32 = arith.addi %add3A_31, %select_n3A_30 : i32
    %jit3A_33 = arith.constant 16 : i32
    %eq3A_34 = arith.constant 0 : i32
    %eq3A_35 = arith.cmpi eq, %jit3A_33, %eq3A_34 : i32
    %jit3A_36 = arith.constant 1 : i32
    %select_n3A_37 = arith.select %eq3A_35, %jit3A_36, %jit3A_33 : i32
    %rem3A_38 = arith.remsi %add3A, %select_n3A_37 : i32
    %ne3A_39 = arith.constant 0 : i32
    %ne3A_40 = arith.cmpi ne, %rem3A_38, %ne3A_39 : i32
    %lt3A_41 = arith.constant 0 : i32
    %lt3A_42 = arith.cmpi slt, %rem3A_38, %lt3A_41 : i32
    %lt3A_43 = arith.constant 0 : i32
    %lt3A_44 = arith.cmpi slt, %select_n3A_37, %lt3A_43 : i32
    %ne3A_45 = arith.xori %lt3A_42, %lt3A_44 : i1
    %and3A_46 = arith.andi %ne3A_45, %ne3A_40 : i1
    %add3A_47 = arith.addi %rem3A_38, %select_n3A_37 : i32
    %select_n3A_48 = arith.select %and3A_46, %add3A_47, %rem3A_38 : i32
    %dma_start3A = arith.constant 0 : i32
    %dma_start3A_49 = arith.constant 0 : i32
    %dma_start3A_50 = tpu.memref_slice %arg11[%dma_start3A_49] : memref<50080xf32, #tpu.memory_space<vmem>> -> memref<49920xf32, #tpu.memory_space<vmem>>
    %dma_start3A_51 = arith.constant 0 : i32
    %dma_start3A_52 = tpu.memref_slice %arg5[%dma_start3A, %add3A, %dma_start3A_51] : memref<16x32x100000xf32, #tpu.memory_space<hbm>> -> memref<1x1x49920xf32, #tpu.memory_space<hbm>>
    %dma_start3A_53 = tpu.memref_squeeze %dma_start3A_52 : memref<1x1x49920xf32, #tpu.memory_space<hbm>> -> memref<49920xf32, #tpu.memory_space<hbm>>
    %dma_start3A_54 = arith.constant 0 : i32
    %dma_start3A_55 = tpu.memref_slice %arg11[%dma_start3A_54] : memref<50080xf32, #tpu.memory_space<vmem>> -> memref<49920xf32, #tpu.memory_space<vmem>>
    %dma_start3A_56 = arith.constant 0 : i32
    %dma_start3A_57 = tpu.memref_slice %arg5[%dma_start3A, %add3A, %dma_start3A_56] : memref<16x32x100000xf32, #tpu.memory_space<hbm>> -> memref<1x1x49920xf32, #tpu.memory_space<hbm>>
    %dma_start3A_58 = tpu.memref_squeeze %dma_start3A_57 : memref<1x1x49920xf32, #tpu.memory_space<hbm>> -> memref<49920xf32, #tpu.memory_space<hbm>>
    tpu.enqueue_dma source(%dma_start3A_58 : memref<49920xf32, #tpu.memory_space<hbm>>) target(%dma_start3A_55 : memref<49920xf32, #tpu.memory_space<vmem>>) target_semaphore(%arg17 : memref<!tpu.dma_semaphore, #tpu.memory_space<semaphore_mem>>)
    %dma_start3A_59 = arith.constant 0 : i32
    %dma_start3A_60 = arith.constant 49920 : i32
    %dma_start3A_61 = tpu.memref_slice %arg5[%dma_start3A_59, %add3A, %dma_start3A_60] : memref<16x32x100000xf32, #tpu.memory_space<hbm>> -> memref<1x1x50080xf32, #tpu.memory_space<hbm>>
    %dma_start3A_62 = tpu.memref_squeeze %dma_start3A_61 : memref<1x1x50080xf32, #tpu.memory_space<hbm>> -> memref<50080xf32, #tpu.memory_space<hbm>>
    %dma_start3A_63 = arith.constant 49920 : i32
    %dma_start3A_64 = tpu.memref_slice %arg5[%dma_start3A_59, %add3A, %dma_start3A_63] : memref<16x32x100000xf32, #tpu.memory_space<hbm>> -> memref<1x1x50080xf32, #tpu.memory_space<hbm>>
    %dma_start3A_65 = tpu.memref_squeeze %dma_start3A_64 : memref<1x1x50080xf32, #tpu.memory_space<hbm>> -> memref<50080xf32, #tpu.memory_space<hbm>>
    tpu.enqueue_dma source(%dma_start3A_65 : memref<50080xf32, #tpu.memory_space<hbm>>) target(%arg12 : memref<50080xf32, #tpu.memory_space<vmem>>) target_semaphore(%arg18 : memref<!tpu.dma_semaphore, #tpu.memory_space<semaphore_mem>>)
    "tpu.region"() ({
      %run_scoped3A = tpu.sem_alloc : memref<!tpu.dma_semaphore, #tpu.memory_space<semaphore_mem>>
      tpu.enqueue_dma source(%arg2 : memref<4096xi32, #tpu.memory_space<hbm>>) target(%arg10 : memref<4096xi32, #tpu.memory_space<vmem>>) target_semaphore(%run_scoped3A : memref<!tpu.dma_semaphore, #tpu.memory_space<semaphore_mem>>)
      tpu.wait_dma2 semaphore(%run_scoped3A : memref<!tpu.dma_semaphore, #tpu.memory_space<semaphore_mem>>) src(%arg2 : memref<4096xi32, #tpu.memory_space<hbm>>) dst(%arg10 : memref<4096xi32, #tpu.memory_space<vmem>>)
      tpu.yield
    }) : () -> ()
    %scan3A = arith.constant 0 : i32
    %scan3A_66 = arith.constant 0 : i32
    %scan3A_67 = arith.constant 0 : i32
    %scan3A_68 = arith.constant 256 : i32
    %scan3A_69 = arith.addi %scan3A_67, %scan3A_68 : i32
    %scan3A_70 = arith.constant 1 : i32
    %scan3A_71:2 = scf.for %scan3A_2429 = %scan3A_67 to %scan3A_69 step %scan3A_70 iter_args(%scan3A_2430 = %scan3A, %scan3A_2431 = %scan3A_66) -> (i32, i32)  : i32 {
      %mul3A_2432 = arith.constant 16 : i32
      %mul3A_2433 = arith.muli %scan3A_2429, %mul3A_2432 : i32
      %get3A = arith.index_cast %mul3A_2433 : i32 to index
      %get3A_2434 = tpu.vector_load %arg10[%get3A] {strides = array<i32>} : memref<4096xi32, #tpu.memory_space<vmem>>, vector<16xi32>,
      %iota3A = tpu.iota {dimensions = array<i32: 0>} : vector<16xi32>
      %mul3A_2435 = arith.constant 16 : i32
      %mul3A_2436 = arith.muli %scan3A_2429, %mul3A_2435 : i32
      %add3A_2437 = vector.broadcast %mul3A_2436 : i32 to vector<16xi32>
      %add3A_2438 = arith.addi %iota3A, %add3A_2437 : vector<16xi32>
      %shift_left3A = arith.constant 17 : i32
      %shift_left3A_2439 = vector.broadcast %shift_left3A : i32 to vector<16xi32>
      %shift_left3A_2440 = arith.shli %add3A_2438, %shift_left3A_2439 : vector<16xi32>
      %lt3A_2441 = arith.constant 49920 : i32
      %lt3A_2442 = vector.broadcast %lt3A_2441 : i32 to vector<16xi32>
      %lt3A_2443 = arith.cmpi slt, %get3A_2434, %lt3A_2442 : vector<16xi32>
      %or3A = arith.ori %get3A_2434, %shift_left3A_2440 : vector<16xi32>
      %swap3A_2444 = arith.index_cast %scan3A_2430 : i32 to index
      %swap3A_2445 = tpu.vector_load %arg13[%swap3A_2444] masked %lt3A_2443 {strides = array<i32>} : memref<4112xi32, #tpu.memory_space<vmem>>, vector<16xi32>, vector<16xi1>
      tpu.vector_store %arg13[%swap3A_2444], %or3A masked %lt3A_2443 {strides = array<i32>} : memref<4112xi32, #tpu.memory_space<vmem>>, vector<16xi32>, vector<16xi1>
      %sub3A_2446 = arith.constant 49920 : i32
      %sub3A_2447 = vector.broadcast %sub3A_2446 : i32 to vector<16xi32>
      %sub3A_2448 = arith.subi %get3A_2434, %sub3A_2447 : vector<16xi32>
      %or3A_2449 = arith.ori %sub3A_2448, %shift_left3A_2440 : vector<16xi32>
      %not3A = arith.constant dense<true> : vector<16xi1>
      %not3A_2450 = arith.xori %lt3A_2443, %not3A : vector<16xi1>
      %swap3A_2451 = arith.index_cast %scan3A_2431 : i32 to index
      %swap3A_2452 = tpu.vector_load %arg14[%swap3A_2451] masked %not3A_2450 {strides = array<i32>} : memref<4112xi32, #tpu.memory_space<vmem>>, vector<16xi32>, vector<16xi1>
      tpu.vector_store %arg14[%swap3A_2451], %or3A_2449 masked %not3A_2450 {strides = array<i32>} : memref<4112xi32, #tpu.memory_space<vmem>>, vector<16xi32>, vector<16xi1>
      %convert_element_type3A_2453 = arith.extui %lt3A_2443 : vector<16xi1> to vector<16xi32>
      %reduce_sum3A = arith.constant true
      %reduce_sum3A_2454 = vector.broadcast %reduce_sum3A : i1 to vector<16xi1>
      %reduce_sum3A_2455 = tpu.scan <sum>, %convert_element_type3A_2453 masked %reduce_sum3A_2454 : vector<16xi32>, vector<16xi1> -> vector<16xi32>
      %reduce_sum3A_2456 = vector.extract %reduce_sum3A_2455[15] : i32 from vector<16xi32>
      %add3A_2457 = arith.addi %scan3A_2430, %reduce_sum3A_2456 : i32
      %sub3A_2458 = arith.constant 16 : i32
      %sub3A_2459 = arith.subi %sub3A_2458, %reduce_sum3A_2456 : i32
      %add3A_2460 = arith.addi %scan3A_2431, %sub3A_2459 : i32
      scf.yield %add3A_2457, %add3A_2460 : i32, i32
    }
    %scan3A_72 = arith.constant 256 : i32
    %broadcast_in_dim3A = arith.constant 536870912 : i32
    %broadcast_in_dim3A_73 = vector.broadcast %broadcast_in_dim3A : i32 to vector<16xi32>
    %swap3A = arith.index_cast %scan3A_71#0 : i32 to index
    %swap3A_74 = tpu.vector_load %arg13[%swap3A] {strides = array<i32>} : memref<4112xi32, #tpu.memory_space<vmem>>, vector<16xi32>,
    tpu.vector_store %arg13[%swap3A], %broadcast_in_dim3A_73 {strides = array<i32>} : memref<4112xi32, #tpu.memory_space<vmem>>, vector<16xi32>,
    %swap3A_75 = arith.index_cast %scan3A_71#1 : i32 to index
    %swap3A_76 = tpu.vector_load %arg14[%swap3A_75] {strides = array<i32>} : memref<4112xi32, #tpu.memory_space<vmem>>, vector<16xi32>,
    tpu.vector_store %arg14[%swap3A_75], %broadcast_in_dim3A_73 {strides = array<i32>} : memref<4112xi32, #tpu.memory_space<vmem>>, vector<16xi32>,
    %dma_wait3A = arith.constant 0 : i32
    %dma_wait3A_77 = arith.constant 0 : i32
    %dma_wait3A_78 = tpu.memref_slice %arg11[%dma_wait3A_77] : memref<50080xf32, #tpu.memory_space<vmem>> -> memref<49920xf32, #tpu.memory_space<vmem>>
    %dma_wait3A_79 = arith.constant 0 : i32
    %dma_wait3A_80 = tpu.memref_slice %arg5[%dma_wait3A, %add3A, %dma_wait3A_79] : memref<16x32x100000xf32, #tpu.memory_space<hbm>> -> memref<1x1x49920xf32, #tpu.memory_space<hbm>>
    %dma_wait3A_81 = tpu.memref_squeeze %dma_wait3A_80 : memref<1x1x49920xf32, #tpu.memory_space<hbm>> -> memref<49920xf32, #tpu.memory_space<hbm>>
    %dma_wait3A_82 = arith.constant 0 : i32
    %dma_wait3A_83 = tpu.memref_slice %arg11[%dma_wait3A_82] : memref<50080xf32, #tpu.memory_space<vmem>> -> memref<49920xf32, #tpu.memory_space<vmem>>
    %dma_wait3A_84 = arith.constant 0 : i32
    %dma_wait3A_85 = tpu.memref_slice %arg5[%dma_wait3A, %add3A, %dma_wait3A_84] : memref<16x32x100000xf32, #tpu.memory_space<hbm>> -> memref<1x1x49920xf32, #tpu.memory_space<hbm>>
    %dma_wait3A_86 = tpu.memref_squeeze %dma_wait3A_85 : memref<1x1x49920xf32, #tpu.memory_space<hbm>> -> memref<49920xf32, #tpu.memory_space<hbm>>
    tpu.wait_dma2 semaphore(%arg17 : memref<!tpu.dma_semaphore, #tpu.memory_space<semaphore_mem>>) src(%dma_wait3A_86 : memref<49920xf32, #tpu.memory_space<hbm>>) dst(%dma_wait3A_83 : memref<49920xf32, #tpu.memory_space<vmem>>)
    %add3A_87 = arith.constant 15 : i32
    %add3A_88 = arith.addi %scan3A_71#0, %add3A_87 : i32
    %jit3A_89 = arith.constant 16 : i32
    %div3A_90 = arith.divsi %add3A_88, %jit3A_89 : i32
    %sign3A_91 = arith.constant 0 : i32
    %sign3A_92 = arith.cmpi sgt, %add3A_88, %sign3A_91 : i32
    %sign3A_93 = arith.extui %sign3A_92 : i1 to i32
    %sign3A_94 = arith.constant 0 : i32
    %sign3A_95 = arith.cmpi slt, %add3A_88, %sign3A_94 : i32
    %sign3A_96 = arith.extui %sign3A_95 : i1 to i32
    %sign3A_97 = arith.subi %sign3A_93, %sign3A_96 : i32
    %sign3A_98 = arith.constant 0 : i32
    %sign3A_99 = arith.cmpi sgt, %jit3A_89, %sign3A_98 : i32
    %sign3A_100 = arith.extui %sign3A_99 : i1 to i32
    %sign3A_101 = arith.constant 0 : i32
    %sign3A_102 = arith.cmpi slt, %jit3A_89, %sign3A_101 : i32
    %sign3A_103 = arith.extui %sign3A_102 : i1 to i32
    %sign3A_104 = arith.subi %sign3A_100, %sign3A_103 : i32
    %ne3A_105 = arith.cmpi ne, %sign3A_97, %sign3A_104 : i32
    %rem3A_106 = arith.remsi %add3A_88, %jit3A_89 : i32
    %ne3A_107 = arith.constant 0 : i32
    %ne3A_108 = arith.cmpi ne, %rem3A_106, %ne3A_107 : i32
    %and3A_109 = arith.andi %ne3A_105, %ne3A_108 : i1
    %sub3A_110 = arith.constant 1 : i32
    %sub3A_111 = arith.subi %div3A_90, %sub3A_110 : i32
    %select_n3A_112 = arith.select %and3A_109, %sub3A_111, %div3A_90 : i32
    %while3A = arith.constant 0 : i32
    %while3A_113 = arith.constant 0 : i32
    %while3A_114 = arith.subi %select_n3A_112, %while3A_113 : i32
    %while3A_115 = arith.addi %while3A_113, %while3A_114 : i32
    %while3A_116 = arith.constant 1 : i32
    %while3A_117 = arith.divsi %while3A_114, %while3A_116 : i32
    %while3A_118 = arith.muli %while3A_117, %while3A_116 : i32
    %while3A_119 = arith.addi %while3A_113, %while3A_118 : i32
    %while3A_120 = arith.constant 1 : i32
    scf.for %while3A_2429 = %while3A_113 to %while3A_119 step %while3A_120  : i32 {
      %mul3A_2430 = arith.constant 16 : i32
      %mul3A_2431 = arith.muli %while3A_2429, %mul3A_2430 : i32
      %get3A = arith.index_cast %mul3A_2431 : i32 to index
      %get3A_2432 = tpu.vector_load %arg13[%get3A] {strides = array<i32>} : memref<4112xi32, #tpu.memory_space<vmem>>, vector<16xi32>,
      %and3A_2433 = arith.constant 131071 : i32
      %and3A_2434 = vector.broadcast %and3A_2433 : i32 to vector<16xi32>
      %and3A_2435 = arith.andi %get3A_2432, %and3A_2434 : vector<16xi32>
      %shift_right_logical3A = arith.constant 17 : i32
      %shift_right_logical3A_2436 = vector.broadcast %shift_right_logical3A : i32 to vector<16xi32>
      %shift_right_logical3A_2437 = arith.shrui %get3A_2432, %shift_right_logical3A_2436 : vector<16xi32>
      %gather3A = tpu.vector_load_idx %arg11[%and3A_2435] : memref<50080xf32, #tpu.memory_space<vmem>>[vector<16xi32>], vector<16xf32>,
      tpu.vector_store_idx %arg15[%shift_right_logical3A_2437], %gather3A : memref<4112xf32, #tpu.memory_space<vmem>>[vector<16xi32>], vector<16xf32>,
    }
    %while3A_121 = arith.constant 1 : i32
    scf.for %while3A_2429 = %while3A_119 to %while3A_115 step %while3A_121  : i32 {
      %mul3A_2430 = arith.constant 16 : i32
      %mul3A_2431 = arith.muli %while3A_2429, %mul3A_2430 : i32
      %get3A = arith.index_cast %mul3A_2431 : i32 to index
      %get3A_2432 = tpu.vector_load %arg13[%get3A] {strides = array<i32>} : memref<4112xi32, #tpu.memory_space<vmem>>, vector<16xi32>,
      %and3A_2433 = arith.constant 131071 : i32
      %and3A_2434 = vector.broadcast %and3A_2433 : i32 to vector<16xi32>
      %and3A_2435 = arith.andi %get3A_2432, %and3A_2434 : vector<16xi32>
      %shift_right_logical3A = arith.constant 17 : i32
      %shift_right_logical3A_2436 = vector.broadcast %shift_right_logical3A : i32 to vector<16xi32>
      %shift_right_logical3A_2437 = arith.shrui %get3A_2432, %shift_right_logical3A_2436 : vector<16xi32>
      %gather3A = tpu.vector_load_idx %arg11[%and3A_2435] : memref<50080xf32, #tpu.memory_space<vmem>>[vector<16xi32>], vector<16xf32>,
      tpu.vector_store_idx %arg15[%shift_right_logical3A_2437], %gather3A : memref<4112xf32, #tpu.memory_space<vmem>>[vector<16xi32>], vector<16xf32>,
    }
    %dma_start3A_122 = arith.constant 1 : i32
    %dma_start3A_123 = arith.constant 0 : i32
    %dma_start3A_124 = tpu.memref_slice %arg11[%dma_start3A_123] : memref<50080xf32, #tpu.memory_space<vmem>> -> memref<49920xf32, #tpu.memory_space<vmem>>
    %dma_start3A_125 = arith.constant 0 : i32
    %dma_start3A_126 = tpu.memref_slice %arg5[%dma_start3A_122, %add3A, %dma_start3A_125] : memref<16x32x100000xf32, #tpu.memory_space<hbm>> -> memref<1x1x49920xf32, #tpu.memory_space<hbm>>
    %dma_start3A_127 = tpu.memref_squeeze %dma_start3A_126 : memref<1x1x49920xf32, #tpu.memory_space<hbm>> -> memref<49920xf32, #tpu.memory_space<hbm>>
    %dma_start3A_128 = arith.constant 0 : i32
    %dma_start3A_129 = tpu.memref_slice %arg11[%dma_start3A_128] : memref<50080xf32, #tpu.memory_space<vmem>> -> memref<49920xf32, #tpu.memory_space<vmem>>
    %dma_start3A_130 = arith.constant 0 : i32
    %dma_start3A_131 = tpu.memref_slice %arg5[%dma_start3A_122, %add3A, %dma_start3A_130] : memref<16x32x100000xf32, #tpu.memory_space<hbm>> -> memref<1x1x49920xf32, #tpu.memory_space<hbm>>
    %dma_start3A_132 = tpu.memref_squeeze %dma_start3A_131 : memref<1x1x49920xf32, #tpu.memory_space<hbm>> -> memref<49920xf32, #tpu.memory_space<hbm>>
    tpu.enqueue_dma source(%dma_start3A_132 : memref<49920xf32, #tpu.memory_space<hbm>>) target(%dma_start3A_129 : memref<49920xf32, #tpu.memory_space<vmem>>) target_semaphore(%arg17 : memref<!tpu.dma_semaphore, #tpu.memory_space<semaphore_mem>>)
    %dma_wait3A_133 = arith.constant 0 : i32
    %dma_wait3A_134 = arith.constant 49920 : i32
    %dma_wait3A_135 = tpu.memref_slice %arg5[%dma_wait3A_133, %add3A, %dma_wait3A_134] : memref<16x32x100000xf32, #tpu.memory_space<hbm>> -> memref<1x1x50080xf32, #tpu.memory_space<hbm>>
    %dma_wait3A_136 = tpu.memref_squeeze %dma_wait3A_135 : memref<1x1x50080xf32, #tpu.memory_space<hbm>> -> memref<50080xf32, #tpu.memory_space<hbm>>
    %dma_wait3A_137 = arith.constant 49920 : i32
    %dma_wait3A_138 = tpu.memref_slice %arg5[%dma_wait3A_133, %add3A, %dma_wait3A_137] : memref<16x32x100000xf32, #tpu.memory_space<hbm>> -> memref<1x1x50080xf32, #tpu.memory_space<hbm>>
    %dma_wait3A_139 = tpu.memref_squeeze %dma_wait3A_138 : memref<1x1x50080xf32, #tpu.memory_space<hbm>> -> memref<50080xf32, #tpu.memory_space<hbm>>
    tpu.wait_dma2 semaphore(%arg18 : memref<!tpu.dma_semaphore, #tpu.memory_space<semaphore_mem>>) src(%dma_wait3A_139 : memref<50080xf32, #tpu.memory_space<hbm>>) dst(%arg12 : memref<50080xf32, #tpu.memory_space<vmem>>)
    %add3A_140 = arith.constant 15 : i32
    %add3A_141 = arith.addi %scan3A_71#1, %add3A_140 : i32
    %jit3A_142 = arith.constant 16 : i32
    %div3A_143 = arith.divsi %add3A_141, %jit3A_142 : i32
    %sign3A_144 = arith.constant 0 : i32
    %sign3A_145 = arith.cmpi sgt, %add3A_141, %sign3A_144 : i32
    %sign3A_146 = arith.extui %sign3A_145 : i1 to i32
    %sign3A_147 = arith.constant 0 : i32
    %sign3A_148 = arith.cmpi slt, %add3A_141, %sign3A_147 : i32
    %sign3A_149 = arith.extui %sign3A_148 : i1 to i32
    %sign3A_150 = arith.subi %sign3A_146, %sign3A_149 : i32
    %sign3A_151 = arith.constant 0 : i32
    %sign3A_152 = arith.cmpi sgt, %jit3A_142, %sign3A_151 : i32
    %sign3A_153 = arith.extui %sign3A_152 : i1 to i32
    %sign3A_154 = arith.constant 0 : i32
    %sign3A_155 = arith.cmpi slt, %jit3A_142, %sign3A_154 : i32
    %sign3A_156 = arith.extui %sign3A_155 : i1 to i32
    %sign3A_157 = arith.subi %sign3A_153, %sign3A_156 : i32
    %ne3A_158 = arith.cmpi ne, %sign3A_150, %sign3A_157 : i32
    %rem3A_159 = arith.remsi %add3A_141, %jit3A_142 : i32
    %ne3A_160 = arith.constant 0 : i32
    %ne3A_161 = arith.cmpi ne, %rem3A_159, %ne3A_160 : i32
    %and3A_162 = arith.andi %ne3A_158, %ne3A_161 : i1
    %sub3A_163 = arith.constant 1 : i32
    %sub3A_164 = arith.subi %div3A_143, %sub3A_163 : i32
    %select_n3A_165 = arith.select %and3A_162, %sub3A_164, %div3A_143 : i32
    %while3A_166 = arith.constant 0 : i32
    %while3A_167 = arith.constant 0 : i32
    %while3A_168 = arith.subi %select_n3A_165, %while3A_167 : i32
    %while3A_169 = arith.addi %while3A_167, %while3A_168 : i32
    %while3A_170 = arith.constant 1 : i32
    %while3A_171 = arith.divsi %while3A_168, %while3A_170 : i32
    %while3A_172 = arith.muli %while3A_171, %while3A_170 : i32
    %while3A_173 = arith.addi %while3A_167, %while3A_172 : i32
    %while3A_174 = arith.constant 1 : i32
    scf.for %while3A_2429 = %while3A_167 to %while3A_173 step %while3A_174  : i32 {
      %mul3A_2430 = arith.constant 16 : i32
      %mul3A_2431 = arith.muli %while3A_2429, %mul3A_2430 : i32
      %get3A = arith.index_cast %mul3A_2431 : i32 to index
      %get3A_2432 = tpu.vector_load %arg14[%get3A] {strides = array<i32>} : memref<4112xi32, #tpu.memory_space<vmem>>, vector<16xi32>,
      %and3A_2433 = arith.constant 131071 : i32
      %and3A_2434 = vector.broadcast %and3A_2433 : i32 to vector<16xi32>
      %and3A_2435 = arith.andi %get3A_2432, %and3A_2434 : vector<16xi32>
      %shift_right_logical3A = arith.constant 17 : i32
      %shift_right_logical3A_2436 = vector.broadcast %shift_right_logical3A : i32 to vector<16xi32>
      %shift_right_logical3A_2437 = arith.shrui %get3A_2432, %shift_right_logical3A_2436 : vector<16xi32>
      %gather3A = tpu.vector_load_idx %arg12[%and3A_2435] : memref<50080xf32, #tpu.memory_space<vmem>>[vector<16xi32>], vector<16xf32>,
      tpu.vector_store_idx %arg15[%shift_right_logical3A_2437], %gather3A : memref<4112xf32, #tpu.memory_space<vmem>>[vector<16xi32>], vector<16xf32>,
    }
    %while3A_175 = arith.constant 1 : i32
    scf.for %while3A_2429 = %while3A_173 to %while3A_169 step %while3A_175  : i32 {
      %mul3A_2430 = arith.constant 16 : i32
      %mul3A_2431 = arith.muli %while3A_2429, %mul3A_2430 : i32
      %get3A = arith.index_cast %mul3A_2431 : i32 to index
      %get3A_2432 = tpu.vector_load %arg14[%get3A] {strides = array<i32>} : memref<4112xi32, #tpu.memory_space<vmem>>, vector<16xi32>,
      %and3A_2433 = arith.constant 131071 : i32
      %and3A_2434 = vector.broadcast %and3A_2433 : i32 to vector<16xi32>
      %and3A_2435 = arith.andi %get3A_2432, %and3A_2434 : vector<16xi32>
      %shift_right_logical3A = arith.constant 17 : i32
      %shift_right_logical3A_2436 = vector.broadcast %shift_right_logical3A : i32 to vector<16xi32>
      %shift_right_logical3A_2437 = arith.shrui %get3A_2432, %shift_right_logical3A_2436 : vector<16xi32>
      %gather3A = tpu.vector_load_idx %arg12[%and3A_2435] : memref<50080xf32, #tpu.memory_space<vmem>>[vector<16xi32>], vector<16xf32>,
      tpu.vector_store_idx %arg15[%shift_right_logical3A_2437], %gather3A : memref<4112xf32, #tpu.memory_space<vmem>>[vector<16xi32>], vector<16xf32>,
    }
    %dma_start3A_176 = arith.constant 0 : i32
    %dma_start3A_177 = arith.constant 0 : i32
    %dma_start3A_178 = tpu.memref_slice %arg15[%dma_start3A_177] : memref<4112xf32, #tpu.memory_space<vmem>> -> memref<4096xf32, #tpu.memory_space<vmem>>
    %dma_start3A_179 = arith.constant 0 : i32
    %dma_start3A_180 = tpu.memref_slice %arg8[%dma_start3A_176, %add3A, %dma_start3A_179] : memref<16x32x4096xf32, #tpu.memory_space<hbm>> -> memref<1x1x4096xf32, #tpu.memory_space<hbm>>
    %dma_start3A_181 = tpu.memref_squeeze %dma_start3A_180 : memref<1x1x4096xf32, #tpu.memory_space<hbm>> -> memref<4096xf32, #tpu.memory_space<hbm>>
    %dma_start3A_182 = arith.constant 0 : i32
    %dma_start3A_183 = tpu.memref_slice %arg8[%dma_start3A_176, %add3A, %dma_start3A_182] : memref<16x32x4096xf32, #tpu.memory_space<hbm>> -> memref<1x1x4096xf32, #tpu.memory_space<hbm>>
    %dma_start3A_184 = tpu.memref_squeeze %dma_start3A_183 : memref<1x1x4096xf32, #tpu.memory_space<hbm>> -> memref<4096xf32, #tpu.memory_space<hbm>>
    %dma_start3A_185 = arith.constant 0 : i32
    %dma_start3A_186 = tpu.memref_slice %arg15[%dma_start3A_185] : memref<4112xf32, #tpu.memory_space<vmem>> -> memref<4096xf32, #tpu.memory_space<vmem>>
    tpu.enqueue_dma source(%dma_start3A_186 : memref<4096xf32, #tpu.memory_space<vmem>>) target(%dma_start3A_184 : memref<4096xf32, #tpu.memory_space<hbm>>) target_semaphore(%arg19 : memref<!tpu.dma_semaphore, #tpu.memory_space<semaphore_mem>>)
    %dma_start3A_187 = arith.constant 1 : i32
    %dma_start3A_188 = arith.constant 49920 : i32
    %dma_start3A_189 = tpu.memref_slice %arg5[%dma_start3A_187, %add3A, %dma_start3A_188] : memref<16x32x100000xf32, #tpu.memory_space<hbm>> -> memref<1x1x50080xf32, #tpu.memory_space<hbm>>
    %dma_start3A_190 = tpu.memref_squeeze %dma_start3A_189 : memref<1x1x50080xf32, #tpu.memory_space<hbm>> -> memref<50080xf32, #tpu.memory_space<hbm>>
    %dma_start3A_191 = arith.constant 49920 : i32
    %dma_start3A_192 = tpu.memref_slice %arg5[%dma_start3A_187, %add3A, %dma_start3A_191] : memref<16x32x100000xf32, #tpu.memory_space<hbm>> -> memref<1x1x50080xf32, #tpu.memory_space<hbm>>
    %dma_start3A_193 = tpu.memref_squeeze %dma_start3A_192 : memref<1x1x50080xf32, #tpu.memory_space<hbm>> -> memref<50080xf32, #tpu.memory_space<hbm>>
    tpu.enqueue_dma source(%dma_start3A_193 : memref<50080xf32, #tpu.memory_space<hbm>>) target(%arg12 : memref<50080xf32, #tpu.memory_space<vmem>>) target_semaphore(%arg18 : memref<!tpu.dma_semaphore, #tpu.memory_space<semaphore_mem>>)
    %dma_wait3A_194 = arith.constant 1 : i32
    %dma_wait3A_195 = arith.constant 0 : i32
    %dma_wait3A_196 = tpu.memref_slice %arg11[%dma_wait3A_195] : memref<50080xf32, #tpu.memory_space<vmem>> -> memref<49920xf32, #tpu.memory_space<vmem>>
    %dma_wait3A_197 = arith.constant 0 : i32
    %dma_wait3A_198 = tpu.memref_slice %arg5[%dma_wait3A_194, %add3A, %dma_wait3A_197] : memref<16x32x100000xf32, #tpu.memory_space<hbm>> -> memref<1x1x49920xf32, #tpu.memory_space<hbm>>
    %dma_wait3A_199 = tpu.memref_squeeze %dma_wait3A_198 : memref<1x1x49920xf32, #tpu.memory_space<hbm>> -> memref<49920xf32, #tpu.memory_space<hbm>>
    %dma_wait3A_200 = arith.constant 0 : i32
    %dma_wait3A_201 = tpu.memref_slice %arg11[%dma_wait3A_200] : memref<50080xf32, #tpu.memory_space<vmem>> -> memref<49920xf32, #tpu.memory_space<vmem>>
    %dma_wait3A_202 = arith.constant 0 : i32
    %dma_wait3A_203 = tpu.memref_slice %arg5[%dma_wait3A_194, %add3A, %dma_wait3A_202] : memref<16x32x100000xf32, #tpu.memory_space<hbm>> -> memref<1x1x49920xf32, #tpu.memory_space<hbm>>
    %dma_wait3A_204 = tpu.memref_squeeze %dma_wait3A_203 : memref<1x1x49920xf32, #tpu.memory_space<hbm>> -> memref<49920xf32, #tpu.memory_space<hbm>>
    tpu.wait_dma2 semaphore(%arg17 : memref<!tpu.dma_semaphore, #tpu.memory_space<semaphore_mem>>) src(%dma_wait3A_204 : memref<49920xf32, #tpu.memory_space<hbm>>) dst(%dma_wait3A_201 : memref<49920xf32, #tpu.memory_space<vmem>>)
    %add3A_205 = arith.constant 15 : i32
    %add3A_206 = arith.addi %scan3A_71#0, %add3A_205 : i32
    %jit3A_207 = arith.constant 16 : i32
    %div3A_208 = arith.divsi %add3A_206, %jit3A_207 : i32
    %sign3A_209 = arith.constant 0 : i32
    %sign3A_210 = arith.cmpi sgt, %add3A_206, %sign3A_209 : i32
    %sign3A_211 = arith.extui %sign3A_210 : i1 to i32
    %sign3A_212 = arith.constant 0 : i32
    %sign3A_213 = arith.cmpi slt, %add3A_206, %sign3A_212 : i32
    %sign3A_214 = arith.extui %sign3A_213 : i1 to i32
    %sign3A_215 = arith.subi %sign3A_211, %sign3A_214 : i32
    %sign3A_216 = arith.constant 0 : i32
    %sign3A_217 = arith.cmpi sgt, %jit3A_207, %sign3A_216 : i32
    %sign3A_218 = arith.extui %sign3A_217 : i1 to i32
    %sign3A_219 = arith.constant 0 : i32
    %sign3A_220 = arith.cmpi slt, %jit3A_207, %sign3A_219 : i32
    %sign3A_221 = arith.extui %sign3A_220 : i1 to i32
    %sign3A_222 = arith.subi %sign3A_218, %sign3A_221 : i32
    %ne3A_223 = arith.cmpi ne, %sign3A_215, %sign3A_222 : i32
    %rem3A_224 = arith.remsi %add3A_206, %jit3A_207 : i32
    %ne3A_225 = arith.constant 0 : i32
    %ne3A_226 = arith.cmpi ne, %rem3A_224, %ne3A_225 : i32
    %and3A_227 = arith.andi %ne3A_223, %ne3A_226 : i1
    %sub3A_228 = arith.constant 1 : i32
    %sub3A_229 = arith.subi %div3A_208, %sub3A_228 : i32
    %select_n3A_230 = arith.select %and3A_227, %sub3A_229, %div3A_208 : i32
    %while3A_231 = arith.constant 0 : i32
    %while3A_232 = arith.constant 0 : i32
    %while3A_233 = arith.subi %select_n3A_230, %while3A_232 : i32
    %while3A_234 = arith.addi %while3A_232, %while3A_233 : i32
    %while3A_235 = arith.constant 1 : i32
    %while3A_236 = arith.divsi %while3A_233, %while3A_235 : i32
    %while3A_237 = arith.muli %while3A_236, %while3A_235 : i32
    %while3A_238 = arith.addi %while3A_232, %while3A_237 : i32
    %while3A_239 = arith.constant 1 : i32
    scf.for %while3A_2429 = %while3A_232 to %while3A_238 step %while3A_239  : i32 {
      %mul3A_2430 = arith.constant 16 : i32
      %mul3A_2431 = arith.muli %while3A_2429, %mul3A_2430 : i32
      %get3A = arith.index_cast %mul3A_2431 : i32 to index
      %get3A_2432 = tpu.vector_load %arg13[%get3A] {strides = array<i32>} : memref<4112xi32, #tpu.memory_space<vmem>>, vector<16xi32>,
      %and3A_2433 = arith.constant 131071 : i32
      %and3A_2434 = vector.broadcast %and3A_2433 : i32 to vector<16xi32>
      %and3A_2435 = arith.andi %get3A_2432, %and3A_2434 : vector<16xi32>
      %shift_right_logical3A = arith.constant 17 : i32
      %shift_right_logical3A_2436 = vector.broadcast %shift_right_logical3A : i32 to vector<16xi32>
      %shift_right_logical3A_2437 = arith.shrui %get3A_2432, %shift_right_logical3A_2436 : vector<16xi32>
      %gather3A = tpu.vector_load_idx %arg11[%and3A_2435] : memref<50080xf32, #tpu.memory_space<vmem>>[vector<16xi32>], vector<16xf32>,
      tpu.vector_store_idx %arg16[%shift_right_logical3A_2437], %gather3A : memref<4112xf32, #tpu.memory_space<vmem>>[vector<16xi32>], vector<16xf32>,
    }
    %while3A_240 = arith.constant 1 : i32
    scf.for %while3A_2429 = %while3A_238 to %while3A_234 step %while3A_240  : i32 {
      %mul3A_2430 = arith.constant 16 : i32
      %mul3A_2431 = arith.muli %while3A_2429, %mul3A_2430 : i32
      %get3A = arith.index_cast %mul3A_2431 : i32 to index
      %get3A_2432 = tpu.vector_load %arg13[%get3A] {strides = array<i32>} : memref<4112xi32, #tpu.memory_space<vmem>>, vector<16xi32>,
      %and3A_2433 = arith.constant 131071 : i32
      %and3A_2434 = vector.broadcast %and3A_2433 : i32 to vector<16xi32>
      %and3A_2435 = arith.andi %get3A_2432, %and3A_2434 : vector<16xi32>
      %shift_right_logical3A = arith.constant 17 : i32
      %shift_right_logical3A_2436 = vector.broadcast %shift_right_logical3A : i32 to vector<16xi32>
      %shift_right_logical3A_2437 = arith.shrui %get3A_2432, %shift_right_logical3A_2436 : vector<16xi32>
      %gather3A = tpu.vector_load_idx %arg11[%and3A_2435] : memref<50080xf32, #tpu.memory_space<vmem>>[vector<16xi32>], vector<16xf32>,
      tpu.vector_store_idx %arg16[%shift_right_logical3A_2437], %gather3A : memref<4112xf32, #tpu.memory_space<vmem>>[vector<16xi32>], vector<16xf32>,
    }
    %dma_start3A_241 = arith.constant 2 : i32
    %dma_start3A_242 = arith.constant 0 : i32
    %dma_start3A_243 = tpu.memref_slice %arg11[%dma_start3A_242] : memref<50080xf32, #tpu.memory_space<vmem>> -> memref<49920xf32, #tpu.memory_space<vmem>>
    %dma_start3A_244 = arith.constant 0 : i32
    %dma_start3A_245 = tpu.memref_slice %arg5[%dma_start3A_241, %add3A, %dma_start3A_244] : memref<16x32x100000xf32, #tpu.memory_space<hbm>> -> memref<1x1x49920xf32, #tpu.memory_space<hbm>>
    %dma_start3A_246 = tpu.memref_squeeze %dma_start3A_245 : memref<1x1x49920xf32, #tpu.memory_space<hbm>> -> memref<49920xf32, #tpu.memory_space<hbm>>
    %dma_start3A_247 = arith.constant 0 : i32
    %dma_start3A_248 = tpu.memref_slice %arg11[%dma_start3A_247] : memref<50080xf32, #tpu.memory_space<vmem>> -> memref<49920xf32, #tpu.memory_space<vmem>>
    %dma_start3A_249 = arith.constant 0 : i32
    %dma_start3A_250 = tpu.memref_slice %arg5[%dma_start3A_241, %add3A, %dma_start3A_249] : memref<16x32x100000xf32, #tpu.memory_space<hbm>> -> memref<1x1x49920xf32, #tpu.memory_space<hbm>>
    %dma_start3A_251 = tpu.memref_squeeze %dma_start3A_250 : memref<1x1x49920xf32, #tpu.memory_space<hbm>> -> memref<49920xf32, #tpu.memory_space<hbm>>
    tpu.enqueue_dma source(%dma_start3A_251 : memref<49920xf32, #tpu.memory_space<hbm>>) target(%dma_start3A_248 : memref<49920xf32, #tpu.memory_space<vmem>>) target_semaphore(%arg17 : memref<!tpu.dma_semaphore, #tpu.memory_space<semaphore_mem>>)
    %dma_wait3A_252 = arith.constant 1 : i32
    %dma_wait3A_253 = arith.constant 49920 : i32
    %dma_wait3A_254 = tpu.memref_slice %arg5[%dma_wait3A_252, %add3A, %dma_wait3A_253] : memref<16x32x100000xf32, #tpu.memory_space<hbm>> -> memref<1x1x50080xf32, #tpu.memory_space<hbm>>
    %dma_wait3A_255 = tpu.memref_squeeze %dma_wait3A_254 : memref<1x1x50080xf32, #tpu.memory_space<hbm>> -> memref<50080xf32, #tpu.memory_space<hbm>>
    %dma_wait3A_256 = arith.constant 49920 : i32
    %dma_wait3A_257 = tpu.memref_slice %arg5[%dma_wait3A_252, %add3A, %dma_wait3A_256] : memref<16x32x100000xf32, #tpu.memory_space<hbm>> -> memref<1x1x50080xf32, #tpu.memory_space<hbm>>
    %dma_wait3A_258 = tpu.memref_squeeze %dma_wait3A_257 : memref<1x1x50080xf32, #tpu.memory_space<hbm>> -> memref<50080xf32, #tpu.memory_space<hbm>>
    tpu.wait_dma2 semaphore(%arg18 : memref<!tpu.dma_semaphore, #tpu.memory_space<semaphore_mem>>) src(%dma_wait3A_258 : memref<50080xf32, #tpu.memory_space<hbm>>) dst(%arg12 : memref<50080xf32, #tpu.memory_space<vmem>>)
    %add3A_259 = arith.constant 15 : i32
    %add3A_260 = arith.addi %scan3A_71#1, %add3A_259 : i32
    %jit3A_261 = arith.constant 16 : i32
    %div3A_262 = arith.divsi %add3A_260, %jit3A_261 : i32
    %sign3A_263 = arith.constant 0 : i32
    %sign3A_264 = arith.cmpi sgt, %add3A_260, %sign3A_263 : i32
    %sign3A_265 = arith.extui %sign3A_264 : i1 to i32
    %sign3A_266 = arith.constant 0 : i32
    %sign3A_267 = arith.cmpi slt, %add3A_260, %sign3A_266 : i32
    %sign3A_268 = arith.extui %sign3A_267 : i1 to i32
    %sign3A_269 = arith.subi %sign3A_265, %sign3A_268 : i32
    %sign3A_270 = arith.constant 0 : i32
    %sign3A_271 = arith.cmpi sgt, %jit3A_261, %sign3A_270 : i32
    %sign3A_272 = arith.extui %sign3A_271 : i1 to i32
    %sign3A_273 = arith.constant 0 : i32
    %sign3A_274 = arith.cmpi slt, %jit3A_261, %sign3A_273 : i32
    %sign3A_275 = arith.extui %sign3A_274 : i1 to i32
    %sign3A_276 = arith.subi %sign3A_272, %sign3A_275 : i32
    %ne3A_277 = arith.cmpi ne, %sign3A_269, %sign3A_276 : i32
    %rem3A_278 = arith.remsi %add3A_260, %jit3A_261 : i32
    %ne3A_279 = arith.constant 0 : i32
    %ne3A_280 = arith.cmpi ne, %rem3A_278, %ne3A_279 : i32
    %and3A_281 = arith.andi %ne3A_277, %ne3A_280 : i1
    %sub3A_282 = arith.constant 1 : i32
    %sub3A_283 = arith.subi %div3A_262, %sub3A_282 : i32
    %select_n3A_284 = arith.select %and3A_281, %sub3A_283, %div3A_262 : i32
    %while3A_285 = arith.constant 0 : i32
    %while3A_286 = arith.constant 0 : i32
    %while3A_287 = arith.subi %select_n3A_284, %while3A_286 : i32
    %while3A_288 = arith.addi %while3A_286, %while3A_287 : i32
    %while3A_289 = arith.constant 1 : i32
    %while3A_290 = arith.divsi %while3A_287, %while3A_289 : i32
    %while3A_291 = arith.muli %while3A_290, %while3A_289 : i32
    %while3A_292 = arith.addi %while3A_286, %while3A_291 : i32
    %while3A_293 = arith.constant 1 : i32
    scf.for %while3A_2429 = %while3A_286 to %while3A_292 step %while3A_293  : i32 {
      %mul3A_2430 = arith.constant 16 : i32
      %mul3A_2431 = arith.muli %while3A_2429, %mul3A_2430 : i32
      %get3A = arith.index_cast %mul3A_2431 : i32 to index
      %get3A_2432 = tpu.vector_load %arg14[%get3A] {strides = array<i32>} : memref<4112xi32, #tpu.memory_space<vmem>>, vector<16xi32>,
      %and3A_2433 = arith.constant 131071 : i32
      %and3A_2434 = vector.broadcast %and3A_2433 : i32 to vector<16xi32>
      %and3A_2435 = arith.andi %get3A_2432, %and3A_2434 : vector<16xi32>
      %shift_right_logical3A = arith.constant 17 : i32
      %shift_right_logical3A_2436 = vector.broadcast %shift_right_logical3A : i32 to vector<16xi32>
      %shift_right_logical3A_2437 = arith.shrui %get3A_2432, %shift_right_logical3A_2436 : vector<16xi32>
      %gather3A = tpu.vector_load_idx %arg12[%and3A_2435] : memref<50080xf32, #tpu.memory_space<vmem>>[vector<16xi32>], vector<16xf32>,
      tpu.vector_store_idx %arg16[%shift_right_logical3A_2437], %gather3A : memref<4112xf32, #tpu.memory_space<vmem>>[vector<16xi32>], vector<16xf32>,
    }
    %while3A_294 = arith.constant 1 : i32
    scf.for %while3A_2429 = %while3A_292 to %while3A_288 step %while3A_294  : i32 {
      %mul3A_2430 = arith.constant 16 : i32
      %mul3A_2431 = arith.muli %while3A_2429, %mul3A_2430 : i32
      %get3A = arith.index_cast %mul3A_2431 : i32 to index
      %get3A_2432 = tpu.vector_load %arg14[%get3A] {strides = array<i32>} : memref<4112xi32, #tpu.memory_space<vmem>>, vector<16xi32>,
      %and3A_2433 = arith.constant 131071 : i32
      %and3A_2434 = vector.broadcast %and3A_2433 : i32 to vector<16xi32>
      %and3A_2435 = arith.andi %get3A_2432, %and3A_2434 : vector<16xi32>
      %shift_right_logical3A = arith.constant 17 : i32
      %shift_right_logical3A_2436 = vector.broadcast %shift_right_logical3A : i32 to vector<16xi32>
      %shift_right_logical3A_2437 = arith.shrui %get3A_2432, %shift_right_logical3A_2436 : vector<16xi32>
      %gather3A = tpu.vector_load_idx %arg12[%and3A_2435] : memref<50080xf32, #tpu.memory_space<vmem>>[vector<16xi32>], vector<16xf32>,
      tpu.vector_store_idx %arg16[%shift_right_logical3A_2437], %gather3A : memref<4112xf32, #tpu.memory_space<vmem>>[vector<16xi32>], vector<16xf32>,
    }
    %dma_start3A_295 = arith.constant 1 : i32
    %dma_start3A_296 = arith.constant 0 : i32
    %dma_start3A_297 = tpu.memref_slice %arg16[%dma_start3A_296] : memref<4112xf32, #tpu.memory_space<vmem>> -> memref<4096xf32, #tpu.memory_space<vmem>>
    %dma_start3A_298 = arith.constant 0 : i32
    %dma_start3A_299 = tpu.memref_slice %arg8[%dma_start3A_295, %add3A, %dma_start3A_298] : memref<16x32x4096xf32, #tpu.memory_space<hbm>> -> memref<1x1x4096xf32, #tpu.memory_space<hbm>>
    %dma_start3A_300 = tpu.memref_squeeze %dma_start3A_299 : memref<1x1x4096xf32, #tpu.memory_space<hbm>> -> memref<4096xf32, #tpu.memory_space<hbm>>
    %dma_start3A_301 = arith.constant 0 : i32
    %dma_start3A_302 = tpu.memref_slice %arg8[%dma_start3A_295, %add3A, %dma_start3A_301] : memref<16x32x4096xf32, #tpu.memory_space<hbm>> -> memref<1x1x4096xf32, #tpu.memory_space<hbm>>
    %dma_start3A_303 = tpu.memref_squeeze %dma_start3A_302 : memref<1x1x4096xf32, #tpu.memory_space<hbm>> -> memref<4096xf32, #tpu.memory_space<hbm>>
    %dma_start3A_304 = arith.constant 0 : i32
    %dma_start3A_305 = tpu.memref_slice %arg16[%dma_start3A_304] : memref<4112xf32, #tpu.memory_space<vmem>> -> memref<4096xf32, #tpu.memory_space<vmem>>
    tpu.enqueue_dma source(%dma_start3A_305 : memref<4096xf32, #tpu.memory_space<vmem>>) target(%dma_start3A_303 : memref<4096xf32, #tpu.memory_space<hbm>>) target_semaphore(%arg20 : memref<!tpu.dma_semaphore, #tpu.memory_space<semaphore_mem>>)
    %dma_start3A_306 = arith.constant 2 : i32
    %dma_start3A_307 = arith.constant 49920 : i32
    %dma_start3A_308 = tpu.memref_slice %arg5[%dma_start3A_306, %add3A, %dma_start3A_307] : memref<16x32x100000xf32, #tpu.memory_space<hbm>> -> memref<1x1x50080xf32, #tpu.memory_space<hbm>>
    %dma_start3A_309 = tpu.memref_squeeze %dma_start3A_308 : memref<1x1x50080xf32, #tpu.memory_space<hbm>> -> memref<50080xf32, #tpu.memory_space<hbm>>
    %dma_start3A_310 = arith.constant 49920 : i32
    %dma_start3A_311 = tpu.memref_slice %arg5[%dma_start3A_306, %add3A, %dma_start3A_310] : memref<16x32x100000xf32, #tpu.memory_space<hbm>> -> memref<1x1x50080xf32, #tpu.memory_space<hbm>>
    %dma_start3A_312 = tpu.memref_squeeze %dma_start3A_311 : memref<1x1x50080xf32, #tpu.memory_space<hbm>> -> memref<50080xf32, #tpu.memory_space<hbm>>
    tpu.enqueue_dma source(%dma_start3A_312 : memref<50080xf32, #tpu.memory_space<hbm>>) target(%arg12 : memref<50080xf32, #tpu.memory_space<vmem>>) target_semaphore(%arg18 : memref<!tpu.dma_semaphore, #tpu.memory_space<semaphore_mem>>)
    %dma_wait3A_313 = arith.constant 0 : i32
    %dma_wait3A_314 = arith.constant 0 : i32
    %dma_wait3A_315 = tpu.memref_slice %arg15[%dma_wait3A_314] : memref<4112xf32, #tpu.memory_space<vmem>> -> memref<4096xf32, #tpu.memory_space<vmem>>
    %dma_wait3A_316 = arith.constant 0 : i32
    %dma_wait3A_317 = tpu.memref_slice %arg8[%dma_wait3A_313, %add3A, %dma_wait3A_316] : memref<16x32x4096xf32, #tpu.memory_space<hbm>> -> memref<1x1x4096xf32, #tpu.memory_space<hbm>>
    %dma_wait3A_318 = tpu.memref_squeeze %dma_wait3A_317 : memref<1x1x4096xf32, #tpu.memory_space<hbm>> -> memref<4096xf32, #tpu.memory_space<hbm>>
    %dma_wait3A_319 = arith.constant 0 : i32
    %dma_wait3A_320 = tpu.memref_slice %arg8[%dma_wait3A_313, %add3A, %dma_wait3A_319] : memref<16x32x4096xf32, #tpu.memory_space<hbm>> -> memref<1x1x4096xf32, #tpu.memory_space<hbm>>
    %dma_wait3A_321 = tpu.memref_squeeze %dma_wait3A_320 : memref<1x1x4096xf32, #tpu.memory_space<hbm>> -> memref<4096xf32, #tpu.memory_space<hbm>>
    %dma_wait3A_322 = arith.constant 0 : i32
    %dma_wait3A_323 = tpu.memref_slice %arg15[%dma_wait3A_322] : memref<4112xf32, #tpu.memory_space<vmem>> -> memref<4096xf32, #tpu.memory_space<vmem>>
    tpu.wait_dma2 semaphore(%arg19 : memref<!tpu.dma_semaphore, #tpu.memory_space<semaphore_mem>>) src(%dma_wait3A_323 : memref<4096xf32, #tpu.memory_space<vmem>>) dst(%dma_wait3A_321 : memref<4096xf32, #tpu.memory_space<hbm>>)
    %dma_wait3A_324 = arith.constant 2 : i32
    %dma_wait3A_325 = arith.constant 0 : i32
    %dma_wait3A_326 = tpu.memref_slice %arg11[%dma_wait3A_325] : memref<50080xf32, #tpu.memory_space<vmem>> -> memref<49920xf32, #tpu.memory_space<vmem>>
    %dma_wait3A_327 = arith.constant 0 : i32
    %dma_wait3A_328 = tpu.memref_slice %arg5[%dma_wait3A_324, %add3A, %dma_wait3A_327] : memref<16x32x100000xf32, #tpu.memory_space<hbm>> -> memref<1x1x49920xf32, #tpu.memory_space<hbm>>
    %dma_wait3A_329 = tpu.memref_squeeze %dma_wait3A_328 : memref<1x1x49920xf32, #tpu.memory_space<hbm>> -> memref<49920xf32, #tpu.memory_space<hbm>>
    %dma_wait3A_330 = arith.constant 0 : i32
    %dma_wait3A_331 = tpu.memref_slice %arg11[%dma_wait3A_330] : memref<50080xf32, #tpu.memory_space<vmem>> -> memref<49920xf32, #tpu.memory_space<vmem>>
    %dma_wait3A_332 = arith.constant 0 : i32
    %dma_wait3A_333 = tpu.memref_slice %arg5[%dma_wait3A_324, %add3A, %dma_wait3A_332] : memref<16x32x100000xf32, #tpu.memory_space<hbm>> -> memref<1x1x49920xf32, #tpu.memory_space<hbm>>
    %dma_wait3A_334 = tpu.memref_squeeze %dma_wait3A_333 : memref<1x1x49920xf32, #tpu.memory_space<hbm>> -> memref<49920xf32, #tpu.memory_space<hbm>>
    tpu.wait_dma2 semaphore(%arg17 : memref<!tpu.dma_semaphore, #tpu.memory_space<semaphore_mem>>) src(%dma_wait3A_334 : memref<49920xf32, #tpu.memory_space<hbm>>) dst(%dma_wait3A_331 : memref<49920xf32, #tpu.memory_space<vmem>>)
    %add3A_335 = arith.constant 15 : i32
    %add3A_336 = arith.addi %scan3A_71#0, %add3A_335 : i32
    %jit3A_337 = arith.constant 16 : i32
    %div3A_338 = arith.divsi %add3A_336, %jit3A_337 : i32
    %sign3A_339 = arith.constant 0 : i32
    %sign3A_340 = arith.cmpi sgt, %add3A_336, %sign3A_339 : i32
    %sign3A_341 = arith.extui %sign3A_340 : i1 to i32
    %sign3A_342 = arith.constant 0 : i32
    %sign3A_343 = arith.cmpi slt, %add3A_336, %sign3A_342 : i32
    %sign3A_344 = arith.extui %sign3A_343 : i1 to i32
    %sign3A_345 = arith.subi %sign3A_341, %sign3A_344 : i32
    %sign3A_346 = arith.constant 0 : i32
    %sign3A_347 = arith.cmpi sgt, %jit3A_337, %sign3A_346 : i32
    %sign3A_348 = arith.extui %sign3A_347 : i1 to i32
    %sign3A_349 = arith.constant 0 : i32
    %sign3A_350 = arith.cmpi slt, %jit3A_337, %sign3A_349 : i32
    %sign3A_351 = arith.extui %sign3A_350 : i1 to i32
    %sign3A_352 = arith.subi %sign3A_348, %sign3A_351 : i32
    %ne3A_353 = arith.cmpi ne, %sign3A_345, %sign3A_352 : i32
    %rem3A_354 = arith.remsi %add3A_336, %jit3A_337 : i32
    %ne3A_355 = arith.constant 0 : i32
    %ne3A_356 = arith.cmpi ne, %rem3A_354, %ne3A_355 : i32
    %and3A_357 = arith.andi %ne3A_353, %ne3A_356 : i1
    %sub3A_358 = arith.constant 1 : i32
    %sub3A_359 = arith.subi %div3A_338, %sub3A_358 : i32
    %select_n3A_360 = arith.select %and3A_357, %sub3A_359, %div3A_338 : i32
    %while3A_361 = arith.constant 0 : i32
    %while3A_362 = arith.constant 0 : i32
    %while3A_363 = arith.subi %select_n3A_360, %while3A_362 : i32
    %while3A_364 = arith.addi %while3A_362, %while3A_363 : i32
    %while3A_365 = arith.constant 1 : i32
    %while3A_366 = arith.divsi %while3A_363, %while3A_365 : i32
    %while3A_367 = arith.muli %while3A_366, %while3A_365 : i32
    %while3A_368 = arith.addi %while3A_362, %while3A_367 : i32
    %while3A_369 = arith.constant 1 : i32
    scf.for %while3A_2429 = %while3A_362 to %while3A_368 step %while3A_369  : i32 {
      %mul3A_2430 = arith.constant 16 : i32
      %mul3A_2431 = arith.muli %while3A_2429, %mul3A_2430 : i32
      %get3A = arith.index_cast %mul3A_2431 : i32 to index
      %get3A_2432 = tpu.vector_load %arg13[%get3A] {strides = array<i32>} : memref<4112xi32, #tpu.memory_space<vmem>>, vector<16xi32>,
      %and3A_2433 = arith.constant 131071 : i32
      %and3A_2434 = vector.broadcast %and3A_2433 : i32 to vector<16xi32>
      %and3A_2435 = arith.andi %get3A_2432, %and3A_2434 : vector<16xi32>
      %shift_right_logical3A = arith.constant 17 : i32
      %shift_right_logical3A_2436 = vector.broadcast %shift_right_logical3A : i32 to vector<16xi32>
      %shift_right_logical3A_2437 = arith.shrui %get3A_2432, %shift_right_logical3A_2436 : vector<16xi32>
      %gather3A = tpu.vector_load_idx %arg11[%and3A_2435] : memref<50080xf32, #tpu.memory_space<vmem>>[vector<16xi32>], vector<16xf32>,
      tpu.vector_store_idx %arg15[%shift_right_logical3A_2437], %gather3A : memref<4112xf32, #tpu.memory_space<vmem>>[vector<16xi32>], vector<16xf32>,
    }
    %while3A_370 = arith.constant 1 : i32
    scf.for %while3A_2429 = %while3A_368 to %while3A_364 step %while3A_370  : i32 {
      %mul3A_2430 = arith.constant 16 : i32
      %mul3A_2431 = arith.muli %while3A_2429, %mul3A_2430 : i32
      %get3A = arith.index_cast %mul3A_2431 : i32 to index
      %get3A_2432 = tpu.vector_load %arg13[%get3A] {strides = array<i32>} : memref<4112xi32, #tpu.memory_space<vmem>>, vector<16xi32>,
      %and3A_2433 = arith.constant 131071 : i32
      %and3A_2434 = vector.broadcast %and3A_2433 : i32 to vector<16xi32>
      %and3A_2435 = arith.andi %get3A_2432, %and3A_2434 : vector<16xi32>
      %shift_right_logical3A = arith.constant 17 : i32
      %shift_right_logical3A_2436 = vector.broadcast %shift_right_logical3A : i32 to vector<16xi32>
      %shift_right_logical3A_2437 = arith.shrui %get3A_2432, %shift_right_logical3A_2436 : vector<16xi32>
      %gather3A = tpu.vector_load_idx %arg11[%and3A_2435] : memref<50080xf32, #tpu.memory_space<vmem>>[vector<16xi32>], vector<16xf32>,
      tpu.vector_store_idx %arg15[%shift_right_logical3A_2437], %gather3A : memref<4112xf32, #tpu.memory_space<vmem>>[vector<16xi32>], vector<16xf32>,
    }
    %dma_start3A_371 = arith.constant 3 : i32
    %dma_start3A_372 = arith.constant 0 : i32
    %dma_start3A_373 = tpu.memref_slice %arg11[%dma_start3A_372] : memref<50080xf32, #tpu.memory_space<vmem>> -> memref<49920xf32, #tpu.memory_space<vmem>>
    %dma_start3A_374 = arith.constant 0 : i32
    %dma_start3A_375 = tpu.memref_slice %arg5[%dma_start3A_371, %add3A, %dma_start3A_374] : memref<16x32x100000xf32, #tpu.memory_space<hbm>> -> memref<1x1x49920xf32, #tpu.memory_space<hbm>>
    %dma_start3A_376 = tpu.memref_squeeze %dma_start3A_375 : memref<1x1x49920xf32, #tpu.memory_space<hbm>> -> memref<49920xf32, #tpu.memory_space<hbm>>
    %dma_start3A_377 = arith.constant 0 : i32
    %dma_start3A_378 = tpu.memref_slice %arg11[%dma_start3A_377] : memref<50080xf32, #tpu.memory_space<vmem>> -> memref<49920xf32, #tpu.memory_space<vmem>>
    %dma_start3A_379 = arith.constant 0 : i32
    %dma_start3A_380 = tpu.memref_slice %arg5[%dma_start3A_371, %add3A, %dma_start3A_379] : memref<16x32x100000xf32, #tpu.memory_space<hbm>> -> memref<1x1x49920xf32, #tpu.memory_space<hbm>>
    %dma_start3A_381 = tpu.memref_squeeze %dma_start3A_380 : memref<1x1x49920xf32, #tpu.memory_space<hbm>> -> memref<49920xf32, #tpu.memory_space<hbm>>
    tpu.enqueue_dma source(%dma_start3A_381 : memref<49920xf32, #tpu.memory_space<hbm>>) target(%dma_start3A_378 : memref<49920xf32, #tpu.memory_space<vmem>>) target_semaphore(%arg17 : memref<!tpu.dma_semaphore, #tpu.memory_space<semaphore_mem>>)
    %dma_wait3A_382 = arith.constant 2 : i32
    %dma_wait3A_383 = arith.constant 49920 : i32
    %dma_wait3A_384 = tpu.memref_slice %arg5[%dma_wait3A_382, %add3A, %dma_wait3A_383] : memref<16x32x100000xf32, #tpu.memory_space<hbm>> -> memref<1x1x50080xf32, #tpu.memory_space<hbm>>
    %dma_wait3A_385 = tpu.memref_squeeze %dma_wait3A_384 : memref<1x1x50080xf32, #tpu.memory_space<hbm>> -> memref<50080xf32, #tpu.memory_space<hbm>>
    %dma_wait3A_386 = arith.constant 49920 : i32
    %dma_wait3A_387 = tpu.memref_slice %arg5[%dma_wait3A_382, %add3A, %dma_wait3A_386] : memref<16x32x100000xf32, #tpu.memory_space<hbm>> -> memref<1x1x50080xf32, #tpu.memory_space<hbm>>
    %dma_wait3A_388 = tpu.memref_squeeze %dma_wait3A_387 : memref<1x1x50080xf32, #tpu.memory_space<hbm>> -> memref<50080xf32, #tpu.memory_space<hbm>>
    tpu.wait_dma2 semaphore(%arg18 : memref<!tpu.dma_semaphore, #tpu.memory_space<semaphore_mem>>) src(%dma_wait3A_388 : memref<50080xf32, #tpu.memory_space<hbm>>) dst(%arg12 : memref<50080xf32, #tpu.memory_space<vmem>>)
    %add3A_389 = arith.constant 15 : i32
    %add3A_390 = arith.addi %scan3A_71#1, %add3A_389 : i32
    %jit3A_391 = arith.constant 16 : i32
    %div3A_392 = arith.divsi %add3A_390, %jit3A_391 : i32
    %sign3A_393 = arith.constant 0 : i32
    %sign3A_394 = arith.cmpi sgt, %add3A_390, %sign3A_393 : i32
    %sign3A_395 = arith.extui %sign3A_394 : i1 to i32
    %sign3A_396 = arith.constant 0 : i32
    %sign3A_397 = arith.cmpi slt, %add3A_390, %sign3A_396 : i32
    %sign3A_398 = arith.extui %sign3A_397 : i1 to i32
    %sign3A_399 = arith.subi %sign3A_395, %sign3A_398 : i32
    %sign3A_400 = arith.constant 0 : i32
    %sign3A_401 = arith.cmpi sgt, %jit3A_391, %sign3A_400 : i32
    %sign3A_402 = arith.extui %sign3A_401 : i1 to i32
    %sign3A_403 = arith.constant 0 : i32
    %sign3A_404 = arith.cmpi slt, %jit3A_391, %sign3A_403 : i32
    %sign3A_405 = arith.extui %sign3A_404 : i1 to i32
    %sign3A_406 = arith.subi %sign3A_402, %sign3A_405 : i32
    %ne3A_407 = arith.cmpi ne, %sign3A_399, %sign3A_406 : i32
    %rem3A_408 = arith.remsi %add3A_390, %jit3A_391 : i32
    %ne3A_409 = arith.constant 0 : i32
    %ne3A_410 = arith.cmpi ne, %rem3A_408, %ne3A_409 : i32
    %and3A_411 = arith.andi %ne3A_407, %ne3A_410 : i1
    %sub3A_412 = arith.constant 1 : i32
    %sub3A_413 = arith.subi %div3A_392, %sub3A_412 : i32
    %select_n3A_414 = arith.select %and3A_411, %sub3A_413, %div3A_392 : i32
    %while3A_415 = arith.constant 0 : i32
    %while3A_416 = arith.constant 0 : i32
    %while3A_417 = arith.subi %select_n3A_414, %while3A_416 : i32
    %while3A_418 = arith.addi %while3A_416, %while3A_417 : i32
    %while3A_419 = arith.constant 1 : i32
    %while3A_420 = arith.divsi %while3A_417, %while3A_419 : i32
    %while3A_421 = arith.muli %while3A_420, %while3A_419 : i32
    %while3A_422 = arith.addi %while3A_416, %while3A_421 : i32
    %while3A_423 = arith.constant 1 : i32
    scf.for %while3A_2429 = %while3A_416 to %while3A_422 step %while3A_423  : i32 {
      %mul3A_2430 = arith.constant 16 : i32
      %mul3A_2431 = arith.muli %while3A_2429, %mul3A_2430 : i32
      %get3A = arith.index_cast %mul3A_2431 : i32 to index
      %get3A_2432 = tpu.vector_load %arg14[%get3A] {strides = array<i32>} : memref<4112xi32, #tpu.memory_space<vmem>>, vector<16xi32>,
      %and3A_2433 = arith.constant 131071 : i32
      %and3A_2434 = vector.broadcast %and3A_2433 : i32 to vector<16xi32>
      %and3A_2435 = arith.andi %get3A_2432, %and3A_2434 : vector<16xi32>
      %shift_right_logical3A = arith.constant 17 : i32
      %shift_right_logical3A_2436 = vector.broadcast %shift_right_logical3A : i32 to vector<16xi32>
      %shift_right_logical3A_2437 = arith.shrui %get3A_2432, %shift_right_logical3A_2436 : vector<16xi32>
      %gather3A = tpu.vector_load_idx %arg12[%and3A_2435] : memref<50080xf32, #tpu.memory_space<vmem>>[vector<16xi32>], vector<16xf32>,
      tpu.vector_store_idx %arg15[%shift_right_logical3A_2437], %gather3A : memref<4112xf32, #tpu.memory_space<vmem>>[vector<16xi32>], vector<16xf32>,
    }
    %while3A_424 = arith.constant 1 : i32
    scf.for %while3A_2429 = %while3A_422 to %while3A_418 step %while3A_424  : i32 {
      %mul3A_2430 = arith.constant 16 : i32
      %mul3A_2431 = arith.muli %while3A_2429, %mul3A_2430 : i32
      %get3A = arith.index_cast %mul3A_2431 : i32 to index
      %get3A_2432 = tpu.vector_load %arg14[%get3A] {strides = array<i32>} : memref<4112xi32, #tpu.memory_space<vmem>>, vector<16xi32>,
      %and3A_2433 = arith.constant 131071 : i32
      %and3A_2434 = vector.broadcast %and3A_2433 : i32 to vector<16xi32>
      %and3A_2435 = arith.andi %get3A_2432, %and3A_2434 : vector<16xi32>
      %shift_right_logical3A = arith.constant 17 : i32
      %shift_right_logical3A_2436 = vector.broadcast %shift_right_logical3A : i32 to vector<16xi32>
      %shift_right_logical3A_2437 = arith.shrui %get3A_2432, %shift_right_logical3A_2436 : vector<16xi32>
      %gather3A = tpu.vector_load_idx %arg12[%and3A_2435] : memref<50080xf32, #tpu.memory_space<vmem>>[vector<16xi32>], vector<16xf32>,
      tpu.vector_store_idx %arg15[%shift_right_logical3A_2437], %gather3A : memref<4112xf32, #tpu.memory_space<vmem>>[vector<16xi32>], vector<16xf32>,
    }
    %dma_start3A_425 = arith.constant 2 : i32
    %dma_start3A_426 = arith.constant 0 : i32
    %dma_start3A_427 = tpu.memref_slice %arg15[%dma_start3A_426] : memref<4112xf32, #tpu.memory_space<vmem>> -> memref<4096xf32, #tpu.memory_space<vmem>>
    %dma_start3A_428 = arith.constant 0 : i32
    %dma_start3A_429 = tpu.memref_slice %arg8[%dma_start3A_425, %add3A, %dma_start3A_428] : memref<16x32x4096xf32, #tpu.memory_space<hbm>> -> memref<1x1x4096xf32, #tpu.memory_space<hbm>>
    %dma_start3A_430 = tpu.memref_squeeze %dma_start3A_429 : memref<1x1x4096xf32, #tpu.memory_space<hbm>> -> memref<4096xf32, #tpu.memory_space<hbm>>
    %dma_start3A_431 = arith.constant 0 : i32
    %dma_start3A_432 = tpu.memref_slice %arg8[%dma_start3A_425, %add3A, %dma_start3A_431] : memref<16x32x4096xf32, #tpu.memory_space<hbm>> -> memref<1x1x4096xf32, #tpu.memory_space<hbm>>
    %dma_start3A_433 = tpu.memref_squeeze %dma_start3A_432 : memref<1x1x4096xf32, #tpu.memory_space<hbm>> -> memref<4096xf32, #tpu.memory_space<hbm>>
    %dma_start3A_434 = arith.constant 0 : i32
    %dma_start3A_435 = tpu.memref_slice %arg15[%dma_start3A_434] : memref<4112xf32, #tpu.memory_space<vmem>> -> memref<4096xf32, #tpu.memory_space<vmem>>
    tpu.enqueue_dma source(%dma_start3A_435 : memref<4096xf32, #tpu.memory_space<vmem>>) target(%dma_start3A_433 : memref<4096xf32, #tpu.memory_space<hbm>>) target_semaphore(%arg19 : memref<!tpu.dma_semaphore, #tpu.memory_space<semaphore_mem>>)
    %dma_start3A_436 = arith.constant 3 : i32
    %dma_start3A_437 = arith.constant 49920 : i32
    %dma_start3A_438 = tpu.memref_slice %arg5[%dma_start3A_436, %add3A, %dma_start3A_437] : memref<16x32x100000xf32, #tpu.memory_space<hbm>> -> memref<1x1x50080xf32, #tpu.memory_space<hbm>>
    %dma_start3A_439 = tpu.memref_squeeze %dma_start3A_438 : memref<1x1x50080xf32, #tpu.memory_space<hbm>> -> memref<50080xf32, #tpu.memory_space<hbm>>
    %dma_start3A_440 = arith.constant 49920 : i32
    %dma_start3A_441 = tpu.memref_slice %arg5[%dma_start3A_436, %add3A, %dma_start3A_440] : memref<16x32x100000xf32, #tpu.memory_space<hbm>> -> memref<1x1x50080xf32, #tpu.memory_space<hbm>>
    %dma_start3A_442 = tpu.memref_squeeze %dma_start3A_441 : memref<1x1x50080xf32, #tpu.memory_space<hbm>> -> memref<50080xf32, #tpu.memory_space<hbm>>
    tpu.enqueue_dma source(%dma_start3A_442 : memref<50080xf32, #tpu.memory_space<hbm>>) target(%arg12 : memref<50080xf32, #tpu.memory_space<vmem>>) target_semaphore(%arg18 : memref<!tpu.dma_semaphore, #tpu.memory_space<semaphore_mem>>)
    %dma_wait3A_443 = arith.constant 1 : i32
    %dma_wait3A_444 = arith.constant 0 : i32
    %dma_wait3A_445 = tpu.memref_slice %arg16[%dma_wait3A_444] : memref<4112xf32, #tpu.memory_space<vmem>> -> memref<4096xf32, #tpu.memory_space<vmem>>
    %dma_wait3A_446 = arith.constant 0 : i32
    %dma_wait3A_447 = tpu.memref_slice %arg8[%dma_wait3A_443, %add3A, %dma_wait3A_446] : memref<16x32x4096xf32, #tpu.memory_space<hbm>> -> memref<1x1x4096xf32, #tpu.memory_space<hbm>>
    %dma_wait3A_448 = tpu.memref_squeeze %dma_wait3A_447 : memref<1x1x4096xf32, #tpu.memory_space<hbm>> -> memref<4096xf32, #tpu.memory_space<hbm>>
    %dma_wait3A_449 = arith.constant 0 : i32
    %dma_wait3A_450 = tpu.memref_slice %arg8[%dma_wait3A_443, %add3A, %dma_wait3A_449] : memref<16x32x4096xf32, #tpu.memory_space<hbm>> -> memref<1x1x4096xf32, #tpu.memory_space<hbm>>
    %dma_wait3A_451 = tpu.memref_squeeze %dma_wait3A_450 : memref<1x1x4096xf32, #tpu.memory_space<hbm>> -> memref<4096xf32, #tpu.memory_space<hbm>>
    %dma_wait3A_452 = arith.constant 0 : i32
    %dma_wait3A_453 = tpu.memref_slice %arg16[%dma_wait3A_452] : memref<4112xf32, #tpu.memory_space<vmem>> -> memref<4096xf32, #tpu.memory_space<vmem>>
    tpu.wait_dma2 semaphore(%arg20 : memref<!tpu.dma_semaphore, #tpu.memory_space<semaphore_mem>>) src(%dma_wait3A_453 : memref<4096xf32, #tpu.memory_space<vmem>>) dst(%dma_wait3A_451 : memref<4096xf32, #tpu.memory_space<hbm>>)
    %dma_wait3A_454 = arith.constant 3 : i32
    %dma_wait3A_455 = arith.constant 0 : i32
    %dma_wait3A_456 = tpu.memref_slice %arg11[%dma_wait3A_455] : memref<50080xf32, #tpu.memory_space<vmem>> -> memref<49920xf32, #tpu.memory_space<vmem>>
    %dma_wait3A_457 = arith.constant 0 : i32
    %dma_wait3A_458 = tpu.memref_slice %arg5[%dma_wait3A_454, %add3A, %dma_wait3A_457] : memref<16x32x100000xf32, #tpu.memory_space<hbm>> -> memref<1x1x49920xf32, #tpu.memory_space<hbm>>
    %dma_wait3A_459 = tpu.memref_squeeze %dma_wait3A_458 : memref<1x1x49920xf32, #tpu.memory_space<hbm>> -> memref<49920xf32, #tpu.memory_space<hbm>>
    %dma_wait3A_460 = arith.constant 0 : i32
    %dma_wait3A_461 = tpu.memref_slice %arg11[%dma_wait3A_460] : memref<50080xf32, #tpu.memory_space<vmem>> -> memref<49920xf32, #tpu.memory_space<vmem>>
    %dma_wait3A_462 = arith.constant 0 : i32
    %dma_wait3A_463 = tpu.memref_slice %arg5[%dma_wait3A_454, %add3A, %dma_wait3A_462] : memref<16x32x100000xf32, #tpu.memory_space<hbm>> -> memref<1x1x49920xf32, #tpu.memory_space<hbm>>
    %dma_wait3A_464 = tpu.memref_squeeze %dma_wait3A_463 : memref<1x1x49920xf32, #tpu.memory_space<hbm>> -> memref<49920xf32, #tpu.memory_space<hbm>>
    tpu.wait_dma2 semaphore(%arg17 : memref<!tpu.dma_semaphore, #tpu.memory_space<semaphore_mem>>) src(%dma_wait3A_464 : memref<49920xf32, #tpu.memory_space<hbm>>) dst(%dma_wait3A_461 : memref<49920xf32, #tpu.memory_space<vmem>>)
    %add3A_465 = arith.constant 15 : i32
    %add3A_466 = arith.addi %scan3A_71#0, %add3A_465 : i32
    %jit3A_467 = arith.constant 16 : i32
    %div3A_468 = arith.divsi %add3A_466, %jit3A_467 : i32
    %sign3A_469 = arith.constant 0 : i32
    %sign3A_470 = arith.cmpi sgt, %add3A_466, %sign3A_469 : i32
    %sign3A_471 = arith.extui %sign3A_470 : i1 to i32
    %sign3A_472 = arith.constant 0 : i32
    %sign3A_473 = arith.cmpi slt, %add3A_466, %sign3A_472 : i32
    %sign3A_474 = arith.extui %sign3A_473 : i1 to i32
    %sign3A_475 = arith.subi %sign3A_471, %sign3A_474 : i32
    %sign3A_476 = arith.constant 0 : i32
    %sign3A_477 = arith.cmpi sgt, %jit3A_467, %sign3A_476 : i32
    %sign3A_478 = arith.extui %sign3A_477 : i1 to i32
    %sign3A_479 = arith.constant 0 : i32
    %sign3A_480 = arith.cmpi slt, %jit3A_467, %sign3A_479 : i32
    %sign3A_481 = arith.extui %sign3A_480 : i1 to i32
    %sign3A_482 = arith.subi %sign3A_478, %sign3A_481 : i32
    %ne3A_483 = arith.cmpi ne, %sign3A_475, %sign3A_482 : i32
    %rem3A_484 = arith.remsi %add3A_466, %jit3A_467 : i32
    %ne3A_485 = arith.constant 0 : i32
    %ne3A_486 = arith.cmpi ne, %rem3A_484, %ne3A_485 : i32
    %and3A_487 = arith.andi %ne3A_483, %ne3A_486 : i1
    %sub3A_488 = arith.constant 1 : i32
    %sub3A_489 = arith.subi %div3A_468, %sub3A_488 : i32
    %select_n3A_490 = arith.select %and3A_487, %sub3A_489, %div3A_468 : i32
    %while3A_491 = arith.constant 0 : i32
    %while3A_492 = arith.constant 0 : i32
    %while3A_493 = arith.subi %select_n3A_490, %while3A_492 : i32
    %while3A_494 = arith.addi %while3A_492, %while3A_493 : i32
    %while3A_495 = arith.constant 1 : i32
    %while3A_496 = arith.divsi %while3A_493, %while3A_495 : i32
    %while3A_497 = arith.muli %while3A_496, %while3A_495 : i32
    %while3A_498 = arith.addi %while3A_492, %while3A_497 : i32
    %while3A_499 = arith.constant 1 : i32
    scf.for %while3A_2429 = %while3A_492 to %while3A_498 step %while3A_499  : i32 {
      %mul3A_2430 = arith.constant 16 : i32
      %mul3A_2431 = arith.muli %while3A_2429, %mul3A_2430 : i32
      %get3A = arith.index_cast %mul3A_2431 : i32 to index
      %get3A_2432 = tpu.vector_load %arg13[%get3A] {strides = array<i32>} : memref<4112xi32, #tpu.memory_space<vmem>>, vector<16xi32>,
      %and3A_2433 = arith.constant 131071 : i32
      %and3A_2434 = vector.broadcast %and3A_2433 : i32 to vector<16xi32>
      %and3A_2435 = arith.andi %get3A_2432, %and3A_2434 : vector<16xi32>
      %shift_right_logical3A = arith.constant 17 : i32
      %shift_right_logical3A_2436 = vector.broadcast %shift_right_logical3A : i32 to vector<16xi32>
      %shift_right_logical3A_2437 = arith.shrui %get3A_2432, %shift_right_logical3A_2436 : vector<16xi32>
      %gather3A = tpu.vector_load_idx %arg11[%and3A_2435] : memref<50080xf32, #tpu.memory_space<vmem>>[vector<16xi32>], vector<16xf32>,
      tpu.vector_store_idx %arg16[%shift_right_logical3A_2437], %gather3A : memref<4112xf32, #tpu.memory_space<vmem>>[vector<16xi32>], vector<16xf32>,
    }
    %while3A_500 = arith.constant 1 : i32
    scf.for %while3A_2429 = %while3A_498 to %while3A_494 step %while3A_500  : i32 {
      %mul3A_2430 = arith.constant 16 : i32
      %mul3A_2431 = arith.muli %while3A_2429, %mul3A_2430 : i32
      %get3A = arith.index_cast %mul3A_2431 : i32 to index
      %get3A_2432 = tpu.vector_load %arg13[%get3A] {strides = array<i32>} : memref<4112xi32, #tpu.memory_space<vmem>>, vector<16xi32>,
      %and3A_2433 = arith.constant 131071 : i32
      %and3A_2434 = vector.broadcast %and3A_2433 : i32 to vector<16xi32>
      %and3A_2435 = arith.andi %get3A_2432, %and3A_2434 : vector<16xi32>
      %shift_right_logical3A = arith.constant 17 : i32
      %shift_right_logical3A_2436 = vector.broadcast %shift_right_logical3A : i32 to vector<16xi32>
      %shift_right_logical3A_2437 = arith.shrui %get3A_2432, %shift_right_logical3A_2436 : vector<16xi32>
      %gather3A = tpu.vector_load_idx %arg11[%and3A_2435] : memref<50080xf32, #tpu.memory_space<vmem>>[vector<16xi32>], vector<16xf32>,
      tpu.vector_store_idx %arg16[%shift_right_logical3A_2437], %gather3A : memref<4112xf32, #tpu.memory_space<vmem>>[vector<16xi32>], vector<16xf32>,
    }
    %dma_start3A_501 = arith.constant 4 : i32
    %dma_start3A_502 = arith.constant 0 : i32
    %dma_start3A_503 = tpu.memref_slice %arg11[%dma_start3A_502] : memref<50080xf32, #tpu.memory_space<vmem>> -> memref<49920xf32, #tpu.memory_space<vmem>>
    %dma_start3A_504 = arith.constant 0 : i32
    %dma_start3A_505 = tpu.memref_slice %arg5[%dma_start3A_501, %add3A, %dma_start3A_504] : memref<16x32x100000xf32, #tpu.memory_space<hbm>> -> memref<1x1x49920xf32, #tpu.memory_space<hbm>>
    %dma_start3A_506 = tpu.memref_squeeze %dma_start3A_505 : memref<1x1x49920xf32, #tpu.memory_space<hbm>> -> memref<49920xf32, #tpu.memory_space<hbm>>
    %dma_start3A_507 = arith.constant 0 : i32
    %dma_start3A_508 = tpu.memref_slice %arg11[%dma_start3A_507] : memref<50080xf32, #tpu.memory_space<vmem>> -> memref<49920xf32, #tpu.memory_space<vmem>>
    %dma_start3A_509 = arith.constant 0 : i32
    %dma_start3A_510 = tpu.memref_slice %arg5[%dma_start3A_501, %add3A, %dma_start3A_509] : memref<16x32x100000xf32, #tpu.memory_space<hbm>> -> memref<1x1x49920xf32, #tpu.memory_space<hbm>>
    %dma_start3A_511 = tpu.memref_squeeze %dma_start3A_510 : memref<1x1x49920xf32, #tpu.memory_space<hbm>> -> memref<49920xf32, #tpu.memory_space<hbm>>
    tpu.enqueue_dma source(%dma_start3A_511 : memref<49920xf32, #tpu.memory_space<hbm>>) target(%dma_start3A_508 : memref<49920xf32, #tpu.memory_space<vmem>>) target_semaphore(%arg17 : memref<!tpu.dma_semaphore, #tpu.memory_space<semaphore_mem>>)
    %dma_wait3A_512 = arith.constant 3 : i32
    %dma_wait3A_513 = arith.constant 49920 : i32
    %dma_wait3A_514 = tpu.memref_slice %arg5[%dma_wait3A_512, %add3A, %dma_wait3A_513] : memref<16x32x100000xf32, #tpu.memory_space<hbm>> -> memref<1x1x50080xf32, #tpu.memory_space<hbm>>
    %dma_wait3A_515 = tpu.memref_squeeze %dma_wait3A_514 : memref<1x1x50080xf32, #tpu.memory_space<hbm>> -> memref<50080xf32, #tpu.memory_space<hbm>>
    %dma_wait3A_516 = arith.constant 49920 : i32
    %dma_wait3A_517 = tpu.memref_slice %arg5[%dma_wait3A_512, %add3A, %dma_wait3A_516] : memref<16x32x100000xf32, #tpu.memory_space<hbm>> -> memref<1x1x50080xf32, #tpu.memory_space<hbm>>
    %dma_wait3A_518 = tpu.memref_squeeze %dma_wait3A_517 : memref<1x1x50080xf32, #tpu.memory_space<hbm>> -> memref<50080xf32, #tpu.memory_space<hbm>>
    tpu.wait_dma2 semaphore(%arg18 : memref<!tpu.dma_semaphore, #tpu.memory_space<semaphore_mem>>) src(%dma_wait3A_518 : memref<50080xf32, #tpu.memory_space<hbm>>) dst(%arg12 : memref<50080xf32, #tpu.memory_space<vmem>>)
    %add3A_519 = arith.constant 15 : i32
    %add3A_520 = arith.addi %scan3A_71#1, %add3A_519 : i32
    %jit3A_521 = arith.constant 16 : i32
    %div3A_522 = arith.divsi %add3A_520, %jit3A_521 : i32
    %sign3A_523 = arith.constant 0 : i32
    %sign3A_524 = arith.cmpi sgt, %add3A_520, %sign3A_523 : i32
    %sign3A_525 = arith.extui %sign3A_524 : i1 to i32
    %sign3A_526 = arith.constant 0 : i32
    %sign3A_527 = arith.cmpi slt, %add3A_520, %sign3A_526 : i32
    %sign3A_528 = arith.extui %sign3A_527 : i1 to i32
    %sign3A_529 = arith.subi %sign3A_525, %sign3A_528 : i32
    %sign3A_530 = arith.constant 0 : i32
    %sign3A_531 = arith.cmpi sgt, %jit3A_521, %sign3A_530 : i32
    %sign3A_532 = arith.extui %sign3A_531 : i1 to i32
    %sign3A_533 = arith.constant 0 : i32
    %sign3A_534 = arith.cmpi slt, %jit3A_521, %sign3A_533 : i32
    %sign3A_535 = arith.extui %sign3A_534 : i1 to i32
    %sign3A_536 = arith.subi %sign3A_532, %sign3A_535 : i32
    %ne3A_537 = arith.cmpi ne, %sign3A_529, %sign3A_536 : i32
    %rem3A_538 = arith.remsi %add3A_520, %jit3A_521 : i32
    %ne3A_539 = arith.constant 0 : i32
    %ne3A_540 = arith.cmpi ne, %rem3A_538, %ne3A_539 : i32
    %and3A_541 = arith.andi %ne3A_537, %ne3A_540 : i1
    %sub3A_542 = arith.constant 1 : i32
    %sub3A_543 = arith.subi %div3A_522, %sub3A_542 : i32
    %select_n3A_544 = arith.select %and3A_541, %sub3A_543, %div3A_522 : i32
    %while3A_545 = arith.constant 0 : i32
    %while3A_546 = arith.constant 0 : i32
    %while3A_547 = arith.subi %select_n3A_544, %while3A_546 : i32
    %while3A_548 = arith.addi %while3A_546, %while3A_547 : i32
    %while3A_549 = arith.constant 1 : i32
    %while3A_550 = arith.divsi %while3A_547, %while3A_549 : i32
    %while3A_551 = arith.muli %while3A_550, %while3A_549 : i32
    %while3A_552 = arith.addi %while3A_546, %while3A_551 : i32
    %while3A_553 = arith.constant 1 : i32
    scf.for %while3A_2429 = %while3A_546 to %while3A_552 step %while3A_553  : i32 {
      %mul3A_2430 = arith.constant 16 : i32
      %mul3A_2431 = arith.muli %while3A_2429, %mul3A_2430 : i32
      %get3A = arith.index_cast %mul3A_2431 : i32 to index
      %get3A_2432 = tpu.vector_load %arg14[%get3A] {strides = array<i32>} : memref<4112xi32, #tpu.memory_space<vmem>>, vector<16xi32>,
      %and3A_2433 = arith.constant 131071 : i32
      %and3A_2434 = vector.broadcast %and3A_2433 : i32 to vector<16xi32>
      %and3A_2435 = arith.andi %get3A_2432, %and3A_2434 : vector<16xi32>
      %shift_right_logical3A = arith.constant 17 : i32
      %shift_right_logical3A_2436 = vector.broadcast %shift_right_logical3A : i32 to vector<16xi32>
      %shift_right_logical3A_2437 = arith.shrui %get3A_2432, %shift_right_logical3A_2436 : vector<16xi32>
      %gather3A = tpu.vector_load_idx %arg12[%and3A_2435] : memref<50080xf32, #tpu.memory_space<vmem>>[vector<16xi32>], vector<16xf32>,
      tpu.vector_store_idx %arg16[%shift_right_logical3A_2437], %gather3A : memref<4112xf32, #tpu.memory_space<vmem>>[vector<16xi32>], vector<16xf32>,
    }
    %while3A_554 = arith.constant 1 : i32
    scf.for %while3A_2429 = %while3A_552 to %while3A_548 step %while3A_554  : i32 {
      %mul3A_2430 = arith.constant 16 : i32
      %mul3A_2431 = arith.muli %while3A_2429, %mul3A_2430 : i32
      %get3A = arith.index_cast %mul3A_2431 : i32 to index
      %get3A_2432 = tpu.vector_load %arg14[%get3A] {strides = array<i32>} : memref<4112xi32, #tpu.memory_space<vmem>>, vector<16xi32>,
      %and3A_2433 = arith.constant 131071 : i32
      %and3A_2434 = vector.broadcast %and3A_2433 : i32 to vector<16xi32>
      %and3A_2435 = arith.andi %get3A_2432, %and3A_2434 : vector<16xi32>
      %shift_right_logical3A = arith.constant 17 : i32
      %shift_right_logical3A_2436 = vector.broadcast %shift_right_logical3A : i32 to vector<16xi32>
      %shift_right_logical3A_2437 = arith.shrui %get3A_2432, %shift_right_logical3A_2436 : vector<16xi32>
      %gather3A = tpu.vector_load_idx %arg12[%and3A_2435] : memref<50080xf32, #tpu.memory_space<vmem>>[vector<16xi32>], vector<16xf32>,
      tpu.vector_store_idx %arg16[%shift_right_logical3A_2437], %gather3A : memref<4112xf32, #tpu.memory_space<vmem>>[vector<16xi32>], vector<16xf32>,
    }
    %dma_start3A_555 = arith.constant 3 : i32
    %dma_start3A_556 = arith.constant 0 : i32
    %dma_start3A_557 = tpu.memref_slice %arg16[%dma_start3A_556] : memref<4112xf32, #tpu.memory_space<vmem>> -> memref<4096xf32, #tpu.memory_space<vmem>>
    %dma_start3A_558 = arith.constant 0 : i32
    %dma_start3A_559 = tpu.memref_slice %arg8[%dma_start3A_555, %add3A, %dma_start3A_558] : memref<16x32x4096xf32, #tpu.memory_space<hbm>> -> memref<1x1x4096xf32, #tpu.memory_space<hbm>>
    %dma_start3A_560 = tpu.memref_squeeze %dma_start3A_559 : memref<1x1x4096xf32, #tpu.memory_space<hbm>> -> memref<4096xf32, #tpu.memory_space<hbm>>
    %dma_start3A_561 = arith.constant 0 : i32
    %dma_start3A_562 = tpu.memref_slice %arg8[%dma_start3A_555, %add3A, %dma_start3A_561] : memref<16x32x4096xf32, #tpu.memory_space<hbm>> -> memref<1x1x4096xf32, #tpu.memory_space<hbm>>
    %dma_start3A_563 = tpu.memref_squeeze %dma_start3A_562 : memref<1x1x4096xf32, #tpu.memory_space<hbm>> -> memref<4096xf32, #tpu.memory_space<hbm>>
    %dma_start3A_564 = arith.constant 0 : i32
    %dma_start3A_565 = tpu.memref_slice %arg16[%dma_start3A_564] : memref<4112xf32, #tpu.memory_space<vmem>> -> memref<4096xf32, #tpu.memory_space<vmem>>
    tpu.enqueue_dma source(%dma_start3A_565 : memref<4096xf32, #tpu.memory_space<vmem>>) target(%dma_start3A_563 : memref<4096xf32, #tpu.memory_space<hbm>>) target_semaphore(%arg20 : memref<!tpu.dma_semaphore, #tpu.memory_space<semaphore_mem>>)
    %dma_start3A_566 = arith.constant 4 : i32
    %dma_start3A_567 = arith.constant 49920 : i32
    %dma_start3A_568 = tpu.memref_slice %arg5[%dma_start3A_566, %add3A, %dma_start3A_567] : memref<16x32x100000xf32, #tpu.memory_space<hbm>> -> memref<1x1x50080xf32, #tpu.memory_space<hbm>>
    %dma_start3A_569 = tpu.memref_squeeze %dma_start3A_568 : memref<1x1x50080xf32, #tpu.memory_space<hbm>> -> memref<50080xf32, #tpu.memory_space<hbm>>
    %dma_start3A_570 = arith.constant 49920 : i32
    %dma_start3A_571 = tpu.memref_slice %arg5[%dma_start3A_566, %add3A, %dma_start3A_570] : memref<16x32x100000xf32, #tpu.memory_space<hbm>> -> memref<1x1x50080xf32, #tpu.memory_space<hbm>>
    %dma_start3A_572 = tpu.memref_squeeze %dma_start3A_571 : memref<1x1x50080xf32, #tpu.memory_space<hbm>> -> memref<50080xf32, #tpu.memory_space<hbm>>
    tpu.enqueue_dma source(%dma_start3A_572 : memref<50080xf32, #tpu.memory_space<hbm>>) target(%arg12 : memref<50080xf32, #tpu.memory_space<vmem>>) target_semaphore(%arg18 : memref<!tpu.dma_semaphore, #tpu.memory_space<semaphore_mem>>)
    %dma_wait3A_573 = arith.constant 2 : i32
    %dma_wait3A_574 = arith.constant 0 : i32
    %dma_wait3A_575 = tpu.memref_slice %arg15[%dma_wait3A_574] : memref<4112xf32, #tpu.memory_space<vmem>> -> memref<4096xf32, #tpu.memory_space<vmem>>
    %dma_wait3A_576 = arith.constant 0 : i32
    %dma_wait3A_577 = tpu.memref_slice %arg8[%dma_wait3A_573, %add3A, %dma_wait3A_576] : memref<16x32x4096xf32, #tpu.memory_space<hbm>> -> memref<1x1x4096xf32, #tpu.memory_space<hbm>>
    %dma_wait3A_578 = tpu.memref_squeeze %dma_wait3A_577 : memref<1x1x4096xf32, #tpu.memory_space<hbm>> -> memref<4096xf32, #tpu.memory_space<hbm>>
    %dma_wait3A_579 = arith.constant 0 : i32
    %dma_wait3A_580 = tpu.memref_slice %arg8[%dma_wait3A_573, %add3A, %dma_wait3A_579] : memref<16x32x4096xf32, #tpu.memory_space<hbm>> -> memref<1x1x4096xf32, #tpu.memory_space<hbm>>
    %dma_wait3A_581 = tpu.memref_squeeze %dma_wait3A_580 : memref<1x1x4096xf32, #tpu.memory_space<hbm>> -> memref<4096xf32, #tpu.memory_space<hbm>>
    %dma_wait3A_582 = arith.constant 0 : i32
    %dma_wait3A_583 = tpu.memref_slice %arg15[%dma_wait3A_582] : memref<4112xf32, #tpu.memory_space<vmem>> -> memref<4096xf32, #tpu.memory_space<vmem>>
    tpu.wait_dma2 semaphore(%arg19 : memref<!tpu.dma_semaphore, #tpu.memory_space<semaphore_mem>>) src(%dma_wait3A_583 : memref<4096xf32, #tpu.memory_space<vmem>>) dst(%dma_wait3A_581 : memref<4096xf32, #tpu.memory_space<hbm>>)
    %dma_wait3A_584 = arith.constant 4 : i32
    %dma_wait3A_585 = arith.constant 0 : i32
    %dma_wait3A_586 = tpu.memref_slice %arg11[%dma_wait3A_585] : memref<50080xf32, #tpu.memory_space<vmem>> -> memref<49920xf32, #tpu.memory_space<vmem>>
    %dma_wait3A_587 = arith.constant 0 : i32
    %dma_wait3A_588 = tpu.memref_slice %arg5[%dma_wait3A_584, %add3A, %dma_wait3A_587] : memref<16x32x100000xf32, #tpu.memory_space<hbm>> -> memref<1x1x49920xf32, #tpu.memory_space<hbm>>
    %dma_wait3A_589 = tpu.memref_squeeze %dma_wait3A_588 : memref<1x1x49920xf32, #tpu.memory_space<hbm>> -> memref<49920xf32, #tpu.memory_space<hbm>>
    %dma_wait3A_590 = arith.constant 0 : i32
    %dma_wait3A_591 = tpu.memref_slice %arg11[%dma_wait3A_590] : memref<50080xf32, #tpu.memory_space<vmem>> -> memref<49920xf32, #tpu.memory_space<vmem>>
    %dma_wait3A_592 = arith.constant 0 : i32
    %dma_wait3A_593 = tpu.memref_slice %arg5[%dma_wait3A_584, %add3A, %dma_wait3A_592] : memref<16x32x100000xf32, #tpu.memory_space<hbm>> -> memref<1x1x49920xf32, #tpu.memory_space<hbm>>
    %dma_wait3A_594 = tpu.memref_squeeze %dma_wait3A_593 : memref<1x1x49920xf32, #tpu.memory_space<hbm>> -> memref<49920xf32, #tpu.memory_space<hbm>>
    tpu.wait_dma2 semaphore(%arg17 : memref<!tpu.dma_semaphore, #tpu.memory_space<semaphore_mem>>) src(%dma_wait3A_594 : memref<49920xf32, #tpu.memory_space<hbm>>) dst(%dma_wait3A_591 : memref<49920xf32, #tpu.memory_space<vmem>>)
    %add3A_595 = arith.constant 15 : i32
    %add3A_596 = arith.addi %scan3A_71#0, %add3A_595 : i32
    %jit3A_597 = arith.constant 16 : i32
    %div3A_598 = arith.divsi %add3A_596, %jit3A_597 : i32
    %sign3A_599 = arith.constant 0 : i32
    %sign3A_600 = arith.cmpi sgt, %add3A_596, %sign3A_599 : i32
    %sign3A_601 = arith.extui %sign3A_600 : i1 to i32
    %sign3A_602 = arith.constant 0 : i32
    %sign3A_603 = arith.cmpi slt, %add3A_596, %sign3A_602 : i32
    %sign3A_604 = arith.extui %sign3A_603 : i1 to i32
    %sign3A_605 = arith.subi %sign3A_601, %sign3A_604 : i32
    %sign3A_606 = arith.constant 0 : i32
    %sign3A_607 = arith.cmpi sgt, %jit3A_597, %sign3A_606 : i32
    %sign3A_608 = arith.extui %sign3A_607 : i1 to i32
    %sign3A_609 = arith.constant 0 : i32
    %sign3A_610 = arith.cmpi slt, %jit3A_597, %sign3A_609 : i32
    %sign3A_611 = arith.extui %sign3A_610 : i1 to i32
    %sign3A_612 = arith.subi %sign3A_608, %sign3A_611 : i32
    %ne3A_613 = arith.cmpi ne, %sign3A_605, %sign3A_612 : i32
    %rem3A_614 = arith.remsi %add3A_596, %jit3A_597 : i32
    %ne3A_615 = arith.constant 0 : i32
    %ne3A_616 = arith.cmpi ne, %rem3A_614, %ne3A_615 : i32
    %and3A_617 = arith.andi %ne3A_613, %ne3A_616 : i1
    %sub3A_618 = arith.constant 1 : i32
    %sub3A_619 = arith.subi %div3A_598, %sub3A_618 : i32
    %select_n3A_620 = arith.select %and3A_617, %sub3A_619, %div3A_598 : i32
    %while3A_621 = arith.constant 0 : i32
    %while3A_622 = arith.constant 0 : i32
    %while3A_623 = arith.subi %select_n3A_620, %while3A_622 : i32
    %while3A_624 = arith.addi %while3A_622, %while3A_623 : i32
    %while3A_625 = arith.constant 1 : i32
    %while3A_626 = arith.divsi %while3A_623, %while3A_625 : i32
    %while3A_627 = arith.muli %while3A_626, %while3A_625 : i32
    %while3A_628 = arith.addi %while3A_622, %while3A_627 : i32
    %while3A_629 = arith.constant 1 : i32
    scf.for %while3A_2429 = %while3A_622 to %while3A_628 step %while3A_629  : i32 {
      %mul3A_2430 = arith.constant 16 : i32
      %mul3A_2431 = arith.muli %while3A_2429, %mul3A_2430 : i32
      %get3A = arith.index_cast %mul3A_2431 : i32 to index
      %get3A_2432 = tpu.vector_load %arg13[%get3A] {strides = array<i32>} : memref<4112xi32, #tpu.memory_space<vmem>>, vector<16xi32>,
      %and3A_2433 = arith.constant 131071 : i32
      %and3A_2434 = vector.broadcast %and3A_2433 : i32 to vector<16xi32>
      %and3A_2435 = arith.andi %get3A_2432, %and3A_2434 : vector<16xi32>
      %shift_right_logical3A = arith.constant 17 : i32
      %shift_right_logical3A_2436 = vector.broadcast %shift_right_logical3A : i32 to vector<16xi32>
      %shift_right_logical3A_2437 = arith.shrui %get3A_2432, %shift_right_logical3A_2436 : vector<16xi32>
      %gather3A = tpu.vector_load_idx %arg11[%and3A_2435] : memref<50080xf32, #tpu.memory_space<vmem>>[vector<16xi32>], vector<16xf32>,
      tpu.vector_store_idx %arg15[%shift_right_logical3A_2437], %gather3A : memref<4112xf32, #tpu.memory_space<vmem>>[vector<16xi32>], vector<16xf32>,
    }
    %while3A_630 = arith.constant 1 : i32
    scf.for %while3A_2429 = %while3A_628 to %while3A_624 step %while3A_630  : i32 {
      %mul3A_2430 = arith.constant 16 : i32
      %mul3A_2431 = arith.muli %while3A_2429, %mul3A_2430 : i32
      %get3A = arith.index_cast %mul3A_2431 : i32 to index
      %get3A_2432 = tpu.vector_load %arg13[%get3A] {strides = array<i32>} : memref<4112xi32, #tpu.memory_space<vmem>>, vector<16xi32>,
      %and3A_2433 = arith.constant 131071 : i32
      %and3A_2434 = vector.broadcast %and3A_2433 : i32 to vector<16xi32>
      %and3A_2435 = arith.andi %get3A_2432, %and3A_2434 : vector<16xi32>
      %shift_right_logical3A = arith.constant 17 : i32
      %shift_right_logical3A_2436 = vector.broadcast %shift_right_logical3A : i32 to vector<16xi32>
      %shift_right_logical3A_2437 = arith.shrui %get3A_2432, %shift_right_logical3A_2436 : vector<16xi32>
      %gather3A = tpu.vector_load_idx %arg11[%and3A_2435] : memref<50080xf32, #tpu.memory_space<vmem>>[vector<16xi32>], vector<16xf32>,
      tpu.vector_store_idx %arg15[%shift_right_logical3A_2437], %gather3A : memref<4112xf32, #tpu.memory_space<vmem>>[vector<16xi32>], vector<16xf32>,
    }
    %dma_start3A_631 = arith.constant 5 : i32
    %dma_start3A_632 = arith.constant 0 : i32
    %dma_start3A_633 = tpu.memref_slice %arg11[%dma_start3A_632] : memref<50080xf32, #tpu.memory_space<vmem>> -> memref<49920xf32, #tpu.memory_space<vmem>>
    %dma_start3A_634 = arith.constant 0 : i32
    %dma_start3A_635 = tpu.memref_slice %arg5[%dma_start3A_631, %add3A, %dma_start3A_634] : memref<16x32x100000xf32, #tpu.memory_space<hbm>> -> memref<1x1x49920xf32, #tpu.memory_space<hbm>>
    %dma_start3A_636 = tpu.memref_squeeze %dma_start3A_635 : memref<1x1x49920xf32, #tpu.memory_space<hbm>> -> memref<49920xf32, #tpu.memory_space<hbm>>
    %dma_start3A_637 = arith.constant 0 : i32
    %dma_start3A_638 = tpu.memref_slice %arg11[%dma_start3A_637] : memref<50080xf32, #tpu.memory_space<vmem>> -> memref<49920xf32, #tpu.memory_space<vmem>>
    %dma_start3A_639 = arith.constant 0 : i32
    %dma_start3A_640 = tpu.memref_slice %arg5[%dma_start3A_631, %add3A, %dma_start3A_639] : memref<16x32x100000xf32, #tpu.memory_space<hbm>> -> memref<1x1x49920xf32, #tpu.memory_space<hbm>>
    %dma_start3A_641 = tpu.memref_squeeze %dma_start3A_640 : memref<1x1x49920xf32, #tpu.memory_space<hbm>> -> memref<49920xf32, #tpu.memory_space<hbm>>
    tpu.enqueue_dma source(%dma_start3A_641 : memref<49920xf32, #tpu.memory_space<hbm>>) target(%dma_start3A_638 : memref<49920xf32, #tpu.memory_space<vmem>>) target_semaphore(%arg17 : memref<!tpu.dma_semaphore, #tpu.memory_space<semaphore_mem>>)
    %dma_wait3A_642 = arith.constant 4 : i32
    %dma_wait3A_643 = arith.constant 49920 : i32
    %dma_wait3A_644 = tpu.memref_slice %arg5[%dma_wait3A_642, %add3A, %dma_wait3A_643] : memref<16x32x100000xf32, #tpu.memory_space<hbm>> -> memref<1x1x50080xf32, #tpu.memory_space<hbm>>
    %dma_wait3A_645 = tpu.memref_squeeze %dma_wait3A_644 : memref<1x1x50080xf32, #tpu.memory_space<hbm>> -> memref<50080xf32, #tpu.memory_space<hbm>>
    %dma_wait3A_646 = arith.constant 49920 : i32
    %dma_wait3A_647 = tpu.memref_slice %arg5[%dma_wait3A_642, %add3A, %dma_wait3A_646] : memref<16x32x100000xf32, #tpu.memory_space<hbm>> -> memref<1x1x50080xf32, #tpu.memory_space<hbm>>
    %dma_wait3A_648 = tpu.memref_squeeze %dma_wait3A_647 : memref<1x1x50080xf32, #tpu.memory_space<hbm>> -> memref<50080xf32, #tpu.memory_space<hbm>>
    tpu.wait_dma2 semaphore(%arg18 : memref<!tpu.dma_semaphore, #tpu.memory_space<semaphore_mem>>) src(%dma_wait3A_648 : memref<50080xf32, #tpu.memory_space<hbm>>) dst(%arg12 : memref<50080xf32, #tpu.memory_space<vmem>>)
    %add3A_649 = arith.constant 15 : i32
    %add3A_650 = arith.addi %scan3A_71#1, %add3A_649 : i32
    %jit3A_651 = arith.constant 16 : i32
    %div3A_652 = arith.divsi %add3A_650, %jit3A_651 : i32
    %sign3A_653 = arith.constant 0 : i32
    %sign3A_654 = arith.cmpi sgt, %add3A_650, %sign3A_653 : i32
    %sign3A_655 = arith.extui %sign3A_654 : i1 to i32
    %sign3A_656 = arith.constant 0 : i32
    %sign3A_657 = arith.cmpi slt, %add3A_650, %sign3A_656 : i32
    %sign3A_658 = arith.extui %sign3A_657 : i1 to i32
    %sign3A_659 = arith.subi %sign3A_655, %sign3A_658 : i32
    %sign3A_660 = arith.constant 0 : i32
    %sign3A_661 = arith.cmpi sgt, %jit3A_651, %sign3A_660 : i32
    %sign3A_662 = arith.extui %sign3A_661 : i1 to i32
    %sign3A_663 = arith.constant 0 : i32
    %sign3A_664 = arith.cmpi slt, %jit3A_651, %sign3A_663 : i32
    %sign3A_665 = arith.extui %sign3A_664 : i1 to i32
    %sign3A_666 = arith.subi %sign3A_662, %sign3A_665 : i32
    %ne3A_667 = arith.cmpi ne, %sign3A_659, %sign3A_666 : i32
    %rem3A_668 = arith.remsi %add3A_650, %jit3A_651 : i32
    %ne3A_669 = arith.constant 0 : i32
    %ne3A_670 = arith.cmpi ne, %rem3A_668, %ne3A_669 : i32
    %and3A_671 = arith.andi %ne3A_667, %ne3A_670 : i1
    %sub3A_672 = arith.constant 1 : i32
    %sub3A_673 = arith.subi %div3A_652, %sub3A_672 : i32
    %select_n3A_674 = arith.select %and3A_671, %sub3A_673, %div3A_652 : i32
    %while3A_675 = arith.constant 0 : i32
    %while3A_676 = arith.constant 0 : i32
    %while3A_677 = arith.subi %select_n3A_674, %while3A_676 : i32
    %while3A_678 = arith.addi %while3A_676, %while3A_677 : i32
    %while3A_679 = arith.constant 1 : i32
    %while3A_680 = arith.divsi %while3A_677, %while3A_679 : i32
    %while3A_681 = arith.muli %while3A_680, %while3A_679 : i32
    %while3A_682 = arith.addi %while3A_676, %while3A_681 : i32
    %while3A_683 = arith.constant 1 : i32
    scf.for %while3A_2429 = %while3A_676 to %while3A_682 step %while3A_683  : i32 {
      %mul3A_2430 = arith.constant 16 : i32
      %mul3A_2431 = arith.muli %while3A_2429, %mul3A_2430 : i32
      %get3A = arith.index_cast %mul3A_2431 : i32 to index
      %get3A_2432 = tpu.vector_load %arg14[%get3A] {strides = array<i32>} : memref<4112xi32, #tpu.memory_space<vmem>>, vector<16xi32>,
      %and3A_2433 = arith.constant 131071 : i32
      %and3A_2434 = vector.broadcast %and3A_2433 : i32 to vector<16xi32>
      %and3A_2435 = arith.andi %get3A_2432, %and3A_2434 : vector<16xi32>
      %shift_right_logical3A = arith.constant 17 : i32
      %shift_right_logical3A_2436 = vector.broadcast %shift_right_logical3A : i32 to vector<16xi32>
      %shift_right_logical3A_2437 = arith.shrui %get3A_2432, %shift_right_logical3A_2436 : vector<16xi32>
      %gather3A = tpu.vector_load_idx %arg12[%and3A_2435] : memref<50080xf32, #tpu.memory_space<vmem>>[vector<16xi32>], vector<16xf32>,
      tpu.vector_store_idx %arg15[%shift_right_logical3A_2437], %gather3A : memref<4112xf32, #tpu.memory_space<vmem>>[vector<16xi32>], vector<16xf32>,
    }
    %while3A_684 = arith.constant 1 : i32
    scf.for %while3A_2429 = %while3A_682 to %while3A_678 step %while3A_684  : i32 {
      %mul3A_2430 = arith.constant 16 : i32
      %mul3A_2431 = arith.muli %while3A_2429, %mul3A_2430 : i32
      %get3A = arith.index_cast %mul3A_2431 : i32 to index
      %get3A_2432 = tpu.vector_load %arg14[%get3A] {strides = array<i32>} : memref<4112xi32, #tpu.memory_space<vmem>>, vector<16xi32>,
      %and3A_2433 = arith.constant 131071 : i32
      %and3A_2434 = vector.broadcast %and3A_2433 : i32 to vector<16xi32>
      %and3A_2435 = arith.andi %get3A_2432, %and3A_2434 : vector<16xi32>
      %shift_right_logical3A = arith.constant 17 : i32
      %shift_right_logical3A_2436 = vector.broadcast %shift_right_logical3A : i32 to vector<16xi32>
      %shift_right_logical3A_2437 = arith.shrui %get3A_2432, %shift_right_logical3A_2436 : vector<16xi32>
      %gather3A = tpu.vector_load_idx %arg12[%and3A_2435] : memref<50080xf32, #tpu.memory_space<vmem>>[vector<16xi32>], vector<16xf32>,
      tpu.vector_store_idx %arg15[%shift_right_logical3A_2437], %gather3A : memref<4112xf32, #tpu.memory_space<vmem>>[vector<16xi32>], vector<16xf32>,
    }
    %dma_start3A_685 = arith.constant 4 : i32
    %dma_start3A_686 = arith.constant 0 : i32
    %dma_start3A_687 = tpu.memref_slice %arg15[%dma_start3A_686] : memref<4112xf32, #tpu.memory_space<vmem>> -> memref<4096xf32, #tpu.memory_space<vmem>>
    %dma_start3A_688 = arith.constant 0 : i32
    %dma_start3A_689 = tpu.memref_slice %arg8[%dma_start3A_685, %add3A, %dma_start3A_688] : memref<16x32x4096xf32, #tpu.memory_space<hbm>> -> memref<1x1x4096xf32, #tpu.memory_space<hbm>>
    %dma_start3A_690 = tpu.memref_squeeze %dma_start3A_689 : memref<1x1x4096xf32, #tpu.memory_space<hbm>> -> memref<4096xf32, #tpu.memory_space<hbm>>
    %dma_start3A_691 = arith.constant 0 : i32
    %dma_start3A_692 = tpu.memref_slice %arg8[%dma_start3A_685, %add3A, %dma_start3A_691] : memref<16x32x4096xf32, #tpu.memory_space<hbm>> -> memref<1x1x4096xf32, #tpu.memory_space<hbm>>
    %dma_start3A_693 = tpu.memref_squeeze %dma_start3A_692 : memref<1x1x4096xf32, #tpu.memory_space<hbm>> -> memref<4096xf32, #tpu.memory_space<hbm>>
    %dma_start3A_694 = arith.constant 0 : i32
    %dma_start3A_695 = tpu.memref_slice %arg15[%dma_start3A_694] : memref<4112xf32, #tpu.memory_space<vmem>> -> memref<4096xf32, #tpu.memory_space<vmem>>
    tpu.enqueue_dma source(%dma_start3A_695 : memref<4096xf32, #tpu.memory_space<vmem>>) target(%dma_start3A_693 : memref<4096xf32, #tpu.memory_space<hbm>>) target_semaphore(%arg19 : memref<!tpu.dma_semaphore, #tpu.memory_space<semaphore_mem>>)
    %dma_start3A_696 = arith.constant 5 : i32
    %dma_start3A_697 = arith.constant 49920 : i32
    %dma_start3A_698 = tpu.memref_slice %arg5[%dma_start3A_696, %add3A, %dma_start3A_697] : memref<16x32x100000xf32, #tpu.memory_space<hbm>> -> memref<1x1x50080xf32, #tpu.memory_space<hbm>>
    %dma_start3A_699 = tpu.memref_squeeze %dma_start3A_698 : memref<1x1x50080xf32, #tpu.memory_space<hbm>> -> memref<50080xf32, #tpu.memory_space<hbm>>
    %dma_start3A_700 = arith.constant 49920 : i32
    %dma_start3A_701 = tpu.memref_slice %arg5[%dma_start3A_696, %add3A, %dma_start3A_700] : memref<16x32x100000xf32, #tpu.memory_space<hbm>> -> memref<1x1x50080xf32, #tpu.memory_space<hbm>>
    %dma_start3A_702 = tpu.memref_squeeze %dma_start3A_701 : memref<1x1x50080xf32, #tpu.memory_space<hbm>> -> memref<50080xf32, #tpu.memory_space<hbm>>
    tpu.enqueue_dma source(%dma_start3A_702 : memref<50080xf32, #tpu.memory_space<hbm>>) target(%arg12 : memref<50080xf32, #tpu.memory_space<vmem>>) target_semaphore(%arg18 : memref<!tpu.dma_semaphore, #tpu.memory_space<semaphore_mem>>)
    %dma_wait3A_703 = arith.constant 3 : i32
    %dma_wait3A_704 = arith.constant 0 : i32
    %dma_wait3A_705 = tpu.memref_slice %arg16[%dma_wait3A_704] : memref<4112xf32, #tpu.memory_space<vmem>> -> memref<4096xf32, #tpu.memory_space<vmem>>
    %dma_wait3A_706 = arith.constant 0 : i32
    %dma_wait3A_707 = tpu.memref_slice %arg8[%dma_wait3A_703, %add3A, %dma_wait3A_706] : memref<16x32x4096xf32, #tpu.memory_space<hbm>> -> memref<1x1x4096xf32, #tpu.memory_space<hbm>>
    %dma_wait3A_708 = tpu.memref_squeeze %dma_wait3A_707 : memref<1x1x4096xf32, #tpu.memory_space<hbm>> -> memref<4096xf32, #tpu.memory_space<hbm>>
    %dma_wait3A_709 = arith.constant 0 : i32
    %dma_wait3A_710 = tpu.memref_slice %arg8[%dma_wait3A_703, %add3A, %dma_wait3A_709] : memref<16x32x4096xf32, #tpu.memory_space<hbm>> -> memref<1x1x4096xf32, #tpu.memory_space<hbm>>
    %dma_wait3A_711 = tpu.memref_squeeze %dma_wait3A_710 : memref<1x1x4096xf32, #tpu.memory_space<hbm>> -> memref<4096xf32, #tpu.memory_space<hbm>>
    %dma_wait3A_712 = arith.constant 0 : i32
    %dma_wait3A_713 = tpu.memref_slice %arg16[%dma_wait3A_712] : memref<4112xf32, #tpu.memory_space<vmem>> -> memref<4096xf32, #tpu.memory_space<vmem>>
    tpu.wait_dma2 semaphore(%arg20 : memref<!tpu.dma_semaphore, #tpu.memory_space<semaphore_mem>>) src(%dma_wait3A_713 : memref<4096xf32, #tpu.memory_space<vmem>>) dst(%dma_wait3A_711 : memref<4096xf32, #tpu.memory_space<hbm>>)
    %dma_wait3A_714 = arith.constant 5 : i32
    %dma_wait3A_715 = arith.constant 0 : i32
    %dma_wait3A_716 = tpu.memref_slice %arg11[%dma_wait3A_715] : memref<50080xf32, #tpu.memory_space<vmem>> -> memref<49920xf32, #tpu.memory_space<vmem>>
    %dma_wait3A_717 = arith.constant 0 : i32
    %dma_wait3A_718 = tpu.memref_slice %arg5[%dma_wait3A_714, %add3A, %dma_wait3A_717] : memref<16x32x100000xf32, #tpu.memory_space<hbm>> -> memref<1x1x49920xf32, #tpu.memory_space<hbm>>
    %dma_wait3A_719 = tpu.memref_squeeze %dma_wait3A_718 : memref<1x1x49920xf32, #tpu.memory_space<hbm>> -> memref<49920xf32, #tpu.memory_space<hbm>>
    %dma_wait3A_720 = arith.constant 0 : i32
    %dma_wait3A_721 = tpu.memref_slice %arg11[%dma_wait3A_720] : memref<50080xf32, #tpu.memory_space<vmem>> -> memref<49920xf32, #tpu.memory_space<vmem>>
    %dma_wait3A_722 = arith.constant 0 : i32
    %dma_wait3A_723 = tpu.memref_slice %arg5[%dma_wait3A_714, %add3A, %dma_wait3A_722] : memref<16x32x100000xf32, #tpu.memory_space<hbm>> -> memref<1x1x49920xf32, #tpu.memory_space<hbm>>
    %dma_wait3A_724 = tpu.memref_squeeze %dma_wait3A_723 : memref<1x1x49920xf32, #tpu.memory_space<hbm>> -> memref<49920xf32, #tpu.memory_space<hbm>>
    tpu.wait_dma2 semaphore(%arg17 : memref<!tpu.dma_semaphore, #tpu.memory_space<semaphore_mem>>) src(%dma_wait3A_724 : memref<49920xf32, #tpu.memory_space<hbm>>) dst(%dma_wait3A_721 : memref<49920xf32, #tpu.memory_space<vmem>>)
    %add3A_725 = arith.constant 15 : i32
    %add3A_726 = arith.addi %scan3A_71#0, %add3A_725 : i32
    %jit3A_727 = arith.constant 16 : i32
    %div3A_728 = arith.divsi %add3A_726, %jit3A_727 : i32
    %sign3A_729 = arith.constant 0 : i32
    %sign3A_730 = arith.cmpi sgt, %add3A_726, %sign3A_729 : i32
    %sign3A_731 = arith.extui %sign3A_730 : i1 to i32
    %sign3A_732 = arith.constant 0 : i32
    %sign3A_733 = arith.cmpi slt, %add3A_726, %sign3A_732 : i32
    %sign3A_734 = arith.extui %sign3A_733 : i1 to i32
    %sign3A_735 = arith.subi %sign3A_731, %sign3A_734 : i32
    %sign3A_736 = arith.constant 0 : i32
    %sign3A_737 = arith.cmpi sgt, %jit3A_727, %sign3A_736 : i32
    %sign3A_738 = arith.extui %sign3A_737 : i1 to i32
    %sign3A_739 = arith.constant 0 : i32
    %sign3A_740 = arith.cmpi slt, %jit3A_727, %sign3A_739 : i32
    %sign3A_741 = arith.extui %sign3A_740 : i1 to i32
    %sign3A_742 = arith.subi %sign3A_738, %sign3A_741 : i32
    %ne3A_743 = arith.cmpi ne, %sign3A_735, %sign3A_742 : i32
    %rem3A_744 = arith.remsi %add3A_726, %jit3A_727 : i32
    %ne3A_745 = arith.constant 0 : i32
    %ne3A_746 = arith.cmpi ne, %rem3A_744, %ne3A_745 : i32
    %and3A_747 = arith.andi %ne3A_743, %ne3A_746 : i1
    %sub3A_748 = arith.constant 1 : i32
    %sub3A_749 = arith.subi %div3A_728, %sub3A_748 : i32
    %select_n3A_750 = arith.select %and3A_747, %sub3A_749, %div3A_728 : i32
    %while3A_751 = arith.constant 0 : i32
    %while3A_752 = arith.constant 0 : i32
    %while3A_753 = arith.subi %select_n3A_750, %while3A_752 : i32
    %while3A_754 = arith.addi %while3A_752, %while3A_753 : i32
    %while3A_755 = arith.constant 1 : i32
    %while3A_756 = arith.divsi %while3A_753, %while3A_755 : i32
    %while3A_757 = arith.muli %while3A_756, %while3A_755 : i32
    %while3A_758 = arith.addi %while3A_752, %while3A_757 : i32
    %while3A_759 = arith.constant 1 : i32
    scf.for %while3A_2429 = %while3A_752 to %while3A_758 step %while3A_759  : i32 {
      %mul3A_2430 = arith.constant 16 : i32
      %mul3A_2431 = arith.muli %while3A_2429, %mul3A_2430 : i32
      %get3A = arith.index_cast %mul3A_2431 : i32 to index
      %get3A_2432 = tpu.vector_load %arg13[%get3A] {strides = array<i32>} : memref<4112xi32, #tpu.memory_space<vmem>>, vector<16xi32>,
      %and3A_2433 = arith.constant 131071 : i32
      %and3A_2434 = vector.broadcast %and3A_2433 : i32 to vector<16xi32>
      %and3A_2435 = arith.andi %get3A_2432, %and3A_2434 : vector<16xi32>
      %shift_right_logical3A = arith.constant 17 : i32
      %shift_right_logical3A_2436 = vector.broadcast %shift_right_logical3A : i32 to vector<16xi32>
      %shift_right_logical3A_2437 = arith.shrui %get3A_2432, %shift_right_logical3A_2436 : vector<16xi32>
      %gather3A = tpu.vector_load_idx %arg11[%and3A_2435] : memref<50080xf32, #tpu.memory_space<vmem>>[vector<16xi32>], vector<16xf32>,
      tpu.vector_store_idx %arg16[%shift_right_logical3A_2437], %gather3A : memref<4112xf32, #tpu.memory_space<vmem>>[vector<16xi32>], vector<16xf32>,
    }
    %while3A_760 = arith.constant 1 : i32
    scf.for %while3A_2429 = %while3A_758 to %while3A_754 step %while3A_760  : i32 {
      %mul3A_2430 = arith.constant 16 : i32
      %mul3A_2431 = arith.muli %while3A_2429, %mul3A_2430 : i32
      %get3A = arith.index_cast %mul3A_2431 : i32 to index
      %get3A_2432 = tpu.vector_load %arg13[%get3A] {strides = array<i32>} : memref<4112xi32, #tpu.memory_space<vmem>>, vector<16xi32>,
      %and3A_2433 = arith.constant 131071 : i32
      %and3A_2434 = vector.broadcast %and3A_2433 : i32 to vector<16xi32>
      %and3A_2435 = arith.andi %get3A_2432, %and3A_2434 : vector<16xi32>
      %shift_right_logical3A = arith.constant 17 : i32
      %shift_right_logical3A_2436 = vector.broadcast %shift_right_logical3A : i32 to vector<16xi32>
      %shift_right_logical3A_2437 = arith.shrui %get3A_2432, %shift_right_logical3A_2436 : vector<16xi32>
      %gather3A = tpu.vector_load_idx %arg11[%and3A_2435] : memref<50080xf32, #tpu.memory_space<vmem>>[vector<16xi32>], vector<16xf32>,
      tpu.vector_store_idx %arg16[%shift_right_logical3A_2437], %gather3A : memref<4112xf32, #tpu.memory_space<vmem>>[vector<16xi32>], vector<16xf32>,
    }
    %dma_start3A_761 = arith.constant 6 : i32
    %dma_start3A_762 = arith.constant 0 : i32
    %dma_start3A_763 = tpu.memref_slice %arg11[%dma_start3A_762] : memref<50080xf32, #tpu.memory_space<vmem>> -> memref<49920xf32, #tpu.memory_space<vmem>>
    %dma_start3A_764 = arith.constant 0 : i32
    %dma_start3A_765 = tpu.memref_slice %arg5[%dma_start3A_761, %add3A, %dma_start3A_764] : memref<16x32x100000xf32, #tpu.memory_space<hbm>> -> memref<1x1x49920xf32, #tpu.memory_space<hbm>>
    %dma_start3A_766 = tpu.memref_squeeze %dma_start3A_765 : memref<1x1x49920xf32, #tpu.memory_space<hbm>> -> memref<49920xf32, #tpu.memory_space<hbm>>
    %dma_start3A_767 = arith.constant 0 : i32
    %dma_start3A_768 = tpu.memref_slice %arg11[%dma_start3A_767] : memref<50080xf32, #tpu.memory_space<vmem>> -> memref<49920xf32, #tpu.memory_space<vmem>>
    %dma_start3A_769 = arith.constant 0 : i32
    %dma_start3A_770 = tpu.memref_slice %arg5[%dma_start3A_761, %add3A, %dma_start3A_769] : memref<16x32x100000xf32, #tpu.memory_space<hbm>> -> memref<1x1x49920xf32, #tpu.memory_space<hbm>>
    %dma_start3A_771 = tpu.memref_squeeze %dma_start3A_770 : memref<1x1x49920xf32, #tpu.memory_space<hbm>> -> memref<49920xf32, #tpu.memory_space<hbm>>
    tpu.enqueue_dma source(%dma_start3A_771 : memref<49920xf32, #tpu.memory_space<hbm>>) target(%dma_start3A_768 : memref<49920xf32, #tpu.memory_space<vmem>>) target_semaphore(%arg17 : memref<!tpu.dma_semaphore, #tpu.memory_space<semaphore_mem>>)
    %dma_wait3A_772 = arith.constant 5 : i32
    %dma_wait3A_773 = arith.constant 49920 : i32
    %dma_wait3A_774 = tpu.memref_slice %arg5[%dma_wait3A_772, %add3A, %dma_wait3A_773] : memref<16x32x100000xf32, #tpu.memory_space<hbm>> -> memref<1x1x50080xf32, #tpu.memory_space<hbm>>
    %dma_wait3A_775 = tpu.memref_squeeze %dma_wait3A_774 : memref<1x1x50080xf32, #tpu.memory_space<hbm>> -> memref<50080xf32, #tpu.memory_space<hbm>>
    %dma_wait3A_776 = arith.constant 49920 : i32
    %dma_wait3A_777 = tpu.memref_slice %arg5[%dma_wait3A_772, %add3A, %dma_wait3A_776] : memref<16x32x100000xf32, #tpu.memory_space<hbm>> -> memref<1x1x50080xf32, #tpu.memory_space<hbm>>
    %dma_wait3A_778 = tpu.memref_squeeze %dma_wait3A_777 : memref<1x1x50080xf32, #tpu.memory_space<hbm>> -> memref<50080xf32, #tpu.memory_space<hbm>>
    tpu.wait_dma2 semaphore(%arg18 : memref<!tpu.dma_semaphore, #tpu.memory_space<semaphore_mem>>) src(%dma_wait3A_778 : memref<50080xf32, #tpu.memory_space<hbm>>) dst(%arg12 : memref<50080xf32, #tpu.memory_space<vmem>>)
    %add3A_779 = arith.constant 15 : i32
    %add3A_780 = arith.addi %scan3A_71#1, %add3A_779 : i32
    %jit3A_781 = arith.constant 16 : i32
    %div3A_782 = arith.divsi %add3A_780, %jit3A_781 : i32
    %sign3A_783 = arith.constant 0 : i32
    %sign3A_784 = arith.cmpi sgt, %add3A_780, %sign3A_783 : i32
    %sign3A_785 = arith.extui %sign3A_784 : i1 to i32
    %sign3A_786 = arith.constant 0 : i32
    %sign3A_787 = arith.cmpi slt, %add3A_780, %sign3A_786 : i32
    %sign3A_788 = arith.extui %sign3A_787 : i1 to i32
    %sign3A_789 = arith.subi %sign3A_785, %sign3A_788 : i32
    %sign3A_790 = arith.constant 0 : i32
    %sign3A_791 = arith.cmpi sgt, %jit3A_781, %sign3A_790 : i32
    %sign3A_792 = arith.extui %sign3A_791 : i1 to i32
    %sign3A_793 = arith.constant 0 : i32
    %sign3A_794 = arith.cmpi slt, %jit3A_781, %sign3A_793 : i32
    %sign3A_795 = arith.extui %sign3A_794 : i1 to i32
    %sign3A_796 = arith.subi %sign3A_792, %sign3A_795 : i32
    %ne3A_797 = arith.cmpi ne, %sign3A_789, %sign3A_796 : i32
    %rem3A_798 = arith.remsi %add3A_780, %jit3A_781 : i32
    %ne3A_799 = arith.constant 0 : i32
    %ne3A_800 = arith.cmpi ne, %rem3A_798, %ne3A_799 : i32
    %and3A_801 = arith.andi %ne3A_797, %ne3A_800 : i1
    %sub3A_802 = arith.constant 1 : i32
    %sub3A_803 = arith.subi %div3A_782, %sub3A_802 : i32
    %select_n3A_804 = arith.select %and3A_801, %sub3A_803, %div3A_782 : i32
    %while3A_805 = arith.constant 0 : i32
    %while3A_806 = arith.constant 0 : i32
    %while3A_807 = arith.subi %select_n3A_804, %while3A_806 : i32
    %while3A_808 = arith.addi %while3A_806, %while3A_807 : i32
    %while3A_809 = arith.constant 1 : i32
    %while3A_810 = arith.divsi %while3A_807, %while3A_809 : i32
    %while3A_811 = arith.muli %while3A_810, %while3A_809 : i32
    %while3A_812 = arith.addi %while3A_806, %while3A_811 : i32
    %while3A_813 = arith.constant 1 : i32
    scf.for %while3A_2429 = %while3A_806 to %while3A_812 step %while3A_813  : i32 {
      %mul3A_2430 = arith.constant 16 : i32
      %mul3A_2431 = arith.muli %while3A_2429, %mul3A_2430 : i32
      %get3A = arith.index_cast %mul3A_2431 : i32 to index
      %get3A_2432 = tpu.vector_load %arg14[%get3A] {strides = array<i32>} : memref<4112xi32, #tpu.memory_space<vmem>>, vector<16xi32>,
      %and3A_2433 = arith.constant 131071 : i32
      %and3A_2434 = vector.broadcast %and3A_2433 : i32 to vector<16xi32>
      %and3A_2435 = arith.andi %get3A_2432, %and3A_2434 : vector<16xi32>
      %shift_right_logical3A = arith.constant 17 : i32
      %shift_right_logical3A_2436 = vector.broadcast %shift_right_logical3A : i32 to vector<16xi32>
      %shift_right_logical3A_2437 = arith.shrui %get3A_2432, %shift_right_logical3A_2436 : vector<16xi32>
      %gather3A = tpu.vector_load_idx %arg12[%and3A_2435] : memref<50080xf32, #tpu.memory_space<vmem>>[vector<16xi32>], vector<16xf32>,
      tpu.vector_store_idx %arg16[%shift_right_logical3A_2437], %gather3A : memref<4112xf32, #tpu.memory_space<vmem>>[vector<16xi32>], vector<16xf32>,
    }
    %while3A_814 = arith.constant 1 : i32
    scf.for %while3A_2429 = %while3A_812 to %while3A_808 step %while3A_814  : i32 {
      %mul3A_2430 = arith.constant 16 : i32
      %mul3A_2431 = arith.muli %while3A_2429, %mul3A_2430 : i32
      %get3A = arith.index_cast %mul3A_2431 : i32 to index
      %get3A_2432 = tpu.vector_load %arg14[%get3A] {strides = array<i32>} : memref<4112xi32, #tpu.memory_space<vmem>>, vector<16xi32>,
      %and3A_2433 = arith.constant 131071 : i32
      %and3A_2434 = vector.broadcast %and3A_2433 : i32 to vector<16xi32>
      %and3A_2435 = arith.andi %get3A_2432, %and3A_2434 : vector<16xi32>
      %shift_right_logical3A = arith.constant 17 : i32
      %shift_right_logical3A_2436 = vector.broadcast %shift_right_logical3A : i32 to vector<16xi32>
      %shift_right_logical3A_2437 = arith.shrui %get3A_2432, %shift_right_logical3A_2436 : vector<16xi32>
      %gather3A = tpu.vector_load_idx %arg12[%and3A_2435] : memref<50080xf32, #tpu.memory_space<vmem>>[vector<16xi32>], vector<16xf32>,
      tpu.vector_store_idx %arg16[%shift_right_logical3A_2437], %gather3A : memref<4112xf32, #tpu.memory_space<vmem>>[vector<16xi32>], vector<16xf32>,
    }
    %dma_start3A_815 = arith.constant 5 : i32
    %dma_start3A_816 = arith.constant 0 : i32
    %dma_start3A_817 = tpu.memref_slice %arg16[%dma_start3A_816] : memref<4112xf32, #tpu.memory_space<vmem>> -> memref<4096xf32, #tpu.memory_space<vmem>>
    %dma_start3A_818 = arith.constant 0 : i32
    %dma_start3A_819 = tpu.memref_slice %arg8[%dma_start3A_815, %add3A, %dma_start3A_818] : memref<16x32x4096xf32, #tpu.memory_space<hbm>> -> memref<1x1x4096xf32, #tpu.memory_space<hbm>>
    %dma_start3A_820 = tpu.memref_squeeze %dma_start3A_819 : memref<1x1x4096xf32, #tpu.memory_space<hbm>> -> memref<4096xf32, #tpu.memory_space<hbm>>
    %dma_start3A_821 = arith.constant 0 : i32
    %dma_start3A_822 = tpu.memref_slice %arg8[%dma_start3A_815, %add3A, %dma_start3A_821] : memref<16x32x4096xf32, #tpu.memory_space<hbm>> -> memref<1x1x4096xf32, #tpu.memory_space<hbm>>
    %dma_start3A_823 = tpu.memref_squeeze %dma_start3A_822 : memref<1x1x4096xf32, #tpu.memory_space<hbm>> -> memref<4096xf32, #tpu.memory_space<hbm>>
    %dma_start3A_824 = arith.constant 0 : i32
    %dma_start3A_825 = tpu.memref_slice %arg16[%dma_start3A_824] : memref<4112xf32, #tpu.memory_space<vmem>> -> memref<4096xf32, #tpu.memory_space<vmem>>
    tpu.enqueue_dma source(%dma_start3A_825 : memref<4096xf32, #tpu.memory_space<vmem>>) target(%dma_start3A_823 : memref<4096xf32, #tpu.memory_space<hbm>>) target_semaphore(%arg20 : memref<!tpu.dma_semaphore, #tpu.memory_space<semaphore_mem>>)
    %dma_start3A_826 = arith.constant 6 : i32
    %dma_start3A_827 = arith.constant 49920 : i32
    %dma_start3A_828 = tpu.memref_slice %arg5[%dma_start3A_826, %add3A, %dma_start3A_827] : memref<16x32x100000xf32, #tpu.memory_space<hbm>> -> memref<1x1x50080xf32, #tpu.memory_space<hbm>>
    %dma_start3A_829 = tpu.memref_squeeze %dma_start3A_828 : memref<1x1x50080xf32, #tpu.memory_space<hbm>> -> memref<50080xf32, #tpu.memory_space<hbm>>
    %dma_start3A_830 = arith.constant 49920 : i32
    %dma_start3A_831 = tpu.memref_slice %arg5[%dma_start3A_826, %add3A, %dma_start3A_830] : memref<16x32x100000xf32, #tpu.memory_space<hbm>> -> memref<1x1x50080xf32, #tpu.memory_space<hbm>>
    %dma_start3A_832 = tpu.memref_squeeze %dma_start3A_831 : memref<1x1x50080xf32, #tpu.memory_space<hbm>> -> memref<50080xf32, #tpu.memory_space<hbm>>
    tpu.enqueue_dma source(%dma_start3A_832 : memref<50080xf32, #tpu.memory_space<hbm>>) target(%arg12 : memref<50080xf32, #tpu.memory_space<vmem>>) target_semaphore(%arg18 : memref<!tpu.dma_semaphore, #tpu.memory_space<semaphore_mem>>)
    %dma_wait3A_833 = arith.constant 4 : i32
    %dma_wait3A_834 = arith.constant 0 : i32
    %dma_wait3A_835 = tpu.memref_slice %arg15[%dma_wait3A_834] : memref<4112xf32, #tpu.memory_space<vmem>> -> memref<4096xf32, #tpu.memory_space<vmem>>
    %dma_wait3A_836 = arith.constant 0 : i32
    %dma_wait3A_837 = tpu.memref_slice %arg8[%dma_wait3A_833, %add3A, %dma_wait3A_836] : memref<16x32x4096xf32, #tpu.memory_space<hbm>> -> memref<1x1x4096xf32, #tpu.memory_space<hbm>>
    %dma_wait3A_838 = tpu.memref_squeeze %dma_wait3A_837 : memref<1x1x4096xf32, #tpu.memory_space<hbm>> -> memref<4096xf32, #tpu.memory_space<hbm>>
    %dma_wait3A_839 = arith.constant 0 : i32
    %dma_wait3A_840 = tpu.memref_slice %arg8[%dma_wait3A_833, %add3A, %dma_wait3A_839] : memref<16x32x4096xf32, #tpu.memory_space<hbm>> -> memref<1x1x4096xf32, #tpu.memory_space<hbm>>
    %dma_wait3A_841 = tpu.memref_squeeze %dma_wait3A_840 : memref<1x1x4096xf32, #tpu.memory_space<hbm>> -> memref<4096xf32, #tpu.memory_space<hbm>>
    %dma_wait3A_842 = arith.constant 0 : i32
    %dma_wait3A_843 = tpu.memref_slice %arg15[%dma_wait3A_842] : memref<4112xf32, #tpu.memory_space<vmem>> -> memref<4096xf32, #tpu.memory_space<vmem>>
    tpu.wait_dma2 semaphore(%arg19 : memref<!tpu.dma_semaphore, #tpu.memory_space<semaphore_mem>>) src(%dma_wait3A_843 : memref<4096xf32, #tpu.memory_space<vmem>>) dst(%dma_wait3A_841 : memref<4096xf32, #tpu.memory_space<hbm>>)
    %dma_wait3A_844 = arith.constant 6 : i32
    %dma_wait3A_845 = arith.constant 0 : i32
    %dma_wait3A_846 = tpu.memref_slice %arg11[%dma_wait3A_845] : memref<50080xf32, #tpu.memory_space<vmem>> -> memref<49920xf32, #tpu.memory_space<vmem>>
    %dma_wait3A_847 = arith.constant 0 : i32
    %dma_wait3A_848 = tpu.memref_slice %arg5[%dma_wait3A_844, %add3A, %dma_wait3A_847] : memref<16x32x100000xf32, #tpu.memory_space<hbm>> -> memref<1x1x49920xf32, #tpu.memory_space<hbm>>
    %dma_wait3A_849 = tpu.memref_squeeze %dma_wait3A_848 : memref<1x1x49920xf32, #tpu.memory_space<hbm>> -> memref<49920xf32, #tpu.memory_space<hbm>>
    %dma_wait3A_850 = arith.constant 0 : i32
    %dma_wait3A_851 = tpu.memref_slice %arg11[%dma_wait3A_850] : memref<50080xf32, #tpu.memory_space<vmem>> -> memref<49920xf32, #tpu.memory_space<vmem>>
    %dma_wait3A_852 = arith.constant 0 : i32
    %dma_wait3A_853 = tpu.memref_slice %arg5[%dma_wait3A_844, %add3A, %dma_wait3A_852] : memref<16x32x100000xf32, #tpu.memory_space<hbm>> -> memref<1x1x49920xf32, #tpu.memory_space<hbm>>
    %dma_wait3A_854 = tpu.memref_squeeze %dma_wait3A_853 : memref<1x1x49920xf32, #tpu.memory_space<hbm>> -> memref<49920xf32, #tpu.memory_space<hbm>>
    tpu.wait_dma2 semaphore(%arg17 : memref<!tpu.dma_semaphore, #tpu.memory_space<semaphore_mem>>) src(%dma_wait3A_854 : memref<49920xf32, #tpu.memory_space<hbm>>) dst(%dma_wait3A_851 : memref<49920xf32, #tpu.memory_space<vmem>>)
    %add3A_855 = arith.constant 15 : i32
    %add3A_856 = arith.addi %scan3A_71#0, %add3A_855 : i32
    %jit3A_857 = arith.constant 16 : i32
    %div3A_858 = arith.divsi %add3A_856, %jit3A_857 : i32
    %sign3A_859 = arith.constant 0 : i32
    %sign3A_860 = arith.cmpi sgt, %add3A_856, %sign3A_859 : i32
    %sign3A_861 = arith.extui %sign3A_860 : i1 to i32
    %sign3A_862 = arith.constant 0 : i32
    %sign3A_863 = arith.cmpi slt, %add3A_856, %sign3A_862 : i32
    %sign3A_864 = arith.extui %sign3A_863 : i1 to i32
    %sign3A_865 = arith.subi %sign3A_861, %sign3A_864 : i32
    %sign3A_866 = arith.constant 0 : i32
    %sign3A_867 = arith.cmpi sgt, %jit3A_857, %sign3A_866 : i32
    %sign3A_868 = arith.extui %sign3A_867 : i1 to i32
    %sign3A_869 = arith.constant 0 : i32
    %sign3A_870 = arith.cmpi slt, %jit3A_857, %sign3A_869 : i32
    %sign3A_871 = arith.extui %sign3A_870 : i1 to i32
    %sign3A_872 = arith.subi %sign3A_868, %sign3A_871 : i32
    %ne3A_873 = arith.cmpi ne, %sign3A_865, %sign3A_872 : i32
    %rem3A_874 = arith.remsi %add3A_856, %jit3A_857 : i32
    %ne3A_875 = arith.constant 0 : i32
    %ne3A_876 = arith.cmpi ne, %rem3A_874, %ne3A_875 : i32
    %and3A_877 = arith.andi %ne3A_873, %ne3A_876 : i1
    %sub3A_878 = arith.constant 1 : i32
    %sub3A_879 = arith.subi %div3A_858, %sub3A_878 : i32
    %select_n3A_880 = arith.select %and3A_877, %sub3A_879, %div3A_858 : i32
    %while3A_881 = arith.constant 0 : i32
    %while3A_882 = arith.constant 0 : i32
    %while3A_883 = arith.subi %select_n3A_880, %while3A_882 : i32
    %while3A_884 = arith.addi %while3A_882, %while3A_883 : i32
    %while3A_885 = arith.constant 1 : i32
    %while3A_886 = arith.divsi %while3A_883, %while3A_885 : i32
    %while3A_887 = arith.muli %while3A_886, %while3A_885 : i32
    %while3A_888 = arith.addi %while3A_882, %while3A_887 : i32
    %while3A_889 = arith.constant 1 : i32
    scf.for %while3A_2429 = %while3A_882 to %while3A_888 step %while3A_889  : i32 {
      %mul3A_2430 = arith.constant 16 : i32
      %mul3A_2431 = arith.muli %while3A_2429, %mul3A_2430 : i32
      %get3A = arith.index_cast %mul3A_2431 : i32 to index
      %get3A_2432 = tpu.vector_load %arg13[%get3A] {strides = array<i32>} : memref<4112xi32, #tpu.memory_space<vmem>>, vector<16xi32>,
      %and3A_2433 = arith.constant 131071 : i32
      %and3A_2434 = vector.broadcast %and3A_2433 : i32 to vector<16xi32>
      %and3A_2435 = arith.andi %get3A_2432, %and3A_2434 : vector<16xi32>
      %shift_right_logical3A = arith.constant 17 : i32
      %shift_right_logical3A_2436 = vector.broadcast %shift_right_logical3A : i32 to vector<16xi32>
      %shift_right_logical3A_2437 = arith.shrui %get3A_2432, %shift_right_logical3A_2436 : vector<16xi32>
      %gather3A = tpu.vector_load_idx %arg11[%and3A_2435] : memref<50080xf32, #tpu.memory_space<vmem>>[vector<16xi32>], vector<16xf32>,
      tpu.vector_store_idx %arg15[%shift_right_logical3A_2437], %gather3A : memref<4112xf32, #tpu.memory_space<vmem>>[vector<16xi32>], vector<16xf32>,
    }
    %while3A_890 = arith.constant 1 : i32
    scf.for %while3A_2429 = %while3A_888 to %while3A_884 step %while3A_890  : i32 {
      %mul3A_2430 = arith.constant 16 : i32
      %mul3A_2431 = arith.muli %while3A_2429, %mul3A_2430 : i32
      %get3A = arith.index_cast %mul3A_2431 : i32 to index
      %get3A_2432 = tpu.vector_load %arg13[%get3A] {strides = array<i32>} : memref<4112xi32, #tpu.memory_space<vmem>>, vector<16xi32>,
      %and3A_2433 = arith.constant 131071 : i32
      %and3A_2434 = vector.broadcast %and3A_2433 : i32 to vector<16xi32>
      %and3A_2435 = arith.andi %get3A_2432, %and3A_2434 : vector<16xi32>
      %shift_right_logical3A = arith.constant 17 : i32
      %shift_right_logical3A_2436 = vector.broadcast %shift_right_logical3A : i32 to vector<16xi32>
      %shift_right_logical3A_2437 = arith.shrui %get3A_2432, %shift_right_logical3A_2436 : vector<16xi32>
      %gather3A = tpu.vector_load_idx %arg11[%and3A_2435] : memref<50080xf32, #tpu.memory_space<vmem>>[vector<16xi32>], vector<16xf32>,
      tpu.vector_store_idx %arg15[%shift_right_logical3A_2437], %gather3A : memref<4112xf32, #tpu.memory_space<vmem>>[vector<16xi32>], vector<16xf32>,
    }
    %dma_start3A_891 = arith.constant 7 : i32
    %dma_start3A_892 = arith.constant 0 : i32
    %dma_start3A_893 = tpu.memref_slice %arg11[%dma_start3A_892] : memref<50080xf32, #tpu.memory_space<vmem>> -> memref<49920xf32, #tpu.memory_space<vmem>>
    %dma_start3A_894 = arith.constant 0 : i32
    %dma_start3A_895 = tpu.memref_slice %arg5[%dma_start3A_891, %add3A, %dma_start3A_894] : memref<16x32x100000xf32, #tpu.memory_space<hbm>> -> memref<1x1x49920xf32, #tpu.memory_space<hbm>>
    %dma_start3A_896 = tpu.memref_squeeze %dma_start3A_895 : memref<1x1x49920xf32, #tpu.memory_space<hbm>> -> memref<49920xf32, #tpu.memory_space<hbm>>
    %dma_start3A_897 = arith.constant 0 : i32
    %dma_start3A_898 = tpu.memref_slice %arg11[%dma_start3A_897] : memref<50080xf32, #tpu.memory_space<vmem>> -> memref<49920xf32, #tpu.memory_space<vmem>>
    %dma_start3A_899 = arith.constant 0 : i32
    %dma_start3A_900 = tpu.memref_slice %arg5[%dma_start3A_891, %add3A, %dma_start3A_899] : memref<16x32x100000xf32, #tpu.memory_space<hbm>> -> memref<1x1x49920xf32, #tpu.memory_space<hbm>>
    %dma_start3A_901 = tpu.memref_squeeze %dma_start3A_900 : memref<1x1x49920xf32, #tpu.memory_space<hbm>> -> memref<49920xf32, #tpu.memory_space<hbm>>
    tpu.enqueue_dma source(%dma_start3A_901 : memref<49920xf32, #tpu.memory_space<hbm>>) target(%dma_start3A_898 : memref<49920xf32, #tpu.memory_space<vmem>>) target_semaphore(%arg17 : memref<!tpu.dma_semaphore, #tpu.memory_space<semaphore_mem>>)
    %dma_wait3A_902 = arith.constant 6 : i32
    %dma_wait3A_903 = arith.constant 49920 : i32
    %dma_wait3A_904 = tpu.memref_slice %arg5[%dma_wait3A_902, %add3A, %dma_wait3A_903] : memref<16x32x100000xf32, #tpu.memory_space<hbm>> -> memref<1x1x50080xf32, #tpu.memory_space<hbm>>
    %dma_wait3A_905 = tpu.memref_squeeze %dma_wait3A_904 : memref<1x1x50080xf32, #tpu.memory_space<hbm>> -> memref<50080xf32, #tpu.memory_space<hbm>>
    %dma_wait3A_906 = arith.constant 49920 : i32
    %dma_wait3A_907 = tpu.memref_slice %arg5[%dma_wait3A_902, %add3A, %dma_wait3A_906] : memref<16x32x100000xf32, #tpu.memory_space<hbm>> -> memref<1x1x50080xf32, #tpu.memory_space<hbm>>
    %dma_wait3A_908 = tpu.memref_squeeze %dma_wait3A_907 : memref<1x1x50080xf32, #tpu.memory_space<hbm>> -> memref<50080xf32, #tpu.memory_space<hbm>>
    tpu.wait_dma2 semaphore(%arg18 : memref<!tpu.dma_semaphore, #tpu.memory_space<semaphore_mem>>) src(%dma_wait3A_908 : memref<50080xf32, #tpu.memory_space<hbm>>) dst(%arg12 : memref<50080xf32, #tpu.memory_space<vmem>>)
    %add3A_909 = arith.constant 15 : i32
    %add3A_910 = arith.addi %scan3A_71#1, %add3A_909 : i32
    %jit3A_911 = arith.constant 16 : i32
    %div3A_912 = arith.divsi %add3A_910, %jit3A_911 : i32
    %sign3A_913 = arith.constant 0 : i32
    %sign3A_914 = arith.cmpi sgt, %add3A_910, %sign3A_913 : i32
    %sign3A_915 = arith.extui %sign3A_914 : i1 to i32
    %sign3A_916 = arith.constant 0 : i32
    %sign3A_917 = arith.cmpi slt, %add3A_910, %sign3A_916 : i32
    %sign3A_918 = arith.extui %sign3A_917 : i1 to i32
    %sign3A_919 = arith.subi %sign3A_915, %sign3A_918 : i32
    %sign3A_920 = arith.constant 0 : i32
    %sign3A_921 = arith.cmpi sgt, %jit3A_911, %sign3A_920 : i32
    %sign3A_922 = arith.extui %sign3A_921 : i1 to i32
    %sign3A_923 = arith.constant 0 : i32
    %sign3A_924 = arith.cmpi slt, %jit3A_911, %sign3A_923 : i32
    %sign3A_925 = arith.extui %sign3A_924 : i1 to i32
    %sign3A_926 = arith.subi %sign3A_922, %sign3A_925 : i32
    %ne3A_927 = arith.cmpi ne, %sign3A_919, %sign3A_926 : i32
    %rem3A_928 = arith.remsi %add3A_910, %jit3A_911 : i32
    %ne3A_929 = arith.constant 0 : i32
    %ne3A_930 = arith.cmpi ne, %rem3A_928, %ne3A_929 : i32
    %and3A_931 = arith.andi %ne3A_927, %ne3A_930 : i1
    %sub3A_932 = arith.constant 1 : i32
    %sub3A_933 = arith.subi %div3A_912, %sub3A_932 : i32
    %select_n3A_934 = arith.select %and3A_931, %sub3A_933, %div3A_912 : i32
    %while3A_935 = arith.constant 0 : i32
    %while3A_936 = arith.constant 0 : i32
    %while3A_937 = arith.subi %select_n3A_934, %while3A_936 : i32
    %while3A_938 = arith.addi %while3A_936, %while3A_937 : i32
    %while3A_939 = arith.constant 1 : i32
    %while3A_940 = arith.divsi %while3A_937, %while3A_939 : i32
    %while3A_941 = arith.muli %while3A_940, %while3A_939 : i32
    %while3A_942 = arith.addi %while3A_936, %while3A_941 : i32
    %while3A_943 = arith.constant 1 : i32
    scf.for %while3A_2429 = %while3A_936 to %while3A_942 step %while3A_943  : i32 {
      %mul3A_2430 = arith.constant 16 : i32
      %mul3A_2431 = arith.muli %while3A_2429, %mul3A_2430 : i32
      %get3A = arith.index_cast %mul3A_2431 : i32 to index
      %get3A_2432 = tpu.vector_load %arg14[%get3A] {strides = array<i32>} : memref<4112xi32, #tpu.memory_space<vmem>>, vector<16xi32>,
      %and3A_2433 = arith.constant 131071 : i32
      %and3A_2434 = vector.broadcast %and3A_2433 : i32 to vector<16xi32>
      %and3A_2435 = arith.andi %get3A_2432, %and3A_2434 : vector<16xi32>
      %shift_right_logical3A = arith.constant 17 : i32
      %shift_right_logical3A_2436 = vector.broadcast %shift_right_logical3A : i32 to vector<16xi32>
      %shift_right_logical3A_2437 = arith.shrui %get3A_2432, %shift_right_logical3A_2436 : vector<16xi32>
      %gather3A = tpu.vector_load_idx %arg12[%and3A_2435] : memref<50080xf32, #tpu.memory_space<vmem>>[vector<16xi32>], vector<16xf32>,
      tpu.vector_store_idx %arg15[%shift_right_logical3A_2437], %gather3A : memref<4112xf32, #tpu.memory_space<vmem>>[vector<16xi32>], vector<16xf32>,
    }
    %while3A_944 = arith.constant 1 : i32
    scf.for %while3A_2429 = %while3A_942 to %while3A_938 step %while3A_944  : i32 {
      %mul3A_2430 = arith.constant 16 : i32
      %mul3A_2431 = arith.muli %while3A_2429, %mul3A_2430 : i32
      %get3A = arith.index_cast %mul3A_2431 : i32 to index
      %get3A_2432 = tpu.vector_load %arg14[%get3A] {strides = array<i32>} : memref<4112xi32, #tpu.memory_space<vmem>>, vector<16xi32>,
      %and3A_2433 = arith.constant 131071 : i32
      %and3A_2434 = vector.broadcast %and3A_2433 : i32 to vector<16xi32>
      %and3A_2435 = arith.andi %get3A_2432, %and3A_2434 : vector<16xi32>
      %shift_right_logical3A = arith.constant 17 : i32
      %shift_right_logical3A_2436 = vector.broadcast %shift_right_logical3A : i32 to vector<16xi32>
      %shift_right_logical3A_2437 = arith.shrui %get3A_2432, %shift_right_logical3A_2436 : vector<16xi32>
      %gather3A = tpu.vector_load_idx %arg12[%and3A_2435] : memref<50080xf32, #tpu.memory_space<vmem>>[vector<16xi32>], vector<16xf32>,
      tpu.vector_store_idx %arg15[%shift_right_logical3A_2437], %gather3A : memref<4112xf32, #tpu.memory_space<vmem>>[vector<16xi32>], vector<16xf32>,
    }
    %dma_start3A_945 = arith.constant 6 : i32
    %dma_start3A_946 = arith.constant 0 : i32
    %dma_start3A_947 = tpu.memref_slice %arg15[%dma_start3A_946] : memref<4112xf32, #tpu.memory_space<vmem>> -> memref<4096xf32, #tpu.memory_space<vmem>>
    %dma_start3A_948 = arith.constant 0 : i32
    %dma_start3A_949 = tpu.memref_slice %arg8[%dma_start3A_945, %add3A, %dma_start3A_948] : memref<16x32x4096xf32, #tpu.memory_space<hbm>> -> memref<1x1x4096xf32, #tpu.memory_space<hbm>>
    %dma_start3A_950 = tpu.memref_squeeze %dma_start3A_949 : memref<1x1x4096xf32, #tpu.memory_space<hbm>> -> memref<4096xf32, #tpu.memory_space<hbm>>
    %dma_start3A_951 = arith.constant 0 : i32
    %dma_start3A_952 = tpu.memref_slice %arg8[%dma_start3A_945, %add3A, %dma_start3A_951] : memref<16x32x4096xf32, #tpu.memory_space<hbm>> -> memref<1x1x4096xf32, #tpu.memory_space<hbm>>
    %dma_start3A_953 = tpu.memref_squeeze %dma_start3A_952 : memref<1x1x4096xf32, #tpu.memory_space<hbm>> -> memref<4096xf32, #tpu.memory_space<hbm>>
    %dma_start3A_954 = arith.constant 0 : i32
    %dma_start3A_955 = tpu.memref_slice %arg15[%dma_start3A_954] : memref<4112xf32, #tpu.memory_space<vmem>> -> memref<4096xf32, #tpu.memory_space<vmem>>
    tpu.enqueue_dma source(%dma_start3A_955 : memref<4096xf32, #tpu.memory_space<vmem>>) target(%dma_start3A_953 : memref<4096xf32, #tpu.memory_space<hbm>>) target_semaphore(%arg19 : memref<!tpu.dma_semaphore, #tpu.memory_space<semaphore_mem>>)
    %dma_start3A_956 = arith.constant 7 : i32
    %dma_start3A_957 = arith.constant 49920 : i32
    %dma_start3A_958 = tpu.memref_slice %arg5[%dma_start3A_956, %add3A, %dma_start3A_957] : memref<16x32x100000xf32, #tpu.memory_space<hbm>> -> memref<1x1x50080xf32, #tpu.memory_space<hbm>>
    %dma_start3A_959 = tpu.memref_squeeze %dma_start3A_958 : memref<1x1x50080xf32, #tpu.memory_space<hbm>> -> memref<50080xf32, #tpu.memory_space<hbm>>
    %dma_start3A_960 = arith.constant 49920 : i32
    %dma_start3A_961 = tpu.memref_slice %arg5[%dma_start3A_956, %add3A, %dma_start3A_960] : memref<16x32x100000xf32, #tpu.memory_space<hbm>> -> memref<1x1x50080xf32, #tpu.memory_space<hbm>>
    %dma_start3A_962 = tpu.memref_squeeze %dma_start3A_961 : memref<1x1x50080xf32, #tpu.memory_space<hbm>> -> memref<50080xf32, #tpu.memory_space<hbm>>
    tpu.enqueue_dma source(%dma_start3A_962 : memref<50080xf32, #tpu.memory_space<hbm>>) target(%arg12 : memref<50080xf32, #tpu.memory_space<vmem>>) target_semaphore(%arg18 : memref<!tpu.dma_semaphore, #tpu.memory_space<semaphore_mem>>)
    %dma_wait3A_963 = arith.constant 5 : i32
    %dma_wait3A_964 = arith.constant 0 : i32
    %dma_wait3A_965 = tpu.memref_slice %arg16[%dma_wait3A_964] : memref<4112xf32, #tpu.memory_space<vmem>> -> memref<4096xf32, #tpu.memory_space<vmem>>
    %dma_wait3A_966 = arith.constant 0 : i32
    %dma_wait3A_967 = tpu.memref_slice %arg8[%dma_wait3A_963, %add3A, %dma_wait3A_966] : memref<16x32x4096xf32, #tpu.memory_space<hbm>> -> memref<1x1x4096xf32, #tpu.memory_space<hbm>>
    %dma_wait3A_968 = tpu.memref_squeeze %dma_wait3A_967 : memref<1x1x4096xf32, #tpu.memory_space<hbm>> -> memref<4096xf32, #tpu.memory_space<hbm>>
    %dma_wait3A_969 = arith.constant 0 : i32
    %dma_wait3A_970 = tpu.memref_slice %arg8[%dma_wait3A_963, %add3A, %dma_wait3A_969] : memref<16x32x4096xf32, #tpu.memory_space<hbm>> -> memref<1x1x4096xf32, #tpu.memory_space<hbm>>
    %dma_wait3A_971 = tpu.memref_squeeze %dma_wait3A_970 : memref<1x1x4096xf32, #tpu.memory_space<hbm>> -> memref<4096xf32, #tpu.memory_space<hbm>>
    %dma_wait3A_972 = arith.constant 0 : i32
    %dma_wait3A_973 = tpu.memref_slice %arg16[%dma_wait3A_972] : memref<4112xf32, #tpu.memory_space<vmem>> -> memref<4096xf32, #tpu.memory_space<vmem>>
    tpu.wait_dma2 semaphore(%arg20 : memref<!tpu.dma_semaphore, #tpu.memory_space<semaphore_mem>>) src(%dma_wait3A_973 : memref<4096xf32, #tpu.memory_space<vmem>>) dst(%dma_wait3A_971 : memref<4096xf32, #tpu.memory_space<hbm>>)
    %dma_wait3A_974 = arith.constant 7 : i32
    %dma_wait3A_975 = arith.constant 0 : i32
    %dma_wait3A_976 = tpu.memref_slice %arg11[%dma_wait3A_975] : memref<50080xf32, #tpu.memory_space<vmem>> -> memref<49920xf32, #tpu.memory_space<vmem>>
    %dma_wait3A_977 = arith.constant 0 : i32
    %dma_wait3A_978 = tpu.memref_slice %arg5[%dma_wait3A_974, %add3A, %dma_wait3A_977] : memref<16x32x100000xf32, #tpu.memory_space<hbm>> -> memref<1x1x49920xf32, #tpu.memory_space<hbm>>
    %dma_wait3A_979 = tpu.memref_squeeze %dma_wait3A_978 : memref<1x1x49920xf32, #tpu.memory_space<hbm>> -> memref<49920xf32, #tpu.memory_space<hbm>>
    %dma_wait3A_980 = arith.constant 0 : i32
    %dma_wait3A_981 = tpu.memref_slice %arg11[%dma_wait3A_980] : memref<50080xf32, #tpu.memory_space<vmem>> -> memref<49920xf32, #tpu.memory_space<vmem>>
    %dma_wait3A_982 = arith.constant 0 : i32
    %dma_wait3A_983 = tpu.memref_slice %arg5[%dma_wait3A_974, %add3A, %dma_wait3A_982] : memref<16x32x100000xf32, #tpu.memory_space<hbm>> -> memref<1x1x49920xf32, #tpu.memory_space<hbm>>
    %dma_wait3A_984 = tpu.memref_squeeze %dma_wait3A_983 : memref<1x1x49920xf32, #tpu.memory_space<hbm>> -> memref<49920xf32, #tpu.memory_space<hbm>>
    tpu.wait_dma2 semaphore(%arg17 : memref<!tpu.dma_semaphore, #tpu.memory_space<semaphore_mem>>) src(%dma_wait3A_984 : memref<49920xf32, #tpu.memory_space<hbm>>) dst(%dma_wait3A_981 : memref<49920xf32, #tpu.memory_space<vmem>>)
    %add3A_985 = arith.constant 15 : i32
    %add3A_986 = arith.addi %scan3A_71#0, %add3A_985 : i32
    %jit3A_987 = arith.constant 16 : i32
    %div3A_988 = arith.divsi %add3A_986, %jit3A_987 : i32
    %sign3A_989 = arith.constant 0 : i32
    %sign3A_990 = arith.cmpi sgt, %add3A_986, %sign3A_989 : i32
    %sign3A_991 = arith.extui %sign3A_990 : i1 to i32
    %sign3A_992 = arith.constant 0 : i32
    %sign3A_993 = arith.cmpi slt, %add3A_986, %sign3A_992 : i32
    %sign3A_994 = arith.extui %sign3A_993 : i1 to i32
    %sign3A_995 = arith.subi %sign3A_991, %sign3A_994 : i32
    %sign3A_996 = arith.constant 0 : i32
    %sign3A_997 = arith.cmpi sgt, %jit3A_987, %sign3A_996 : i32
    %sign3A_998 = arith.extui %sign3A_997 : i1 to i32
    %sign3A_999 = arith.constant 0 : i32
    %sign3A_1000 = arith.cmpi slt, %jit3A_987, %sign3A_999 : i32
    %sign3A_1001 = arith.extui %sign3A_1000 : i1 to i32
    %sign3A_1002 = arith.subi %sign3A_998, %sign3A_1001 : i32
    %ne3A_1003 = arith.cmpi ne, %sign3A_995, %sign3A_1002 : i32
    %rem3A_1004 = arith.remsi %add3A_986, %jit3A_987 : i32
    %ne3A_1005 = arith.constant 0 : i32
    %ne3A_1006 = arith.cmpi ne, %rem3A_1004, %ne3A_1005 : i32
    %and3A_1007 = arith.andi %ne3A_1003, %ne3A_1006 : i1
    %sub3A_1008 = arith.constant 1 : i32
    %sub3A_1009 = arith.subi %div3A_988, %sub3A_1008 : i32
    %select_n3A_1010 = arith.select %and3A_1007, %sub3A_1009, %div3A_988 : i32
    %while3A_1011 = arith.constant 0 : i32
    %while3A_1012 = arith.constant 0 : i32
    %while3A_1013 = arith.subi %select_n3A_1010, %while3A_1012 : i32
    %while3A_1014 = arith.addi %while3A_1012, %while3A_1013 : i32
    %while3A_1015 = arith.constant 1 : i32
    %while3A_1016 = arith.divsi %while3A_1013, %while3A_1015 : i32
    %while3A_1017 = arith.muli %while3A_1016, %while3A_1015 : i32
    %while3A_1018 = arith.addi %while3A_1012, %while3A_1017 : i32
    %while3A_1019 = arith.constant 1 : i32
    scf.for %while3A_2429 = %while3A_1012 to %while3A_1018 step %while3A_1019  : i32 {
      %mul3A_2430 = arith.constant 16 : i32
      %mul3A_2431 = arith.muli %while3A_2429, %mul3A_2430 : i32
      %get3A = arith.index_cast %mul3A_2431 : i32 to index
      %get3A_2432 = tpu.vector_load %arg13[%get3A] {strides = array<i32>} : memref<4112xi32, #tpu.memory_space<vmem>>, vector<16xi32>,
      %and3A_2433 = arith.constant 131071 : i32
      %and3A_2434 = vector.broadcast %and3A_2433 : i32 to vector<16xi32>
      %and3A_2435 = arith.andi %get3A_2432, %and3A_2434 : vector<16xi32>
      %shift_right_logical3A = arith.constant 17 : i32
      %shift_right_logical3A_2436 = vector.broadcast %shift_right_logical3A : i32 to vector<16xi32>
      %shift_right_logical3A_2437 = arith.shrui %get3A_2432, %shift_right_logical3A_2436 : vector<16xi32>
      %gather3A = tpu.vector_load_idx %arg11[%and3A_2435] : memref<50080xf32, #tpu.memory_space<vmem>>[vector<16xi32>], vector<16xf32>,
      tpu.vector_store_idx %arg16[%shift_right_logical3A_2437], %gather3A : memref<4112xf32, #tpu.memory_space<vmem>>[vector<16xi32>], vector<16xf32>,
    }
    %while3A_1020 = arith.constant 1 : i32
    scf.for %while3A_2429 = %while3A_1018 to %while3A_1014 step %while3A_1020  : i32 {
      %mul3A_2430 = arith.constant 16 : i32
      %mul3A_2431 = arith.muli %while3A_2429, %mul3A_2430 : i32
      %get3A = arith.index_cast %mul3A_2431 : i32 to index
      %get3A_2432 = tpu.vector_load %arg13[%get3A] {strides = array<i32>} : memref<4112xi32, #tpu.memory_space<vmem>>, vector<16xi32>,
      %and3A_2433 = arith.constant 131071 : i32
      %and3A_2434 = vector.broadcast %and3A_2433 : i32 to vector<16xi32>
      %and3A_2435 = arith.andi %get3A_2432, %and3A_2434 : vector<16xi32>
      %shift_right_logical3A = arith.constant 17 : i32
      %shift_right_logical3A_2436 = vector.broadcast %shift_right_logical3A : i32 to vector<16xi32>
      %shift_right_logical3A_2437 = arith.shrui %get3A_2432, %shift_right_logical3A_2436 : vector<16xi32>
      %gather3A = tpu.vector_load_idx %arg11[%and3A_2435] : memref<50080xf32, #tpu.memory_space<vmem>>[vector<16xi32>], vector<16xf32>,
      tpu.vector_store_idx %arg16[%shift_right_logical3A_2437], %gather3A : memref<4112xf32, #tpu.memory_space<vmem>>[vector<16xi32>], vector<16xf32>,
    }
    %dma_start3A_1021 = arith.constant 8 : i32
    %dma_start3A_1022 = arith.constant 0 : i32
    %dma_start3A_1023 = tpu.memref_slice %arg11[%dma_start3A_1022] : memref<50080xf32, #tpu.memory_space<vmem>> -> memref<49920xf32, #tpu.memory_space<vmem>>
    %dma_start3A_1024 = arith.constant 0 : i32
    %dma_start3A_1025 = tpu.memref_slice %arg5[%dma_start3A_1021, %add3A, %dma_start3A_1024] : memref<16x32x100000xf32, #tpu.memory_space<hbm>> -> memref<1x1x49920xf32, #tpu.memory_space<hbm>>
    %dma_start3A_1026 = tpu.memref_squeeze %dma_start3A_1025 : memref<1x1x49920xf32, #tpu.memory_space<hbm>> -> memref<49920xf32, #tpu.memory_space<hbm>>
    %dma_start3A_1027 = arith.constant 0 : i32
    %dma_start3A_1028 = tpu.memref_slice %arg11[%dma_start3A_1027] : memref<50080xf32, #tpu.memory_space<vmem>> -> memref<49920xf32, #tpu.memory_space<vmem>>
    %dma_start3A_1029 = arith.constant 0 : i32
    %dma_start3A_1030 = tpu.memref_slice %arg5[%dma_start3A_1021, %add3A, %dma_start3A_1029] : memref<16x32x100000xf32, #tpu.memory_space<hbm>> -> memref<1x1x49920xf32, #tpu.memory_space<hbm>>
    %dma_start3A_1031 = tpu.memref_squeeze %dma_start3A_1030 : memref<1x1x49920xf32, #tpu.memory_space<hbm>> -> memref<49920xf32, #tpu.memory_space<hbm>>
    tpu.enqueue_dma source(%dma_start3A_1031 : memref<49920xf32, #tpu.memory_space<hbm>>) target(%dma_start3A_1028 : memref<49920xf32, #tpu.memory_space<vmem>>) target_semaphore(%arg17 : memref<!tpu.dma_semaphore, #tpu.memory_space<semaphore_mem>>)
    %dma_wait3A_1032 = arith.constant 7 : i32
    %dma_wait3A_1033 = arith.constant 49920 : i32
    %dma_wait3A_1034 = tpu.memref_slice %arg5[%dma_wait3A_1032, %add3A, %dma_wait3A_1033] : memref<16x32x100000xf32, #tpu.memory_space<hbm>> -> memref<1x1x50080xf32, #tpu.memory_space<hbm>>
    %dma_wait3A_1035 = tpu.memref_squeeze %dma_wait3A_1034 : memref<1x1x50080xf32, #tpu.memory_space<hbm>> -> memref<50080xf32, #tpu.memory_space<hbm>>
    %dma_wait3A_1036 = arith.constant 49920 : i32
    %dma_wait3A_1037 = tpu.memref_slice %arg5[%dma_wait3A_1032, %add3A, %dma_wait3A_1036] : memref<16x32x100000xf32, #tpu.memory_space<hbm>> -> memref<1x1x50080xf32, #tpu.memory_space<hbm>>
    %dma_wait3A_1038 = tpu.memref_squeeze %dma_wait3A_1037 : memref<1x1x50080xf32, #tpu.memory_space<hbm>> -> memref<50080xf32, #tpu.memory_space<hbm>>
    tpu.wait_dma2 semaphore(%arg18 : memref<!tpu.dma_semaphore, #tpu.memory_space<semaphore_mem>>) src(%dma_wait3A_1038 : memref<50080xf32, #tpu.memory_space<hbm>>) dst(%arg12 : memref<50080xf32, #tpu.memory_space<vmem>>)
    %add3A_1039 = arith.constant 15 : i32
    %add3A_1040 = arith.addi %scan3A_71#1, %add3A_1039 : i32
    %jit3A_1041 = arith.constant 16 : i32
    %div3A_1042 = arith.divsi %add3A_1040, %jit3A_1041 : i32
    %sign3A_1043 = arith.constant 0 : i32
    %sign3A_1044 = arith.cmpi sgt, %add3A_1040, %sign3A_1043 : i32
    %sign3A_1045 = arith.extui %sign3A_1044 : i1 to i32
    %sign3A_1046 = arith.constant 0 : i32
    %sign3A_1047 = arith.cmpi slt, %add3A_1040, %sign3A_1046 : i32
    %sign3A_1048 = arith.extui %sign3A_1047 : i1 to i32
    %sign3A_1049 = arith.subi %sign3A_1045, %sign3A_1048 : i32
    %sign3A_1050 = arith.constant 0 : i32
    %sign3A_1051 = arith.cmpi sgt, %jit3A_1041, %sign3A_1050 : i32
    %sign3A_1052 = arith.extui %sign3A_1051 : i1 to i32
    %sign3A_1053 = arith.constant 0 : i32
    %sign3A_1054 = arith.cmpi slt, %jit3A_1041, %sign3A_1053 : i32
    %sign3A_1055 = arith.extui %sign3A_1054 : i1 to i32
    %sign3A_1056 = arith.subi %sign3A_1052, %sign3A_1055 : i32
    %ne3A_1057 = arith.cmpi ne, %sign3A_1049, %sign3A_1056 : i32
    %rem3A_1058 = arith.remsi %add3A_1040, %jit3A_1041 : i32
    %ne3A_1059 = arith.constant 0 : i32
    %ne3A_1060 = arith.cmpi ne, %rem3A_1058, %ne3A_1059 : i32
    %and3A_1061 = arith.andi %ne3A_1057, %ne3A_1060 : i1
    %sub3A_1062 = arith.constant 1 : i32
    %sub3A_1063 = arith.subi %div3A_1042, %sub3A_1062 : i32
    %select_n3A_1064 = arith.select %and3A_1061, %sub3A_1063, %div3A_1042 : i32
    %while3A_1065 = arith.constant 0 : i32
    %while3A_1066 = arith.constant 0 : i32
    %while3A_1067 = arith.subi %select_n3A_1064, %while3A_1066 : i32
    %while3A_1068 = arith.addi %while3A_1066, %while3A_1067 : i32
    %while3A_1069 = arith.constant 1 : i32
    %while3A_1070 = arith.divsi %while3A_1067, %while3A_1069 : i32
    %while3A_1071 = arith.muli %while3A_1070, %while3A_1069 : i32
    %while3A_1072 = arith.addi %while3A_1066, %while3A_1071 : i32
    %while3A_1073 = arith.constant 1 : i32
    scf.for %while3A_2429 = %while3A_1066 to %while3A_1072 step %while3A_1073  : i32 {
      %mul3A_2430 = arith.constant 16 : i32
      %mul3A_2431 = arith.muli %while3A_2429, %mul3A_2430 : i32
      %get3A = arith.index_cast %mul3A_2431 : i32 to index
      %get3A_2432 = tpu.vector_load %arg14[%get3A] {strides = array<i32>} : memref<4112xi32, #tpu.memory_space<vmem>>, vector<16xi32>,
      %and3A_2433 = arith.constant 131071 : i32
      %and3A_2434 = vector.broadcast %and3A_2433 : i32 to vector<16xi32>
      %and3A_2435 = arith.andi %get3A_2432, %and3A_2434 : vector<16xi32>
      %shift_right_logical3A = arith.constant 17 : i32
      %shift_right_logical3A_2436 = vector.broadcast %shift_right_logical3A : i32 to vector<16xi32>
      %shift_right_logical3A_2437 = arith.shrui %get3A_2432, %shift_right_logical3A_2436 : vector<16xi32>
      %gather3A = tpu.vector_load_idx %arg12[%and3A_2435] : memref<50080xf32, #tpu.memory_space<vmem>>[vector<16xi32>], vector<16xf32>,
      tpu.vector_store_idx %arg16[%shift_right_logical3A_2437], %gather3A : memref<4112xf32, #tpu.memory_space<vmem>>[vector<16xi32>], vector<16xf32>,
    }
    %while3A_1074 = arith.constant 1 : i32
    scf.for %while3A_2429 = %while3A_1072 to %while3A_1068 step %while3A_1074  : i32 {
      %mul3A_2430 = arith.constant 16 : i32
      %mul3A_2431 = arith.muli %while3A_2429, %mul3A_2430 : i32
      %get3A = arith.index_cast %mul3A_2431 : i32 to index
      %get3A_2432 = tpu.vector_load %arg14[%get3A] {strides = array<i32>} : memref<4112xi32, #tpu.memory_space<vmem>>, vector<16xi32>,
      %and3A_2433 = arith.constant 131071 : i32
      %and3A_2434 = vector.broadcast %and3A_2433 : i32 to vector<16xi32>
      %and3A_2435 = arith.andi %get3A_2432, %and3A_2434 : vector<16xi32>
      %shift_right_logical3A = arith.constant 17 : i32
      %shift_right_logical3A_2436 = vector.broadcast %shift_right_logical3A : i32 to vector<16xi32>
      %shift_right_logical3A_2437 = arith.shrui %get3A_2432, %shift_right_logical3A_2436 : vector<16xi32>
      %gather3A = tpu.vector_load_idx %arg12[%and3A_2435] : memref<50080xf32, #tpu.memory_space<vmem>>[vector<16xi32>], vector<16xf32>,
      tpu.vector_store_idx %arg16[%shift_right_logical3A_2437], %gather3A : memref<4112xf32, #tpu.memory_space<vmem>>[vector<16xi32>], vector<16xf32>,
    }
    %dma_start3A_1075 = arith.constant 7 : i32
    %dma_start3A_1076 = arith.constant 0 : i32
    %dma_start3A_1077 = tpu.memref_slice %arg16[%dma_start3A_1076] : memref<4112xf32, #tpu.memory_space<vmem>> -> memref<4096xf32, #tpu.memory_space<vmem>>
    %dma_start3A_1078 = arith.constant 0 : i32
    %dma_start3A_1079 = tpu.memref_slice %arg8[%dma_start3A_1075, %add3A, %dma_start3A_1078] : memref<16x32x4096xf32, #tpu.memory_space<hbm>> -> memref<1x1x4096xf32, #tpu.memory_space<hbm>>
    %dma_start3A_1080 = tpu.memref_squeeze %dma_start3A_1079 : memref<1x1x4096xf32, #tpu.memory_space<hbm>> -> memref<4096xf32, #tpu.memory_space<hbm>>
    %dma_start3A_1081 = arith.constant 0 : i32
    %dma_start3A_1082 = tpu.memref_slice %arg8[%dma_start3A_1075, %add3A, %dma_start3A_1081] : memref<16x32x4096xf32, #tpu.memory_space<hbm>> -> memref<1x1x4096xf32, #tpu.memory_space<hbm>>
    %dma_start3A_1083 = tpu.memref_squeeze %dma_start3A_1082 : memref<1x1x4096xf32, #tpu.memory_space<hbm>> -> memref<4096xf32, #tpu.memory_space<hbm>>
    %dma_start3A_1084 = arith.constant 0 : i32
    %dma_start3A_1085 = tpu.memref_slice %arg16[%dma_start3A_1084] : memref<4112xf32, #tpu.memory_space<vmem>> -> memref<4096xf32, #tpu.memory_space<vmem>>
    tpu.enqueue_dma source(%dma_start3A_1085 : memref<4096xf32, #tpu.memory_space<vmem>>) target(%dma_start3A_1083 : memref<4096xf32, #tpu.memory_space<hbm>>) target_semaphore(%arg20 : memref<!tpu.dma_semaphore, #tpu.memory_space<semaphore_mem>>)
    %dma_start3A_1086 = arith.constant 8 : i32
    %dma_start3A_1087 = arith.constant 49920 : i32
    %dma_start3A_1088 = tpu.memref_slice %arg5[%dma_start3A_1086, %add3A, %dma_start3A_1087] : memref<16x32x100000xf32, #tpu.memory_space<hbm>> -> memref<1x1x50080xf32, #tpu.memory_space<hbm>>
    %dma_start3A_1089 = tpu.memref_squeeze %dma_start3A_1088 : memref<1x1x50080xf32, #tpu.memory_space<hbm>> -> memref<50080xf32, #tpu.memory_space<hbm>>
    %dma_start3A_1090 = arith.constant 49920 : i32
    %dma_start3A_1091 = tpu.memref_slice %arg5[%dma_start3A_1086, %add3A, %dma_start3A_1090] : memref<16x32x100000xf32, #tpu.memory_space<hbm>> -> memref<1x1x50080xf32, #tpu.memory_space<hbm>>
    %dma_start3A_1092 = tpu.memref_squeeze %dma_start3A_1091 : memref<1x1x50080xf32, #tpu.memory_space<hbm>> -> memref<50080xf32, #tpu.memory_space<hbm>>
    tpu.enqueue_dma source(%dma_start3A_1092 : memref<50080xf32, #tpu.memory_space<hbm>>) target(%arg12 : memref<50080xf32, #tpu.memory_space<vmem>>) target_semaphore(%arg18 : memref<!tpu.dma_semaphore, #tpu.memory_space<semaphore_mem>>)
    %dma_wait3A_1093 = arith.constant 6 : i32
    %dma_wait3A_1094 = arith.constant 0 : i32
    %dma_wait3A_1095 = tpu.memref_slice %arg15[%dma_wait3A_1094] : memref<4112xf32, #tpu.memory_space<vmem>> -> memref<4096xf32, #tpu.memory_space<vmem>>
    %dma_wait3A_1096 = arith.constant 0 : i32
    %dma_wait3A_1097 = tpu.memref_slice %arg8[%dma_wait3A_1093, %add3A, %dma_wait3A_1096] : memref<16x32x4096xf32, #tpu.memory_space<hbm>> -> memref<1x1x4096xf32, #tpu.memory_space<hbm>>
    %dma_wait3A_1098 = tpu.memref_squeeze %dma_wait3A_1097 : memref<1x1x4096xf32, #tpu.memory_space<hbm>> -> memref<4096xf32, #tpu.memory_space<hbm>>
    %dma_wait3A_1099 = arith.constant 0 : i32
    %dma_wait3A_1100 = tpu.memref_slice %arg8[%dma_wait3A_1093, %add3A, %dma_wait3A_1099] : memref<16x32x4096xf32, #tpu.memory_space<hbm>> -> memref<1x1x4096xf32, #tpu.memory_space<hbm>>
    %dma_wait3A_1101 = tpu.memref_squeeze %dma_wait3A_1100 : memref<1x1x4096xf32, #tpu.memory_space<hbm>> -> memref<4096xf32, #tpu.memory_space<hbm>>
    %dma_wait3A_1102 = arith.constant 0 : i32
    %dma_wait3A_1103 = tpu.memref_slice %arg15[%dma_wait3A_1102] : memref<4112xf32, #tpu.memory_space<vmem>> -> memref<4096xf32, #tpu.memory_space<vmem>>
    tpu.wait_dma2 semaphore(%arg19 : memref<!tpu.dma_semaphore, #tpu.memory_space<semaphore_mem>>) src(%dma_wait3A_1103 : memref<4096xf32, #tpu.memory_space<vmem>>) dst(%dma_wait3A_1101 : memref<4096xf32, #tpu.memory_space<hbm>>)
    %dma_wait3A_1104 = arith.constant 8 : i32
    %dma_wait3A_1105 = arith.constant 0 : i32
    %dma_wait3A_1106 = tpu.memref_slice %arg11[%dma_wait3A_1105] : memref<50080xf32, #tpu.memory_space<vmem>> -> memref<49920xf32, #tpu.memory_space<vmem>>
    %dma_wait3A_1107 = arith.constant 0 : i32
    %dma_wait3A_1108 = tpu.memref_slice %arg5[%dma_wait3A_1104, %add3A, %dma_wait3A_1107] : memref<16x32x100000xf32, #tpu.memory_space<hbm>> -> memref<1x1x49920xf32, #tpu.memory_space<hbm>>
    %dma_wait3A_1109 = tpu.memref_squeeze %dma_wait3A_1108 : memref<1x1x49920xf32, #tpu.memory_space<hbm>> -> memref<49920xf32, #tpu.memory_space<hbm>>
    %dma_wait3A_1110 = arith.constant 0 : i32
    %dma_wait3A_1111 = tpu.memref_slice %arg11[%dma_wait3A_1110] : memref<50080xf32, #tpu.memory_space<vmem>> -> memref<49920xf32, #tpu.memory_space<vmem>>
    %dma_wait3A_1112 = arith.constant 0 : i32
    %dma_wait3A_1113 = tpu.memref_slice %arg5[%dma_wait3A_1104, %add3A, %dma_wait3A_1112] : memref<16x32x100000xf32, #tpu.memory_space<hbm>> -> memref<1x1x49920xf32, #tpu.memory_space<hbm>>
    %dma_wait3A_1114 = tpu.memref_squeeze %dma_wait3A_1113 : memref<1x1x49920xf32, #tpu.memory_space<hbm>> -> memref<49920xf32, #tpu.memory_space<hbm>>
    tpu.wait_dma2 semaphore(%arg17 : memref<!tpu.dma_semaphore, #tpu.memory_space<semaphore_mem>>) src(%dma_wait3A_1114 : memref<49920xf32, #tpu.memory_space<hbm>>) dst(%dma_wait3A_1111 : memref<49920xf32, #tpu.memory_space<vmem>>)
    %add3A_1115 = arith.constant 15 : i32
    %add3A_1116 = arith.addi %scan3A_71#0, %add3A_1115 : i32
    %jit3A_1117 = arith.constant 16 : i32
    %div3A_1118 = arith.divsi %add3A_1116, %jit3A_1117 : i32
    %sign3A_1119 = arith.constant 0 : i32
    %sign3A_1120 = arith.cmpi sgt, %add3A_1116, %sign3A_1119 : i32
    %sign3A_1121 = arith.extui %sign3A_1120 : i1 to i32
    %sign3A_1122 = arith.constant 0 : i32
    %sign3A_1123 = arith.cmpi slt, %add3A_1116, %sign3A_1122 : i32
    %sign3A_1124 = arith.extui %sign3A_1123 : i1 to i32
    %sign3A_1125 = arith.subi %sign3A_1121, %sign3A_1124 : i32
    %sign3A_1126 = arith.constant 0 : i32
    %sign3A_1127 = arith.cmpi sgt, %jit3A_1117, %sign3A_1126 : i32
    %sign3A_1128 = arith.extui %sign3A_1127 : i1 to i32
    %sign3A_1129 = arith.constant 0 : i32
    %sign3A_1130 = arith.cmpi slt, %jit3A_1117, %sign3A_1129 : i32
    %sign3A_1131 = arith.extui %sign3A_1130 : i1 to i32
    %sign3A_1132 = arith.subi %sign3A_1128, %sign3A_1131 : i32
    %ne3A_1133 = arith.cmpi ne, %sign3A_1125, %sign3A_1132 : i32
    %rem3A_1134 = arith.remsi %add3A_1116, %jit3A_1117 : i32
    %ne3A_1135 = arith.constant 0 : i32
    %ne3A_1136 = arith.cmpi ne, %rem3A_1134, %ne3A_1135 : i32
    %and3A_1137 = arith.andi %ne3A_1133, %ne3A_1136 : i1
    %sub3A_1138 = arith.constant 1 : i32
    %sub3A_1139 = arith.subi %div3A_1118, %sub3A_1138 : i32
    %select_n3A_1140 = arith.select %and3A_1137, %sub3A_1139, %div3A_1118 : i32
    %while3A_1141 = arith.constant 0 : i32
    %while3A_1142 = arith.constant 0 : i32
    %while3A_1143 = arith.subi %select_n3A_1140, %while3A_1142 : i32
    %while3A_1144 = arith.addi %while3A_1142, %while3A_1143 : i32
    %while3A_1145 = arith.constant 1 : i32
    %while3A_1146 = arith.divsi %while3A_1143, %while3A_1145 : i32
    %while3A_1147 = arith.muli %while3A_1146, %while3A_1145 : i32
    %while3A_1148 = arith.addi %while3A_1142, %while3A_1147 : i32
    %while3A_1149 = arith.constant 1 : i32
    scf.for %while3A_2429 = %while3A_1142 to %while3A_1148 step %while3A_1149  : i32 {
      %mul3A_2430 = arith.constant 16 : i32
      %mul3A_2431 = arith.muli %while3A_2429, %mul3A_2430 : i32
      %get3A = arith.index_cast %mul3A_2431 : i32 to index
      %get3A_2432 = tpu.vector_load %arg13[%get3A] {strides = array<i32>} : memref<4112xi32, #tpu.memory_space<vmem>>, vector<16xi32>,
      %and3A_2433 = arith.constant 131071 : i32
      %and3A_2434 = vector.broadcast %and3A_2433 : i32 to vector<16xi32>
      %and3A_2435 = arith.andi %get3A_2432, %and3A_2434 : vector<16xi32>
      %shift_right_logical3A = arith.constant 17 : i32
      %shift_right_logical3A_2436 = vector.broadcast %shift_right_logical3A : i32 to vector<16xi32>
      %shift_right_logical3A_2437 = arith.shrui %get3A_2432, %shift_right_logical3A_2436 : vector<16xi32>
      %gather3A = tpu.vector_load_idx %arg11[%and3A_2435] : memref<50080xf32, #tpu.memory_space<vmem>>[vector<16xi32>], vector<16xf32>,
      tpu.vector_store_idx %arg15[%shift_right_logical3A_2437], %gather3A : memref<4112xf32, #tpu.memory_space<vmem>>[vector<16xi32>], vector<16xf32>,
    }
    %while3A_1150 = arith.constant 1 : i32
    scf.for %while3A_2429 = %while3A_1148 to %while3A_1144 step %while3A_1150  : i32 {
      %mul3A_2430 = arith.constant 16 : i32
      %mul3A_2431 = arith.muli %while3A_2429, %mul3A_2430 : i32
      %get3A = arith.index_cast %mul3A_2431 : i32 to index
      %get3A_2432 = tpu.vector_load %arg13[%get3A] {strides = array<i32>} : memref<4112xi32, #tpu.memory_space<vmem>>, vector<16xi32>,
      %and3A_2433 = arith.constant 131071 : i32
      %and3A_2434 = vector.broadcast %and3A_2433 : i32 to vector<16xi32>
      %and3A_2435 = arith.andi %get3A_2432, %and3A_2434 : vector<16xi32>
      %shift_right_logical3A = arith.constant 17 : i32
      %shift_right_logical3A_2436 = vector.broadcast %shift_right_logical3A : i32 to vector<16xi32>
      %shift_right_logical3A_2437 = arith.shrui %get3A_2432, %shift_right_logical3A_2436 : vector<16xi32>
      %gather3A = tpu.vector_load_idx %arg11[%and3A_2435] : memref<50080xf32, #tpu.memory_space<vmem>>[vector<16xi32>], vector<16xf32>,
      tpu.vector_store_idx %arg15[%shift_right_logical3A_2437], %gather3A : memref<4112xf32, #tpu.memory_space<vmem>>[vector<16xi32>], vector<16xf32>,
    }
    %dma_start3A_1151 = arith.constant 9 : i32
    %dma_start3A_1152 = arith.constant 0 : i32
    %dma_start3A_1153 = tpu.memref_slice %arg11[%dma_start3A_1152] : memref<50080xf32, #tpu.memory_space<vmem>> -> memref<49920xf32, #tpu.memory_space<vmem>>
    %dma_start3A_1154 = arith.constant 0 : i32
    %dma_start3A_1155 = tpu.memref_slice %arg5[%dma_start3A_1151, %add3A, %dma_start3A_1154] : memref<16x32x100000xf32, #tpu.memory_space<hbm>> -> memref<1x1x49920xf32, #tpu.memory_space<hbm>>
    %dma_start3A_1156 = tpu.memref_squeeze %dma_start3A_1155 : memref<1x1x49920xf32, #tpu.memory_space<hbm>> -> memref<49920xf32, #tpu.memory_space<hbm>>
    %dma_start3A_1157 = arith.constant 0 : i32
    %dma_start3A_1158 = tpu.memref_slice %arg11[%dma_start3A_1157] : memref<50080xf32, #tpu.memory_space<vmem>> -> memref<49920xf32, #tpu.memory_space<vmem>>
    %dma_start3A_1159 = arith.constant 0 : i32
    %dma_start3A_1160 = tpu.memref_slice %arg5[%dma_start3A_1151, %add3A, %dma_start3A_1159] : memref<16x32x100000xf32, #tpu.memory_space<hbm>> -> memref<1x1x49920xf32, #tpu.memory_space<hbm>>
    %dma_start3A_1161 = tpu.memref_squeeze %dma_start3A_1160 : memref<1x1x49920xf32, #tpu.memory_space<hbm>> -> memref<49920xf32, #tpu.memory_space<hbm>>
    tpu.enqueue_dma source(%dma_start3A_1161 : memref<49920xf32, #tpu.memory_space<hbm>>) target(%dma_start3A_1158 : memref<49920xf32, #tpu.memory_space<vmem>>) target_semaphore(%arg17 : memref<!tpu.dma_semaphore, #tpu.memory_space<semaphore_mem>>)
    %dma_wait3A_1162 = arith.constant 8 : i32
    %dma_wait3A_1163 = arith.constant 49920 : i32
    %dma_wait3A_1164 = tpu.memref_slice %arg5[%dma_wait3A_1162, %add3A, %dma_wait3A_1163] : memref<16x32x100000xf32, #tpu.memory_space<hbm>> -> memref<1x1x50080xf32, #tpu.memory_space<hbm>>
    %dma_wait3A_1165 = tpu.memref_squeeze %dma_wait3A_1164 : memref<1x1x50080xf32, #tpu.memory_space<hbm>> -> memref<50080xf32, #tpu.memory_space<hbm>>
    %dma_wait3A_1166 = arith.constant 49920 : i32
    %dma_wait3A_1167 = tpu.memref_slice %arg5[%dma_wait3A_1162, %add3A, %dma_wait3A_1166] : memref<16x32x100000xf32, #tpu.memory_space<hbm>> -> memref<1x1x50080xf32, #tpu.memory_space<hbm>>
    %dma_wait3A_1168 = tpu.memref_squeeze %dma_wait3A_1167 : memref<1x1x50080xf32, #tpu.memory_space<hbm>> -> memref<50080xf32, #tpu.memory_space<hbm>>
    tpu.wait_dma2 semaphore(%arg18 : memref<!tpu.dma_semaphore, #tpu.memory_space<semaphore_mem>>) src(%dma_wait3A_1168 : memref<50080xf32, #tpu.memory_space<hbm>>) dst(%arg12 : memref<50080xf32, #tpu.memory_space<vmem>>)
    %add3A_1169 = arith.constant 15 : i32
    %add3A_1170 = arith.addi %scan3A_71#1, %add3A_1169 : i32
    %jit3A_1171 = arith.constant 16 : i32
    %div3A_1172 = arith.divsi %add3A_1170, %jit3A_1171 : i32
    %sign3A_1173 = arith.constant 0 : i32
    %sign3A_1174 = arith.cmpi sgt, %add3A_1170, %sign3A_1173 : i32
    %sign3A_1175 = arith.extui %sign3A_1174 : i1 to i32
    %sign3A_1176 = arith.constant 0 : i32
    %sign3A_1177 = arith.cmpi slt, %add3A_1170, %sign3A_1176 : i32
    %sign3A_1178 = arith.extui %sign3A_1177 : i1 to i32
    %sign3A_1179 = arith.subi %sign3A_1175, %sign3A_1178 : i32
    %sign3A_1180 = arith.constant 0 : i32
    %sign3A_1181 = arith.cmpi sgt, %jit3A_1171, %sign3A_1180 : i32
    %sign3A_1182 = arith.extui %sign3A_1181 : i1 to i32
    %sign3A_1183 = arith.constant 0 : i32
    %sign3A_1184 = arith.cmpi slt, %jit3A_1171, %sign3A_1183 : i32
    %sign3A_1185 = arith.extui %sign3A_1184 : i1 to i32
    %sign3A_1186 = arith.subi %sign3A_1182, %sign3A_1185 : i32
    %ne3A_1187 = arith.cmpi ne, %sign3A_1179, %sign3A_1186 : i32
    %rem3A_1188 = arith.remsi %add3A_1170, %jit3A_1171 : i32
    %ne3A_1189 = arith.constant 0 : i32
    %ne3A_1190 = arith.cmpi ne, %rem3A_1188, %ne3A_1189 : i32
    %and3A_1191 = arith.andi %ne3A_1187, %ne3A_1190 : i1
    %sub3A_1192 = arith.constant 1 : i32
    %sub3A_1193 = arith.subi %div3A_1172, %sub3A_1192 : i32
    %select_n3A_1194 = arith.select %and3A_1191, %sub3A_1193, %div3A_1172 : i32
    %while3A_1195 = arith.constant 0 : i32
    %while3A_1196 = arith.constant 0 : i32
    %while3A_1197 = arith.subi %select_n3A_1194, %while3A_1196 : i32
    %while3A_1198 = arith.addi %while3A_1196, %while3A_1197 : i32
    %while3A_1199 = arith.constant 1 : i32
    %while3A_1200 = arith.divsi %while3A_1197, %while3A_1199 : i32
    %while3A_1201 = arith.muli %while3A_1200, %while3A_1199 : i32
    %while3A_1202 = arith.addi %while3A_1196, %while3A_1201 : i32
    %while3A_1203 = arith.constant 1 : i32
    scf.for %while3A_2429 = %while3A_1196 to %while3A_1202 step %while3A_1203  : i32 {
      %mul3A_2430 = arith.constant 16 : i32
      %mul3A_2431 = arith.muli %while3A_2429, %mul3A_2430 : i32
      %get3A = arith.index_cast %mul3A_2431 : i32 to index
      %get3A_2432 = tpu.vector_load %arg14[%get3A] {strides = array<i32>} : memref<4112xi32, #tpu.memory_space<vmem>>, vector<16xi32>,
      %and3A_2433 = arith.constant 131071 : i32
      %and3A_2434 = vector.broadcast %and3A_2433 : i32 to vector<16xi32>
      %and3A_2435 = arith.andi %get3A_2432, %and3A_2434 : vector<16xi32>
      %shift_right_logical3A = arith.constant 17 : i32
      %shift_right_logical3A_2436 = vector.broadcast %shift_right_logical3A : i32 to vector<16xi32>
      %shift_right_logical3A_2437 = arith.shrui %get3A_2432, %shift_right_logical3A_2436 : vector<16xi32>
      %gather3A = tpu.vector_load_idx %arg12[%and3A_2435] : memref<50080xf32, #tpu.memory_space<vmem>>[vector<16xi32>], vector<16xf32>,
      tpu.vector_store_idx %arg15[%shift_right_logical3A_2437], %gather3A : memref<4112xf32, #tpu.memory_space<vmem>>[vector<16xi32>], vector<16xf32>,
    }
    %while3A_1204 = arith.constant 1 : i32
    scf.for %while3A_2429 = %while3A_1202 to %while3A_1198 step %while3A_1204  : i32 {
      %mul3A_2430 = arith.constant 16 : i32
      %mul3A_2431 = arith.muli %while3A_2429, %mul3A_2430 : i32
      %get3A = arith.index_cast %mul3A_2431 : i32 to index
      %get3A_2432 = tpu.vector_load %arg14[%get3A] {strides = array<i32>} : memref<4112xi32, #tpu.memory_space<vmem>>, vector<16xi32>,
      %and3A_2433 = arith.constant 131071 : i32
      %and3A_2434 = vector.broadcast %and3A_2433 : i32 to vector<16xi32>
      %and3A_2435 = arith.andi %get3A_2432, %and3A_2434 : vector<16xi32>
      %shift_right_logical3A = arith.constant 17 : i32
      %shift_right_logical3A_2436 = vector.broadcast %shift_right_logical3A : i32 to vector<16xi32>
      %shift_right_logical3A_2437 = arith.shrui %get3A_2432, %shift_right_logical3A_2436 : vector<16xi32>
      %gather3A = tpu.vector_load_idx %arg12[%and3A_2435] : memref<50080xf32, #tpu.memory_space<vmem>>[vector<16xi32>], vector<16xf32>,
      tpu.vector_store_idx %arg15[%shift_right_logical3A_2437], %gather3A : memref<4112xf32, #tpu.memory_space<vmem>>[vector<16xi32>], vector<16xf32>,
    }
    %dma_start3A_1205 = arith.constant 8 : i32
    %dma_start3A_1206 = arith.constant 0 : i32
    %dma_start3A_1207 = tpu.memref_slice %arg15[%dma_start3A_1206] : memref<4112xf32, #tpu.memory_space<vmem>> -> memref<4096xf32, #tpu.memory_space<vmem>>
    %dma_start3A_1208 = arith.constant 0 : i32
    %dma_start3A_1209 = tpu.memref_slice %arg8[%dma_start3A_1205, %add3A, %dma_start3A_1208] : memref<16x32x4096xf32, #tpu.memory_space<hbm>> -> memref<1x1x4096xf32, #tpu.memory_space<hbm>>
    %dma_start3A_1210 = tpu.memref_squeeze %dma_start3A_1209 : memref<1x1x4096xf32, #tpu.memory_space<hbm>> -> memref<4096xf32, #tpu.memory_space<hbm>>
    %dma_start3A_1211 = arith.constant 0 : i32
    %dma_start3A_1212 = tpu.memref_slice %arg8[%dma_start3A_1205, %add3A, %dma_start3A_1211] : memref<16x32x4096xf32, #tpu.memory_space<hbm>> -> memref<1x1x4096xf32, #tpu.memory_space<hbm>>
    %dma_start3A_1213 = tpu.memref_squeeze %dma_start3A_1212 : memref<1x1x4096xf32, #tpu.memory_space<hbm>> -> memref<4096xf32, #tpu.memory_space<hbm>>
    %dma_start3A_1214 = arith.constant 0 : i32
    %dma_start3A_1215 = tpu.memref_slice %arg15[%dma_start3A_1214] : memref<4112xf32, #tpu.memory_space<vmem>> -> memref<4096xf32, #tpu.memory_space<vmem>>
    tpu.enqueue_dma source(%dma_start3A_1215 : memref<4096xf32, #tpu.memory_space<vmem>>) target(%dma_start3A_1213 : memref<4096xf32, #tpu.memory_space<hbm>>) target_semaphore(%arg19 : memref<!tpu.dma_semaphore, #tpu.memory_space<semaphore_mem>>)
    %dma_start3A_1216 = arith.constant 9 : i32
    %dma_start3A_1217 = arith.constant 49920 : i32
    %dma_start3A_1218 = tpu.memref_slice %arg5[%dma_start3A_1216, %add3A, %dma_start3A_1217] : memref<16x32x100000xf32, #tpu.memory_space<hbm>> -> memref<1x1x50080xf32, #tpu.memory_space<hbm>>
    %dma_start3A_1219 = tpu.memref_squeeze %dma_start3A_1218 : memref<1x1x50080xf32, #tpu.memory_space<hbm>> -> memref<50080xf32, #tpu.memory_space<hbm>>
    %dma_start3A_1220 = arith.constant 49920 : i32
    %dma_start3A_1221 = tpu.memref_slice %arg5[%dma_start3A_1216, %add3A, %dma_start3A_1220] : memref<16x32x100000xf32, #tpu.memory_space<hbm>> -> memref<1x1x50080xf32, #tpu.memory_space<hbm>>
    %dma_start3A_1222 = tpu.memref_squeeze %dma_start3A_1221 : memref<1x1x50080xf32, #tpu.memory_space<hbm>> -> memref<50080xf32, #tpu.memory_space<hbm>>
    tpu.enqueue_dma source(%dma_start3A_1222 : memref<50080xf32, #tpu.memory_space<hbm>>) target(%arg12 : memref<50080xf32, #tpu.memory_space<vmem>>) target_semaphore(%arg18 : memref<!tpu.dma_semaphore, #tpu.memory_space<semaphore_mem>>)
    %dma_wait3A_1223 = arith.constant 7 : i32
    %dma_wait3A_1224 = arith.constant 0 : i32
    %dma_wait3A_1225 = tpu.memref_slice %arg16[%dma_wait3A_1224] : memref<4112xf32, #tpu.memory_space<vmem>> -> memref<4096xf32, #tpu.memory_space<vmem>>
    %dma_wait3A_1226 = arith.constant 0 : i32
    %dma_wait3A_1227 = tpu.memref_slice %arg8[%dma_wait3A_1223, %add3A, %dma_wait3A_1226] : memref<16x32x4096xf32, #tpu.memory_space<hbm>> -> memref<1x1x4096xf32, #tpu.memory_space<hbm>>
    %dma_wait3A_1228 = tpu.memref_squeeze %dma_wait3A_1227 : memref<1x1x4096xf32, #tpu.memory_space<hbm>> -> memref<4096xf32, #tpu.memory_space<hbm>>
    %dma_wait3A_1229 = arith.constant 0 : i32
    %dma_wait3A_1230 = tpu.memref_slice %arg8[%dma_wait3A_1223, %add3A, %dma_wait3A_1229] : memref<16x32x4096xf32, #tpu.memory_space<hbm>> -> memref<1x1x4096xf32, #tpu.memory_space<hbm>>
    %dma_wait3A_1231 = tpu.memref_squeeze %dma_wait3A_1230 : memref<1x1x4096xf32, #tpu.memory_space<hbm>> -> memref<4096xf32, #tpu.memory_space<hbm>>
    %dma_wait3A_1232 = arith.constant 0 : i32
    %dma_wait3A_1233 = tpu.memref_slice %arg16[%dma_wait3A_1232] : memref<4112xf32, #tpu.memory_space<vmem>> -> memref<4096xf32, #tpu.memory_space<vmem>>
    tpu.wait_dma2 semaphore(%arg20 : memref<!tpu.dma_semaphore, #tpu.memory_space<semaphore_mem>>) src(%dma_wait3A_1233 : memref<4096xf32, #tpu.memory_space<vmem>>) dst(%dma_wait3A_1231 : memref<4096xf32, #tpu.memory_space<hbm>>)
    %dma_wait3A_1234 = arith.constant 9 : i32
    %dma_wait3A_1235 = arith.constant 0 : i32
    %dma_wait3A_1236 = tpu.memref_slice %arg11[%dma_wait3A_1235] : memref<50080xf32, #tpu.memory_space<vmem>> -> memref<49920xf32, #tpu.memory_space<vmem>>
    %dma_wait3A_1237 = arith.constant 0 : i32
    %dma_wait3A_1238 = tpu.memref_slice %arg5[%dma_wait3A_1234, %add3A, %dma_wait3A_1237] : memref<16x32x100000xf32, #tpu.memory_space<hbm>> -> memref<1x1x49920xf32, #tpu.memory_space<hbm>>
    %dma_wait3A_1239 = tpu.memref_squeeze %dma_wait3A_1238 : memref<1x1x49920xf32, #tpu.memory_space<hbm>> -> memref<49920xf32, #tpu.memory_space<hbm>>
    %dma_wait3A_1240 = arith.constant 0 : i32
    %dma_wait3A_1241 = tpu.memref_slice %arg11[%dma_wait3A_1240] : memref<50080xf32, #tpu.memory_space<vmem>> -> memref<49920xf32, #tpu.memory_space<vmem>>
    %dma_wait3A_1242 = arith.constant 0 : i32
    %dma_wait3A_1243 = tpu.memref_slice %arg5[%dma_wait3A_1234, %add3A, %dma_wait3A_1242] : memref<16x32x100000xf32, #tpu.memory_space<hbm>> -> memref<1x1x49920xf32, #tpu.memory_space<hbm>>
    %dma_wait3A_1244 = tpu.memref_squeeze %dma_wait3A_1243 : memref<1x1x49920xf32, #tpu.memory_space<hbm>> -> memref<49920xf32, #tpu.memory_space<hbm>>
    tpu.wait_dma2 semaphore(%arg17 : memref<!tpu.dma_semaphore, #tpu.memory_space<semaphore_mem>>) src(%dma_wait3A_1244 : memref<49920xf32, #tpu.memory_space<hbm>>) dst(%dma_wait3A_1241 : memref<49920xf32, #tpu.memory_space<vmem>>)
    %add3A_1245 = arith.constant 15 : i32
    %add3A_1246 = arith.addi %scan3A_71#0, %add3A_1245 : i32
    %jit3A_1247 = arith.constant 16 : i32
    %div3A_1248 = arith.divsi %add3A_1246, %jit3A_1247 : i32
    %sign3A_1249 = arith.constant 0 : i32
    %sign3A_1250 = arith.cmpi sgt, %add3A_1246, %sign3A_1249 : i32
    %sign3A_1251 = arith.extui %sign3A_1250 : i1 to i32
    %sign3A_1252 = arith.constant 0 : i32
    %sign3A_1253 = arith.cmpi slt, %add3A_1246, %sign3A_1252 : i32
    %sign3A_1254 = arith.extui %sign3A_1253 : i1 to i32
    %sign3A_1255 = arith.subi %sign3A_1251, %sign3A_1254 : i32
    %sign3A_1256 = arith.constant 0 : i32
    %sign3A_1257 = arith.cmpi sgt, %jit3A_1247, %sign3A_1256 : i32
    %sign3A_1258 = arith.extui %sign3A_1257 : i1 to i32
    %sign3A_1259 = arith.constant 0 : i32
    %sign3A_1260 = arith.cmpi slt, %jit3A_1247, %sign3A_1259 : i32
    %sign3A_1261 = arith.extui %sign3A_1260 : i1 to i32
    %sign3A_1262 = arith.subi %sign3A_1258, %sign3A_1261 : i32
    %ne3A_1263 = arith.cmpi ne, %sign3A_1255, %sign3A_1262 : i32
    %rem3A_1264 = arith.remsi %add3A_1246, %jit3A_1247 : i32
    %ne3A_1265 = arith.constant 0 : i32
    %ne3A_1266 = arith.cmpi ne, %rem3A_1264, %ne3A_1265 : i32
    %and3A_1267 = arith.andi %ne3A_1263, %ne3A_1266 : i1
    %sub3A_1268 = arith.constant 1 : i32
    %sub3A_1269 = arith.subi %div3A_1248, %sub3A_1268 : i32
    %select_n3A_1270 = arith.select %and3A_1267, %sub3A_1269, %div3A_1248 : i32
    %while3A_1271 = arith.constant 0 : i32
    %while3A_1272 = arith.constant 0 : i32
    %while3A_1273 = arith.subi %select_n3A_1270, %while3A_1272 : i32
    %while3A_1274 = arith.addi %while3A_1272, %while3A_1273 : i32
    %while3A_1275 = arith.constant 1 : i32
    %while3A_1276 = arith.divsi %while3A_1273, %while3A_1275 : i32
    %while3A_1277 = arith.muli %while3A_1276, %while3A_1275 : i32
    %while3A_1278 = arith.addi %while3A_1272, %while3A_1277 : i32
    %while3A_1279 = arith.constant 1 : i32
    scf.for %while3A_2429 = %while3A_1272 to %while3A_1278 step %while3A_1279  : i32 {
      %mul3A_2430 = arith.constant 16 : i32
      %mul3A_2431 = arith.muli %while3A_2429, %mul3A_2430 : i32
      %get3A = arith.index_cast %mul3A_2431 : i32 to index
      %get3A_2432 = tpu.vector_load %arg13[%get3A] {strides = array<i32>} : memref<4112xi32, #tpu.memory_space<vmem>>, vector<16xi32>,
      %and3A_2433 = arith.constant 131071 : i32
      %and3A_2434 = vector.broadcast %and3A_2433 : i32 to vector<16xi32>
      %and3A_2435 = arith.andi %get3A_2432, %and3A_2434 : vector<16xi32>
      %shift_right_logical3A = arith.constant 17 : i32
      %shift_right_logical3A_2436 = vector.broadcast %shift_right_logical3A : i32 to vector<16xi32>
      %shift_right_logical3A_2437 = arith.shrui %get3A_2432, %shift_right_logical3A_2436 : vector<16xi32>
      %gather3A = tpu.vector_load_idx %arg11[%and3A_2435] : memref<50080xf32, #tpu.memory_space<vmem>>[vector<16xi32>], vector<16xf32>,
      tpu.vector_store_idx %arg16[%shift_right_logical3A_2437], %gather3A : memref<4112xf32, #tpu.memory_space<vmem>>[vector<16xi32>], vector<16xf32>,
    }
    %while3A_1280 = arith.constant 1 : i32
    scf.for %while3A_2429 = %while3A_1278 to %while3A_1274 step %while3A_1280  : i32 {
      %mul3A_2430 = arith.constant 16 : i32
      %mul3A_2431 = arith.muli %while3A_2429, %mul3A_2430 : i32
      %get3A = arith.index_cast %mul3A_2431 : i32 to index
      %get3A_2432 = tpu.vector_load %arg13[%get3A] {strides = array<i32>} : memref<4112xi32, #tpu.memory_space<vmem>>, vector<16xi32>,
      %and3A_2433 = arith.constant 131071 : i32
      %and3A_2434 = vector.broadcast %and3A_2433 : i32 to vector<16xi32>
      %and3A_2435 = arith.andi %get3A_2432, %and3A_2434 : vector<16xi32>
      %shift_right_logical3A = arith.constant 17 : i32
      %shift_right_logical3A_2436 = vector.broadcast %shift_right_logical3A : i32 to vector<16xi32>
      %shift_right_logical3A_2437 = arith.shrui %get3A_2432, %shift_right_logical3A_2436 : vector<16xi32>
      %gather3A = tpu.vector_load_idx %arg11[%and3A_2435] : memref<50080xf32, #tpu.memory_space<vmem>>[vector<16xi32>], vector<16xf32>,
      tpu.vector_store_idx %arg16[%shift_right_logical3A_2437], %gather3A : memref<4112xf32, #tpu.memory_space<vmem>>[vector<16xi32>], vector<16xf32>,
    }
    %dma_start3A_1281 = arith.constant 10 : i32
    %dma_start3A_1282 = arith.constant 0 : i32
    %dma_start3A_1283 = tpu.memref_slice %arg11[%dma_start3A_1282] : memref<50080xf32, #tpu.memory_space<vmem>> -> memref<49920xf32, #tpu.memory_space<vmem>>
    %dma_start3A_1284 = arith.constant 0 : i32
    %dma_start3A_1285 = tpu.memref_slice %arg5[%dma_start3A_1281, %add3A, %dma_start3A_1284] : memref<16x32x100000xf32, #tpu.memory_space<hbm>> -> memref<1x1x49920xf32, #tpu.memory_space<hbm>>
    %dma_start3A_1286 = tpu.memref_squeeze %dma_start3A_1285 : memref<1x1x49920xf32, #tpu.memory_space<hbm>> -> memref<49920xf32, #tpu.memory_space<hbm>>
    %dma_start3A_1287 = arith.constant 0 : i32
    %dma_start3A_1288 = tpu.memref_slice %arg11[%dma_start3A_1287] : memref<50080xf32, #tpu.memory_space<vmem>> -> memref<49920xf32, #tpu.memory_space<vmem>>
    %dma_start3A_1289 = arith.constant 0 : i32
    %dma_start3A_1290 = tpu.memref_slice %arg5[%dma_start3A_1281, %add3A, %dma_start3A_1289] : memref<16x32x100000xf32, #tpu.memory_space<hbm>> -> memref<1x1x49920xf32, #tpu.memory_space<hbm>>
    %dma_start3A_1291 = tpu.memref_squeeze %dma_start3A_1290 : memref<1x1x49920xf32, #tpu.memory_space<hbm>> -> memref<49920xf32, #tpu.memory_space<hbm>>
    tpu.enqueue_dma source(%dma_start3A_1291 : memref<49920xf32, #tpu.memory_space<hbm>>) target(%dma_start3A_1288 : memref<49920xf32, #tpu.memory_space<vmem>>) target_semaphore(%arg17 : memref<!tpu.dma_semaphore, #tpu.memory_space<semaphore_mem>>)
    %dma_wait3A_1292 = arith.constant 9 : i32
    %dma_wait3A_1293 = arith.constant 49920 : i32
    %dma_wait3A_1294 = tpu.memref_slice %arg5[%dma_wait3A_1292, %add3A, %dma_wait3A_1293] : memref<16x32x100000xf32, #tpu.memory_space<hbm>> -> memref<1x1x50080xf32, #tpu.memory_space<hbm>>
    %dma_wait3A_1295 = tpu.memref_squeeze %dma_wait3A_1294 : memref<1x1x50080xf32, #tpu.memory_space<hbm>> -> memref<50080xf32, #tpu.memory_space<hbm>>
    %dma_wait3A_1296 = arith.constant 49920 : i32
    %dma_wait3A_1297 = tpu.memref_slice %arg5[%dma_wait3A_1292, %add3A, %dma_wait3A_1296] : memref<16x32x100000xf32, #tpu.memory_space<hbm>> -> memref<1x1x50080xf32, #tpu.memory_space<hbm>>
    %dma_wait3A_1298 = tpu.memref_squeeze %dma_wait3A_1297 : memref<1x1x50080xf32, #tpu.memory_space<hbm>> -> memref<50080xf32, #tpu.memory_space<hbm>>
    tpu.wait_dma2 semaphore(%arg18 : memref<!tpu.dma_semaphore, #tpu.memory_space<semaphore_mem>>) src(%dma_wait3A_1298 : memref<50080xf32, #tpu.memory_space<hbm>>) dst(%arg12 : memref<50080xf32, #tpu.memory_space<vmem>>)
    %add3A_1299 = arith.constant 15 : i32
    %add3A_1300 = arith.addi %scan3A_71#1, %add3A_1299 : i32
    %jit3A_1301 = arith.constant 16 : i32
    %div3A_1302 = arith.divsi %add3A_1300, %jit3A_1301 : i32
    %sign3A_1303 = arith.constant 0 : i32
    %sign3A_1304 = arith.cmpi sgt, %add3A_1300, %sign3A_1303 : i32
    %sign3A_1305 = arith.extui %sign3A_1304 : i1 to i32
    %sign3A_1306 = arith.constant 0 : i32
    %sign3A_1307 = arith.cmpi slt, %add3A_1300, %sign3A_1306 : i32
    %sign3A_1308 = arith.extui %sign3A_1307 : i1 to i32
    %sign3A_1309 = arith.subi %sign3A_1305, %sign3A_1308 : i32
    %sign3A_1310 = arith.constant 0 : i32
    %sign3A_1311 = arith.cmpi sgt, %jit3A_1301, %sign3A_1310 : i32
    %sign3A_1312 = arith.extui %sign3A_1311 : i1 to i32
    %sign3A_1313 = arith.constant 0 : i32
    %sign3A_1314 = arith.cmpi slt, %jit3A_1301, %sign3A_1313 : i32
    %sign3A_1315 = arith.extui %sign3A_1314 : i1 to i32
    %sign3A_1316 = arith.subi %sign3A_1312, %sign3A_1315 : i32
    %ne3A_1317 = arith.cmpi ne, %sign3A_1309, %sign3A_1316 : i32
    %rem3A_1318 = arith.remsi %add3A_1300, %jit3A_1301 : i32
    %ne3A_1319 = arith.constant 0 : i32
    %ne3A_1320 = arith.cmpi ne, %rem3A_1318, %ne3A_1319 : i32
    %and3A_1321 = arith.andi %ne3A_1317, %ne3A_1320 : i1
    %sub3A_1322 = arith.constant 1 : i32
    %sub3A_1323 = arith.subi %div3A_1302, %sub3A_1322 : i32
    %select_n3A_1324 = arith.select %and3A_1321, %sub3A_1323, %div3A_1302 : i32
    %while3A_1325 = arith.constant 0 : i32
    %while3A_1326 = arith.constant 0 : i32
    %while3A_1327 = arith.subi %select_n3A_1324, %while3A_1326 : i32
    %while3A_1328 = arith.addi %while3A_1326, %while3A_1327 : i32
    %while3A_1329 = arith.constant 1 : i32
    %while3A_1330 = arith.divsi %while3A_1327, %while3A_1329 : i32
    %while3A_1331 = arith.muli %while3A_1330, %while3A_1329 : i32
    %while3A_1332 = arith.addi %while3A_1326, %while3A_1331 : i32
    %while3A_1333 = arith.constant 1 : i32
    scf.for %while3A_2429 = %while3A_1326 to %while3A_1332 step %while3A_1333  : i32 {
      %mul3A_2430 = arith.constant 16 : i32
      %mul3A_2431 = arith.muli %while3A_2429, %mul3A_2430 : i32
      %get3A = arith.index_cast %mul3A_2431 : i32 to index
      %get3A_2432 = tpu.vector_load %arg14[%get3A] {strides = array<i32>} : memref<4112xi32, #tpu.memory_space<vmem>>, vector<16xi32>,
      %and3A_2433 = arith.constant 131071 : i32
      %and3A_2434 = vector.broadcast %and3A_2433 : i32 to vector<16xi32>
      %and3A_2435 = arith.andi %get3A_2432, %and3A_2434 : vector<16xi32>
      %shift_right_logical3A = arith.constant 17 : i32
      %shift_right_logical3A_2436 = vector.broadcast %shift_right_logical3A : i32 to vector<16xi32>
      %shift_right_logical3A_2437 = arith.shrui %get3A_2432, %shift_right_logical3A_2436 : vector<16xi32>
      %gather3A = tpu.vector_load_idx %arg12[%and3A_2435] : memref<50080xf32, #tpu.memory_space<vmem>>[vector<16xi32>], vector<16xf32>,
      tpu.vector_store_idx %arg16[%shift_right_logical3A_2437], %gather3A : memref<4112xf32, #tpu.memory_space<vmem>>[vector<16xi32>], vector<16xf32>,
    }
    %while3A_1334 = arith.constant 1 : i32
    scf.for %while3A_2429 = %while3A_1332 to %while3A_1328 step %while3A_1334  : i32 {
      %mul3A_2430 = arith.constant 16 : i32
      %mul3A_2431 = arith.muli %while3A_2429, %mul3A_2430 : i32
      %get3A = arith.index_cast %mul3A_2431 : i32 to index
      %get3A_2432 = tpu.vector_load %arg14[%get3A] {strides = array<i32>} : memref<4112xi32, #tpu.memory_space<vmem>>, vector<16xi32>,
      %and3A_2433 = arith.constant 131071 : i32
      %and3A_2434 = vector.broadcast %and3A_2433 : i32 to vector<16xi32>
      %and3A_2435 = arith.andi %get3A_2432, %and3A_2434 : vector<16xi32>
      %shift_right_logical3A = arith.constant 17 : i32
      %shift_right_logical3A_2436 = vector.broadcast %shift_right_logical3A : i32 to vector<16xi32>
      %shift_right_logical3A_2437 = arith.shrui %get3A_2432, %shift_right_logical3A_2436 : vector<16xi32>
      %gather3A = tpu.vector_load_idx %arg12[%and3A_2435] : memref<50080xf32, #tpu.memory_space<vmem>>[vector<16xi32>], vector<16xf32>,
      tpu.vector_store_idx %arg16[%shift_right_logical3A_2437], %gather3A : memref<4112xf32, #tpu.memory_space<vmem>>[vector<16xi32>], vector<16xf32>,
    }
    %dma_start3A_1335 = arith.constant 9 : i32
    %dma_start3A_1336 = arith.constant 0 : i32
    %dma_start3A_1337 = tpu.memref_slice %arg16[%dma_start3A_1336] : memref<4112xf32, #tpu.memory_space<vmem>> -> memref<4096xf32, #tpu.memory_space<vmem>>
    %dma_start3A_1338 = arith.constant 0 : i32
    %dma_start3A_1339 = tpu.memref_slice %arg8[%dma_start3A_1335, %add3A, %dma_start3A_1338] : memref<16x32x4096xf32, #tpu.memory_space<hbm>> -> memref<1x1x4096xf32, #tpu.memory_space<hbm>>
    %dma_start3A_1340 = tpu.memref_squeeze %dma_start3A_1339 : memref<1x1x4096xf32, #tpu.memory_space<hbm>> -> memref<4096xf32, #tpu.memory_space<hbm>>
    %dma_start3A_1341 = arith.constant 0 : i32
    %dma_start3A_1342 = tpu.memref_slice %arg8[%dma_start3A_1335, %add3A, %dma_start3A_1341] : memref<16x32x4096xf32, #tpu.memory_space<hbm>> -> memref<1x1x4096xf32, #tpu.memory_space<hbm>>
    %dma_start3A_1343 = tpu.memref_squeeze %dma_start3A_1342 : memref<1x1x4096xf32, #tpu.memory_space<hbm>> -> memref<4096xf32, #tpu.memory_space<hbm>>
    %dma_start3A_1344 = arith.constant 0 : i32
    %dma_start3A_1345 = tpu.memref_slice %arg16[%dma_start3A_1344] : memref<4112xf32, #tpu.memory_space<vmem>> -> memref<4096xf32, #tpu.memory_space<vmem>>
    tpu.enqueue_dma source(%dma_start3A_1345 : memref<4096xf32, #tpu.memory_space<vmem>>) target(%dma_start3A_1343 : memref<4096xf32, #tpu.memory_space<hbm>>) target_semaphore(%arg20 : memref<!tpu.dma_semaphore, #tpu.memory_space<semaphore_mem>>)
    %dma_start3A_1346 = arith.constant 10 : i32
    %dma_start3A_1347 = arith.constant 49920 : i32
    %dma_start3A_1348 = tpu.memref_slice %arg5[%dma_start3A_1346, %add3A, %dma_start3A_1347] : memref<16x32x100000xf32, #tpu.memory_space<hbm>> -> memref<1x1x50080xf32, #tpu.memory_space<hbm>>
    %dma_start3A_1349 = tpu.memref_squeeze %dma_start3A_1348 : memref<1x1x50080xf32, #tpu.memory_space<hbm>> -> memref<50080xf32, #tpu.memory_space<hbm>>
    %dma_start3A_1350 = arith.constant 49920 : i32
    %dma_start3A_1351 = tpu.memref_slice %arg5[%dma_start3A_1346, %add3A, %dma_start3A_1350] : memref<16x32x100000xf32, #tpu.memory_space<hbm>> -> memref<1x1x50080xf32, #tpu.memory_space<hbm>>
    %dma_start3A_1352 = tpu.memref_squeeze %dma_start3A_1351 : memref<1x1x50080xf32, #tpu.memory_space<hbm>> -> memref<50080xf32, #tpu.memory_space<hbm>>
    tpu.enqueue_dma source(%dma_start3A_1352 : memref<50080xf32, #tpu.memory_space<hbm>>) target(%arg12 : memref<50080xf32, #tpu.memory_space<vmem>>) target_semaphore(%arg18 : memref<!tpu.dma_semaphore, #tpu.memory_space<semaphore_mem>>)
    %dma_wait3A_1353 = arith.constant 8 : i32
    %dma_wait3A_1354 = arith.constant 0 : i32
    %dma_wait3A_1355 = tpu.memref_slice %arg15[%dma_wait3A_1354] : memref<4112xf32, #tpu.memory_space<vmem>> -> memref<4096xf32, #tpu.memory_space<vmem>>
    %dma_wait3A_1356 = arith.constant 0 : i32
    %dma_wait3A_1357 = tpu.memref_slice %arg8[%dma_wait3A_1353, %add3A, %dma_wait3A_1356] : memref<16x32x4096xf32, #tpu.memory_space<hbm>> -> memref<1x1x4096xf32, #tpu.memory_space<hbm>>
    %dma_wait3A_1358 = tpu.memref_squeeze %dma_wait3A_1357 : memref<1x1x4096xf32, #tpu.memory_space<hbm>> -> memref<4096xf32, #tpu.memory_space<hbm>>
    %dma_wait3A_1359 = arith.constant 0 : i32
    %dma_wait3A_1360 = tpu.memref_slice %arg8[%dma_wait3A_1353, %add3A, %dma_wait3A_1359] : memref<16x32x4096xf32, #tpu.memory_space<hbm>> -> memref<1x1x4096xf32, #tpu.memory_space<hbm>>
    %dma_wait3A_1361 = tpu.memref_squeeze %dma_wait3A_1360 : memref<1x1x4096xf32, #tpu.memory_space<hbm>> -> memref<4096xf32, #tpu.memory_space<hbm>>
    %dma_wait3A_1362 = arith.constant 0 : i32
    %dma_wait3A_1363 = tpu.memref_slice %arg15[%dma_wait3A_1362] : memref<4112xf32, #tpu.memory_space<vmem>> -> memref<4096xf32, #tpu.memory_space<vmem>>
    tpu.wait_dma2 semaphore(%arg19 : memref<!tpu.dma_semaphore, #tpu.memory_space<semaphore_mem>>) src(%dma_wait3A_1363 : memref<4096xf32, #tpu.memory_space<vmem>>) dst(%dma_wait3A_1361 : memref<4096xf32, #tpu.memory_space<hbm>>)
    %dma_wait3A_1364 = arith.constant 10 : i32
    %dma_wait3A_1365 = arith.constant 0 : i32
    %dma_wait3A_1366 = tpu.memref_slice %arg11[%dma_wait3A_1365] : memref<50080xf32, #tpu.memory_space<vmem>> -> memref<49920xf32, #tpu.memory_space<vmem>>
    %dma_wait3A_1367 = arith.constant 0 : i32
    %dma_wait3A_1368 = tpu.memref_slice %arg5[%dma_wait3A_1364, %add3A, %dma_wait3A_1367] : memref<16x32x100000xf32, #tpu.memory_space<hbm>> -> memref<1x1x49920xf32, #tpu.memory_space<hbm>>
    %dma_wait3A_1369 = tpu.memref_squeeze %dma_wait3A_1368 : memref<1x1x49920xf32, #tpu.memory_space<hbm>> -> memref<49920xf32, #tpu.memory_space<hbm>>
    %dma_wait3A_1370 = arith.constant 0 : i32
    %dma_wait3A_1371 = tpu.memref_slice %arg11[%dma_wait3A_1370] : memref<50080xf32, #tpu.memory_space<vmem>> -> memref<49920xf32, #tpu.memory_space<vmem>>
    %dma_wait3A_1372 = arith.constant 0 : i32
    %dma_wait3A_1373 = tpu.memref_slice %arg5[%dma_wait3A_1364, %add3A, %dma_wait3A_1372] : memref<16x32x100000xf32, #tpu.memory_space<hbm>> -> memref<1x1x49920xf32, #tpu.memory_space<hbm>>
    %dma_wait3A_1374 = tpu.memref_squeeze %dma_wait3A_1373 : memref<1x1x49920xf32, #tpu.memory_space<hbm>> -> memref<49920xf32, #tpu.memory_space<hbm>>
    tpu.wait_dma2 semaphore(%arg17 : memref<!tpu.dma_semaphore, #tpu.memory_space<semaphore_mem>>) src(%dma_wait3A_1374 : memref<49920xf32, #tpu.memory_space<hbm>>) dst(%dma_wait3A_1371 : memref<49920xf32, #tpu.memory_space<vmem>>)
    %add3A_1375 = arith.constant 15 : i32
    %add3A_1376 = arith.addi %scan3A_71#0, %add3A_1375 : i32
    %jit3A_1377 = arith.constant 16 : i32
    %div3A_1378 = arith.divsi %add3A_1376, %jit3A_1377 : i32
    %sign3A_1379 = arith.constant 0 : i32
    %sign3A_1380 = arith.cmpi sgt, %add3A_1376, %sign3A_1379 : i32
    %sign3A_1381 = arith.extui %sign3A_1380 : i1 to i32
    %sign3A_1382 = arith.constant 0 : i32
    %sign3A_1383 = arith.cmpi slt, %add3A_1376, %sign3A_1382 : i32
    %sign3A_1384 = arith.extui %sign3A_1383 : i1 to i32
    %sign3A_1385 = arith.subi %sign3A_1381, %sign3A_1384 : i32
    %sign3A_1386 = arith.constant 0 : i32
    %sign3A_1387 = arith.cmpi sgt, %jit3A_1377, %sign3A_1386 : i32
    %sign3A_1388 = arith.extui %sign3A_1387 : i1 to i32
    %sign3A_1389 = arith.constant 0 : i32
    %sign3A_1390 = arith.cmpi slt, %jit3A_1377, %sign3A_1389 : i32
    %sign3A_1391 = arith.extui %sign3A_1390 : i1 to i32
    %sign3A_1392 = arith.subi %sign3A_1388, %sign3A_1391 : i32
    %ne3A_1393 = arith.cmpi ne, %sign3A_1385, %sign3A_1392 : i32
    %rem3A_1394 = arith.remsi %add3A_1376, %jit3A_1377 : i32
    %ne3A_1395 = arith.constant 0 : i32
    %ne3A_1396 = arith.cmpi ne, %rem3A_1394, %ne3A_1395 : i32
    %and3A_1397 = arith.andi %ne3A_1393, %ne3A_1396 : i1
    %sub3A_1398 = arith.constant 1 : i32
    %sub3A_1399 = arith.subi %div3A_1378, %sub3A_1398 : i32
    %select_n3A_1400 = arith.select %and3A_1397, %sub3A_1399, %div3A_1378 : i32
    %while3A_1401 = arith.constant 0 : i32
    %while3A_1402 = arith.constant 0 : i32
    %while3A_1403 = arith.subi %select_n3A_1400, %while3A_1402 : i32
    %while3A_1404 = arith.addi %while3A_1402, %while3A_1403 : i32
    %while3A_1405 = arith.constant 1 : i32
    %while3A_1406 = arith.divsi %while3A_1403, %while3A_1405 : i32
    %while3A_1407 = arith.muli %while3A_1406, %while3A_1405 : i32
    %while3A_1408 = arith.addi %while3A_1402, %while3A_1407 : i32
    %while3A_1409 = arith.constant 1 : i32
    scf.for %while3A_2429 = %while3A_1402 to %while3A_1408 step %while3A_1409  : i32 {
      %mul3A_2430 = arith.constant 16 : i32
      %mul3A_2431 = arith.muli %while3A_2429, %mul3A_2430 : i32
      %get3A = arith.index_cast %mul3A_2431 : i32 to index
      %get3A_2432 = tpu.vector_load %arg13[%get3A] {strides = array<i32>} : memref<4112xi32, #tpu.memory_space<vmem>>, vector<16xi32>,
      %and3A_2433 = arith.constant 131071 : i32
      %and3A_2434 = vector.broadcast %and3A_2433 : i32 to vector<16xi32>
      %and3A_2435 = arith.andi %get3A_2432, %and3A_2434 : vector<16xi32>
      %shift_right_logical3A = arith.constant 17 : i32
      %shift_right_logical3A_2436 = vector.broadcast %shift_right_logical3A : i32 to vector<16xi32>
      %shift_right_logical3A_2437 = arith.shrui %get3A_2432, %shift_right_logical3A_2436 : vector<16xi32>
      %gather3A = tpu.vector_load_idx %arg11[%and3A_2435] : memref<50080xf32, #tpu.memory_space<vmem>>[vector<16xi32>], vector<16xf32>,
      tpu.vector_store_idx %arg15[%shift_right_logical3A_2437], %gather3A : memref<4112xf32, #tpu.memory_space<vmem>>[vector<16xi32>], vector<16xf32>,
    }
    %while3A_1410 = arith.constant 1 : i32
    scf.for %while3A_2429 = %while3A_1408 to %while3A_1404 step %while3A_1410  : i32 {
      %mul3A_2430 = arith.constant 16 : i32
      %mul3A_2431 = arith.muli %while3A_2429, %mul3A_2430 : i32
      %get3A = arith.index_cast %mul3A_2431 : i32 to index
      %get3A_2432 = tpu.vector_load %arg13[%get3A] {strides = array<i32>} : memref<4112xi32, #tpu.memory_space<vmem>>, vector<16xi32>,
      %and3A_2433 = arith.constant 131071 : i32
      %and3A_2434 = vector.broadcast %and3A_2433 : i32 to vector<16xi32>
      %and3A_2435 = arith.andi %get3A_2432, %and3A_2434 : vector<16xi32>
      %shift_right_logical3A = arith.constant 17 : i32
      %shift_right_logical3A_2436 = vector.broadcast %shift_right_logical3A : i32 to vector<16xi32>
      %shift_right_logical3A_2437 = arith.shrui %get3A_2432, %shift_right_logical3A_2436 : vector<16xi32>
      %gather3A = tpu.vector_load_idx %arg11[%and3A_2435] : memref<50080xf32, #tpu.memory_space<vmem>>[vector<16xi32>], vector<16xf32>,
      tpu.vector_store_idx %arg15[%shift_right_logical3A_2437], %gather3A : memref<4112xf32, #tpu.memory_space<vmem>>[vector<16xi32>], vector<16xf32>,
    }
    %dma_start3A_1411 = arith.constant 11 : i32
    %dma_start3A_1412 = arith.constant 0 : i32
    %dma_start3A_1413 = tpu.memref_slice %arg11[%dma_start3A_1412] : memref<50080xf32, #tpu.memory_space<vmem>> -> memref<49920xf32, #tpu.memory_space<vmem>>
    %dma_start3A_1414 = arith.constant 0 : i32
    %dma_start3A_1415 = tpu.memref_slice %arg5[%dma_start3A_1411, %add3A, %dma_start3A_1414] : memref<16x32x100000xf32, #tpu.memory_space<hbm>> -> memref<1x1x49920xf32, #tpu.memory_space<hbm>>
    %dma_start3A_1416 = tpu.memref_squeeze %dma_start3A_1415 : memref<1x1x49920xf32, #tpu.memory_space<hbm>> -> memref<49920xf32, #tpu.memory_space<hbm>>
    %dma_start3A_1417 = arith.constant 0 : i32
    %dma_start3A_1418 = tpu.memref_slice %arg11[%dma_start3A_1417] : memref<50080xf32, #tpu.memory_space<vmem>> -> memref<49920xf32, #tpu.memory_space<vmem>>
    %dma_start3A_1419 = arith.constant 0 : i32
    %dma_start3A_1420 = tpu.memref_slice %arg5[%dma_start3A_1411, %add3A, %dma_start3A_1419] : memref<16x32x100000xf32, #tpu.memory_space<hbm>> -> memref<1x1x49920xf32, #tpu.memory_space<hbm>>
    %dma_start3A_1421 = tpu.memref_squeeze %dma_start3A_1420 : memref<1x1x49920xf32, #tpu.memory_space<hbm>> -> memref<49920xf32, #tpu.memory_space<hbm>>
    tpu.enqueue_dma source(%dma_start3A_1421 : memref<49920xf32, #tpu.memory_space<hbm>>) target(%dma_start3A_1418 : memref<49920xf32, #tpu.memory_space<vmem>>) target_semaphore(%arg17 : memref<!tpu.dma_semaphore, #tpu.memory_space<semaphore_mem>>)
    %dma_wait3A_1422 = arith.constant 10 : i32
    %dma_wait3A_1423 = arith.constant 49920 : i32
    %dma_wait3A_1424 = tpu.memref_slice %arg5[%dma_wait3A_1422, %add3A, %dma_wait3A_1423] : memref<16x32x100000xf32, #tpu.memory_space<hbm>> -> memref<1x1x50080xf32, #tpu.memory_space<hbm>>
    %dma_wait3A_1425 = tpu.memref_squeeze %dma_wait3A_1424 : memref<1x1x50080xf32, #tpu.memory_space<hbm>> -> memref<50080xf32, #tpu.memory_space<hbm>>
    %dma_wait3A_1426 = arith.constant 49920 : i32
    %dma_wait3A_1427 = tpu.memref_slice %arg5[%dma_wait3A_1422, %add3A, %dma_wait3A_1426] : memref<16x32x100000xf32, #tpu.memory_space<hbm>> -> memref<1x1x50080xf32, #tpu.memory_space<hbm>>
    %dma_wait3A_1428 = tpu.memref_squeeze %dma_wait3A_1427 : memref<1x1x50080xf32, #tpu.memory_space<hbm>> -> memref<50080xf32, #tpu.memory_space<hbm>>
    tpu.wait_dma2 semaphore(%arg18 : memref<!tpu.dma_semaphore, #tpu.memory_space<semaphore_mem>>) src(%dma_wait3A_1428 : memref<50080xf32, #tpu.memory_space<hbm>>) dst(%arg12 : memref<50080xf32, #tpu.memory_space<vmem>>)
    %add3A_1429 = arith.constant 15 : i32
    %add3A_1430 = arith.addi %scan3A_71#1, %add3A_1429 : i32
    %jit3A_1431 = arith.constant 16 : i32
    %div3A_1432 = arith.divsi %add3A_1430, %jit3A_1431 : i32
    %sign3A_1433 = arith.constant 0 : i32
    %sign3A_1434 = arith.cmpi sgt, %add3A_1430, %sign3A_1433 : i32
    %sign3A_1435 = arith.extui %sign3A_1434 : i1 to i32
    %sign3A_1436 = arith.constant 0 : i32
    %sign3A_1437 = arith.cmpi slt, %add3A_1430, %sign3A_1436 : i32
    %sign3A_1438 = arith.extui %sign3A_1437 : i1 to i32
    %sign3A_1439 = arith.subi %sign3A_1435, %sign3A_1438 : i32
    %sign3A_1440 = arith.constant 0 : i32
    %sign3A_1441 = arith.cmpi sgt, %jit3A_1431, %sign3A_1440 : i32
    %sign3A_1442 = arith.extui %sign3A_1441 : i1 to i32
    %sign3A_1443 = arith.constant 0 : i32
    %sign3A_1444 = arith.cmpi slt, %jit3A_1431, %sign3A_1443 : i32
    %sign3A_1445 = arith.extui %sign3A_1444 : i1 to i32
    %sign3A_1446 = arith.subi %sign3A_1442, %sign3A_1445 : i32
    %ne3A_1447 = arith.cmpi ne, %sign3A_1439, %sign3A_1446 : i32
    %rem3A_1448 = arith.remsi %add3A_1430, %jit3A_1431 : i32
    %ne3A_1449 = arith.constant 0 : i32
    %ne3A_1450 = arith.cmpi ne, %rem3A_1448, %ne3A_1449 : i32
    %and3A_1451 = arith.andi %ne3A_1447, %ne3A_1450 : i1
    %sub3A_1452 = arith.constant 1 : i32
    %sub3A_1453 = arith.subi %div3A_1432, %sub3A_1452 : i32
    %select_n3A_1454 = arith.select %and3A_1451, %sub3A_1453, %div3A_1432 : i32
    %while3A_1455 = arith.constant 0 : i32
    %while3A_1456 = arith.constant 0 : i32
    %while3A_1457 = arith.subi %select_n3A_1454, %while3A_1456 : i32
    %while3A_1458 = arith.addi %while3A_1456, %while3A_1457 : i32
    %while3A_1459 = arith.constant 1 : i32
    %while3A_1460 = arith.divsi %while3A_1457, %while3A_1459 : i32
    %while3A_1461 = arith.muli %while3A_1460, %while3A_1459 : i32
    %while3A_1462 = arith.addi %while3A_1456, %while3A_1461 : i32
    %while3A_1463 = arith.constant 1 : i32
    scf.for %while3A_2429 = %while3A_1456 to %while3A_1462 step %while3A_1463  : i32 {
      %mul3A_2430 = arith.constant 16 : i32
      %mul3A_2431 = arith.muli %while3A_2429, %mul3A_2430 : i32
      %get3A = arith.index_cast %mul3A_2431 : i32 to index
      %get3A_2432 = tpu.vector_load %arg14[%get3A] {strides = array<i32>} : memref<4112xi32, #tpu.memory_space<vmem>>, vector<16xi32>,
      %and3A_2433 = arith.constant 131071 : i32
      %and3A_2434 = vector.broadcast %and3A_2433 : i32 to vector<16xi32>
      %and3A_2435 = arith.andi %get3A_2432, %and3A_2434 : vector<16xi32>
      %shift_right_logical3A = arith.constant 17 : i32
      %shift_right_logical3A_2436 = vector.broadcast %shift_right_logical3A : i32 to vector<16xi32>
      %shift_right_logical3A_2437 = arith.shrui %get3A_2432, %shift_right_logical3A_2436 : vector<16xi32>
      %gather3A = tpu.vector_load_idx %arg12[%and3A_2435] : memref<50080xf32, #tpu.memory_space<vmem>>[vector<16xi32>], vector<16xf32>,
      tpu.vector_store_idx %arg15[%shift_right_logical3A_2437], %gather3A : memref<4112xf32, #tpu.memory_space<vmem>>[vector<16xi32>], vector<16xf32>,
    }
    %while3A_1464 = arith.constant 1 : i32
    scf.for %while3A_2429 = %while3A_1462 to %while3A_1458 step %while3A_1464  : i32 {
      %mul3A_2430 = arith.constant 16 : i32
      %mul3A_2431 = arith.muli %while3A_2429, %mul3A_2430 : i32
      %get3A = arith.index_cast %mul3A_2431 : i32 to index
      %get3A_2432 = tpu.vector_load %arg14[%get3A] {strides = array<i32>} : memref<4112xi32, #tpu.memory_space<vmem>>, vector<16xi32>,
      %and3A_2433 = arith.constant 131071 : i32
      %and3A_2434 = vector.broadcast %and3A_2433 : i32 to vector<16xi32>
      %and3A_2435 = arith.andi %get3A_2432, %and3A_2434 : vector<16xi32>
      %shift_right_logical3A = arith.constant 17 : i32
      %shift_right_logical3A_2436 = vector.broadcast %shift_right_logical3A : i32 to vector<16xi32>
      %shift_right_logical3A_2437 = arith.shrui %get3A_2432, %shift_right_logical3A_2436 : vector<16xi32>
      %gather3A = tpu.vector_load_idx %arg12[%and3A_2435] : memref<50080xf32, #tpu.memory_space<vmem>>[vector<16xi32>], vector<16xf32>,
      tpu.vector_store_idx %arg15[%shift_right_logical3A_2437], %gather3A : memref<4112xf32, #tpu.memory_space<vmem>>[vector<16xi32>], vector<16xf32>,
    }
    %dma_start3A_1465 = arith.constant 10 : i32
    %dma_start3A_1466 = arith.constant 0 : i32
    %dma_start3A_1467 = tpu.memref_slice %arg15[%dma_start3A_1466] : memref<4112xf32, #tpu.memory_space<vmem>> -> memref<4096xf32, #tpu.memory_space<vmem>>
    %dma_start3A_1468 = arith.constant 0 : i32
    %dma_start3A_1469 = tpu.memref_slice %arg8[%dma_start3A_1465, %add3A, %dma_start3A_1468] : memref<16x32x4096xf32, #tpu.memory_space<hbm>> -> memref<1x1x4096xf32, #tpu.memory_space<hbm>>
    %dma_start3A_1470 = tpu.memref_squeeze %dma_start3A_1469 : memref<1x1x4096xf32, #tpu.memory_space<hbm>> -> memref<4096xf32, #tpu.memory_space<hbm>>
    %dma_start3A_1471 = arith.constant 0 : i32
    %dma_start3A_1472 = tpu.memref_slice %arg8[%dma_start3A_1465, %add3A, %dma_start3A_1471] : memref<16x32x4096xf32, #tpu.memory_space<hbm>> -> memref<1x1x4096xf32, #tpu.memory_space<hbm>>
    %dma_start3A_1473 = tpu.memref_squeeze %dma_start3A_1472 : memref<1x1x4096xf32, #tpu.memory_space<hbm>> -> memref<4096xf32, #tpu.memory_space<hbm>>
    %dma_start3A_1474 = arith.constant 0 : i32
    %dma_start3A_1475 = tpu.memref_slice %arg15[%dma_start3A_1474] : memref<4112xf32, #tpu.memory_space<vmem>> -> memref<4096xf32, #tpu.memory_space<vmem>>
    tpu.enqueue_dma source(%dma_start3A_1475 : memref<4096xf32, #tpu.memory_space<vmem>>) target(%dma_start3A_1473 : memref<4096xf32, #tpu.memory_space<hbm>>) target_semaphore(%arg19 : memref<!tpu.dma_semaphore, #tpu.memory_space<semaphore_mem>>)
    %dma_start3A_1476 = arith.constant 11 : i32
    %dma_start3A_1477 = arith.constant 49920 : i32
    %dma_start3A_1478 = tpu.memref_slice %arg5[%dma_start3A_1476, %add3A, %dma_start3A_1477] : memref<16x32x100000xf32, #tpu.memory_space<hbm>> -> memref<1x1x50080xf32, #tpu.memory_space<hbm>>
    %dma_start3A_1479 = tpu.memref_squeeze %dma_start3A_1478 : memref<1x1x50080xf32, #tpu.memory_space<hbm>> -> memref<50080xf32, #tpu.memory_space<hbm>>
    %dma_start3A_1480 = arith.constant 49920 : i32
    %dma_start3A_1481 = tpu.memref_slice %arg5[%dma_start3A_1476, %add3A, %dma_start3A_1480] : memref<16x32x100000xf32, #tpu.memory_space<hbm>> -> memref<1x1x50080xf32, #tpu.memory_space<hbm>>
    %dma_start3A_1482 = tpu.memref_squeeze %dma_start3A_1481 : memref<1x1x50080xf32, #tpu.memory_space<hbm>> -> memref<50080xf32, #tpu.memory_space<hbm>>
    tpu.enqueue_dma source(%dma_start3A_1482 : memref<50080xf32, #tpu.memory_space<hbm>>) target(%arg12 : memref<50080xf32, #tpu.memory_space<vmem>>) target_semaphore(%arg18 : memref<!tpu.dma_semaphore, #tpu.memory_space<semaphore_mem>>)
    %dma_wait3A_1483 = arith.constant 9 : i32
    %dma_wait3A_1484 = arith.constant 0 : i32
    %dma_wait3A_1485 = tpu.memref_slice %arg16[%dma_wait3A_1484] : memref<4112xf32, #tpu.memory_space<vmem>> -> memref<4096xf32, #tpu.memory_space<vmem>>
    %dma_wait3A_1486 = arith.constant 0 : i32
    %dma_wait3A_1487 = tpu.memref_slice %arg8[%dma_wait3A_1483, %add3A, %dma_wait3A_1486] : memref<16x32x4096xf32, #tpu.memory_space<hbm>> -> memref<1x1x4096xf32, #tpu.memory_space<hbm>>
    %dma_wait3A_1488 = tpu.memref_squeeze %dma_wait3A_1487 : memref<1x1x4096xf32, #tpu.memory_space<hbm>> -> memref<4096xf32, #tpu.memory_space<hbm>>
    %dma_wait3A_1489 = arith.constant 0 : i32
    %dma_wait3A_1490 = tpu.memref_slice %arg8[%dma_wait3A_1483, %add3A, %dma_wait3A_1489] : memref<16x32x4096xf32, #tpu.memory_space<hbm>> -> memref<1x1x4096xf32, #tpu.memory_space<hbm>>
    %dma_wait3A_1491 = tpu.memref_squeeze %dma_wait3A_1490 : memref<1x1x4096xf32, #tpu.memory_space<hbm>> -> memref<4096xf32, #tpu.memory_space<hbm>>
    %dma_wait3A_1492 = arith.constant 0 : i32
    %dma_wait3A_1493 = tpu.memref_slice %arg16[%dma_wait3A_1492] : memref<4112xf32, #tpu.memory_space<vmem>> -> memref<4096xf32, #tpu.memory_space<vmem>>
    tpu.wait_dma2 semaphore(%arg20 : memref<!tpu.dma_semaphore, #tpu.memory_space<semaphore_mem>>) src(%dma_wait3A_1493 : memref<4096xf32, #tpu.memory_space<vmem>>) dst(%dma_wait3A_1491 : memref<4096xf32, #tpu.memory_space<hbm>>)
    %dma_wait3A_1494 = arith.constant 11 : i32
    %dma_wait3A_1495 = arith.constant 0 : i32
    %dma_wait3A_1496 = tpu.memref_slice %arg11[%dma_wait3A_1495] : memref<50080xf32, #tpu.memory_space<vmem>> -> memref<49920xf32, #tpu.memory_space<vmem>>
    %dma_wait3A_1497 = arith.constant 0 : i32
    %dma_wait3A_1498 = tpu.memref_slice %arg5[%dma_wait3A_1494, %add3A, %dma_wait3A_1497] : memref<16x32x100000xf32, #tpu.memory_space<hbm>> -> memref<1x1x49920xf32, #tpu.memory_space<hbm>>
    %dma_wait3A_1499 = tpu.memref_squeeze %dma_wait3A_1498 : memref<1x1x49920xf32, #tpu.memory_space<hbm>> -> memref<49920xf32, #tpu.memory_space<hbm>>
    %dma_wait3A_1500 = arith.constant 0 : i32
    %dma_wait3A_1501 = tpu.memref_slice %arg11[%dma_wait3A_1500] : memref<50080xf32, #tpu.memory_space<vmem>> -> memref<49920xf32, #tpu.memory_space<vmem>>
    %dma_wait3A_1502 = arith.constant 0 : i32
    %dma_wait3A_1503 = tpu.memref_slice %arg5[%dma_wait3A_1494, %add3A, %dma_wait3A_1502] : memref<16x32x100000xf32, #tpu.memory_space<hbm>> -> memref<1x1x49920xf32, #tpu.memory_space<hbm>>
    %dma_wait3A_1504 = tpu.memref_squeeze %dma_wait3A_1503 : memref<1x1x49920xf32, #tpu.memory_space<hbm>> -> memref<49920xf32, #tpu.memory_space<hbm>>
    tpu.wait_dma2 semaphore(%arg17 : memref<!tpu.dma_semaphore, #tpu.memory_space<semaphore_mem>>) src(%dma_wait3A_1504 : memref<49920xf32, #tpu.memory_space<hbm>>) dst(%dma_wait3A_1501 : memref<49920xf32, #tpu.memory_space<vmem>>)
    %add3A_1505 = arith.constant 15 : i32
    %add3A_1506 = arith.addi %scan3A_71#0, %add3A_1505 : i32
    %jit3A_1507 = arith.constant 16 : i32
    %div3A_1508 = arith.divsi %add3A_1506, %jit3A_1507 : i32
    %sign3A_1509 = arith.constant 0 : i32
    %sign3A_1510 = arith.cmpi sgt, %add3A_1506, %sign3A_1509 : i32
    %sign3A_1511 = arith.extui %sign3A_1510 : i1 to i32
    %sign3A_1512 = arith.constant 0 : i32
    %sign3A_1513 = arith.cmpi slt, %add3A_1506, %sign3A_1512 : i32
    %sign3A_1514 = arith.extui %sign3A_1513 : i1 to i32
    %sign3A_1515 = arith.subi %sign3A_1511, %sign3A_1514 : i32
    %sign3A_1516 = arith.constant 0 : i32
    %sign3A_1517 = arith.cmpi sgt, %jit3A_1507, %sign3A_1516 : i32
    %sign3A_1518 = arith.extui %sign3A_1517 : i1 to i32
    %sign3A_1519 = arith.constant 0 : i32
    %sign3A_1520 = arith.cmpi slt, %jit3A_1507, %sign3A_1519 : i32
    %sign3A_1521 = arith.extui %sign3A_1520 : i1 to i32
    %sign3A_1522 = arith.subi %sign3A_1518, %sign3A_1521 : i32
    %ne3A_1523 = arith.cmpi ne, %sign3A_1515, %sign3A_1522 : i32
    %rem3A_1524 = arith.remsi %add3A_1506, %jit3A_1507 : i32
    %ne3A_1525 = arith.constant 0 : i32
    %ne3A_1526 = arith.cmpi ne, %rem3A_1524, %ne3A_1525 : i32
    %and3A_1527 = arith.andi %ne3A_1523, %ne3A_1526 : i1
    %sub3A_1528 = arith.constant 1 : i32
    %sub3A_1529 = arith.subi %div3A_1508, %sub3A_1528 : i32
    %select_n3A_1530 = arith.select %and3A_1527, %sub3A_1529, %div3A_1508 : i32
    %while3A_1531 = arith.constant 0 : i32
    %while3A_1532 = arith.constant 0 : i32
    %while3A_1533 = arith.subi %select_n3A_1530, %while3A_1532 : i32
    %while3A_1534 = arith.addi %while3A_1532, %while3A_1533 : i32
    %while3A_1535 = arith.constant 1 : i32
    %while3A_1536 = arith.divsi %while3A_1533, %while3A_1535 : i32
    %while3A_1537 = arith.muli %while3A_1536, %while3A_1535 : i32
    %while3A_1538 = arith.addi %while3A_1532, %while3A_1537 : i32
    %while3A_1539 = arith.constant 1 : i32
    scf.for %while3A_2429 = %while3A_1532 to %while3A_1538 step %while3A_1539  : i32 {
      %mul3A_2430 = arith.constant 16 : i32
      %mul3A_2431 = arith.muli %while3A_2429, %mul3A_2430 : i32
      %get3A = arith.index_cast %mul3A_2431 : i32 to index
      %get3A_2432 = tpu.vector_load %arg13[%get3A] {strides = array<i32>} : memref<4112xi32, #tpu.memory_space<vmem>>, vector<16xi32>,
      %and3A_2433 = arith.constant 131071 : i32
      %and3A_2434 = vector.broadcast %and3A_2433 : i32 to vector<16xi32>
      %and3A_2435 = arith.andi %get3A_2432, %and3A_2434 : vector<16xi32>
      %shift_right_logical3A = arith.constant 17 : i32
      %shift_right_logical3A_2436 = vector.broadcast %shift_right_logical3A : i32 to vector<16xi32>
      %shift_right_logical3A_2437 = arith.shrui %get3A_2432, %shift_right_logical3A_2436 : vector<16xi32>
      %gather3A = tpu.vector_load_idx %arg11[%and3A_2435] : memref<50080xf32, #tpu.memory_space<vmem>>[vector<16xi32>], vector<16xf32>,
      tpu.vector_store_idx %arg16[%shift_right_logical3A_2437], %gather3A : memref<4112xf32, #tpu.memory_space<vmem>>[vector<16xi32>], vector<16xf32>,
    }
    %while3A_1540 = arith.constant 1 : i32
    scf.for %while3A_2429 = %while3A_1538 to %while3A_1534 step %while3A_1540  : i32 {
      %mul3A_2430 = arith.constant 16 : i32
      %mul3A_2431 = arith.muli %while3A_2429, %mul3A_2430 : i32
      %get3A = arith.index_cast %mul3A_2431 : i32 to index
      %get3A_2432 = tpu.vector_load %arg13[%get3A] {strides = array<i32>} : memref<4112xi32, #tpu.memory_space<vmem>>, vector<16xi32>,
      %and3A_2433 = arith.constant 131071 : i32
      %and3A_2434 = vector.broadcast %and3A_2433 : i32 to vector<16xi32>
      %and3A_2435 = arith.andi %get3A_2432, %and3A_2434 : vector<16xi32>
      %shift_right_logical3A = arith.constant 17 : i32
      %shift_right_logical3A_2436 = vector.broadcast %shift_right_logical3A : i32 to vector<16xi32>
      %shift_right_logical3A_2437 = arith.shrui %get3A_2432, %shift_right_logical3A_2436 : vector<16xi32>
      %gather3A = tpu.vector_load_idx %arg11[%and3A_2435] : memref<50080xf32, #tpu.memory_space<vmem>>[vector<16xi32>], vector<16xf32>,
      tpu.vector_store_idx %arg16[%shift_right_logical3A_2437], %gather3A : memref<4112xf32, #tpu.memory_space<vmem>>[vector<16xi32>], vector<16xf32>,
    }
    %dma_start3A_1541 = arith.constant 12 : i32
    %dma_start3A_1542 = arith.constant 0 : i32
    %dma_start3A_1543 = tpu.memref_slice %arg11[%dma_start3A_1542] : memref<50080xf32, #tpu.memory_space<vmem>> -> memref<49920xf32, #tpu.memory_space<vmem>>
    %dma_start3A_1544 = arith.constant 0 : i32
    %dma_start3A_1545 = tpu.memref_slice %arg5[%dma_start3A_1541, %add3A, %dma_start3A_1544] : memref<16x32x100000xf32, #tpu.memory_space<hbm>> -> memref<1x1x49920xf32, #tpu.memory_space<hbm>>
    %dma_start3A_1546 = tpu.memref_squeeze %dma_start3A_1545 : memref<1x1x49920xf32, #tpu.memory_space<hbm>> -> memref<49920xf32, #tpu.memory_space<hbm>>
    %dma_start3A_1547 = arith.constant 0 : i32
    %dma_start3A_1548 = tpu.memref_slice %arg11[%dma_start3A_1547] : memref<50080xf32, #tpu.memory_space<vmem>> -> memref<49920xf32, #tpu.memory_space<vmem>>
    %dma_start3A_1549 = arith.constant 0 : i32
    %dma_start3A_1550 = tpu.memref_slice %arg5[%dma_start3A_1541, %add3A, %dma_start3A_1549] : memref<16x32x100000xf32, #tpu.memory_space<hbm>> -> memref<1x1x49920xf32, #tpu.memory_space<hbm>>
    %dma_start3A_1551 = tpu.memref_squeeze %dma_start3A_1550 : memref<1x1x49920xf32, #tpu.memory_space<hbm>> -> memref<49920xf32, #tpu.memory_space<hbm>>
    tpu.enqueue_dma source(%dma_start3A_1551 : memref<49920xf32, #tpu.memory_space<hbm>>) target(%dma_start3A_1548 : memref<49920xf32, #tpu.memory_space<vmem>>) target_semaphore(%arg17 : memref<!tpu.dma_semaphore, #tpu.memory_space<semaphore_mem>>)
    %dma_wait3A_1552 = arith.constant 11 : i32
    %dma_wait3A_1553 = arith.constant 49920 : i32
    %dma_wait3A_1554 = tpu.memref_slice %arg5[%dma_wait3A_1552, %add3A, %dma_wait3A_1553] : memref<16x32x100000xf32, #tpu.memory_space<hbm>> -> memref<1x1x50080xf32, #tpu.memory_space<hbm>>
    %dma_wait3A_1555 = tpu.memref_squeeze %dma_wait3A_1554 : memref<1x1x50080xf32, #tpu.memory_space<hbm>> -> memref<50080xf32, #tpu.memory_space<hbm>>
    %dma_wait3A_1556 = arith.constant 49920 : i32
    %dma_wait3A_1557 = tpu.memref_slice %arg5[%dma_wait3A_1552, %add3A, %dma_wait3A_1556] : memref<16x32x100000xf32, #tpu.memory_space<hbm>> -> memref<1x1x50080xf32, #tpu.memory_space<hbm>>
    %dma_wait3A_1558 = tpu.memref_squeeze %dma_wait3A_1557 : memref<1x1x50080xf32, #tpu.memory_space<hbm>> -> memref<50080xf32, #tpu.memory_space<hbm>>
    tpu.wait_dma2 semaphore(%arg18 : memref<!tpu.dma_semaphore, #tpu.memory_space<semaphore_mem>>) src(%dma_wait3A_1558 : memref<50080xf32, #tpu.memory_space<hbm>>) dst(%arg12 : memref<50080xf32, #tpu.memory_space<vmem>>)
    %add3A_1559 = arith.constant 15 : i32
    %add3A_1560 = arith.addi %scan3A_71#1, %add3A_1559 : i32
    %jit3A_1561 = arith.constant 16 : i32
    %div3A_1562 = arith.divsi %add3A_1560, %jit3A_1561 : i32
    %sign3A_1563 = arith.constant 0 : i32
    %sign3A_1564 = arith.cmpi sgt, %add3A_1560, %sign3A_1563 : i32
    %sign3A_1565 = arith.extui %sign3A_1564 : i1 to i32
    %sign3A_1566 = arith.constant 0 : i32
    %sign3A_1567 = arith.cmpi slt, %add3A_1560, %sign3A_1566 : i32
    %sign3A_1568 = arith.extui %sign3A_1567 : i1 to i32
    %sign3A_1569 = arith.subi %sign3A_1565, %sign3A_1568 : i32
    %sign3A_1570 = arith.constant 0 : i32
    %sign3A_1571 = arith.cmpi sgt, %jit3A_1561, %sign3A_1570 : i32
    %sign3A_1572 = arith.extui %sign3A_1571 : i1 to i32
    %sign3A_1573 = arith.constant 0 : i32
    %sign3A_1574 = arith.cmpi slt, %jit3A_1561, %sign3A_1573 : i32
    %sign3A_1575 = arith.extui %sign3A_1574 : i1 to i32
    %sign3A_1576 = arith.subi %sign3A_1572, %sign3A_1575 : i32
    %ne3A_1577 = arith.cmpi ne, %sign3A_1569, %sign3A_1576 : i32
    %rem3A_1578 = arith.remsi %add3A_1560, %jit3A_1561 : i32
    %ne3A_1579 = arith.constant 0 : i32
    %ne3A_1580 = arith.cmpi ne, %rem3A_1578, %ne3A_1579 : i32
    %and3A_1581 = arith.andi %ne3A_1577, %ne3A_1580 : i1
    %sub3A_1582 = arith.constant 1 : i32
    %sub3A_1583 = arith.subi %div3A_1562, %sub3A_1582 : i32
    %select_n3A_1584 = arith.select %and3A_1581, %sub3A_1583, %div3A_1562 : i32
    %while3A_1585 = arith.constant 0 : i32
    %while3A_1586 = arith.constant 0 : i32
    %while3A_1587 = arith.subi %select_n3A_1584, %while3A_1586 : i32
    %while3A_1588 = arith.addi %while3A_1586, %while3A_1587 : i32
    %while3A_1589 = arith.constant 1 : i32
    %while3A_1590 = arith.divsi %while3A_1587, %while3A_1589 : i32
    %while3A_1591 = arith.muli %while3A_1590, %while3A_1589 : i32
    %while3A_1592 = arith.addi %while3A_1586, %while3A_1591 : i32
    %while3A_1593 = arith.constant 1 : i32
    scf.for %while3A_2429 = %while3A_1586 to %while3A_1592 step %while3A_1593  : i32 {
      %mul3A_2430 = arith.constant 16 : i32
      %mul3A_2431 = arith.muli %while3A_2429, %mul3A_2430 : i32
      %get3A = arith.index_cast %mul3A_2431 : i32 to index
      %get3A_2432 = tpu.vector_load %arg14[%get3A] {strides = array<i32>} : memref<4112xi32, #tpu.memory_space<vmem>>, vector<16xi32>,
      %and3A_2433 = arith.constant 131071 : i32
      %and3A_2434 = vector.broadcast %and3A_2433 : i32 to vector<16xi32>
      %and3A_2435 = arith.andi %get3A_2432, %and3A_2434 : vector<16xi32>
      %shift_right_logical3A = arith.constant 17 : i32
      %shift_right_logical3A_2436 = vector.broadcast %shift_right_logical3A : i32 to vector<16xi32>
      %shift_right_logical3A_2437 = arith.shrui %get3A_2432, %shift_right_logical3A_2436 : vector<16xi32>
      %gather3A = tpu.vector_load_idx %arg12[%and3A_2435] : memref<50080xf32, #tpu.memory_space<vmem>>[vector<16xi32>], vector<16xf32>,
      tpu.vector_store_idx %arg16[%shift_right_logical3A_2437], %gather3A : memref<4112xf32, #tpu.memory_space<vmem>>[vector<16xi32>], vector<16xf32>,
    }
    %while3A_1594 = arith.constant 1 : i32
    scf.for %while3A_2429 = %while3A_1592 to %while3A_1588 step %while3A_1594  : i32 {
      %mul3A_2430 = arith.constant 16 : i32
      %mul3A_2431 = arith.muli %while3A_2429, %mul3A_2430 : i32
      %get3A = arith.index_cast %mul3A_2431 : i32 to index
      %get3A_2432 = tpu.vector_load %arg14[%get3A] {strides = array<i32>} : memref<4112xi32, #tpu.memory_space<vmem>>, vector<16xi32>,
      %and3A_2433 = arith.constant 131071 : i32
      %and3A_2434 = vector.broadcast %and3A_2433 : i32 to vector<16xi32>
      %and3A_2435 = arith.andi %get3A_2432, %and3A_2434 : vector<16xi32>
      %shift_right_logical3A = arith.constant 17 : i32
      %shift_right_logical3A_2436 = vector.broadcast %shift_right_logical3A : i32 to vector<16xi32>
      %shift_right_logical3A_2437 = arith.shrui %get3A_2432, %shift_right_logical3A_2436 : vector<16xi32>
      %gather3A = tpu.vector_load_idx %arg12[%and3A_2435] : memref<50080xf32, #tpu.memory_space<vmem>>[vector<16xi32>], vector<16xf32>,
      tpu.vector_store_idx %arg16[%shift_right_logical3A_2437], %gather3A : memref<4112xf32, #tpu.memory_space<vmem>>[vector<16xi32>], vector<16xf32>,
    }
    %dma_start3A_1595 = arith.constant 11 : i32
    %dma_start3A_1596 = arith.constant 0 : i32
    %dma_start3A_1597 = tpu.memref_slice %arg16[%dma_start3A_1596] : memref<4112xf32, #tpu.memory_space<vmem>> -> memref<4096xf32, #tpu.memory_space<vmem>>
    %dma_start3A_1598 = arith.constant 0 : i32
    %dma_start3A_1599 = tpu.memref_slice %arg8[%dma_start3A_1595, %add3A, %dma_start3A_1598] : memref<16x32x4096xf32, #tpu.memory_space<hbm>> -> memref<1x1x4096xf32, #tpu.memory_space<hbm>>
    %dma_start3A_1600 = tpu.memref_squeeze %dma_start3A_1599 : memref<1x1x4096xf32, #tpu.memory_space<hbm>> -> memref<4096xf32, #tpu.memory_space<hbm>>
    %dma_start3A_1601 = arith.constant 0 : i32
    %dma_start3A_1602 = tpu.memref_slice %arg8[%dma_start3A_1595, %add3A, %dma_start3A_1601] : memref<16x32x4096xf32, #tpu.memory_space<hbm>> -> memref<1x1x4096xf32, #tpu.memory_space<hbm>>
    %dma_start3A_1603 = tpu.memref_squeeze %dma_start3A_1602 : memref<1x1x4096xf32, #tpu.memory_space<hbm>> -> memref<4096xf32, #tpu.memory_space<hbm>>
    %dma_start3A_1604 = arith.constant 0 : i32
    %dma_start3A_1605 = tpu.memref_slice %arg16[%dma_start3A_1604] : memref<4112xf32, #tpu.memory_space<vmem>> -> memref<4096xf32, #tpu.memory_space<vmem>>
    tpu.enqueue_dma source(%dma_start3A_1605 : memref<4096xf32, #tpu.memory_space<vmem>>) target(%dma_start3A_1603 : memref<4096xf32, #tpu.memory_space<hbm>>) target_semaphore(%arg20 : memref<!tpu.dma_semaphore, #tpu.memory_space<semaphore_mem>>)
    %dma_start3A_1606 = arith.constant 12 : i32
    %dma_start3A_1607 = arith.constant 49920 : i32
    %dma_start3A_1608 = tpu.memref_slice %arg5[%dma_start3A_1606, %add3A, %dma_start3A_1607] : memref<16x32x100000xf32, #tpu.memory_space<hbm>> -> memref<1x1x50080xf32, #tpu.memory_space<hbm>>
    %dma_start3A_1609 = tpu.memref_squeeze %dma_start3A_1608 : memref<1x1x50080xf32, #tpu.memory_space<hbm>> -> memref<50080xf32, #tpu.memory_space<hbm>>
    %dma_start3A_1610 = arith.constant 49920 : i32
    %dma_start3A_1611 = tpu.memref_slice %arg5[%dma_start3A_1606, %add3A, %dma_start3A_1610] : memref<16x32x100000xf32, #tpu.memory_space<hbm>> -> memref<1x1x50080xf32, #tpu.memory_space<hbm>>
    %dma_start3A_1612 = tpu.memref_squeeze %dma_start3A_1611 : memref<1x1x50080xf32, #tpu.memory_space<hbm>> -> memref<50080xf32, #tpu.memory_space<hbm>>
    tpu.enqueue_dma source(%dma_start3A_1612 : memref<50080xf32, #tpu.memory_space<hbm>>) target(%arg12 : memref<50080xf32, #tpu.memory_space<vmem>>) target_semaphore(%arg18 : memref<!tpu.dma_semaphore, #tpu.memory_space<semaphore_mem>>)
    %dma_wait3A_1613 = arith.constant 10 : i32
    %dma_wait3A_1614 = arith.constant 0 : i32
    %dma_wait3A_1615 = tpu.memref_slice %arg15[%dma_wait3A_1614] : memref<4112xf32, #tpu.memory_space<vmem>> -> memref<4096xf32, #tpu.memory_space<vmem>>
    %dma_wait3A_1616 = arith.constant 0 : i32
    %dma_wait3A_1617 = tpu.memref_slice %arg8[%dma_wait3A_1613, %add3A, %dma_wait3A_1616] : memref<16x32x4096xf32, #tpu.memory_space<hbm>> -> memref<1x1x4096xf32, #tpu.memory_space<hbm>>
    %dma_wait3A_1618 = tpu.memref_squeeze %dma_wait3A_1617 : memref<1x1x4096xf32, #tpu.memory_space<hbm>> -> memref<4096xf32, #tpu.memory_space<hbm>>
    %dma_wait3A_1619 = arith.constant 0 : i32
    %dma_wait3A_1620 = tpu.memref_slice %arg8[%dma_wait3A_1613, %add3A, %dma_wait3A_1619] : memref<16x32x4096xf32, #tpu.memory_space<hbm>> -> memref<1x1x4096xf32, #tpu.memory_space<hbm>>
    %dma_wait3A_1621 = tpu.memref_squeeze %dma_wait3A_1620 : memref<1x1x4096xf32, #tpu.memory_space<hbm>> -> memref<4096xf32, #tpu.memory_space<hbm>>
    %dma_wait3A_1622 = arith.constant 0 : i32
    %dma_wait3A_1623 = tpu.memref_slice %arg15[%dma_wait3A_1622] : memref<4112xf32, #tpu.memory_space<vmem>> -> memref<4096xf32, #tpu.memory_space<vmem>>
    tpu.wait_dma2 semaphore(%arg19 : memref<!tpu.dma_semaphore, #tpu.memory_space<semaphore_mem>>) src(%dma_wait3A_1623 : memref<4096xf32, #tpu.memory_space<vmem>>) dst(%dma_wait3A_1621 : memref<4096xf32, #tpu.memory_space<hbm>>)
    %dma_wait3A_1624 = arith.constant 12 : i32
    %dma_wait3A_1625 = arith.constant 0 : i32
    %dma_wait3A_1626 = tpu.memref_slice %arg11[%dma_wait3A_1625] : memref<50080xf32, #tpu.memory_space<vmem>> -> memref<49920xf32, #tpu.memory_space<vmem>>
    %dma_wait3A_1627 = arith.constant 0 : i32
    %dma_wait3A_1628 = tpu.memref_slice %arg5[%dma_wait3A_1624, %add3A, %dma_wait3A_1627] : memref<16x32x100000xf32, #tpu.memory_space<hbm>> -> memref<1x1x49920xf32, #tpu.memory_space<hbm>>
    %dma_wait3A_1629 = tpu.memref_squeeze %dma_wait3A_1628 : memref<1x1x49920xf32, #tpu.memory_space<hbm>> -> memref<49920xf32, #tpu.memory_space<hbm>>
    %dma_wait3A_1630 = arith.constant 0 : i32
    %dma_wait3A_1631 = tpu.memref_slice %arg11[%dma_wait3A_1630] : memref<50080xf32, #tpu.memory_space<vmem>> -> memref<49920xf32, #tpu.memory_space<vmem>>
    %dma_wait3A_1632 = arith.constant 0 : i32
    %dma_wait3A_1633 = tpu.memref_slice %arg5[%dma_wait3A_1624, %add3A, %dma_wait3A_1632] : memref<16x32x100000xf32, #tpu.memory_space<hbm>> -> memref<1x1x49920xf32, #tpu.memory_space<hbm>>
    %dma_wait3A_1634 = tpu.memref_squeeze %dma_wait3A_1633 : memref<1x1x49920xf32, #tpu.memory_space<hbm>> -> memref<49920xf32, #tpu.memory_space<hbm>>
    tpu.wait_dma2 semaphore(%arg17 : memref<!tpu.dma_semaphore, #tpu.memory_space<semaphore_mem>>) src(%dma_wait3A_1634 : memref<49920xf32, #tpu.memory_space<hbm>>) dst(%dma_wait3A_1631 : memref<49920xf32, #tpu.memory_space<vmem>>)
    %add3A_1635 = arith.constant 15 : i32
    %add3A_1636 = arith.addi %scan3A_71#0, %add3A_1635 : i32
    %jit3A_1637 = arith.constant 16 : i32
    %div3A_1638 = arith.divsi %add3A_1636, %jit3A_1637 : i32
    %sign3A_1639 = arith.constant 0 : i32
    %sign3A_1640 = arith.cmpi sgt, %add3A_1636, %sign3A_1639 : i32
    %sign3A_1641 = arith.extui %sign3A_1640 : i1 to i32
    %sign3A_1642 = arith.constant 0 : i32
    %sign3A_1643 = arith.cmpi slt, %add3A_1636, %sign3A_1642 : i32
    %sign3A_1644 = arith.extui %sign3A_1643 : i1 to i32
    %sign3A_1645 = arith.subi %sign3A_1641, %sign3A_1644 : i32
    %sign3A_1646 = arith.constant 0 : i32
    %sign3A_1647 = arith.cmpi sgt, %jit3A_1637, %sign3A_1646 : i32
    %sign3A_1648 = arith.extui %sign3A_1647 : i1 to i32
    %sign3A_1649 = arith.constant 0 : i32
    %sign3A_1650 = arith.cmpi slt, %jit3A_1637, %sign3A_1649 : i32
    %sign3A_1651 = arith.extui %sign3A_1650 : i1 to i32
    %sign3A_1652 = arith.subi %sign3A_1648, %sign3A_1651 : i32
    %ne3A_1653 = arith.cmpi ne, %sign3A_1645, %sign3A_1652 : i32
    %rem3A_1654 = arith.remsi %add3A_1636, %jit3A_1637 : i32
    %ne3A_1655 = arith.constant 0 : i32
    %ne3A_1656 = arith.cmpi ne, %rem3A_1654, %ne3A_1655 : i32
    %and3A_1657 = arith.andi %ne3A_1653, %ne3A_1656 : i1
    %sub3A_1658 = arith.constant 1 : i32
    %sub3A_1659 = arith.subi %div3A_1638, %sub3A_1658 : i32
    %select_n3A_1660 = arith.select %and3A_1657, %sub3A_1659, %div3A_1638 : i32
    %while3A_1661 = arith.constant 0 : i32
    %while3A_1662 = arith.constant 0 : i32
    %while3A_1663 = arith.subi %select_n3A_1660, %while3A_1662 : i32
    %while3A_1664 = arith.addi %while3A_1662, %while3A_1663 : i32
    %while3A_1665 = arith.constant 1 : i32
    %while3A_1666 = arith.divsi %while3A_1663, %while3A_1665 : i32
    %while3A_1667 = arith.muli %while3A_1666, %while3A_1665 : i32
    %while3A_1668 = arith.addi %while3A_1662, %while3A_1667 : i32
    %while3A_1669 = arith.constant 1 : i32
    scf.for %while3A_2429 = %while3A_1662 to %while3A_1668 step %while3A_1669  : i32 {
      %mul3A_2430 = arith.constant 16 : i32
      %mul3A_2431 = arith.muli %while3A_2429, %mul3A_2430 : i32
      %get3A = arith.index_cast %mul3A_2431 : i32 to index
      %get3A_2432 = tpu.vector_load %arg13[%get3A] {strides = array<i32>} : memref<4112xi32, #tpu.memory_space<vmem>>, vector<16xi32>,
      %and3A_2433 = arith.constant 131071 : i32
      %and3A_2434 = vector.broadcast %and3A_2433 : i32 to vector<16xi32>
      %and3A_2435 = arith.andi %get3A_2432, %and3A_2434 : vector<16xi32>
      %shift_right_logical3A = arith.constant 17 : i32
      %shift_right_logical3A_2436 = vector.broadcast %shift_right_logical3A : i32 to vector<16xi32>
      %shift_right_logical3A_2437 = arith.shrui %get3A_2432, %shift_right_logical3A_2436 : vector<16xi32>
      %gather3A = tpu.vector_load_idx %arg11[%and3A_2435] : memref<50080xf32, #tpu.memory_space<vmem>>[vector<16xi32>], vector<16xf32>,
      tpu.vector_store_idx %arg15[%shift_right_logical3A_2437], %gather3A : memref<4112xf32, #tpu.memory_space<vmem>>[vector<16xi32>], vector<16xf32>,
    }
    %while3A_1670 = arith.constant 1 : i32
    scf.for %while3A_2429 = %while3A_1668 to %while3A_1664 step %while3A_1670  : i32 {
      %mul3A_2430 = arith.constant 16 : i32
      %mul3A_2431 = arith.muli %while3A_2429, %mul3A_2430 : i32
      %get3A = arith.index_cast %mul3A_2431 : i32 to index
      %get3A_2432 = tpu.vector_load %arg13[%get3A] {strides = array<i32>} : memref<4112xi32, #tpu.memory_space<vmem>>, vector<16xi32>,
      %and3A_2433 = arith.constant 131071 : i32
      %and3A_2434 = vector.broadcast %and3A_2433 : i32 to vector<16xi32>
      %and3A_2435 = arith.andi %get3A_2432, %and3A_2434 : vector<16xi32>
      %shift_right_logical3A = arith.constant 17 : i32
      %shift_right_logical3A_2436 = vector.broadcast %shift_right_logical3A : i32 to vector<16xi32>
      %shift_right_logical3A_2437 = arith.shrui %get3A_2432, %shift_right_logical3A_2436 : vector<16xi32>
      %gather3A = tpu.vector_load_idx %arg11[%and3A_2435] : memref<50080xf32, #tpu.memory_space<vmem>>[vector<16xi32>], vector<16xf32>,
      tpu.vector_store_idx %arg15[%shift_right_logical3A_2437], %gather3A : memref<4112xf32, #tpu.memory_space<vmem>>[vector<16xi32>], vector<16xf32>,
    }
    %dma_start3A_1671 = arith.constant 13 : i32
    %dma_start3A_1672 = arith.constant 0 : i32
    %dma_start3A_1673 = tpu.memref_slice %arg11[%dma_start3A_1672] : memref<50080xf32, #tpu.memory_space<vmem>> -> memref<49920xf32, #tpu.memory_space<vmem>>
    %dma_start3A_1674 = arith.constant 0 : i32
    %dma_start3A_1675 = tpu.memref_slice %arg5[%dma_start3A_1671, %add3A, %dma_start3A_1674] : memref<16x32x100000xf32, #tpu.memory_space<hbm>> -> memref<1x1x49920xf32, #tpu.memory_space<hbm>>
    %dma_start3A_1676 = tpu.memref_squeeze %dma_start3A_1675 : memref<1x1x49920xf32, #tpu.memory_space<hbm>> -> memref<49920xf32, #tpu.memory_space<hbm>>
    %dma_start3A_1677 = arith.constant 0 : i32
    %dma_start3A_1678 = tpu.memref_slice %arg11[%dma_start3A_1677] : memref<50080xf32, #tpu.memory_space<vmem>> -> memref<49920xf32, #tpu.memory_space<vmem>>
    %dma_start3A_1679 = arith.constant 0 : i32
    %dma_start3A_1680 = tpu.memref_slice %arg5[%dma_start3A_1671, %add3A, %dma_start3A_1679] : memref<16x32x100000xf32, #tpu.memory_space<hbm>> -> memref<1x1x49920xf32, #tpu.memory_space<hbm>>
    %dma_start3A_1681 = tpu.memref_squeeze %dma_start3A_1680 : memref<1x1x49920xf32, #tpu.memory_space<hbm>> -> memref<49920xf32, #tpu.memory_space<hbm>>
    tpu.enqueue_dma source(%dma_start3A_1681 : memref<49920xf32, #tpu.memory_space<hbm>>) target(%dma_start3A_1678 : memref<49920xf32, #tpu.memory_space<vmem>>) target_semaphore(%arg17 : memref<!tpu.dma_semaphore, #tpu.memory_space<semaphore_mem>>)
    %dma_wait3A_1682 = arith.constant 12 : i32
    %dma_wait3A_1683 = arith.constant 49920 : i32
    %dma_wait3A_1684 = tpu.memref_slice %arg5[%dma_wait3A_1682, %add3A, %dma_wait3A_1683] : memref<16x32x100000xf32, #tpu.memory_space<hbm>> -> memref<1x1x50080xf32, #tpu.memory_space<hbm>>
    %dma_wait3A_1685 = tpu.memref_squeeze %dma_wait3A_1684 : memref<1x1x50080xf32, #tpu.memory_space<hbm>> -> memref<50080xf32, #tpu.memory_space<hbm>>
    %dma_wait3A_1686 = arith.constant 49920 : i32
    %dma_wait3A_1687 = tpu.memref_slice %arg5[%dma_wait3A_1682, %add3A, %dma_wait3A_1686] : memref<16x32x100000xf32, #tpu.memory_space<hbm>> -> memref<1x1x50080xf32, #tpu.memory_space<hbm>>
    %dma_wait3A_1688 = tpu.memref_squeeze %dma_wait3A_1687 : memref<1x1x50080xf32, #tpu.memory_space<hbm>> -> memref<50080xf32, #tpu.memory_space<hbm>>
    tpu.wait_dma2 semaphore(%arg18 : memref<!tpu.dma_semaphore, #tpu.memory_space<semaphore_mem>>) src(%dma_wait3A_1688 : memref<50080xf32, #tpu.memory_space<hbm>>) dst(%arg12 : memref<50080xf32, #tpu.memory_space<vmem>>)
    %add3A_1689 = arith.constant 15 : i32
    %add3A_1690 = arith.addi %scan3A_71#1, %add3A_1689 : i32
    %jit3A_1691 = arith.constant 16 : i32
    %div3A_1692 = arith.divsi %add3A_1690, %jit3A_1691 : i32
    %sign3A_1693 = arith.constant 0 : i32
    %sign3A_1694 = arith.cmpi sgt, %add3A_1690, %sign3A_1693 : i32
    %sign3A_1695 = arith.extui %sign3A_1694 : i1 to i32
    %sign3A_1696 = arith.constant 0 : i32
    %sign3A_1697 = arith.cmpi slt, %add3A_1690, %sign3A_1696 : i32
    %sign3A_1698 = arith.extui %sign3A_1697 : i1 to i32
    %sign3A_1699 = arith.subi %sign3A_1695, %sign3A_1698 : i32
    %sign3A_1700 = arith.constant 0 : i32
    %sign3A_1701 = arith.cmpi sgt, %jit3A_1691, %sign3A_1700 : i32
    %sign3A_1702 = arith.extui %sign3A_1701 : i1 to i32
    %sign3A_1703 = arith.constant 0 : i32
    %sign3A_1704 = arith.cmpi slt, %jit3A_1691, %sign3A_1703 : i32
    %sign3A_1705 = arith.extui %sign3A_1704 : i1 to i32
    %sign3A_1706 = arith.subi %sign3A_1702, %sign3A_1705 : i32
    %ne3A_1707 = arith.cmpi ne, %sign3A_1699, %sign3A_1706 : i32
    %rem3A_1708 = arith.remsi %add3A_1690, %jit3A_1691 : i32
    %ne3A_1709 = arith.constant 0 : i32
    %ne3A_1710 = arith.cmpi ne, %rem3A_1708, %ne3A_1709 : i32
    %and3A_1711 = arith.andi %ne3A_1707, %ne3A_1710 : i1
    %sub3A_1712 = arith.constant 1 : i32
    %sub3A_1713 = arith.subi %div3A_1692, %sub3A_1712 : i32
    %select_n3A_1714 = arith.select %and3A_1711, %sub3A_1713, %div3A_1692 : i32
    %while3A_1715 = arith.constant 0 : i32
    %while3A_1716 = arith.constant 0 : i32
    %while3A_1717 = arith.subi %select_n3A_1714, %while3A_1716 : i32
    %while3A_1718 = arith.addi %while3A_1716, %while3A_1717 : i32
    %while3A_1719 = arith.constant 1 : i32
    %while3A_1720 = arith.divsi %while3A_1717, %while3A_1719 : i32
    %while3A_1721 = arith.muli %while3A_1720, %while3A_1719 : i32
    %while3A_1722 = arith.addi %while3A_1716, %while3A_1721 : i32
    %while3A_1723 = arith.constant 1 : i32
    scf.for %while3A_2429 = %while3A_1716 to %while3A_1722 step %while3A_1723  : i32 {
      %mul3A_2430 = arith.constant 16 : i32
      %mul3A_2431 = arith.muli %while3A_2429, %mul3A_2430 : i32
      %get3A = arith.index_cast %mul3A_2431 : i32 to index
      %get3A_2432 = tpu.vector_load %arg14[%get3A] {strides = array<i32>} : memref<4112xi32, #tpu.memory_space<vmem>>, vector<16xi32>,
      %and3A_2433 = arith.constant 131071 : i32
      %and3A_2434 = vector.broadcast %and3A_2433 : i32 to vector<16xi32>
      %and3A_2435 = arith.andi %get3A_2432, %and3A_2434 : vector<16xi32>
      %shift_right_logical3A = arith.constant 17 : i32
      %shift_right_logical3A_2436 = vector.broadcast %shift_right_logical3A : i32 to vector<16xi32>
      %shift_right_logical3A_2437 = arith.shrui %get3A_2432, %shift_right_logical3A_2436 : vector<16xi32>
      %gather3A = tpu.vector_load_idx %arg12[%and3A_2435] : memref<50080xf32, #tpu.memory_space<vmem>>[vector<16xi32>], vector<16xf32>,
      tpu.vector_store_idx %arg15[%shift_right_logical3A_2437], %gather3A : memref<4112xf32, #tpu.memory_space<vmem>>[vector<16xi32>], vector<16xf32>,
    }
    %while3A_1724 = arith.constant 1 : i32
    scf.for %while3A_2429 = %while3A_1722 to %while3A_1718 step %while3A_1724  : i32 {
      %mul3A_2430 = arith.constant 16 : i32
      %mul3A_2431 = arith.muli %while3A_2429, %mul3A_2430 : i32
      %get3A = arith.index_cast %mul3A_2431 : i32 to index
      %get3A_2432 = tpu.vector_load %arg14[%get3A] {strides = array<i32>} : memref<4112xi32, #tpu.memory_space<vmem>>, vector<16xi32>,
      %and3A_2433 = arith.constant 131071 : i32
      %and3A_2434 = vector.broadcast %and3A_2433 : i32 to vector<16xi32>
      %and3A_2435 = arith.andi %get3A_2432, %and3A_2434 : vector<16xi32>
      %shift_right_logical3A = arith.constant 17 : i32
      %shift_right_logical3A_2436 = vector.broadcast %shift_right_logical3A : i32 to vector<16xi32>
      %shift_right_logical3A_2437 = arith.shrui %get3A_2432, %shift_right_logical3A_2436 : vector<16xi32>
      %gather3A = tpu.vector_load_idx %arg12[%and3A_2435] : memref<50080xf32, #tpu.memory_space<vmem>>[vector<16xi32>], vector<16xf32>,
      tpu.vector_store_idx %arg15[%shift_right_logical3A_2437], %gather3A : memref<4112xf32, #tpu.memory_space<vmem>>[vector<16xi32>], vector<16xf32>,
    }
    %dma_start3A_1725 = arith.constant 12 : i32
    %dma_start3A_1726 = arith.constant 0 : i32
    %dma_start3A_1727 = tpu.memref_slice %arg15[%dma_start3A_1726] : memref<4112xf32, #tpu.memory_space<vmem>> -> memref<4096xf32, #tpu.memory_space<vmem>>
    %dma_start3A_1728 = arith.constant 0 : i32
    %dma_start3A_1729 = tpu.memref_slice %arg8[%dma_start3A_1725, %add3A, %dma_start3A_1728] : memref<16x32x4096xf32, #tpu.memory_space<hbm>> -> memref<1x1x4096xf32, #tpu.memory_space<hbm>>
    %dma_start3A_1730 = tpu.memref_squeeze %dma_start3A_1729 : memref<1x1x4096xf32, #tpu.memory_space<hbm>> -> memref<4096xf32, #tpu.memory_space<hbm>>
    %dma_start3A_1731 = arith.constant 0 : i32
    %dma_start3A_1732 = tpu.memref_slice %arg8[%dma_start3A_1725, %add3A, %dma_start3A_1731] : memref<16x32x4096xf32, #tpu.memory_space<hbm>> -> memref<1x1x4096xf32, #tpu.memory_space<hbm>>
    %dma_start3A_1733 = tpu.memref_squeeze %dma_start3A_1732 : memref<1x1x4096xf32, #tpu.memory_space<hbm>> -> memref<4096xf32, #tpu.memory_space<hbm>>
    %dma_start3A_1734 = arith.constant 0 : i32
    %dma_start3A_1735 = tpu.memref_slice %arg15[%dma_start3A_1734] : memref<4112xf32, #tpu.memory_space<vmem>> -> memref<4096xf32, #tpu.memory_space<vmem>>
    tpu.enqueue_dma source(%dma_start3A_1735 : memref<4096xf32, #tpu.memory_space<vmem>>) target(%dma_start3A_1733 : memref<4096xf32, #tpu.memory_space<hbm>>) target_semaphore(%arg19 : memref<!tpu.dma_semaphore, #tpu.memory_space<semaphore_mem>>)
    %dma_start3A_1736 = arith.constant 13 : i32
    %dma_start3A_1737 = arith.constant 49920 : i32
    %dma_start3A_1738 = tpu.memref_slice %arg5[%dma_start3A_1736, %add3A, %dma_start3A_1737] : memref<16x32x100000xf32, #tpu.memory_space<hbm>> -> memref<1x1x50080xf32, #tpu.memory_space<hbm>>
    %dma_start3A_1739 = tpu.memref_squeeze %dma_start3A_1738 : memref<1x1x50080xf32, #tpu.memory_space<hbm>> -> memref<50080xf32, #tpu.memory_space<hbm>>
    %dma_start3A_1740 = arith.constant 49920 : i32
    %dma_start3A_1741 = tpu.memref_slice %arg5[%dma_start3A_1736, %add3A, %dma_start3A_1740] : memref<16x32x100000xf32, #tpu.memory_space<hbm>> -> memref<1x1x50080xf32, #tpu.memory_space<hbm>>
    %dma_start3A_1742 = tpu.memref_squeeze %dma_start3A_1741 : memref<1x1x50080xf32, #tpu.memory_space<hbm>> -> memref<50080xf32, #tpu.memory_space<hbm>>
    tpu.enqueue_dma source(%dma_start3A_1742 : memref<50080xf32, #tpu.memory_space<hbm>>) target(%arg12 : memref<50080xf32, #tpu.memory_space<vmem>>) target_semaphore(%arg18 : memref<!tpu.dma_semaphore, #tpu.memory_space<semaphore_mem>>)
    %dma_wait3A_1743 = arith.constant 11 : i32
    %dma_wait3A_1744 = arith.constant 0 : i32
    %dma_wait3A_1745 = tpu.memref_slice %arg16[%dma_wait3A_1744] : memref<4112xf32, #tpu.memory_space<vmem>> -> memref<4096xf32, #tpu.memory_space<vmem>>
    %dma_wait3A_1746 = arith.constant 0 : i32
    %dma_wait3A_1747 = tpu.memref_slice %arg8[%dma_wait3A_1743, %add3A, %dma_wait3A_1746] : memref<16x32x4096xf32, #tpu.memory_space<hbm>> -> memref<1x1x4096xf32, #tpu.memory_space<hbm>>
    %dma_wait3A_1748 = tpu.memref_squeeze %dma_wait3A_1747 : memref<1x1x4096xf32, #tpu.memory_space<hbm>> -> memref<4096xf32, #tpu.memory_space<hbm>>
    %dma_wait3A_1749 = arith.constant 0 : i32
    %dma_wait3A_1750 = tpu.memref_slice %arg8[%dma_wait3A_1743, %add3A, %dma_wait3A_1749] : memref<16x32x4096xf32, #tpu.memory_space<hbm>> -> memref<1x1x4096xf32, #tpu.memory_space<hbm>>
    %dma_wait3A_1751 = tpu.memref_squeeze %dma_wait3A_1750 : memref<1x1x4096xf32, #tpu.memory_space<hbm>> -> memref<4096xf32, #tpu.memory_space<hbm>>
    %dma_wait3A_1752 = arith.constant 0 : i32
    %dma_wait3A_1753 = tpu.memref_slice %arg16[%dma_wait3A_1752] : memref<4112xf32, #tpu.memory_space<vmem>> -> memref<4096xf32, #tpu.memory_space<vmem>>
    tpu.wait_dma2 semaphore(%arg20 : memref<!tpu.dma_semaphore, #tpu.memory_space<semaphore_mem>>) src(%dma_wait3A_1753 : memref<4096xf32, #tpu.memory_space<vmem>>) dst(%dma_wait3A_1751 : memref<4096xf32, #tpu.memory_space<hbm>>)
    %dma_wait3A_1754 = arith.constant 13 : i32
    %dma_wait3A_1755 = arith.constant 0 : i32
    %dma_wait3A_1756 = tpu.memref_slice %arg11[%dma_wait3A_1755] : memref<50080xf32, #tpu.memory_space<vmem>> -> memref<49920xf32, #tpu.memory_space<vmem>>
    %dma_wait3A_1757 = arith.constant 0 : i32
    %dma_wait3A_1758 = tpu.memref_slice %arg5[%dma_wait3A_1754, %add3A, %dma_wait3A_1757] : memref<16x32x100000xf32, #tpu.memory_space<hbm>> -> memref<1x1x49920xf32, #tpu.memory_space<hbm>>
    %dma_wait3A_1759 = tpu.memref_squeeze %dma_wait3A_1758 : memref<1x1x49920xf32, #tpu.memory_space<hbm>> -> memref<49920xf32, #tpu.memory_space<hbm>>
    %dma_wait3A_1760 = arith.constant 0 : i32
    %dma_wait3A_1761 = tpu.memref_slice %arg11[%dma_wait3A_1760] : memref<50080xf32, #tpu.memory_space<vmem>> -> memref<49920xf32, #tpu.memory_space<vmem>>
    %dma_wait3A_1762 = arith.constant 0 : i32
    %dma_wait3A_1763 = tpu.memref_slice %arg5[%dma_wait3A_1754, %add3A, %dma_wait3A_1762] : memref<16x32x100000xf32, #tpu.memory_space<hbm>> -> memref<1x1x49920xf32, #tpu.memory_space<hbm>>
    %dma_wait3A_1764 = tpu.memref_squeeze %dma_wait3A_1763 : memref<1x1x49920xf32, #tpu.memory_space<hbm>> -> memref<49920xf32, #tpu.memory_space<hbm>>
    tpu.wait_dma2 semaphore(%arg17 : memref<!tpu.dma_semaphore, #tpu.memory_space<semaphore_mem>>) src(%dma_wait3A_1764 : memref<49920xf32, #tpu.memory_space<hbm>>) dst(%dma_wait3A_1761 : memref<49920xf32, #tpu.memory_space<vmem>>)
    %add3A_1765 = arith.constant 15 : i32
    %add3A_1766 = arith.addi %scan3A_71#0, %add3A_1765 : i32
    %jit3A_1767 = arith.constant 16 : i32
    %div3A_1768 = arith.divsi %add3A_1766, %jit3A_1767 : i32
    %sign3A_1769 = arith.constant 0 : i32
    %sign3A_1770 = arith.cmpi sgt, %add3A_1766, %sign3A_1769 : i32
    %sign3A_1771 = arith.extui %sign3A_1770 : i1 to i32
    %sign3A_1772 = arith.constant 0 : i32
    %sign3A_1773 = arith.cmpi slt, %add3A_1766, %sign3A_1772 : i32
    %sign3A_1774 = arith.extui %sign3A_1773 : i1 to i32
    %sign3A_1775 = arith.subi %sign3A_1771, %sign3A_1774 : i32
    %sign3A_1776 = arith.constant 0 : i32
    %sign3A_1777 = arith.cmpi sgt, %jit3A_1767, %sign3A_1776 : i32
    %sign3A_1778 = arith.extui %sign3A_1777 : i1 to i32
    %sign3A_1779 = arith.constant 0 : i32
    %sign3A_1780 = arith.cmpi slt, %jit3A_1767, %sign3A_1779 : i32
    %sign3A_1781 = arith.extui %sign3A_1780 : i1 to i32
    %sign3A_1782 = arith.subi %sign3A_1778, %sign3A_1781 : i32
    %ne3A_1783 = arith.cmpi ne, %sign3A_1775, %sign3A_1782 : i32
    %rem3A_1784 = arith.remsi %add3A_1766, %jit3A_1767 : i32
    %ne3A_1785 = arith.constant 0 : i32
    %ne3A_1786 = arith.cmpi ne, %rem3A_1784, %ne3A_1785 : i32
    %and3A_1787 = arith.andi %ne3A_1783, %ne3A_1786 : i1
    %sub3A_1788 = arith.constant 1 : i32
    %sub3A_1789 = arith.subi %div3A_1768, %sub3A_1788 : i32
    %select_n3A_1790 = arith.select %and3A_1787, %sub3A_1789, %div3A_1768 : i32
    %while3A_1791 = arith.constant 0 : i32
    %while3A_1792 = arith.constant 0 : i32
    %while3A_1793 = arith.subi %select_n3A_1790, %while3A_1792 : i32
    %while3A_1794 = arith.addi %while3A_1792, %while3A_1793 : i32
    %while3A_1795 = arith.constant 1 : i32
    %while3A_1796 = arith.divsi %while3A_1793, %while3A_1795 : i32
    %while3A_1797 = arith.muli %while3A_1796, %while3A_1795 : i32
    %while3A_1798 = arith.addi %while3A_1792, %while3A_1797 : i32
    %while3A_1799 = arith.constant 1 : i32
    scf.for %while3A_2429 = %while3A_1792 to %while3A_1798 step %while3A_1799  : i32 {
      %mul3A_2430 = arith.constant 16 : i32
      %mul3A_2431 = arith.muli %while3A_2429, %mul3A_2430 : i32
      %get3A = arith.index_cast %mul3A_2431 : i32 to index
      %get3A_2432 = tpu.vector_load %arg13[%get3A] {strides = array<i32>} : memref<4112xi32, #tpu.memory_space<vmem>>, vector<16xi32>,
      %and3A_2433 = arith.constant 131071 : i32
      %and3A_2434 = vector.broadcast %and3A_2433 : i32 to vector<16xi32>
      %and3A_2435 = arith.andi %get3A_2432, %and3A_2434 : vector<16xi32>
      %shift_right_logical3A = arith.constant 17 : i32
      %shift_right_logical3A_2436 = vector.broadcast %shift_right_logical3A : i32 to vector<16xi32>
      %shift_right_logical3A_2437 = arith.shrui %get3A_2432, %shift_right_logical3A_2436 : vector<16xi32>
      %gather3A = tpu.vector_load_idx %arg11[%and3A_2435] : memref<50080xf32, #tpu.memory_space<vmem>>[vector<16xi32>], vector<16xf32>,
      tpu.vector_store_idx %arg16[%shift_right_logical3A_2437], %gather3A : memref<4112xf32, #tpu.memory_space<vmem>>[vector<16xi32>], vector<16xf32>,
    }
    %while3A_1800 = arith.constant 1 : i32
    scf.for %while3A_2429 = %while3A_1798 to %while3A_1794 step %while3A_1800  : i32 {
      %mul3A_2430 = arith.constant 16 : i32
      %mul3A_2431 = arith.muli %while3A_2429, %mul3A_2430 : i32
      %get3A = arith.index_cast %mul3A_2431 : i32 to index
      %get3A_2432 = tpu.vector_load %arg13[%get3A] {strides = array<i32>} : memref<4112xi32, #tpu.memory_space<vmem>>, vector<16xi32>,
      %and3A_2433 = arith.constant 131071 : i32
      %and3A_2434 = vector.broadcast %and3A_2433 : i32 to vector<16xi32>
      %and3A_2435 = arith.andi %get3A_2432, %and3A_2434 : vector<16xi32>
      %shift_right_logical3A = arith.constant 17 : i32
      %shift_right_logical3A_2436 = vector.broadcast %shift_right_logical3A : i32 to vector<16xi32>
      %shift_right_logical3A_2437 = arith.shrui %get3A_2432, %shift_right_logical3A_2436 : vector<16xi32>
      %gather3A = tpu.vector_load_idx %arg11[%and3A_2435] : memref<50080xf32, #tpu.memory_space<vmem>>[vector<16xi32>], vector<16xf32>,
      tpu.vector_store_idx %arg16[%shift_right_logical3A_2437], %gather3A : memref<4112xf32, #tpu.memory_space<vmem>>[vector<16xi32>], vector<16xf32>,
    }
    %dma_start3A_1801 = arith.constant 14 : i32
    %dma_start3A_1802 = arith.constant 0 : i32
    %dma_start3A_1803 = tpu.memref_slice %arg11[%dma_start3A_1802] : memref<50080xf32, #tpu.memory_space<vmem>> -> memref<49920xf32, #tpu.memory_space<vmem>>
    %dma_start3A_1804 = arith.constant 0 : i32
    %dma_start3A_1805 = tpu.memref_slice %arg5[%dma_start3A_1801, %add3A, %dma_start3A_1804] : memref<16x32x100000xf32, #tpu.memory_space<hbm>> -> memref<1x1x49920xf32, #tpu.memory_space<hbm>>
    %dma_start3A_1806 = tpu.memref_squeeze %dma_start3A_1805 : memref<1x1x49920xf32, #tpu.memory_space<hbm>> -> memref<49920xf32, #tpu.memory_space<hbm>>
    %dma_start3A_1807 = arith.constant 0 : i32
    %dma_start3A_1808 = tpu.memref_slice %arg11[%dma_start3A_1807] : memref<50080xf32, #tpu.memory_space<vmem>> -> memref<49920xf32, #tpu.memory_space<vmem>>
    %dma_start3A_1809 = arith.constant 0 : i32
    %dma_start3A_1810 = tpu.memref_slice %arg5[%dma_start3A_1801, %add3A, %dma_start3A_1809] : memref<16x32x100000xf32, #tpu.memory_space<hbm>> -> memref<1x1x49920xf32, #tpu.memory_space<hbm>>
    %dma_start3A_1811 = tpu.memref_squeeze %dma_start3A_1810 : memref<1x1x49920xf32, #tpu.memory_space<hbm>> -> memref<49920xf32, #tpu.memory_space<hbm>>
    tpu.enqueue_dma source(%dma_start3A_1811 : memref<49920xf32, #tpu.memory_space<hbm>>) target(%dma_start3A_1808 : memref<49920xf32, #tpu.memory_space<vmem>>) target_semaphore(%arg17 : memref<!tpu.dma_semaphore, #tpu.memory_space<semaphore_mem>>)
    %dma_wait3A_1812 = arith.constant 13 : i32
    %dma_wait3A_1813 = arith.constant 49920 : i32
    %dma_wait3A_1814 = tpu.memref_slice %arg5[%dma_wait3A_1812, %add3A, %dma_wait3A_1813] : memref<16x32x100000xf32, #tpu.memory_space<hbm>> -> memref<1x1x50080xf32, #tpu.memory_space<hbm>>
    %dma_wait3A_1815 = tpu.memref_squeeze %dma_wait3A_1814 : memref<1x1x50080xf32, #tpu.memory_space<hbm>> -> memref<50080xf32, #tpu.memory_space<hbm>>
    %dma_wait3A_1816 = arith.constant 49920 : i32
    %dma_wait3A_1817 = tpu.memref_slice %arg5[%dma_wait3A_1812, %add3A, %dma_wait3A_1816] : memref<16x32x100000xf32, #tpu.memory_space<hbm>> -> memref<1x1x50080xf32, #tpu.memory_space<hbm>>
    %dma_wait3A_1818 = tpu.memref_squeeze %dma_wait3A_1817 : memref<1x1x50080xf32, #tpu.memory_space<hbm>> -> memref<50080xf32, #tpu.memory_space<hbm>>
    tpu.wait_dma2 semaphore(%arg18 : memref<!tpu.dma_semaphore, #tpu.memory_space<semaphore_mem>>) src(%dma_wait3A_1818 : memref<50080xf32, #tpu.memory_space<hbm>>) dst(%arg12 : memref<50080xf32, #tpu.memory_space<vmem>>)
    %add3A_1819 = arith.constant 15 : i32
    %add3A_1820 = arith.addi %scan3A_71#1, %add3A_1819 : i32
    %jit3A_1821 = arith.constant 16 : i32
    %div3A_1822 = arith.divsi %add3A_1820, %jit3A_1821 : i32
    %sign3A_1823 = arith.constant 0 : i32
    %sign3A_1824 = arith.cmpi sgt, %add3A_1820, %sign3A_1823 : i32
    %sign3A_1825 = arith.extui %sign3A_1824 : i1 to i32
    %sign3A_1826 = arith.constant 0 : i32
    %sign3A_1827 = arith.cmpi slt, %add3A_1820, %sign3A_1826 : i32
    %sign3A_1828 = arith.extui %sign3A_1827 : i1 to i32
    %sign3A_1829 = arith.subi %sign3A_1825, %sign3A_1828 : i32
    %sign3A_1830 = arith.constant 0 : i32
    %sign3A_1831 = arith.cmpi sgt, %jit3A_1821, %sign3A_1830 : i32
    %sign3A_1832 = arith.extui %sign3A_1831 : i1 to i32
    %sign3A_1833 = arith.constant 0 : i32
    %sign3A_1834 = arith.cmpi slt, %jit3A_1821, %sign3A_1833 : i32
    %sign3A_1835 = arith.extui %sign3A_1834 : i1 to i32
    %sign3A_1836 = arith.subi %sign3A_1832, %sign3A_1835 : i32
    %ne3A_1837 = arith.cmpi ne, %sign3A_1829, %sign3A_1836 : i32
    %rem3A_1838 = arith.remsi %add3A_1820, %jit3A_1821 : i32
    %ne3A_1839 = arith.constant 0 : i32
    %ne3A_1840 = arith.cmpi ne, %rem3A_1838, %ne3A_1839 : i32
    %and3A_1841 = arith.andi %ne3A_1837, %ne3A_1840 : i1
    %sub3A_1842 = arith.constant 1 : i32
    %sub3A_1843 = arith.subi %div3A_1822, %sub3A_1842 : i32
    %select_n3A_1844 = arith.select %and3A_1841, %sub3A_1843, %div3A_1822 : i32
    %while3A_1845 = arith.constant 0 : i32
    %while3A_1846 = arith.constant 0 : i32
    %while3A_1847 = arith.subi %select_n3A_1844, %while3A_1846 : i32
    %while3A_1848 = arith.addi %while3A_1846, %while3A_1847 : i32
    %while3A_1849 = arith.constant 1 : i32
    %while3A_1850 = arith.divsi %while3A_1847, %while3A_1849 : i32
    %while3A_1851 = arith.muli %while3A_1850, %while3A_1849 : i32
    %while3A_1852 = arith.addi %while3A_1846, %while3A_1851 : i32
    %while3A_1853 = arith.constant 1 : i32
    scf.for %while3A_2429 = %while3A_1846 to %while3A_1852 step %while3A_1853  : i32 {
      %mul3A_2430 = arith.constant 16 : i32
      %mul3A_2431 = arith.muli %while3A_2429, %mul3A_2430 : i32
      %get3A = arith.index_cast %mul3A_2431 : i32 to index
      %get3A_2432 = tpu.vector_load %arg14[%get3A] {strides = array<i32>} : memref<4112xi32, #tpu.memory_space<vmem>>, vector<16xi32>,
      %and3A_2433 = arith.constant 131071 : i32
      %and3A_2434 = vector.broadcast %and3A_2433 : i32 to vector<16xi32>
      %and3A_2435 = arith.andi %get3A_2432, %and3A_2434 : vector<16xi32>
      %shift_right_logical3A = arith.constant 17 : i32
      %shift_right_logical3A_2436 = vector.broadcast %shift_right_logical3A : i32 to vector<16xi32>
      %shift_right_logical3A_2437 = arith.shrui %get3A_2432, %shift_right_logical3A_2436 : vector<16xi32>
      %gather3A = tpu.vector_load_idx %arg12[%and3A_2435] : memref<50080xf32, #tpu.memory_space<vmem>>[vector<16xi32>], vector<16xf32>,
      tpu.vector_store_idx %arg16[%shift_right_logical3A_2437], %gather3A : memref<4112xf32, #tpu.memory_space<vmem>>[vector<16xi32>], vector<16xf32>,
    }
    %while3A_1854 = arith.constant 1 : i32
    scf.for %while3A_2429 = %while3A_1852 to %while3A_1848 step %while3A_1854  : i32 {
      %mul3A_2430 = arith.constant 16 : i32
      %mul3A_2431 = arith.muli %while3A_2429, %mul3A_2430 : i32
      %get3A = arith.index_cast %mul3A_2431 : i32 to index
      %get3A_2432 = tpu.vector_load %arg14[%get3A] {strides = array<i32>} : memref<4112xi32, #tpu.memory_space<vmem>>, vector<16xi32>,
      %and3A_2433 = arith.constant 131071 : i32
      %and3A_2434 = vector.broadcast %and3A_2433 : i32 to vector<16xi32>
      %and3A_2435 = arith.andi %get3A_2432, %and3A_2434 : vector<16xi32>
      %shift_right_logical3A = arith.constant 17 : i32
      %shift_right_logical3A_2436 = vector.broadcast %shift_right_logical3A : i32 to vector<16xi32>
      %shift_right_logical3A_2437 = arith.shrui %get3A_2432, %shift_right_logical3A_2436 : vector<16xi32>
      %gather3A = tpu.vector_load_idx %arg12[%and3A_2435] : memref<50080xf32, #tpu.memory_space<vmem>>[vector<16xi32>], vector<16xf32>,
      tpu.vector_store_idx %arg16[%shift_right_logical3A_2437], %gather3A : memref<4112xf32, #tpu.memory_space<vmem>>[vector<16xi32>], vector<16xf32>,
    }
    %dma_start3A_1855 = arith.constant 13 : i32
    %dma_start3A_1856 = arith.constant 0 : i32
    %dma_start3A_1857 = tpu.memref_slice %arg16[%dma_start3A_1856] : memref<4112xf32, #tpu.memory_space<vmem>> -> memref<4096xf32, #tpu.memory_space<vmem>>
    %dma_start3A_1858 = arith.constant 0 : i32
    %dma_start3A_1859 = tpu.memref_slice %arg8[%dma_start3A_1855, %add3A, %dma_start3A_1858] : memref<16x32x4096xf32, #tpu.memory_space<hbm>> -> memref<1x1x4096xf32, #tpu.memory_space<hbm>>
    %dma_start3A_1860 = tpu.memref_squeeze %dma_start3A_1859 : memref<1x1x4096xf32, #tpu.memory_space<hbm>> -> memref<4096xf32, #tpu.memory_space<hbm>>
    %dma_start3A_1861 = arith.constant 0 : i32
    %dma_start3A_1862 = tpu.memref_slice %arg8[%dma_start3A_1855, %add3A, %dma_start3A_1861] : memref<16x32x4096xf32, #tpu.memory_space<hbm>> -> memref<1x1x4096xf32, #tpu.memory_space<hbm>>
    %dma_start3A_1863 = tpu.memref_squeeze %dma_start3A_1862 : memref<1x1x4096xf32, #tpu.memory_space<hbm>> -> memref<4096xf32, #tpu.memory_space<hbm>>
    %dma_start3A_1864 = arith.constant 0 : i32
    %dma_start3A_1865 = tpu.memref_slice %arg16[%dma_start3A_1864] : memref<4112xf32, #tpu.memory_space<vmem>> -> memref<4096xf32, #tpu.memory_space<vmem>>
    tpu.enqueue_dma source(%dma_start3A_1865 : memref<4096xf32, #tpu.memory_space<vmem>>) target(%dma_start3A_1863 : memref<4096xf32, #tpu.memory_space<hbm>>) target_semaphore(%arg20 : memref<!tpu.dma_semaphore, #tpu.memory_space<semaphore_mem>>)
    %dma_start3A_1866 = arith.constant 14 : i32
    %dma_start3A_1867 = arith.constant 49920 : i32
    %dma_start3A_1868 = tpu.memref_slice %arg5[%dma_start3A_1866, %add3A, %dma_start3A_1867] : memref<16x32x100000xf32, #tpu.memory_space<hbm>> -> memref<1x1x50080xf32, #tpu.memory_space<hbm>>
    %dma_start3A_1869 = tpu.memref_squeeze %dma_start3A_1868 : memref<1x1x50080xf32, #tpu.memory_space<hbm>> -> memref<50080xf32, #tpu.memory_space<hbm>>
    %dma_start3A_1870 = arith.constant 49920 : i32
    %dma_start3A_1871 = tpu.memref_slice %arg5[%dma_start3A_1866, %add3A, %dma_start3A_1870] : memref<16x32x100000xf32, #tpu.memory_space<hbm>> -> memref<1x1x50080xf32, #tpu.memory_space<hbm>>
    %dma_start3A_1872 = tpu.memref_squeeze %dma_start3A_1871 : memref<1x1x50080xf32, #tpu.memory_space<hbm>> -> memref<50080xf32, #tpu.memory_space<hbm>>
    tpu.enqueue_dma source(%dma_start3A_1872 : memref<50080xf32, #tpu.memory_space<hbm>>) target(%arg12 : memref<50080xf32, #tpu.memory_space<vmem>>) target_semaphore(%arg18 : memref<!tpu.dma_semaphore, #tpu.memory_space<semaphore_mem>>)
    %dma_wait3A_1873 = arith.constant 12 : i32
    %dma_wait3A_1874 = arith.constant 0 : i32
    %dma_wait3A_1875 = tpu.memref_slice %arg15[%dma_wait3A_1874] : memref<4112xf32, #tpu.memory_space<vmem>> -> memref<4096xf32, #tpu.memory_space<vmem>>
    %dma_wait3A_1876 = arith.constant 0 : i32
    %dma_wait3A_1877 = tpu.memref_slice %arg8[%dma_wait3A_1873, %add3A, %dma_wait3A_1876] : memref<16x32x4096xf32, #tpu.memory_space<hbm>> -> memref<1x1x4096xf32, #tpu.memory_space<hbm>>
    %dma_wait3A_1878 = tpu.memref_squeeze %dma_wait3A_1877 : memref<1x1x4096xf32, #tpu.memory_space<hbm>> -> memref<4096xf32, #tpu.memory_space<hbm>>
    %dma_wait3A_1879 = arith.constant 0 : i32
    %dma_wait3A_1880 = tpu.memref_slice %arg8[%dma_wait3A_1873, %add3A, %dma_wait3A_1879] : memref<16x32x4096xf32, #tpu.memory_space<hbm>> -> memref<1x1x4096xf32, #tpu.memory_space<hbm>>
    %dma_wait3A_1881 = tpu.memref_squeeze %dma_wait3A_1880 : memref<1x1x4096xf32, #tpu.memory_space<hbm>> -> memref<4096xf32, #tpu.memory_space<hbm>>
    %dma_wait3A_1882 = arith.constant 0 : i32
    %dma_wait3A_1883 = tpu.memref_slice %arg15[%dma_wait3A_1882] : memref<4112xf32, #tpu.memory_space<vmem>> -> memref<4096xf32, #tpu.memory_space<vmem>>
    tpu.wait_dma2 semaphore(%arg19 : memref<!tpu.dma_semaphore, #tpu.memory_space<semaphore_mem>>) src(%dma_wait3A_1883 : memref<4096xf32, #tpu.memory_space<vmem>>) dst(%dma_wait3A_1881 : memref<4096xf32, #tpu.memory_space<hbm>>)
    %dma_wait3A_1884 = arith.constant 14 : i32
    %dma_wait3A_1885 = arith.constant 0 : i32
    %dma_wait3A_1886 = tpu.memref_slice %arg11[%dma_wait3A_1885] : memref<50080xf32, #tpu.memory_space<vmem>> -> memref<49920xf32, #tpu.memory_space<vmem>>
    %dma_wait3A_1887 = arith.constant 0 : i32
    %dma_wait3A_1888 = tpu.memref_slice %arg5[%dma_wait3A_1884, %add3A, %dma_wait3A_1887] : memref<16x32x100000xf32, #tpu.memory_space<hbm>> -> memref<1x1x49920xf32, #tpu.memory_space<hbm>>
    %dma_wait3A_1889 = tpu.memref_squeeze %dma_wait3A_1888 : memref<1x1x49920xf32, #tpu.memory_space<hbm>> -> memref<49920xf32, #tpu.memory_space<hbm>>
    %dma_wait3A_1890 = arith.constant 0 : i32
    %dma_wait3A_1891 = tpu.memref_slice %arg11[%dma_wait3A_1890] : memref<50080xf32, #tpu.memory_space<vmem>> -> memref<49920xf32, #tpu.memory_space<vmem>>
    %dma_wait3A_1892 = arith.constant 0 : i32
    %dma_wait3A_1893 = tpu.memref_slice %arg5[%dma_wait3A_1884, %add3A, %dma_wait3A_1892] : memref<16x32x100000xf32, #tpu.memory_space<hbm>> -> memref<1x1x49920xf32, #tpu.memory_space<hbm>>
    %dma_wait3A_1894 = tpu.memref_squeeze %dma_wait3A_1893 : memref<1x1x49920xf32, #tpu.memory_space<hbm>> -> memref<49920xf32, #tpu.memory_space<hbm>>
    tpu.wait_dma2 semaphore(%arg17 : memref<!tpu.dma_semaphore, #tpu.memory_space<semaphore_mem>>) src(%dma_wait3A_1894 : memref<49920xf32, #tpu.memory_space<hbm>>) dst(%dma_wait3A_1891 : memref<49920xf32, #tpu.memory_space<vmem>>)
    %add3A_1895 = arith.constant 15 : i32
    %add3A_1896 = arith.addi %scan3A_71#0, %add3A_1895 : i32
    %jit3A_1897 = arith.constant 16 : i32
    %div3A_1898 = arith.divsi %add3A_1896, %jit3A_1897 : i32
    %sign3A_1899 = arith.constant 0 : i32
    %sign3A_1900 = arith.cmpi sgt, %add3A_1896, %sign3A_1899 : i32
    %sign3A_1901 = arith.extui %sign3A_1900 : i1 to i32
    %sign3A_1902 = arith.constant 0 : i32
    %sign3A_1903 = arith.cmpi slt, %add3A_1896, %sign3A_1902 : i32
    %sign3A_1904 = arith.extui %sign3A_1903 : i1 to i32
    %sign3A_1905 = arith.subi %sign3A_1901, %sign3A_1904 : i32
    %sign3A_1906 = arith.constant 0 : i32
    %sign3A_1907 = arith.cmpi sgt, %jit3A_1897, %sign3A_1906 : i32
    %sign3A_1908 = arith.extui %sign3A_1907 : i1 to i32
    %sign3A_1909 = arith.constant 0 : i32
    %sign3A_1910 = arith.cmpi slt, %jit3A_1897, %sign3A_1909 : i32
    %sign3A_1911 = arith.extui %sign3A_1910 : i1 to i32
    %sign3A_1912 = arith.subi %sign3A_1908, %sign3A_1911 : i32
    %ne3A_1913 = arith.cmpi ne, %sign3A_1905, %sign3A_1912 : i32
    %rem3A_1914 = arith.remsi %add3A_1896, %jit3A_1897 : i32
    %ne3A_1915 = arith.constant 0 : i32
    %ne3A_1916 = arith.cmpi ne, %rem3A_1914, %ne3A_1915 : i32
    %and3A_1917 = arith.andi %ne3A_1913, %ne3A_1916 : i1
    %sub3A_1918 = arith.constant 1 : i32
    %sub3A_1919 = arith.subi %div3A_1898, %sub3A_1918 : i32
    %select_n3A_1920 = arith.select %and3A_1917, %sub3A_1919, %div3A_1898 : i32
    %while3A_1921 = arith.constant 0 : i32
    %while3A_1922 = arith.constant 0 : i32
    %while3A_1923 = arith.subi %select_n3A_1920, %while3A_1922 : i32
    %while3A_1924 = arith.addi %while3A_1922, %while3A_1923 : i32
    %while3A_1925 = arith.constant 1 : i32
    %while3A_1926 = arith.divsi %while3A_1923, %while3A_1925 : i32
    %while3A_1927 = arith.muli %while3A_1926, %while3A_1925 : i32
    %while3A_1928 = arith.addi %while3A_1922, %while3A_1927 : i32
    %while3A_1929 = arith.constant 1 : i32
    scf.for %while3A_2429 = %while3A_1922 to %while3A_1928 step %while3A_1929  : i32 {
      %mul3A_2430 = arith.constant 16 : i32
      %mul3A_2431 = arith.muli %while3A_2429, %mul3A_2430 : i32
      %get3A = arith.index_cast %mul3A_2431 : i32 to index
      %get3A_2432 = tpu.vector_load %arg13[%get3A] {strides = array<i32>} : memref<4112xi32, #tpu.memory_space<vmem>>, vector<16xi32>,
      %and3A_2433 = arith.constant 131071 : i32
      %and3A_2434 = vector.broadcast %and3A_2433 : i32 to vector<16xi32>
      %and3A_2435 = arith.andi %get3A_2432, %and3A_2434 : vector<16xi32>
      %shift_right_logical3A = arith.constant 17 : i32
      %shift_right_logical3A_2436 = vector.broadcast %shift_right_logical3A : i32 to vector<16xi32>
      %shift_right_logical3A_2437 = arith.shrui %get3A_2432, %shift_right_logical3A_2436 : vector<16xi32>
      %gather3A = tpu.vector_load_idx %arg11[%and3A_2435] : memref<50080xf32, #tpu.memory_space<vmem>>[vector<16xi32>], vector<16xf32>,
      tpu.vector_store_idx %arg15[%shift_right_logical3A_2437], %gather3A : memref<4112xf32, #tpu.memory_space<vmem>>[vector<16xi32>], vector<16xf32>,
    }
    %while3A_1930 = arith.constant 1 : i32
    scf.for %while3A_2429 = %while3A_1928 to %while3A_1924 step %while3A_1930  : i32 {
      %mul3A_2430 = arith.constant 16 : i32
      %mul3A_2431 = arith.muli %while3A_2429, %mul3A_2430 : i32
      %get3A = arith.index_cast %mul3A_2431 : i32 to index
      %get3A_2432 = tpu.vector_load %arg13[%get3A] {strides = array<i32>} : memref<4112xi32, #tpu.memory_space<vmem>>, vector<16xi32>,
      %and3A_2433 = arith.constant 131071 : i32
      %and3A_2434 = vector.broadcast %and3A_2433 : i32 to vector<16xi32>
      %and3A_2435 = arith.andi %get3A_2432, %and3A_2434 : vector<16xi32>
      %shift_right_logical3A = arith.constant 17 : i32
      %shift_right_logical3A_2436 = vector.broadcast %shift_right_logical3A : i32 to vector<16xi32>
      %shift_right_logical3A_2437 = arith.shrui %get3A_2432, %shift_right_logical3A_2436 : vector<16xi32>
      %gather3A = tpu.vector_load_idx %arg11[%and3A_2435] : memref<50080xf32, #tpu.memory_space<vmem>>[vector<16xi32>], vector<16xf32>,
      tpu.vector_store_idx %arg15[%shift_right_logical3A_2437], %gather3A : memref<4112xf32, #tpu.memory_space<vmem>>[vector<16xi32>], vector<16xf32>,
    }
    %dma_start3A_1931 = arith.constant 15 : i32
    %dma_start3A_1932 = arith.constant 0 : i32
    %dma_start3A_1933 = tpu.memref_slice %arg11[%dma_start3A_1932] : memref<50080xf32, #tpu.memory_space<vmem>> -> memref<49920xf32, #tpu.memory_space<vmem>>
    %dma_start3A_1934 = arith.constant 0 : i32
    %dma_start3A_1935 = tpu.memref_slice %arg5[%dma_start3A_1931, %add3A, %dma_start3A_1934] : memref<16x32x100000xf32, #tpu.memory_space<hbm>> -> memref<1x1x49920xf32, #tpu.memory_space<hbm>>
    %dma_start3A_1936 = tpu.memref_squeeze %dma_start3A_1935 : memref<1x1x49920xf32, #tpu.memory_space<hbm>> -> memref<49920xf32, #tpu.memory_space<hbm>>
    %dma_start3A_1937 = arith.constant 0 : i32
    %dma_start3A_1938 = tpu.memref_slice %arg11[%dma_start3A_1937] : memref<50080xf32, #tpu.memory_space<vmem>> -> memref<49920xf32, #tpu.memory_space<vmem>>
    %dma_start3A_1939 = arith.constant 0 : i32
    %dma_start3A_1940 = tpu.memref_slice %arg5[%dma_start3A_1931, %add3A, %dma_start3A_1939] : memref<16x32x100000xf32, #tpu.memory_space<hbm>> -> memref<1x1x49920xf32, #tpu.memory_space<hbm>>
    %dma_start3A_1941 = tpu.memref_squeeze %dma_start3A_1940 : memref<1x1x49920xf32, #tpu.memory_space<hbm>> -> memref<49920xf32, #tpu.memory_space<hbm>>
    tpu.enqueue_dma source(%dma_start3A_1941 : memref<49920xf32, #tpu.memory_space<hbm>>) target(%dma_start3A_1938 : memref<49920xf32, #tpu.memory_space<vmem>>) target_semaphore(%arg17 : memref<!tpu.dma_semaphore, #tpu.memory_space<semaphore_mem>>)
    %dma_wait3A_1942 = arith.constant 14 : i32
    %dma_wait3A_1943 = arith.constant 49920 : i32
    %dma_wait3A_1944 = tpu.memref_slice %arg5[%dma_wait3A_1942, %add3A, %dma_wait3A_1943] : memref<16x32x100000xf32, #tpu.memory_space<hbm>> -> memref<1x1x50080xf32, #tpu.memory_space<hbm>>
    %dma_wait3A_1945 = tpu.memref_squeeze %dma_wait3A_1944 : memref<1x1x50080xf32, #tpu.memory_space<hbm>> -> memref<50080xf32, #tpu.memory_space<hbm>>
    %dma_wait3A_1946 = arith.constant 49920 : i32
    %dma_wait3A_1947 = tpu.memref_slice %arg5[%dma_wait3A_1942, %add3A, %dma_wait3A_1946] : memref<16x32x100000xf32, #tpu.memory_space<hbm>> -> memref<1x1x50080xf32, #tpu.memory_space<hbm>>
    %dma_wait3A_1948 = tpu.memref_squeeze %dma_wait3A_1947 : memref<1x1x50080xf32, #tpu.memory_space<hbm>> -> memref<50080xf32, #tpu.memory_space<hbm>>
    tpu.wait_dma2 semaphore(%arg18 : memref<!tpu.dma_semaphore, #tpu.memory_space<semaphore_mem>>) src(%dma_wait3A_1948 : memref<50080xf32, #tpu.memory_space<hbm>>) dst(%arg12 : memref<50080xf32, #tpu.memory_space<vmem>>)
    %add3A_1949 = arith.constant 15 : i32
    %add3A_1950 = arith.addi %scan3A_71#1, %add3A_1949 : i32
    %jit3A_1951 = arith.constant 16 : i32
    %div3A_1952 = arith.divsi %add3A_1950, %jit3A_1951 : i32
    %sign3A_1953 = arith.constant 0 : i32
    %sign3A_1954 = arith.cmpi sgt, %add3A_1950, %sign3A_1953 : i32
    %sign3A_1955 = arith.extui %sign3A_1954 : i1 to i32
    %sign3A_1956 = arith.constant 0 : i32
    %sign3A_1957 = arith.cmpi slt, %add3A_1950, %sign3A_1956 : i32
    %sign3A_1958 = arith.extui %sign3A_1957 : i1 to i32
    %sign3A_1959 = arith.subi %sign3A_1955, %sign3A_1958 : i32
    %sign3A_1960 = arith.constant 0 : i32
    %sign3A_1961 = arith.cmpi sgt, %jit3A_1951, %sign3A_1960 : i32
    %sign3A_1962 = arith.extui %sign3A_1961 : i1 to i32
    %sign3A_1963 = arith.constant 0 : i32
    %sign3A_1964 = arith.cmpi slt, %jit3A_1951, %sign3A_1963 : i32
    %sign3A_1965 = arith.extui %sign3A_1964 : i1 to i32
    %sign3A_1966 = arith.subi %sign3A_1962, %sign3A_1965 : i32
    %ne3A_1967 = arith.cmpi ne, %sign3A_1959, %sign3A_1966 : i32
    %rem3A_1968 = arith.remsi %add3A_1950, %jit3A_1951 : i32
    %ne3A_1969 = arith.constant 0 : i32
    %ne3A_1970 = arith.cmpi ne, %rem3A_1968, %ne3A_1969 : i32
    %and3A_1971 = arith.andi %ne3A_1967, %ne3A_1970 : i1
    %sub3A_1972 = arith.constant 1 : i32
    %sub3A_1973 = arith.subi %div3A_1952, %sub3A_1972 : i32
    %select_n3A_1974 = arith.select %and3A_1971, %sub3A_1973, %div3A_1952 : i32
    %while3A_1975 = arith.constant 0 : i32
    %while3A_1976 = arith.constant 0 : i32
    %while3A_1977 = arith.subi %select_n3A_1974, %while3A_1976 : i32
    %while3A_1978 = arith.addi %while3A_1976, %while3A_1977 : i32
    %while3A_1979 = arith.constant 1 : i32
    %while3A_1980 = arith.divsi %while3A_1977, %while3A_1979 : i32
    %while3A_1981 = arith.muli %while3A_1980, %while3A_1979 : i32
    %while3A_1982 = arith.addi %while3A_1976, %while3A_1981 : i32
    %while3A_1983 = arith.constant 1 : i32
    scf.for %while3A_2429 = %while3A_1976 to %while3A_1982 step %while3A_1983  : i32 {
      %mul3A_2430 = arith.constant 16 : i32
      %mul3A_2431 = arith.muli %while3A_2429, %mul3A_2430 : i32
      %get3A = arith.index_cast %mul3A_2431 : i32 to index
      %get3A_2432 = tpu.vector_load %arg14[%get3A] {strides = array<i32>} : memref<4112xi32, #tpu.memory_space<vmem>>, vector<16xi32>,
      %and3A_2433 = arith.constant 131071 : i32
      %and3A_2434 = vector.broadcast %and3A_2433 : i32 to vector<16xi32>
      %and3A_2435 = arith.andi %get3A_2432, %and3A_2434 : vector<16xi32>
      %shift_right_logical3A = arith.constant 17 : i32
      %shift_right_logical3A_2436 = vector.broadcast %shift_right_logical3A : i32 to vector<16xi32>
      %shift_right_logical3A_2437 = arith.shrui %get3A_2432, %shift_right_logical3A_2436 : vector<16xi32>
      %gather3A = tpu.vector_load_idx %arg12[%and3A_2435] : memref<50080xf32, #tpu.memory_space<vmem>>[vector<16xi32>], vector<16xf32>,
      tpu.vector_store_idx %arg15[%shift_right_logical3A_2437], %gather3A : memref<4112xf32, #tpu.memory_space<vmem>>[vector<16xi32>], vector<16xf32>,
    }
    %while3A_1984 = arith.constant 1 : i32
    scf.for %while3A_2429 = %while3A_1982 to %while3A_1978 step %while3A_1984  : i32 {
      %mul3A_2430 = arith.constant 16 : i32
      %mul3A_2431 = arith.muli %while3A_2429, %mul3A_2430 : i32
      %get3A = arith.index_cast %mul3A_2431 : i32 to index
      %get3A_2432 = tpu.vector_load %arg14[%get3A] {strides = array<i32>} : memref<4112xi32, #tpu.memory_space<vmem>>, vector<16xi32>,
      %and3A_2433 = arith.constant 131071 : i32
      %and3A_2434 = vector.broadcast %and3A_2433 : i32 to vector<16xi32>
      %and3A_2435 = arith.andi %get3A_2432, %and3A_2434 : vector<16xi32>
      %shift_right_logical3A = arith.constant 17 : i32
      %shift_right_logical3A_2436 = vector.broadcast %shift_right_logical3A : i32 to vector<16xi32>
      %shift_right_logical3A_2437 = arith.shrui %get3A_2432, %shift_right_logical3A_2436 : vector<16xi32>
      %gather3A = tpu.vector_load_idx %arg12[%and3A_2435] : memref<50080xf32, #tpu.memory_space<vmem>>[vector<16xi32>], vector<16xf32>,
      tpu.vector_store_idx %arg15[%shift_right_logical3A_2437], %gather3A : memref<4112xf32, #tpu.memory_space<vmem>>[vector<16xi32>], vector<16xf32>,
    }
    %dma_start3A_1985 = arith.constant 14 : i32
    %dma_start3A_1986 = arith.constant 0 : i32
    %dma_start3A_1987 = tpu.memref_slice %arg15[%dma_start3A_1986] : memref<4112xf32, #tpu.memory_space<vmem>> -> memref<4096xf32, #tpu.memory_space<vmem>>
    %dma_start3A_1988 = arith.constant 0 : i32
    %dma_start3A_1989 = tpu.memref_slice %arg8[%dma_start3A_1985, %add3A, %dma_start3A_1988] : memref<16x32x4096xf32, #tpu.memory_space<hbm>> -> memref<1x1x4096xf32, #tpu.memory_space<hbm>>
    %dma_start3A_1990 = tpu.memref_squeeze %dma_start3A_1989 : memref<1x1x4096xf32, #tpu.memory_space<hbm>> -> memref<4096xf32, #tpu.memory_space<hbm>>
    %dma_start3A_1991 = arith.constant 0 : i32
    %dma_start3A_1992 = tpu.memref_slice %arg8[%dma_start3A_1985, %add3A, %dma_start3A_1991] : memref<16x32x4096xf32, #tpu.memory_space<hbm>> -> memref<1x1x4096xf32, #tpu.memory_space<hbm>>
    %dma_start3A_1993 = tpu.memref_squeeze %dma_start3A_1992 : memref<1x1x4096xf32, #tpu.memory_space<hbm>> -> memref<4096xf32, #tpu.memory_space<hbm>>
    %dma_start3A_1994 = arith.constant 0 : i32
    %dma_start3A_1995 = tpu.memref_slice %arg15[%dma_start3A_1994] : memref<4112xf32, #tpu.memory_space<vmem>> -> memref<4096xf32, #tpu.memory_space<vmem>>
    tpu.enqueue_dma source(%dma_start3A_1995 : memref<4096xf32, #tpu.memory_space<vmem>>) target(%dma_start3A_1993 : memref<4096xf32, #tpu.memory_space<hbm>>) target_semaphore(%arg19 : memref<!tpu.dma_semaphore, #tpu.memory_space<semaphore_mem>>)
    %dma_start3A_1996 = arith.constant 15 : i32
    %dma_start3A_1997 = arith.constant 49920 : i32
    %dma_start3A_1998 = tpu.memref_slice %arg5[%dma_start3A_1996, %add3A, %dma_start3A_1997] : memref<16x32x100000xf32, #tpu.memory_space<hbm>> -> memref<1x1x50080xf32, #tpu.memory_space<hbm>>
    %dma_start3A_1999 = tpu.memref_squeeze %dma_start3A_1998 : memref<1x1x50080xf32, #tpu.memory_space<hbm>> -> memref<50080xf32, #tpu.memory_space<hbm>>
    %dma_start3A_2000 = arith.constant 49920 : i32
    %dma_start3A_2001 = tpu.memref_slice %arg5[%dma_start3A_1996, %add3A, %dma_start3A_2000] : memref<16x32x100000xf32, #tpu.memory_space<hbm>> -> memref<1x1x50080xf32, #tpu.memory_space<hbm>>
    %dma_start3A_2002 = tpu.memref_squeeze %dma_start3A_2001 : memref<1x1x50080xf32, #tpu.memory_space<hbm>> -> memref<50080xf32, #tpu.memory_space<hbm>>
    tpu.enqueue_dma source(%dma_start3A_2002 : memref<50080xf32, #tpu.memory_space<hbm>>) target(%arg12 : memref<50080xf32, #tpu.memory_space<vmem>>) target_semaphore(%arg18 : memref<!tpu.dma_semaphore, #tpu.memory_space<semaphore_mem>>)
    %dma_wait3A_2003 = arith.constant 13 : i32
    %dma_wait3A_2004 = arith.constant 0 : i32
    %dma_wait3A_2005 = tpu.memref_slice %arg16[%dma_wait3A_2004] : memref<4112xf32, #tpu.memory_space<vmem>> -> memref<4096xf32, #tpu.memory_space<vmem>>
    %dma_wait3A_2006 = arith.constant 0 : i32
    %dma_wait3A_2007 = tpu.memref_slice %arg8[%dma_wait3A_2003, %add3A, %dma_wait3A_2006] : memref<16x32x4096xf32, #tpu.memory_space<hbm>> -> memref<1x1x4096xf32, #tpu.memory_space<hbm>>
    %dma_wait3A_2008 = tpu.memref_squeeze %dma_wait3A_2007 : memref<1x1x4096xf32, #tpu.memory_space<hbm>> -> memref<4096xf32, #tpu.memory_space<hbm>>
    %dma_wait3A_2009 = arith.constant 0 : i32
    %dma_wait3A_2010 = tpu.memref_slice %arg8[%dma_wait3A_2003, %add3A, %dma_wait3A_2009] : memref<16x32x4096xf32, #tpu.memory_space<hbm>> -> memref<1x1x4096xf32, #tpu.memory_space<hbm>>
    %dma_wait3A_2011 = tpu.memref_squeeze %dma_wait3A_2010 : memref<1x1x4096xf32, #tpu.memory_space<hbm>> -> memref<4096xf32, #tpu.memory_space<hbm>>
    %dma_wait3A_2012 = arith.constant 0 : i32
    %dma_wait3A_2013 = tpu.memref_slice %arg16[%dma_wait3A_2012] : memref<4112xf32, #tpu.memory_space<vmem>> -> memref<4096xf32, #tpu.memory_space<vmem>>
    tpu.wait_dma2 semaphore(%arg20 : memref<!tpu.dma_semaphore, #tpu.memory_space<semaphore_mem>>) src(%dma_wait3A_2013 : memref<4096xf32, #tpu.memory_space<vmem>>) dst(%dma_wait3A_2011 : memref<4096xf32, #tpu.memory_space<hbm>>)
    %dma_wait3A_2014 = arith.constant 15 : i32
    %dma_wait3A_2015 = arith.constant 0 : i32
    %dma_wait3A_2016 = tpu.memref_slice %arg11[%dma_wait3A_2015] : memref<50080xf32, #tpu.memory_space<vmem>> -> memref<49920xf32, #tpu.memory_space<vmem>>
    %dma_wait3A_2017 = arith.constant 0 : i32
    %dma_wait3A_2018 = tpu.memref_slice %arg5[%dma_wait3A_2014, %add3A, %dma_wait3A_2017] : memref<16x32x100000xf32, #tpu.memory_space<hbm>> -> memref<1x1x49920xf32, #tpu.memory_space<hbm>>
    %dma_wait3A_2019 = tpu.memref_squeeze %dma_wait3A_2018 : memref<1x1x49920xf32, #tpu.memory_space<hbm>> -> memref<49920xf32, #tpu.memory_space<hbm>>
    %dma_wait3A_2020 = arith.constant 0 : i32
    %dma_wait3A_2021 = tpu.memref_slice %arg11[%dma_wait3A_2020] : memref<50080xf32, #tpu.memory_space<vmem>> -> memref<49920xf32, #tpu.memory_space<vmem>>
    %dma_wait3A_2022 = arith.constant 0 : i32
    %dma_wait3A_2023 = tpu.memref_slice %arg5[%dma_wait3A_2014, %add3A, %dma_wait3A_2022] : memref<16x32x100000xf32, #tpu.memory_space<hbm>> -> memref<1x1x49920xf32, #tpu.memory_space<hbm>>
    %dma_wait3A_2024 = tpu.memref_squeeze %dma_wait3A_2023 : memref<1x1x49920xf32, #tpu.memory_space<hbm>> -> memref<49920xf32, #tpu.memory_space<hbm>>
    tpu.wait_dma2 semaphore(%arg17 : memref<!tpu.dma_semaphore, #tpu.memory_space<semaphore_mem>>) src(%dma_wait3A_2024 : memref<49920xf32, #tpu.memory_space<hbm>>) dst(%dma_wait3A_2021 : memref<49920xf32, #tpu.memory_space<vmem>>)
    %add3A_2025 = arith.constant 15 : i32
    %add3A_2026 = arith.addi %scan3A_71#0, %add3A_2025 : i32
    %jit3A_2027 = arith.constant 16 : i32
    %div3A_2028 = arith.divsi %add3A_2026, %jit3A_2027 : i32
    %sign3A_2029 = arith.constant 0 : i32
    %sign3A_2030 = arith.cmpi sgt, %add3A_2026, %sign3A_2029 : i32
    %sign3A_2031 = arith.extui %sign3A_2030 : i1 to i32
    %sign3A_2032 = arith.constant 0 : i32
    %sign3A_2033 = arith.cmpi slt, %add3A_2026, %sign3A_2032 : i32
    %sign3A_2034 = arith.extui %sign3A_2033 : i1 to i32
    %sign3A_2035 = arith.subi %sign3A_2031, %sign3A_2034 : i32
    %sign3A_2036 = arith.constant 0 : i32
    %sign3A_2037 = arith.cmpi sgt, %jit3A_2027, %sign3A_2036 : i32
    %sign3A_2038 = arith.extui %sign3A_2037 : i1 to i32
    %sign3A_2039 = arith.constant 0 : i32
    %sign3A_2040 = arith.cmpi slt, %jit3A_2027, %sign3A_2039 : i32
    %sign3A_2041 = arith.extui %sign3A_2040 : i1 to i32
    %sign3A_2042 = arith.subi %sign3A_2038, %sign3A_2041 : i32
    %ne3A_2043 = arith.cmpi ne, %sign3A_2035, %sign3A_2042 : i32
    %rem3A_2044 = arith.remsi %add3A_2026, %jit3A_2027 : i32
    %ne3A_2045 = arith.constant 0 : i32
    %ne3A_2046 = arith.cmpi ne, %rem3A_2044, %ne3A_2045 : i32
    %and3A_2047 = arith.andi %ne3A_2043, %ne3A_2046 : i1
    %sub3A_2048 = arith.constant 1 : i32
    %sub3A_2049 = arith.subi %div3A_2028, %sub3A_2048 : i32
    %select_n3A_2050 = arith.select %and3A_2047, %sub3A_2049, %div3A_2028 : i32
    %while3A_2051 = arith.constant 0 : i32
    %while3A_2052 = arith.constant 0 : i32
    %while3A_2053 = arith.subi %select_n3A_2050, %while3A_2052 : i32
    %while3A_2054 = arith.addi %while3A_2052, %while3A_2053 : i32
    %while3A_2055 = arith.constant 1 : i32
    %while3A_2056 = arith.divsi %while3A_2053, %while3A_2055 : i32
    %while3A_2057 = arith.muli %while3A_2056, %while3A_2055 : i32
    %while3A_2058 = arith.addi %while3A_2052, %while3A_2057 : i32
    %while3A_2059 = arith.constant 1 : i32
    scf.for %while3A_2429 = %while3A_2052 to %while3A_2058 step %while3A_2059  : i32 {
      %mul3A_2430 = arith.constant 16 : i32
      %mul3A_2431 = arith.muli %while3A_2429, %mul3A_2430 : i32
      %get3A = arith.index_cast %mul3A_2431 : i32 to index
      %get3A_2432 = tpu.vector_load %arg13[%get3A] {strides = array<i32>} : memref<4112xi32, #tpu.memory_space<vmem>>, vector<16xi32>,
      %and3A_2433 = arith.constant 131071 : i32
      %and3A_2434 = vector.broadcast %and3A_2433 : i32 to vector<16xi32>
      %and3A_2435 = arith.andi %get3A_2432, %and3A_2434 : vector<16xi32>
      %shift_right_logical3A = arith.constant 17 : i32
      %shift_right_logical3A_2436 = vector.broadcast %shift_right_logical3A : i32 to vector<16xi32>
      %shift_right_logical3A_2437 = arith.shrui %get3A_2432, %shift_right_logical3A_2436 : vector<16xi32>
      %gather3A = tpu.vector_load_idx %arg11[%and3A_2435] : memref<50080xf32, #tpu.memory_space<vmem>>[vector<16xi32>], vector<16xf32>,
      tpu.vector_store_idx %arg16[%shift_right_logical3A_2437], %gather3A : memref<4112xf32, #tpu.memory_space<vmem>>[vector<16xi32>], vector<16xf32>,
    }
    %while3A_2060 = arith.constant 1 : i32
    scf.for %while3A_2429 = %while3A_2058 to %while3A_2054 step %while3A_2060  : i32 {
      %mul3A_2430 = arith.constant 16 : i32
      %mul3A_2431 = arith.muli %while3A_2429, %mul3A_2430 : i32
      %get3A = arith.index_cast %mul3A_2431 : i32 to index
      %get3A_2432 = tpu.vector_load %arg13[%get3A] {strides = array<i32>} : memref<4112xi32, #tpu.memory_space<vmem>>, vector<16xi32>,
      %and3A_2433 = arith.constant 131071 : i32
      %and3A_2434 = vector.broadcast %and3A_2433 : i32 to vector<16xi32>
      %and3A_2435 = arith.andi %get3A_2432, %and3A_2434 : vector<16xi32>
      %shift_right_logical3A = arith.constant 17 : i32
      %shift_right_logical3A_2436 = vector.broadcast %shift_right_logical3A : i32 to vector<16xi32>
      %shift_right_logical3A_2437 = arith.shrui %get3A_2432, %shift_right_logical3A_2436 : vector<16xi32>
      %gather3A = tpu.vector_load_idx %arg11[%and3A_2435] : memref<50080xf32, #tpu.memory_space<vmem>>[vector<16xi32>], vector<16xf32>,
      tpu.vector_store_idx %arg16[%shift_right_logical3A_2437], %gather3A : memref<4112xf32, #tpu.memory_space<vmem>>[vector<16xi32>], vector<16xf32>,
    }
    %dma_start3A_2061 = arith.constant 0 : i32
    %dma_start3A_2062 = tpu.memref_slice %arg11[%dma_start3A_2061] : memref<50080xf32, #tpu.memory_space<vmem>> -> memref<49920xf32, #tpu.memory_space<vmem>>
    %dma_start3A_2063 = arith.constant 0 : i32
    %dma_start3A_2064 = tpu.memref_slice %arg3[%select_n3A, %select_n3A_30, %dma_start3A_2063] : memref<16x2x100000xf32, #tpu.memory_space<hbm>> -> memref<1x1x49920xf32, #tpu.memory_space<hbm>>
    %dma_start3A_2065 = tpu.memref_squeeze %dma_start3A_2064 : memref<1x1x49920xf32, #tpu.memory_space<hbm>> -> memref<49920xf32, #tpu.memory_space<hbm>>
    %dma_start3A_2066 = arith.constant 0 : i32
    %dma_start3A_2067 = tpu.memref_slice %arg11[%dma_start3A_2066] : memref<50080xf32, #tpu.memory_space<vmem>> -> memref<49920xf32, #tpu.memory_space<vmem>>
    %dma_start3A_2068 = arith.constant 0 : i32
    %dma_start3A_2069 = tpu.memref_slice %arg3[%select_n3A, %select_n3A_30, %dma_start3A_2068] : memref<16x2x100000xf32, #tpu.memory_space<hbm>> -> memref<1x1x49920xf32, #tpu.memory_space<hbm>>
    %dma_start3A_2070 = tpu.memref_squeeze %dma_start3A_2069 : memref<1x1x49920xf32, #tpu.memory_space<hbm>> -> memref<49920xf32, #tpu.memory_space<hbm>>
    tpu.enqueue_dma source(%dma_start3A_2070 : memref<49920xf32, #tpu.memory_space<hbm>>) target(%dma_start3A_2067 : memref<49920xf32, #tpu.memory_space<vmem>>) target_semaphore(%arg17 : memref<!tpu.dma_semaphore, #tpu.memory_space<semaphore_mem>>)
    %dma_wait3A_2071 = arith.constant 15 : i32
    %dma_wait3A_2072 = arith.constant 49920 : i32
    %dma_wait3A_2073 = tpu.memref_slice %arg5[%dma_wait3A_2071, %add3A, %dma_wait3A_2072] : memref<16x32x100000xf32, #tpu.memory_space<hbm>> -> memref<1x1x50080xf32, #tpu.memory_space<hbm>>
    %dma_wait3A_2074 = tpu.memref_squeeze %dma_wait3A_2073 : memref<1x1x50080xf32, #tpu.memory_space<hbm>> -> memref<50080xf32, #tpu.memory_space<hbm>>
    %dma_wait3A_2075 = arith.constant 49920 : i32
    %dma_wait3A_2076 = tpu.memref_slice %arg5[%dma_wait3A_2071, %add3A, %dma_wait3A_2075] : memref<16x32x100000xf32, #tpu.memory_space<hbm>> -> memref<1x1x50080xf32, #tpu.memory_space<hbm>>
    %dma_wait3A_2077 = tpu.memref_squeeze %dma_wait3A_2076 : memref<1x1x50080xf32, #tpu.memory_space<hbm>> -> memref<50080xf32, #tpu.memory_space<hbm>>
    tpu.wait_dma2 semaphore(%arg18 : memref<!tpu.dma_semaphore, #tpu.memory_space<semaphore_mem>>) src(%dma_wait3A_2077 : memref<50080xf32, #tpu.memory_space<hbm>>) dst(%arg12 : memref<50080xf32, #tpu.memory_space<vmem>>)
    %add3A_2078 = arith.constant 15 : i32
    %add3A_2079 = arith.addi %scan3A_71#1, %add3A_2078 : i32
    %jit3A_2080 = arith.constant 16 : i32
    %div3A_2081 = arith.divsi %add3A_2079, %jit3A_2080 : i32
    %sign3A_2082 = arith.constant 0 : i32
    %sign3A_2083 = arith.cmpi sgt, %add3A_2079, %sign3A_2082 : i32
    %sign3A_2084 = arith.extui %sign3A_2083 : i1 to i32
    %sign3A_2085 = arith.constant 0 : i32
    %sign3A_2086 = arith.cmpi slt, %add3A_2079, %sign3A_2085 : i32
    %sign3A_2087 = arith.extui %sign3A_2086 : i1 to i32
    %sign3A_2088 = arith.subi %sign3A_2084, %sign3A_2087 : i32
    %sign3A_2089 = arith.constant 0 : i32
    %sign3A_2090 = arith.cmpi sgt, %jit3A_2080, %sign3A_2089 : i32
    %sign3A_2091 = arith.extui %sign3A_2090 : i1 to i32
    %sign3A_2092 = arith.constant 0 : i32
    %sign3A_2093 = arith.cmpi slt, %jit3A_2080, %sign3A_2092 : i32
    %sign3A_2094 = arith.extui %sign3A_2093 : i1 to i32
    %sign3A_2095 = arith.subi %sign3A_2091, %sign3A_2094 : i32
    %ne3A_2096 = arith.cmpi ne, %sign3A_2088, %sign3A_2095 : i32
    %rem3A_2097 = arith.remsi %add3A_2079, %jit3A_2080 : i32
    %ne3A_2098 = arith.constant 0 : i32
    %ne3A_2099 = arith.cmpi ne, %rem3A_2097, %ne3A_2098 : i32
    %and3A_2100 = arith.andi %ne3A_2096, %ne3A_2099 : i1
    %sub3A_2101 = arith.constant 1 : i32
    %sub3A_2102 = arith.subi %div3A_2081, %sub3A_2101 : i32
    %select_n3A_2103 = arith.select %and3A_2100, %sub3A_2102, %div3A_2081 : i32
    %while3A_2104 = arith.constant 0 : i32
    %while3A_2105 = arith.constant 0 : i32
    %while3A_2106 = arith.subi %select_n3A_2103, %while3A_2105 : i32
    %while3A_2107 = arith.addi %while3A_2105, %while3A_2106 : i32
    %while3A_2108 = arith.constant 1 : i32
    %while3A_2109 = arith.divsi %while3A_2106, %while3A_2108 : i32
    %while3A_2110 = arith.muli %while3A_2109, %while3A_2108 : i32
    %while3A_2111 = arith.addi %while3A_2105, %while3A_2110 : i32
    %while3A_2112 = arith.constant 1 : i32
    scf.for %while3A_2429 = %while3A_2105 to %while3A_2111 step %while3A_2112  : i32 {
      %mul3A_2430 = arith.constant 16 : i32
      %mul3A_2431 = arith.muli %while3A_2429, %mul3A_2430 : i32
      %get3A = arith.index_cast %mul3A_2431 : i32 to index
      %get3A_2432 = tpu.vector_load %arg14[%get3A] {strides = array<i32>} : memref<4112xi32, #tpu.memory_space<vmem>>, vector<16xi32>,
      %and3A_2433 = arith.constant 131071 : i32
      %and3A_2434 = vector.broadcast %and3A_2433 : i32 to vector<16xi32>
      %and3A_2435 = arith.andi %get3A_2432, %and3A_2434 : vector<16xi32>
      %shift_right_logical3A = arith.constant 17 : i32
      %shift_right_logical3A_2436 = vector.broadcast %shift_right_logical3A : i32 to vector<16xi32>
      %shift_right_logical3A_2437 = arith.shrui %get3A_2432, %shift_right_logical3A_2436 : vector<16xi32>
      %gather3A = tpu.vector_load_idx %arg12[%and3A_2435] : memref<50080xf32, #tpu.memory_space<vmem>>[vector<16xi32>], vector<16xf32>,
      tpu.vector_store_idx %arg16[%shift_right_logical3A_2437], %gather3A : memref<4112xf32, #tpu.memory_space<vmem>>[vector<16xi32>], vector<16xf32>,
    }
    %while3A_2113 = arith.constant 1 : i32
    scf.for %while3A_2429 = %while3A_2111 to %while3A_2107 step %while3A_2113  : i32 {
      %mul3A_2430 = arith.constant 16 : i32
      %mul3A_2431 = arith.muli %while3A_2429, %mul3A_2430 : i32
      %get3A = arith.index_cast %mul3A_2431 : i32 to index
      %get3A_2432 = tpu.vector_load %arg14[%get3A] {strides = array<i32>} : memref<4112xi32, #tpu.memory_space<vmem>>, vector<16xi32>,
      %and3A_2433 = arith.constant 131071 : i32
      %and3A_2434 = vector.broadcast %and3A_2433 : i32 to vector<16xi32>
      %and3A_2435 = arith.andi %get3A_2432, %and3A_2434 : vector<16xi32>
      %shift_right_logical3A = arith.constant 17 : i32
      %shift_right_logical3A_2436 = vector.broadcast %shift_right_logical3A : i32 to vector<16xi32>
      %shift_right_logical3A_2437 = arith.shrui %get3A_2432, %shift_right_logical3A_2436 : vector<16xi32>
      %gather3A = tpu.vector_load_idx %arg12[%and3A_2435] : memref<50080xf32, #tpu.memory_space<vmem>>[vector<16xi32>], vector<16xf32>,
      tpu.vector_store_idx %arg16[%shift_right_logical3A_2437], %gather3A : memref<4112xf32, #tpu.memory_space<vmem>>[vector<16xi32>], vector<16xf32>,
    }
    %dma_start3A_2114 = arith.constant 15 : i32
    %dma_start3A_2115 = arith.constant 0 : i32
    %dma_start3A_2116 = tpu.memref_slice %arg16[%dma_start3A_2115] : memref<4112xf32, #tpu.memory_space<vmem>> -> memref<4096xf32, #tpu.memory_space<vmem>>
    %dma_start3A_2117 = arith.constant 0 : i32
    %dma_start3A_2118 = tpu.memref_slice %arg8[%dma_start3A_2114, %add3A, %dma_start3A_2117] : memref<16x32x4096xf32, #tpu.memory_space<hbm>> -> memref<1x1x4096xf32, #tpu.memory_space<hbm>>
    %dma_start3A_2119 = tpu.memref_squeeze %dma_start3A_2118 : memref<1x1x4096xf32, #tpu.memory_space<hbm>> -> memref<4096xf32, #tpu.memory_space<hbm>>
    %dma_start3A_2120 = arith.constant 0 : i32
    %dma_start3A_2121 = tpu.memref_slice %arg8[%dma_start3A_2114, %add3A, %dma_start3A_2120] : memref<16x32x4096xf32, #tpu.memory_space<hbm>> -> memref<1x1x4096xf32, #tpu.memory_space<hbm>>
    %dma_start3A_2122 = tpu.memref_squeeze %dma_start3A_2121 : memref<1x1x4096xf32, #tpu.memory_space<hbm>> -> memref<4096xf32, #tpu.memory_space<hbm>>
    %dma_start3A_2123 = arith.constant 0 : i32
    %dma_start3A_2124 = tpu.memref_slice %arg16[%dma_start3A_2123] : memref<4112xf32, #tpu.memory_space<vmem>> -> memref<4096xf32, #tpu.memory_space<vmem>>
    tpu.enqueue_dma source(%dma_start3A_2124 : memref<4096xf32, #tpu.memory_space<vmem>>) target(%dma_start3A_2122 : memref<4096xf32, #tpu.memory_space<hbm>>) target_semaphore(%arg20 : memref<!tpu.dma_semaphore, #tpu.memory_space<semaphore_mem>>)
    %dma_start3A_2125 = arith.constant 49920 : i32
    %dma_start3A_2126 = tpu.memref_slice %arg3[%select_n3A, %select_n3A_30, %dma_start3A_2125] : memref<16x2x100000xf32, #tpu.memory_space<hbm>> -> memref<1x1x50080xf32, #tpu.memory_space<hbm>>
    %dma_start3A_2127 = tpu.memref_squeeze %dma_start3A_2126 : memref<1x1x50080xf32, #tpu.memory_space<hbm>> -> memref<50080xf32, #tpu.memory_space<hbm>>
    %dma_start3A_2128 = arith.constant 49920 : i32
    %dma_start3A_2129 = tpu.memref_slice %arg3[%select_n3A, %select_n3A_30, %dma_start3A_2128] : memref<16x2x100000xf32, #tpu.memory_space<hbm>> -> memref<1x1x50080xf32, #tpu.memory_space<hbm>>
    %dma_start3A_2130 = tpu.memref_squeeze %dma_start3A_2129 : memref<1x1x50080xf32, #tpu.memory_space<hbm>> -> memref<50080xf32, #tpu.memory_space<hbm>>
    tpu.enqueue_dma source(%dma_start3A_2130 : memref<50080xf32, #tpu.memory_space<hbm>>) target(%arg12 : memref<50080xf32, #tpu.memory_space<vmem>>) target_semaphore(%arg18 : memref<!tpu.dma_semaphore, #tpu.memory_space<semaphore_mem>>)
    %dma_wait3A_2131 = arith.constant 14 : i32
    %dma_wait3A_2132 = arith.constant 0 : i32
    %dma_wait3A_2133 = tpu.memref_slice %arg15[%dma_wait3A_2132] : memref<4112xf32, #tpu.memory_space<vmem>> -> memref<4096xf32, #tpu.memory_space<vmem>>
    %dma_wait3A_2134 = arith.constant 0 : i32
    %dma_wait3A_2135 = tpu.memref_slice %arg8[%dma_wait3A_2131, %add3A, %dma_wait3A_2134] : memref<16x32x4096xf32, #tpu.memory_space<hbm>> -> memref<1x1x4096xf32, #tpu.memory_space<hbm>>
    %dma_wait3A_2136 = tpu.memref_squeeze %dma_wait3A_2135 : memref<1x1x4096xf32, #tpu.memory_space<hbm>> -> memref<4096xf32, #tpu.memory_space<hbm>>
    %dma_wait3A_2137 = arith.constant 0 : i32
    %dma_wait3A_2138 = tpu.memref_slice %arg8[%dma_wait3A_2131, %add3A, %dma_wait3A_2137] : memref<16x32x4096xf32, #tpu.memory_space<hbm>> -> memref<1x1x4096xf32, #tpu.memory_space<hbm>>
    %dma_wait3A_2139 = tpu.memref_squeeze %dma_wait3A_2138 : memref<1x1x4096xf32, #tpu.memory_space<hbm>> -> memref<4096xf32, #tpu.memory_space<hbm>>
    %dma_wait3A_2140 = arith.constant 0 : i32
    %dma_wait3A_2141 = tpu.memref_slice %arg15[%dma_wait3A_2140] : memref<4112xf32, #tpu.memory_space<vmem>> -> memref<4096xf32, #tpu.memory_space<vmem>>
    tpu.wait_dma2 semaphore(%arg19 : memref<!tpu.dma_semaphore, #tpu.memory_space<semaphore_mem>>) src(%dma_wait3A_2141 : memref<4096xf32, #tpu.memory_space<vmem>>) dst(%dma_wait3A_2139 : memref<4096xf32, #tpu.memory_space<hbm>>)
    %dma_wait3A_2142 = arith.constant 0 : i32
    %dma_wait3A_2143 = tpu.memref_slice %arg11[%dma_wait3A_2142] : memref<50080xf32, #tpu.memory_space<vmem>> -> memref<49920xf32, #tpu.memory_space<vmem>>
    %dma_wait3A_2144 = arith.constant 0 : i32
    %dma_wait3A_2145 = tpu.memref_slice %arg3[%select_n3A, %select_n3A_30, %dma_wait3A_2144] : memref<16x2x100000xf32, #tpu.memory_space<hbm>> -> memref<1x1x49920xf32, #tpu.memory_space<hbm>>
    %dma_wait3A_2146 = tpu.memref_squeeze %dma_wait3A_2145 : memref<1x1x49920xf32, #tpu.memory_space<hbm>> -> memref<49920xf32, #tpu.memory_space<hbm>>
    %dma_wait3A_2147 = arith.constant 0 : i32
    %dma_wait3A_2148 = tpu.memref_slice %arg11[%dma_wait3A_2147] : memref<50080xf32, #tpu.memory_space<vmem>> -> memref<49920xf32, #tpu.memory_space<vmem>>
    %dma_wait3A_2149 = arith.constant 0 : i32
    %dma_wait3A_2150 = tpu.memref_slice %arg3[%select_n3A, %select_n3A_30, %dma_wait3A_2149] : memref<16x2x100000xf32, #tpu.memory_space<hbm>> -> memref<1x1x49920xf32, #tpu.memory_space<hbm>>
    %dma_wait3A_2151 = tpu.memref_squeeze %dma_wait3A_2150 : memref<1x1x49920xf32, #tpu.memory_space<hbm>> -> memref<49920xf32, #tpu.memory_space<hbm>>
    tpu.wait_dma2 semaphore(%arg17 : memref<!tpu.dma_semaphore, #tpu.memory_space<semaphore_mem>>) src(%dma_wait3A_2151 : memref<49920xf32, #tpu.memory_space<hbm>>) dst(%dma_wait3A_2148 : memref<49920xf32, #tpu.memory_space<vmem>>)
    %add3A_2152 = arith.constant 15 : i32
    %add3A_2153 = arith.addi %scan3A_71#0, %add3A_2152 : i32
    %jit3A_2154 = arith.constant 16 : i32
    %div3A_2155 = arith.divsi %add3A_2153, %jit3A_2154 : i32
    %sign3A_2156 = arith.constant 0 : i32
    %sign3A_2157 = arith.cmpi sgt, %add3A_2153, %sign3A_2156 : i32
    %sign3A_2158 = arith.extui %sign3A_2157 : i1 to i32
    %sign3A_2159 = arith.constant 0 : i32
    %sign3A_2160 = arith.cmpi slt, %add3A_2153, %sign3A_2159 : i32
    %sign3A_2161 = arith.extui %sign3A_2160 : i1 to i32
    %sign3A_2162 = arith.subi %sign3A_2158, %sign3A_2161 : i32
    %sign3A_2163 = arith.constant 0 : i32
    %sign3A_2164 = arith.cmpi sgt, %jit3A_2154, %sign3A_2163 : i32
    %sign3A_2165 = arith.extui %sign3A_2164 : i1 to i32
    %sign3A_2166 = arith.constant 0 : i32
    %sign3A_2167 = arith.cmpi slt, %jit3A_2154, %sign3A_2166 : i32
    %sign3A_2168 = arith.extui %sign3A_2167 : i1 to i32
    %sign3A_2169 = arith.subi %sign3A_2165, %sign3A_2168 : i32
    %ne3A_2170 = arith.cmpi ne, %sign3A_2162, %sign3A_2169 : i32
    %rem3A_2171 = arith.remsi %add3A_2153, %jit3A_2154 : i32
    %ne3A_2172 = arith.constant 0 : i32
    %ne3A_2173 = arith.cmpi ne, %rem3A_2171, %ne3A_2172 : i32
    %and3A_2174 = arith.andi %ne3A_2170, %ne3A_2173 : i1
    %sub3A_2175 = arith.constant 1 : i32
    %sub3A_2176 = arith.subi %div3A_2155, %sub3A_2175 : i32
    %select_n3A_2177 = arith.select %and3A_2174, %sub3A_2176, %div3A_2155 : i32
    %while3A_2178 = arith.constant 0 : i32
    %while3A_2179 = arith.constant 0 : i32
    %while3A_2180 = arith.subi %select_n3A_2177, %while3A_2179 : i32
    %while3A_2181 = arith.addi %while3A_2179, %while3A_2180 : i32
    %while3A_2182 = arith.constant 1 : i32
    %while3A_2183 = arith.divsi %while3A_2180, %while3A_2182 : i32
    %while3A_2184 = arith.muli %while3A_2183, %while3A_2182 : i32
    %while3A_2185 = arith.addi %while3A_2179, %while3A_2184 : i32
    %while3A_2186 = arith.constant 1 : i32
    scf.for %while3A_2429 = %while3A_2179 to %while3A_2185 step %while3A_2186  : i32 {
      %mul3A_2430 = arith.constant 16 : i32
      %mul3A_2431 = arith.muli %while3A_2429, %mul3A_2430 : i32
      %get3A = arith.index_cast %mul3A_2431 : i32 to index
      %get3A_2432 = tpu.vector_load %arg13[%get3A] {strides = array<i32>} : memref<4112xi32, #tpu.memory_space<vmem>>, vector<16xi32>,
      %and3A_2433 = arith.constant 131071 : i32
      %and3A_2434 = vector.broadcast %and3A_2433 : i32 to vector<16xi32>
      %and3A_2435 = arith.andi %get3A_2432, %and3A_2434 : vector<16xi32>
      %shift_right_logical3A = arith.constant 17 : i32
      %shift_right_logical3A_2436 = vector.broadcast %shift_right_logical3A : i32 to vector<16xi32>
      %shift_right_logical3A_2437 = arith.shrui %get3A_2432, %shift_right_logical3A_2436 : vector<16xi32>
      %gather3A = tpu.vector_load_idx %arg11[%and3A_2435] : memref<50080xf32, #tpu.memory_space<vmem>>[vector<16xi32>], vector<16xf32>,
      tpu.vector_store_idx %arg15[%shift_right_logical3A_2437], %gather3A : memref<4112xf32, #tpu.memory_space<vmem>>[vector<16xi32>], vector<16xf32>,
    }
    %while3A_2187 = arith.constant 1 : i32
    scf.for %while3A_2429 = %while3A_2185 to %while3A_2181 step %while3A_2187  : i32 {
      %mul3A_2430 = arith.constant 16 : i32
      %mul3A_2431 = arith.muli %while3A_2429, %mul3A_2430 : i32
      %get3A = arith.index_cast %mul3A_2431 : i32 to index
      %get3A_2432 = tpu.vector_load %arg13[%get3A] {strides = array<i32>} : memref<4112xi32, #tpu.memory_space<vmem>>, vector<16xi32>,
      %and3A_2433 = arith.constant 131071 : i32
      %and3A_2434 = vector.broadcast %and3A_2433 : i32 to vector<16xi32>
      %and3A_2435 = arith.andi %get3A_2432, %and3A_2434 : vector<16xi32>
      %shift_right_logical3A = arith.constant 17 : i32
      %shift_right_logical3A_2436 = vector.broadcast %shift_right_logical3A : i32 to vector<16xi32>
      %shift_right_logical3A_2437 = arith.shrui %get3A_2432, %shift_right_logical3A_2436 : vector<16xi32>
      %gather3A = tpu.vector_load_idx %arg11[%and3A_2435] : memref<50080xf32, #tpu.memory_space<vmem>>[vector<16xi32>], vector<16xf32>,
      tpu.vector_store_idx %arg15[%shift_right_logical3A_2437], %gather3A : memref<4112xf32, #tpu.memory_space<vmem>>[vector<16xi32>], vector<16xf32>,
    }
    %dma_start3A_2188 = arith.constant 0 : i32
    %dma_start3A_2189 = tpu.memref_slice %arg11[%dma_start3A_2188] : memref<50080xf32, #tpu.memory_space<vmem>> -> memref<49920xf32, #tpu.memory_space<vmem>>
    %dma_start3A_2190 = arith.constant 0 : i32
    %dma_start3A_2191 = tpu.memref_slice %arg4[%select_n3A, %select_n3A_30, %dma_start3A_2190] : memref<16x2x100000xf32, #tpu.memory_space<hbm>> -> memref<1x1x49920xf32, #tpu.memory_space<hbm>>
    %dma_start3A_2192 = tpu.memref_squeeze %dma_start3A_2191 : memref<1x1x49920xf32, #tpu.memory_space<hbm>> -> memref<49920xf32, #tpu.memory_space<hbm>>
    %dma_start3A_2193 = arith.constant 0 : i32
    %dma_start3A_2194 = tpu.memref_slice %arg11[%dma_start3A_2193] : memref<50080xf32, #tpu.memory_space<vmem>> -> memref<49920xf32, #tpu.memory_space<vmem>>
    %dma_start3A_2195 = arith.constant 0 : i32
    %dma_start3A_2196 = tpu.memref_slice %arg4[%select_n3A, %select_n3A_30, %dma_start3A_2195] : memref<16x2x100000xf32, #tpu.memory_space<hbm>> -> memref<1x1x49920xf32, #tpu.memory_space<hbm>>
    %dma_start3A_2197 = tpu.memref_squeeze %dma_start3A_2196 : memref<1x1x49920xf32, #tpu.memory_space<hbm>> -> memref<49920xf32, #tpu.memory_space<hbm>>
    tpu.enqueue_dma source(%dma_start3A_2197 : memref<49920xf32, #tpu.memory_space<hbm>>) target(%dma_start3A_2194 : memref<49920xf32, #tpu.memory_space<vmem>>) target_semaphore(%arg17 : memref<!tpu.dma_semaphore, #tpu.memory_space<semaphore_mem>>)
    %dma_wait3A_2198 = arith.constant 49920 : i32
    %dma_wait3A_2199 = tpu.memref_slice %arg3[%select_n3A, %select_n3A_30, %dma_wait3A_2198] : memref<16x2x100000xf32, #tpu.memory_space<hbm>> -> memref<1x1x50080xf32, #tpu.memory_space<hbm>>
    %dma_wait3A_2200 = tpu.memref_squeeze %dma_wait3A_2199 : memref<1x1x50080xf32, #tpu.memory_space<hbm>> -> memref<50080xf32, #tpu.memory_space<hbm>>
    %dma_wait3A_2201 = arith.constant 49920 : i32
    %dma_wait3A_2202 = tpu.memref_slice %arg3[%select_n3A, %select_n3A_30, %dma_wait3A_2201] : memref<16x2x100000xf32, #tpu.memory_space<hbm>> -> memref<1x1x50080xf32, #tpu.memory_space<hbm>>
    %dma_wait3A_2203 = tpu.memref_squeeze %dma_wait3A_2202 : memref<1x1x50080xf32, #tpu.memory_space<hbm>> -> memref<50080xf32, #tpu.memory_space<hbm>>
    tpu.wait_dma2 semaphore(%arg18 : memref<!tpu.dma_semaphore, #tpu.memory_space<semaphore_mem>>) src(%dma_wait3A_2203 : memref<50080xf32, #tpu.memory_space<hbm>>) dst(%arg12 : memref<50080xf32, #tpu.memory_space<vmem>>)
    %add3A_2204 = arith.constant 15 : i32
    %add3A_2205 = arith.addi %scan3A_71#1, %add3A_2204 : i32
    %jit3A_2206 = arith.constant 16 : i32
    %div3A_2207 = arith.divsi %add3A_2205, %jit3A_2206 : i32
    %sign3A_2208 = arith.constant 0 : i32
    %sign3A_2209 = arith.cmpi sgt, %add3A_2205, %sign3A_2208 : i32
    %sign3A_2210 = arith.extui %sign3A_2209 : i1 to i32
    %sign3A_2211 = arith.constant 0 : i32
    %sign3A_2212 = arith.cmpi slt, %add3A_2205, %sign3A_2211 : i32
    %sign3A_2213 = arith.extui %sign3A_2212 : i1 to i32
    %sign3A_2214 = arith.subi %sign3A_2210, %sign3A_2213 : i32
    %sign3A_2215 = arith.constant 0 : i32
    %sign3A_2216 = arith.cmpi sgt, %jit3A_2206, %sign3A_2215 : i32
    %sign3A_2217 = arith.extui %sign3A_2216 : i1 to i32
    %sign3A_2218 = arith.constant 0 : i32
    %sign3A_2219 = arith.cmpi slt, %jit3A_2206, %sign3A_2218 : i32
    %sign3A_2220 = arith.extui %sign3A_2219 : i1 to i32
    %sign3A_2221 = arith.subi %sign3A_2217, %sign3A_2220 : i32
    %ne3A_2222 = arith.cmpi ne, %sign3A_2214, %sign3A_2221 : i32
    %rem3A_2223 = arith.remsi %add3A_2205, %jit3A_2206 : i32
    %ne3A_2224 = arith.constant 0 : i32
    %ne3A_2225 = arith.cmpi ne, %rem3A_2223, %ne3A_2224 : i32
    %and3A_2226 = arith.andi %ne3A_2222, %ne3A_2225 : i1
    %sub3A_2227 = arith.constant 1 : i32
    %sub3A_2228 = arith.subi %div3A_2207, %sub3A_2227 : i32
    %select_n3A_2229 = arith.select %and3A_2226, %sub3A_2228, %div3A_2207 : i32
    %while3A_2230 = arith.constant 0 : i32
    %while3A_2231 = arith.constant 0 : i32
    %while3A_2232 = arith.subi %select_n3A_2229, %while3A_2231 : i32
    %while3A_2233 = arith.addi %while3A_2231, %while3A_2232 : i32
    %while3A_2234 = arith.constant 1 : i32
    %while3A_2235 = arith.divsi %while3A_2232, %while3A_2234 : i32
    %while3A_2236 = arith.muli %while3A_2235, %while3A_2234 : i32
    %while3A_2237 = arith.addi %while3A_2231, %while3A_2236 : i32
    %while3A_2238 = arith.constant 1 : i32
    scf.for %while3A_2429 = %while3A_2231 to %while3A_2237 step %while3A_2238  : i32 {
      %mul3A_2430 = arith.constant 16 : i32
      %mul3A_2431 = arith.muli %while3A_2429, %mul3A_2430 : i32
      %get3A = arith.index_cast %mul3A_2431 : i32 to index
      %get3A_2432 = tpu.vector_load %arg14[%get3A] {strides = array<i32>} : memref<4112xi32, #tpu.memory_space<vmem>>, vector<16xi32>,
      %and3A_2433 = arith.constant 131071 : i32
      %and3A_2434 = vector.broadcast %and3A_2433 : i32 to vector<16xi32>
      %and3A_2435 = arith.andi %get3A_2432, %and3A_2434 : vector<16xi32>
      %shift_right_logical3A = arith.constant 17 : i32
      %shift_right_logical3A_2436 = vector.broadcast %shift_right_logical3A : i32 to vector<16xi32>
      %shift_right_logical3A_2437 = arith.shrui %get3A_2432, %shift_right_logical3A_2436 : vector<16xi32>
      %gather3A = tpu.vector_load_idx %arg12[%and3A_2435] : memref<50080xf32, #tpu.memory_space<vmem>>[vector<16xi32>], vector<16xf32>,
      tpu.vector_store_idx %arg15[%shift_right_logical3A_2437], %gather3A : memref<4112xf32, #tpu.memory_space<vmem>>[vector<16xi32>], vector<16xf32>,
    }
    %while3A_2239 = arith.constant 1 : i32
    scf.for %while3A_2429 = %while3A_2237 to %while3A_2233 step %while3A_2239  : i32 {
      %mul3A_2430 = arith.constant 16 : i32
      %mul3A_2431 = arith.muli %while3A_2429, %mul3A_2430 : i32
      %get3A = arith.index_cast %mul3A_2431 : i32 to index
      %get3A_2432 = tpu.vector_load %arg14[%get3A] {strides = array<i32>} : memref<4112xi32, #tpu.memory_space<vmem>>, vector<16xi32>,
      %and3A_2433 = arith.constant 131071 : i32
      %and3A_2434 = vector.broadcast %and3A_2433 : i32 to vector<16xi32>
      %and3A_2435 = arith.andi %get3A_2432, %and3A_2434 : vector<16xi32>
      %shift_right_logical3A = arith.constant 17 : i32
      %shift_right_logical3A_2436 = vector.broadcast %shift_right_logical3A : i32 to vector<16xi32>
      %shift_right_logical3A_2437 = arith.shrui %get3A_2432, %shift_right_logical3A_2436 : vector<16xi32>
      %gather3A = tpu.vector_load_idx %arg12[%and3A_2435] : memref<50080xf32, #tpu.memory_space<vmem>>[vector<16xi32>], vector<16xf32>,
      tpu.vector_store_idx %arg15[%shift_right_logical3A_2437], %gather3A : memref<4112xf32, #tpu.memory_space<vmem>>[vector<16xi32>], vector<16xf32>,
    }
    %dma_start3A_2240 = arith.constant 0 : i32
    %dma_start3A_2241 = tpu.memref_slice %arg15[%dma_start3A_2240] : memref<4112xf32, #tpu.memory_space<vmem>> -> memref<4096xf32, #tpu.memory_space<vmem>>
    %dma_start3A_2242 = arith.constant 0 : i32
    %dma_start3A_2243 = tpu.memref_slice %arg7[%select_n3A, %select_n3A_30, %dma_start3A_2242] : memref<16x4x4096xf32, #tpu.memory_space<hbm>> -> memref<1x1x4096xf32, #tpu.memory_space<hbm>>
    %dma_start3A_2244 = tpu.memref_squeeze %dma_start3A_2243 : memref<1x1x4096xf32, #tpu.memory_space<hbm>> -> memref<4096xf32, #tpu.memory_space<hbm>>
    %dma_start3A_2245 = arith.constant 0 : i32
    %dma_start3A_2246 = tpu.memref_slice %arg7[%select_n3A, %select_n3A_30, %dma_start3A_2245] : memref<16x4x4096xf32, #tpu.memory_space<hbm>> -> memref<1x1x4096xf32, #tpu.memory_space<hbm>>
    %dma_start3A_2247 = tpu.memref_squeeze %dma_start3A_2246 : memref<1x1x4096xf32, #tpu.memory_space<hbm>> -> memref<4096xf32, #tpu.memory_space<hbm>>
    %dma_start3A_2248 = arith.constant 0 : i32
    %dma_start3A_2249 = tpu.memref_slice %arg15[%dma_start3A_2248] : memref<4112xf32, #tpu.memory_space<vmem>> -> memref<4096xf32, #tpu.memory_space<vmem>>
    tpu.enqueue_dma source(%dma_start3A_2249 : memref<4096xf32, #tpu.memory_space<vmem>>) target(%dma_start3A_2247 : memref<4096xf32, #tpu.memory_space<hbm>>) target_semaphore(%arg19 : memref<!tpu.dma_semaphore, #tpu.memory_space<semaphore_mem>>)
    %dma_start3A_2250 = arith.constant 49920 : i32
    %dma_start3A_2251 = tpu.memref_slice %arg4[%select_n3A, %select_n3A_30, %dma_start3A_2250] : memref<16x2x100000xf32, #tpu.memory_space<hbm>> -> memref<1x1x50080xf32, #tpu.memory_space<hbm>>
    %dma_start3A_2252 = tpu.memref_squeeze %dma_start3A_2251 : memref<1x1x50080xf32, #tpu.memory_space<hbm>> -> memref<50080xf32, #tpu.memory_space<hbm>>
    %dma_start3A_2253 = arith.constant 49920 : i32
    %dma_start3A_2254 = tpu.memref_slice %arg4[%select_n3A, %select_n3A_30, %dma_start3A_2253] : memref<16x2x100000xf32, #tpu.memory_space<hbm>> -> memref<1x1x50080xf32, #tpu.memory_space<hbm>>
    %dma_start3A_2255 = tpu.memref_squeeze %dma_start3A_2254 : memref<1x1x50080xf32, #tpu.memory_space<hbm>> -> memref<50080xf32, #tpu.memory_space<hbm>>
    tpu.enqueue_dma source(%dma_start3A_2255 : memref<50080xf32, #tpu.memory_space<hbm>>) target(%arg12 : memref<50080xf32, #tpu.memory_space<vmem>>) target_semaphore(%arg18 : memref<!tpu.dma_semaphore, #tpu.memory_space<semaphore_mem>>)
    %dma_wait3A_2256 = arith.constant 15 : i32
    %dma_wait3A_2257 = arith.constant 0 : i32
    %dma_wait3A_2258 = tpu.memref_slice %arg16[%dma_wait3A_2257] : memref<4112xf32, #tpu.memory_space<vmem>> -> memref<4096xf32, #tpu.memory_space<vmem>>
    %dma_wait3A_2259 = arith.constant 0 : i32
    %dma_wait3A_2260 = tpu.memref_slice %arg8[%dma_wait3A_2256, %add3A, %dma_wait3A_2259] : memref<16x32x4096xf32, #tpu.memory_space<hbm>> -> memref<1x1x4096xf32, #tpu.memory_space<hbm>>
    %dma_wait3A_2261 = tpu.memref_squeeze %dma_wait3A_2260 : memref<1x1x4096xf32, #tpu.memory_space<hbm>> -> memref<4096xf32, #tpu.memory_space<hbm>>
    %dma_wait3A_2262 = arith.constant 0 : i32
    %dma_wait3A_2263 = tpu.memref_slice %arg8[%dma_wait3A_2256, %add3A, %dma_wait3A_2262] : memref<16x32x4096xf32, #tpu.memory_space<hbm>> -> memref<1x1x4096xf32, #tpu.memory_space<hbm>>
    %dma_wait3A_2264 = tpu.memref_squeeze %dma_wait3A_2263 : memref<1x1x4096xf32, #tpu.memory_space<hbm>> -> memref<4096xf32, #tpu.memory_space<hbm>>
    %dma_wait3A_2265 = arith.constant 0 : i32
    %dma_wait3A_2266 = tpu.memref_slice %arg16[%dma_wait3A_2265] : memref<4112xf32, #tpu.memory_space<vmem>> -> memref<4096xf32, #tpu.memory_space<vmem>>
    tpu.wait_dma2 semaphore(%arg20 : memref<!tpu.dma_semaphore, #tpu.memory_space<semaphore_mem>>) src(%dma_wait3A_2266 : memref<4096xf32, #tpu.memory_space<vmem>>) dst(%dma_wait3A_2264 : memref<4096xf32, #tpu.memory_space<hbm>>)
    %dma_wait3A_2267 = arith.constant 0 : i32
    %dma_wait3A_2268 = tpu.memref_slice %arg11[%dma_wait3A_2267] : memref<50080xf32, #tpu.memory_space<vmem>> -> memref<49920xf32, #tpu.memory_space<vmem>>
    %dma_wait3A_2269 = arith.constant 0 : i32
    %dma_wait3A_2270 = tpu.memref_slice %arg4[%select_n3A, %select_n3A_30, %dma_wait3A_2269] : memref<16x2x100000xf32, #tpu.memory_space<hbm>> -> memref<1x1x49920xf32, #tpu.memory_space<hbm>>
    %dma_wait3A_2271 = tpu.memref_squeeze %dma_wait3A_2270 : memref<1x1x49920xf32, #tpu.memory_space<hbm>> -> memref<49920xf32, #tpu.memory_space<hbm>>
    %dma_wait3A_2272 = arith.constant 0 : i32
    %dma_wait3A_2273 = tpu.memref_slice %arg11[%dma_wait3A_2272] : memref<50080xf32, #tpu.memory_space<vmem>> -> memref<49920xf32, #tpu.memory_space<vmem>>
    %dma_wait3A_2274 = arith.constant 0 : i32
    %dma_wait3A_2275 = tpu.memref_slice %arg4[%select_n3A, %select_n3A_30, %dma_wait3A_2274] : memref<16x2x100000xf32, #tpu.memory_space<hbm>> -> memref<1x1x49920xf32, #tpu.memory_space<hbm>>
    %dma_wait3A_2276 = tpu.memref_squeeze %dma_wait3A_2275 : memref<1x1x49920xf32, #tpu.memory_space<hbm>> -> memref<49920xf32, #tpu.memory_space<hbm>>
    tpu.wait_dma2 semaphore(%arg17 : memref<!tpu.dma_semaphore, #tpu.memory_space<semaphore_mem>>) src(%dma_wait3A_2276 : memref<49920xf32, #tpu.memory_space<hbm>>) dst(%dma_wait3A_2273 : memref<49920xf32, #tpu.memory_space<vmem>>)
    %add3A_2277 = arith.constant 15 : i32
    %add3A_2278 = arith.addi %scan3A_71#0, %add3A_2277 : i32
    %jit3A_2279 = arith.constant 16 : i32
    %div3A_2280 = arith.divsi %add3A_2278, %jit3A_2279 : i32
    %sign3A_2281 = arith.constant 0 : i32
    %sign3A_2282 = arith.cmpi sgt, %add3A_2278, %sign3A_2281 : i32
    %sign3A_2283 = arith.extui %sign3A_2282 : i1 to i32
    %sign3A_2284 = arith.constant 0 : i32
    %sign3A_2285 = arith.cmpi slt, %add3A_2278, %sign3A_2284 : i32
    %sign3A_2286 = arith.extui %sign3A_2285 : i1 to i32
    %sign3A_2287 = arith.subi %sign3A_2283, %sign3A_2286 : i32
    %sign3A_2288 = arith.constant 0 : i32
    %sign3A_2289 = arith.cmpi sgt, %jit3A_2279, %sign3A_2288 : i32
    %sign3A_2290 = arith.extui %sign3A_2289 : i1 to i32
    %sign3A_2291 = arith.constant 0 : i32
    %sign3A_2292 = arith.cmpi slt, %jit3A_2279, %sign3A_2291 : i32
    %sign3A_2293 = arith.extui %sign3A_2292 : i1 to i32
    %sign3A_2294 = arith.subi %sign3A_2290, %sign3A_2293 : i32
    %ne3A_2295 = arith.cmpi ne, %sign3A_2287, %sign3A_2294 : i32
    %rem3A_2296 = arith.remsi %add3A_2278, %jit3A_2279 : i32
    %ne3A_2297 = arith.constant 0 : i32
    %ne3A_2298 = arith.cmpi ne, %rem3A_2296, %ne3A_2297 : i32
    %and3A_2299 = arith.andi %ne3A_2295, %ne3A_2298 : i1
    %sub3A_2300 = arith.constant 1 : i32
    %sub3A_2301 = arith.subi %div3A_2280, %sub3A_2300 : i32
    %select_n3A_2302 = arith.select %and3A_2299, %sub3A_2301, %div3A_2280 : i32
    %while3A_2303 = arith.constant 0 : i32
    %while3A_2304 = arith.constant 0 : i32
    %while3A_2305 = arith.subi %select_n3A_2302, %while3A_2304 : i32
    %while3A_2306 = arith.addi %while3A_2304, %while3A_2305 : i32
    %while3A_2307 = arith.constant 1 : i32
    %while3A_2308 = arith.divsi %while3A_2305, %while3A_2307 : i32
    %while3A_2309 = arith.muli %while3A_2308, %while3A_2307 : i32
    %while3A_2310 = arith.addi %while3A_2304, %while3A_2309 : i32
    %while3A_2311 = arith.constant 1 : i32
    scf.for %while3A_2429 = %while3A_2304 to %while3A_2310 step %while3A_2311  : i32 {
      %mul3A_2430 = arith.constant 16 : i32
      %mul3A_2431 = arith.muli %while3A_2429, %mul3A_2430 : i32
      %get3A = arith.index_cast %mul3A_2431 : i32 to index
      %get3A_2432 = tpu.vector_load %arg13[%get3A] {strides = array<i32>} : memref<4112xi32, #tpu.memory_space<vmem>>, vector<16xi32>,
      %and3A_2433 = arith.constant 131071 : i32
      %and3A_2434 = vector.broadcast %and3A_2433 : i32 to vector<16xi32>
      %and3A_2435 = arith.andi %get3A_2432, %and3A_2434 : vector<16xi32>
      %shift_right_logical3A = arith.constant 17 : i32
      %shift_right_logical3A_2436 = vector.broadcast %shift_right_logical3A : i32 to vector<16xi32>
      %shift_right_logical3A_2437 = arith.shrui %get3A_2432, %shift_right_logical3A_2436 : vector<16xi32>
      %gather3A = tpu.vector_load_idx %arg11[%and3A_2435] : memref<50080xf32, #tpu.memory_space<vmem>>[vector<16xi32>], vector<16xf32>,
      tpu.vector_store_idx %arg16[%shift_right_logical3A_2437], %gather3A : memref<4112xf32, #tpu.memory_space<vmem>>[vector<16xi32>], vector<16xf32>,
    }
    %while3A_2312 = arith.constant 1 : i32
    scf.for %while3A_2429 = %while3A_2310 to %while3A_2306 step %while3A_2312  : i32 {
      %mul3A_2430 = arith.constant 16 : i32
      %mul3A_2431 = arith.muli %while3A_2429, %mul3A_2430 : i32
      %get3A = arith.index_cast %mul3A_2431 : i32 to index
      %get3A_2432 = tpu.vector_load %arg13[%get3A] {strides = array<i32>} : memref<4112xi32, #tpu.memory_space<vmem>>, vector<16xi32>,
      %and3A_2433 = arith.constant 131071 : i32
      %and3A_2434 = vector.broadcast %and3A_2433 : i32 to vector<16xi32>
      %and3A_2435 = arith.andi %get3A_2432, %and3A_2434 : vector<16xi32>
      %shift_right_logical3A = arith.constant 17 : i32
      %shift_right_logical3A_2436 = vector.broadcast %shift_right_logical3A : i32 to vector<16xi32>
      %shift_right_logical3A_2437 = arith.shrui %get3A_2432, %shift_right_logical3A_2436 : vector<16xi32>
      %gather3A = tpu.vector_load_idx %arg11[%and3A_2435] : memref<50080xf32, #tpu.memory_space<vmem>>[vector<16xi32>], vector<16xf32>,
      tpu.vector_store_idx %arg16[%shift_right_logical3A_2437], %gather3A : memref<4112xf32, #tpu.memory_space<vmem>>[vector<16xi32>], vector<16xf32>,
    }
    %lt3A_2313 = arith.constant 16 : i32
    %lt3A_2314 = arith.cmpi slt, %add3A, %lt3A_2313 : i32
    %convert_element_type3A = arith.extui %lt3A_2314 : i1 to i32
    %cond3A = arith.constant 0 : i32
    %cond3A_2315 = arith.constant 0 : i32
    %cond3A_2316 = arith.cmpi ne, %convert_element_type3A, %cond3A_2315 : i32
    scf.if %cond3A_2316 {
      %dma_start3A_2429 = arith.constant 0 : i32
      %dma_start3A_2430 = tpu.memref_slice %arg11[%dma_start3A_2429] : memref<50080xf32, #tpu.memory_space<vmem>> -> memref<49920xf32, #tpu.memory_space<vmem>>
      %dma_start3A_2431 = arith.constant 0 : i32
      %dma_start3A_2432 = tpu.memref_slice %arg6[%select_n3A_48, %cond3A, %dma_start3A_2431] : memref<16x1x100000xf32, #tpu.memory_space<hbm>> -> memref<1x1x49920xf32, #tpu.memory_space<hbm>>
      %dma_start3A_2433 = tpu.memref_squeeze %dma_start3A_2432 : memref<1x1x49920xf32, #tpu.memory_space<hbm>> -> memref<49920xf32, #tpu.memory_space<hbm>>
      %dma_start3A_2434 = arith.constant 0 : i32
      %dma_start3A_2435 = tpu.memref_slice %arg11[%dma_start3A_2434] : memref<50080xf32, #tpu.memory_space<vmem>> -> memref<49920xf32, #tpu.memory_space<vmem>>
      %dma_start3A_2436 = arith.constant 0 : i32
      %dma_start3A_2437 = tpu.memref_slice %arg6[%select_n3A_48, %cond3A, %dma_start3A_2436] : memref<16x1x100000xf32, #tpu.memory_space<hbm>> -> memref<1x1x49920xf32, #tpu.memory_space<hbm>>
      %dma_start3A_2438 = tpu.memref_squeeze %dma_start3A_2437 : memref<1x1x49920xf32, #tpu.memory_space<hbm>> -> memref<49920xf32, #tpu.memory_space<hbm>>
      tpu.enqueue_dma source(%dma_start3A_2438 : memref<49920xf32, #tpu.memory_space<hbm>>) target(%dma_start3A_2435 : memref<49920xf32, #tpu.memory_space<vmem>>) target_semaphore(%arg17 : memref<!tpu.dma_semaphore, #tpu.memory_space<semaphore_mem>>)
    } else {
    }
    %dma_wait3A_2317 = arith.constant 49920 : i32
    %dma_wait3A_2318 = tpu.memref_slice %arg4[%select_n3A, %select_n3A_30, %dma_wait3A_2317] : memref<16x2x100000xf32, #tpu.memory_space<hbm>> -> memref<1x1x50080xf32, #tpu.memory_space<hbm>>
    %dma_wait3A_2319 = tpu.memref_squeeze %dma_wait3A_2318 : memref<1x1x50080xf32, #tpu.memory_space<hbm>> -> memref<50080xf32, #tpu.memory_space<hbm>>
    %dma_wait3A_2320 = arith.constant 49920 : i32
    %dma_wait3A_2321 = tpu.memref_slice %arg4[%select_n3A, %select_n3A_30, %dma_wait3A_2320] : memref<16x2x100000xf32, #tpu.memory_space<hbm>> -> memref<1x1x50080xf32, #tpu.memory_space<hbm>>
    %dma_wait3A_2322 = tpu.memref_squeeze %dma_wait3A_2321 : memref<1x1x50080xf32, #tpu.memory_space<hbm>> -> memref<50080xf32, #tpu.memory_space<hbm>>
    tpu.wait_dma2 semaphore(%arg18 : memref<!tpu.dma_semaphore, #tpu.memory_space<semaphore_mem>>) src(%dma_wait3A_2322 : memref<50080xf32, #tpu.memory_space<hbm>>) dst(%arg12 : memref<50080xf32, #tpu.memory_space<vmem>>)
    %add3A_2323 = arith.constant 15 : i32
    %add3A_2324 = arith.addi %scan3A_71#1, %add3A_2323 : i32
    %jit3A_2325 = arith.constant 16 : i32
    %div3A_2326 = arith.divsi %add3A_2324, %jit3A_2325 : i32
    %sign3A_2327 = arith.constant 0 : i32
    %sign3A_2328 = arith.cmpi sgt, %add3A_2324, %sign3A_2327 : i32
    %sign3A_2329 = arith.extui %sign3A_2328 : i1 to i32
    %sign3A_2330 = arith.constant 0 : i32
    %sign3A_2331 = arith.cmpi slt, %add3A_2324, %sign3A_2330 : i32
    %sign3A_2332 = arith.extui %sign3A_2331 : i1 to i32
    %sign3A_2333 = arith.subi %sign3A_2329, %sign3A_2332 : i32
    %sign3A_2334 = arith.constant 0 : i32
    %sign3A_2335 = arith.cmpi sgt, %jit3A_2325, %sign3A_2334 : i32
    %sign3A_2336 = arith.extui %sign3A_2335 : i1 to i32
    %sign3A_2337 = arith.constant 0 : i32
    %sign3A_2338 = arith.cmpi slt, %jit3A_2325, %sign3A_2337 : i32
    %sign3A_2339 = arith.extui %sign3A_2338 : i1 to i32
    %sign3A_2340 = arith.subi %sign3A_2336, %sign3A_2339 : i32
    %ne3A_2341 = arith.cmpi ne, %sign3A_2333, %sign3A_2340 : i32
    %rem3A_2342 = arith.remsi %add3A_2324, %jit3A_2325 : i32
    %ne3A_2343 = arith.constant 0 : i32
    %ne3A_2344 = arith.cmpi ne, %rem3A_2342, %ne3A_2343 : i32
    %and3A_2345 = arith.andi %ne3A_2341, %ne3A_2344 : i1
    %sub3A_2346 = arith.constant 1 : i32
    %sub3A_2347 = arith.subi %div3A_2326, %sub3A_2346 : i32
    %select_n3A_2348 = arith.select %and3A_2345, %sub3A_2347, %div3A_2326 : i32
    %while3A_2349 = arith.constant 0 : i32
    %while3A_2350 = arith.constant 0 : i32
    %while3A_2351 = arith.subi %select_n3A_2348, %while3A_2350 : i32
    %while3A_2352 = arith.addi %while3A_2350, %while3A_2351 : i32
    %while3A_2353 = arith.constant 1 : i32
    %while3A_2354 = arith.divsi %while3A_2351, %while3A_2353 : i32
    %while3A_2355 = arith.muli %while3A_2354, %while3A_2353 : i32
    %while3A_2356 = arith.addi %while3A_2350, %while3A_2355 : i32
    %while3A_2357 = arith.constant 1 : i32
    scf.for %while3A_2429 = %while3A_2350 to %while3A_2356 step %while3A_2357  : i32 {
      %mul3A_2430 = arith.constant 16 : i32
      %mul3A_2431 = arith.muli %while3A_2429, %mul3A_2430 : i32
      %get3A = arith.index_cast %mul3A_2431 : i32 to index
      %get3A_2432 = tpu.vector_load %arg14[%get3A] {strides = array<i32>} : memref<4112xi32, #tpu.memory_space<vmem>>, vector<16xi32>,
      %and3A_2433 = arith.constant 131071 : i32
      %and3A_2434 = vector.broadcast %and3A_2433 : i32 to vector<16xi32>
      %and3A_2435 = arith.andi %get3A_2432, %and3A_2434 : vector<16xi32>
      %shift_right_logical3A = arith.constant 17 : i32
      %shift_right_logical3A_2436 = vector.broadcast %shift_right_logical3A : i32 to vector<16xi32>
      %shift_right_logical3A_2437 = arith.shrui %get3A_2432, %shift_right_logical3A_2436 : vector<16xi32>
      %gather3A = tpu.vector_load_idx %arg12[%and3A_2435] : memref<50080xf32, #tpu.memory_space<vmem>>[vector<16xi32>], vector<16xf32>,
      tpu.vector_store_idx %arg16[%shift_right_logical3A_2437], %gather3A : memref<4112xf32, #tpu.memory_space<vmem>>[vector<16xi32>], vector<16xf32>,
    }
    %while3A_2358 = arith.constant 1 : i32
    scf.for %while3A_2429 = %while3A_2356 to %while3A_2352 step %while3A_2358  : i32 {
      %mul3A_2430 = arith.constant 16 : i32
      %mul3A_2431 = arith.muli %while3A_2429, %mul3A_2430 : i32
      %get3A = arith.index_cast %mul3A_2431 : i32 to index
      %get3A_2432 = tpu.vector_load %arg14[%get3A] {strides = array<i32>} : memref<4112xi32, #tpu.memory_space<vmem>>, vector<16xi32>,
      %and3A_2433 = arith.constant 131071 : i32
      %and3A_2434 = vector.broadcast %and3A_2433 : i32 to vector<16xi32>
      %and3A_2435 = arith.andi %get3A_2432, %and3A_2434 : vector<16xi32>
      %shift_right_logical3A = arith.constant 17 : i32
      %shift_right_logical3A_2436 = vector.broadcast %shift_right_logical3A : i32 to vector<16xi32>
      %shift_right_logical3A_2437 = arith.shrui %get3A_2432, %shift_right_logical3A_2436 : vector<16xi32>
      %gather3A = tpu.vector_load_idx %arg12[%and3A_2435] : memref<50080xf32, #tpu.memory_space<vmem>>[vector<16xi32>], vector<16xf32>,
      tpu.vector_store_idx %arg16[%shift_right_logical3A_2437], %gather3A : memref<4112xf32, #tpu.memory_space<vmem>>[vector<16xi32>], vector<16xf32>,
    }
    %dma_start3A_2359 = arith.constant 0 : i32
    %dma_start3A_2360 = tpu.memref_slice %arg16[%dma_start3A_2359] : memref<4112xf32, #tpu.memory_space<vmem>> -> memref<4096xf32, #tpu.memory_space<vmem>>
    %dma_start3A_2361 = arith.constant 0 : i32
    %dma_start3A_2362 = tpu.memref_slice %arg7[%select_n3A, %add3A_32, %dma_start3A_2361] : memref<16x4x4096xf32, #tpu.memory_space<hbm>> -> memref<1x1x4096xf32, #tpu.memory_space<hbm>>
    %dma_start3A_2363 = tpu.memref_squeeze %dma_start3A_2362 : memref<1x1x4096xf32, #tpu.memory_space<hbm>> -> memref<4096xf32, #tpu.memory_space<hbm>>
    %dma_start3A_2364 = arith.constant 0 : i32
    %dma_start3A_2365 = tpu.memref_slice %arg7[%select_n3A, %add3A_32, %dma_start3A_2364] : memref<16x4x4096xf32, #tpu.memory_space<hbm>> -> memref<1x1x4096xf32, #tpu.memory_space<hbm>>
    %dma_start3A_2366 = tpu.memref_squeeze %dma_start3A_2365 : memref<1x1x4096xf32, #tpu.memory_space<hbm>> -> memref<4096xf32, #tpu.memory_space<hbm>>
    %dma_start3A_2367 = arith.constant 0 : i32
    %dma_start3A_2368 = tpu.memref_slice %arg16[%dma_start3A_2367] : memref<4112xf32, #tpu.memory_space<vmem>> -> memref<4096xf32, #tpu.memory_space<vmem>>
    tpu.enqueue_dma source(%dma_start3A_2368 : memref<4096xf32, #tpu.memory_space<vmem>>) target(%dma_start3A_2366 : memref<4096xf32, #tpu.memory_space<hbm>>) target_semaphore(%arg20 : memref<!tpu.dma_semaphore, #tpu.memory_space<semaphore_mem>>)
    %lt3A_2369 = arith.constant 16 : i32
    %lt3A_2370 = arith.cmpi slt, %add3A, %lt3A_2369 : i32
    %convert_element_type3A_2371 = arith.extui %lt3A_2370 : i1 to i32
    %cond3A_2372 = arith.constant 0 : i32
    %cond3A_2373 = arith.constant 0 : i32
    %cond3A_2374 = arith.cmpi ne, %convert_element_type3A_2371, %cond3A_2373 : i32
    scf.if %cond3A_2374 {
      %dma_start3A_2429 = arith.constant 49920 : i32
      %dma_start3A_2430 = tpu.memref_slice %arg6[%select_n3A_48, %cond3A_2372, %dma_start3A_2429] : memref<16x1x100000xf32, #tpu.memory_space<hbm>> -> memref<1x1x50080xf32, #tpu.memory_space<hbm>>
      %dma_start3A_2431 = tpu.memref_squeeze %dma_start3A_2430 : memref<1x1x50080xf32, #tpu.memory_space<hbm>> -> memref<50080xf32, #tpu.memory_space<hbm>>
      %dma_start3A_2432 = arith.constant 49920 : i32
      %dma_start3A_2433 = tpu.memref_slice %arg6[%select_n3A_48, %cond3A_2372, %dma_start3A_2432] : memref<16x1x100000xf32, #tpu.memory_space<hbm>> -> memref<1x1x50080xf32, #tpu.memory_space<hbm>>
      %dma_start3A_2434 = tpu.memref_squeeze %dma_start3A_2433 : memref<1x1x50080xf32, #tpu.memory_space<hbm>> -> memref<50080xf32, #tpu.memory_space<hbm>>
      tpu.enqueue_dma source(%dma_start3A_2434 : memref<50080xf32, #tpu.memory_space<hbm>>) target(%arg12 : memref<50080xf32, #tpu.memory_space<vmem>>) target_semaphore(%arg18 : memref<!tpu.dma_semaphore, #tpu.memory_space<semaphore_mem>>)
    } else {
    }
    %dma_wait3A_2375 = arith.constant 0 : i32
    %dma_wait3A_2376 = tpu.memref_slice %arg15[%dma_wait3A_2375] : memref<4112xf32, #tpu.memory_space<vmem>> -> memref<4096xf32, #tpu.memory_space<vmem>>
    %dma_wait3A_2377 = arith.constant 0 : i32
    %dma_wait3A_2378 = tpu.memref_slice %arg7[%select_n3A, %select_n3A_30, %dma_wait3A_2377] : memref<16x4x4096xf32, #tpu.memory_space<hbm>> -> memref<1x1x4096xf32, #tpu.memory_space<hbm>>
    %dma_wait3A_2379 = tpu.memref_squeeze %dma_wait3A_2378 : memref<1x1x4096xf32, #tpu.memory_space<hbm>> -> memref<4096xf32, #tpu.memory_space<hbm>>
    %dma_wait3A_2380 = arith.constant 0 : i32
    %dma_wait3A_2381 = tpu.memref_slice %arg7[%select_n3A, %select_n3A_30, %dma_wait3A_2380] : memref<16x4x4096xf32, #tpu.memory_space<hbm>> -> memref<1x1x4096xf32, #tpu.memory_space<hbm>>
    %dma_wait3A_2382 = tpu.memref_squeeze %dma_wait3A_2381 : memref<1x1x4096xf32, #tpu.memory_space<hbm>> -> memref<4096xf32, #tpu.memory_space<hbm>>
    %dma_wait3A_2383 = arith.constant 0 : i32
    %dma_wait3A_2384 = tpu.memref_slice %arg15[%dma_wait3A_2383] : memref<4112xf32, #tpu.memory_space<vmem>> -> memref<4096xf32, #tpu.memory_space<vmem>>
    tpu.wait_dma2 semaphore(%arg19 : memref<!tpu.dma_semaphore, #tpu.memory_space<semaphore_mem>>) src(%dma_wait3A_2384 : memref<4096xf32, #tpu.memory_space<vmem>>) dst(%dma_wait3A_2382 : memref<4096xf32, #tpu.memory_space<hbm>>)
    %lt3A_2385 = arith.constant 16 : i32
    %lt3A_2386 = arith.cmpi slt, %add3A, %lt3A_2385 : i32
    %convert_element_type3A_2387 = arith.extui %lt3A_2386 : i1 to i32
    %cond3A_2388 = arith.constant 0 : i32
    %cond3A_2389 = arith.constant 0 : i32
    %cond3A_2390 = arith.cmpi ne, %convert_element_type3A_2387, %cond3A_2389 : i32
    scf.if %cond3A_2390 {
      %dma_wait3A_2429 = arith.constant 0 : i32
      %dma_wait3A_2430 = tpu.memref_slice %arg11[%dma_wait3A_2429] : memref<50080xf32, #tpu.memory_space<vmem>> -> memref<49920xf32, #tpu.memory_space<vmem>>
      %dma_wait3A_2431 = arith.constant 0 : i32
      %dma_wait3A_2432 = tpu.memref_slice %arg6[%select_n3A_48, %cond3A_2388, %dma_wait3A_2431] : memref<16x1x100000xf32, #tpu.memory_space<hbm>> -> memref<1x1x49920xf32, #tpu.memory_space<hbm>>
      %dma_wait3A_2433 = tpu.memref_squeeze %dma_wait3A_2432 : memref<1x1x49920xf32, #tpu.memory_space<hbm>> -> memref<49920xf32, #tpu.memory_space<hbm>>
      %dma_wait3A_2434 = arith.constant 0 : i32
      %dma_wait3A_2435 = tpu.memref_slice %arg11[%dma_wait3A_2434] : memref<50080xf32, #tpu.memory_space<vmem>> -> memref<49920xf32, #tpu.memory_space<vmem>>
      %dma_wait3A_2436 = arith.constant 0 : i32
      %dma_wait3A_2437 = tpu.memref_slice %arg6[%select_n3A_48, %cond3A_2388, %dma_wait3A_2436] : memref<16x1x100000xf32, #tpu.memory_space<hbm>> -> memref<1x1x49920xf32, #tpu.memory_space<hbm>>
      %dma_wait3A_2438 = tpu.memref_squeeze %dma_wait3A_2437 : memref<1x1x49920xf32, #tpu.memory_space<hbm>> -> memref<49920xf32, #tpu.memory_space<hbm>>
      tpu.wait_dma2 semaphore(%arg17 : memref<!tpu.dma_semaphore, #tpu.memory_space<semaphore_mem>>) src(%dma_wait3A_2438 : memref<49920xf32, #tpu.memory_space<hbm>>) dst(%dma_wait3A_2435 : memref<49920xf32, #tpu.memory_space<vmem>>)
    } else {
    }
    %lt3A_2391 = arith.constant 16 : i32
    %lt3A_2392 = arith.cmpi slt, %add3A, %lt3A_2391 : i32
    %convert_element_type3A_2393 = arith.extui %lt3A_2392 : i1 to i32
    %cond3A_2394 = arith.constant 0 : i32
    %cond3A_2395 = arith.cmpi ne, %convert_element_type3A_2393, %cond3A_2394 : i32
    scf.if %cond3A_2395 {
      %add3A_2429 = arith.constant 15 : i32
      %add3A_2430 = arith.addi %scan3A_71#0, %add3A_2429 : i32
      %jit3A_2431 = arith.constant 16 : i32
      %div3A_2432 = arith.divsi %add3A_2430, %jit3A_2431 : i32
      %sign3A_2433 = arith.constant 0 : i32
      %sign3A_2434 = arith.cmpi sgt, %add3A_2430, %sign3A_2433 : i32
      %sign3A_2435 = arith.extui %sign3A_2434 : i1 to i32
      %sign3A_2436 = arith.constant 0 : i32
      %sign3A_2437 = arith.cmpi slt, %add3A_2430, %sign3A_2436 : i32
      %sign3A_2438 = arith.extui %sign3A_2437 : i1 to i32
      %sign3A_2439 = arith.subi %sign3A_2435, %sign3A_2438 : i32
      %sign3A_2440 = arith.constant 0 : i32
      %sign3A_2441 = arith.cmpi sgt, %jit3A_2431, %sign3A_2440 : i32
      %sign3A_2442 = arith.extui %sign3A_2441 : i1 to i32
      %sign3A_2443 = arith.constant 0 : i32
      %sign3A_2444 = arith.cmpi slt, %jit3A_2431, %sign3A_2443 : i32
      %sign3A_2445 = arith.extui %sign3A_2444 : i1 to i32
      %sign3A_2446 = arith.subi %sign3A_2442, %sign3A_2445 : i32
      %ne3A_2447 = arith.cmpi ne, %sign3A_2439, %sign3A_2446 : i32
      %rem3A_2448 = arith.remsi %add3A_2430, %jit3A_2431 : i32
      %ne3A_2449 = arith.constant 0 : i32
      %ne3A_2450 = arith.cmpi ne, %rem3A_2448, %ne3A_2449 : i32
      %and3A_2451 = arith.andi %ne3A_2447, %ne3A_2450 : i1
      %sub3A_2452 = arith.constant 1 : i32
      %sub3A_2453 = arith.subi %div3A_2432, %sub3A_2452 : i32
      %select_n3A_2454 = arith.select %and3A_2451, %sub3A_2453, %div3A_2432 : i32
      %while3A_2455 = arith.constant 0 : i32
      %while3A_2456 = arith.constant 0 : i32
      %while3A_2457 = arith.subi %select_n3A_2454, %while3A_2456 : i32
      %while3A_2458 = arith.addi %while3A_2456, %while3A_2457 : i32
      %while3A_2459 = arith.constant 1 : i32
      %while3A_2460 = arith.divsi %while3A_2457, %while3A_2459 : i32
      %while3A_2461 = arith.muli %while3A_2460, %while3A_2459 : i32
      %while3A_2462 = arith.addi %while3A_2456, %while3A_2461 : i32
      %while3A_2463 = arith.constant 1 : i32
      scf.for %while3A_2465 = %while3A_2456 to %while3A_2462 step %while3A_2463  : i32 {
        %mul3A_2466 = arith.constant 16 : i32
        %mul3A_2467 = arith.muli %while3A_2465, %mul3A_2466 : i32
        %get3A = arith.index_cast %mul3A_2467 : i32 to index
        %get3A_2468 = tpu.vector_load %arg13[%get3A] {strides = array<i32>} : memref<4112xi32, #tpu.memory_space<vmem>>, vector<16xi32>,
        %and3A_2469 = arith.constant 131071 : i32
        %and3A_2470 = vector.broadcast %and3A_2469 : i32 to vector<16xi32>
        %and3A_2471 = arith.andi %get3A_2468, %and3A_2470 : vector<16xi32>
        %shift_right_logical3A = arith.constant 17 : i32
        %shift_right_logical3A_2472 = vector.broadcast %shift_right_logical3A : i32 to vector<16xi32>
        %shift_right_logical3A_2473 = arith.shrui %get3A_2468, %shift_right_logical3A_2472 : vector<16xi32>
        %gather3A = tpu.vector_load_idx %arg11[%and3A_2471] : memref<50080xf32, #tpu.memory_space<vmem>>[vector<16xi32>], vector<16xf32>,
        tpu.vector_store_idx %arg15[%shift_right_logical3A_2473], %gather3A : memref<4112xf32, #tpu.memory_space<vmem>>[vector<16xi32>], vector<16xf32>,
      }
      %while3A_2464 = arith.constant 1 : i32
      scf.for %while3A_2465 = %while3A_2462 to %while3A_2458 step %while3A_2464  : i32 {
        %mul3A_2466 = arith.constant 16 : i32
        %mul3A_2467 = arith.muli %while3A_2465, %mul3A_2466 : i32
        %get3A = arith.index_cast %mul3A_2467 : i32 to index
        %get3A_2468 = tpu.vector_load %arg13[%get3A] {strides = array<i32>} : memref<4112xi32, #tpu.memory_space<vmem>>, vector<16xi32>,
        %and3A_2469 = arith.constant 131071 : i32
        %and3A_2470 = vector.broadcast %and3A_2469 : i32 to vector<16xi32>
        %and3A_2471 = arith.andi %get3A_2468, %and3A_2470 : vector<16xi32>
        %shift_right_logical3A = arith.constant 17 : i32
        %shift_right_logical3A_2472 = vector.broadcast %shift_right_logical3A : i32 to vector<16xi32>
        %shift_right_logical3A_2473 = arith.shrui %get3A_2468, %shift_right_logical3A_2472 : vector<16xi32>
        %gather3A = tpu.vector_load_idx %arg11[%and3A_2471] : memref<50080xf32, #tpu.memory_space<vmem>>[vector<16xi32>], vector<16xf32>,
        tpu.vector_store_idx %arg15[%shift_right_logical3A_2473], %gather3A : memref<4112xf32, #tpu.memory_space<vmem>>[vector<16xi32>], vector<16xf32>,
      }
    } else {
    }
    %lt3A_2396 = arith.constant 16 : i32
    %lt3A_2397 = arith.cmpi slt, %add3A, %lt3A_2396 : i32
    %convert_element_type3A_2398 = arith.extui %lt3A_2397 : i1 to i32
    %cond3A_2399 = arith.constant 0 : i32
    %cond3A_2400 = arith.constant 0 : i32
    %cond3A_2401 = arith.cmpi ne, %convert_element_type3A_2398, %cond3A_2400 : i32
    scf.if %cond3A_2401 {
      %dma_wait3A_2429 = arith.constant 49920 : i32
      %dma_wait3A_2430 = tpu.memref_slice %arg6[%select_n3A_48, %cond3A_2399, %dma_wait3A_2429] : memref<16x1x100000xf32, #tpu.memory_space<hbm>> -> memref<1x1x50080xf32, #tpu.memory_space<hbm>>
      %dma_wait3A_2431 = tpu.memref_squeeze %dma_wait3A_2430 : memref<1x1x50080xf32, #tpu.memory_space<hbm>> -> memref<50080xf32, #tpu.memory_space<hbm>>
      %dma_wait3A_2432 = arith.constant 49920 : i32
      %dma_wait3A_2433 = tpu.memref_slice %arg6[%select_n3A_48, %cond3A_2399, %dma_wait3A_2432] : memref<16x1x100000xf32, #tpu.memory_space<hbm>> -> memref<1x1x50080xf32, #tpu.memory_space<hbm>>
      %dma_wait3A_2434 = tpu.memref_squeeze %dma_wait3A_2433 : memref<1x1x50080xf32, #tpu.memory_space<hbm>> -> memref<50080xf32, #tpu.memory_space<hbm>>
      tpu.wait_dma2 semaphore(%arg18 : memref<!tpu.dma_semaphore, #tpu.memory_space<semaphore_mem>>) src(%dma_wait3A_2434 : memref<50080xf32, #tpu.memory_space<hbm>>) dst(%arg12 : memref<50080xf32, #tpu.memory_space<vmem>>)
    } else {
    }
    %lt3A_2402 = arith.constant 16 : i32
    %lt3A_2403 = arith.cmpi slt, %add3A, %lt3A_2402 : i32
    %convert_element_type3A_2404 = arith.extui %lt3A_2403 : i1 to i32
    %cond3A_2405 = arith.constant 0 : i32
    %cond3A_2406 = arith.cmpi ne, %convert_element_type3A_2404, %cond3A_2405 : i32
    scf.if %cond3A_2406 {
      %add3A_2429 = arith.constant 15 : i32
      %add3A_2430 = arith.addi %scan3A_71#1, %add3A_2429 : i32
      %jit3A_2431 = arith.constant 16 : i32
      %div3A_2432 = arith.divsi %add3A_2430, %jit3A_2431 : i32
      %sign3A_2433 = arith.constant 0 : i32
      %sign3A_2434 = arith.cmpi sgt, %add3A_2430, %sign3A_2433 : i32
      %sign3A_2435 = arith.extui %sign3A_2434 : i1 to i32
      %sign3A_2436 = arith.constant 0 : i32
      %sign3A_2437 = arith.cmpi slt, %add3A_2430, %sign3A_2436 : i32
      %sign3A_2438 = arith.extui %sign3A_2437 : i1 to i32
      %sign3A_2439 = arith.subi %sign3A_2435, %sign3A_2438 : i32
      %sign3A_2440 = arith.constant 0 : i32
      %sign3A_2441 = arith.cmpi sgt, %jit3A_2431, %sign3A_2440 : i32
      %sign3A_2442 = arith.extui %sign3A_2441 : i1 to i32
      %sign3A_2443 = arith.constant 0 : i32
      %sign3A_2444 = arith.cmpi slt, %jit3A_2431, %sign3A_2443 : i32
      %sign3A_2445 = arith.extui %sign3A_2444 : i1 to i32
      %sign3A_2446 = arith.subi %sign3A_2442, %sign3A_2445 : i32
      %ne3A_2447 = arith.cmpi ne, %sign3A_2439, %sign3A_2446 : i32
      %rem3A_2448 = arith.remsi %add3A_2430, %jit3A_2431 : i32
      %ne3A_2449 = arith.constant 0 : i32
      %ne3A_2450 = arith.cmpi ne, %rem3A_2448, %ne3A_2449 : i32
      %and3A_2451 = arith.andi %ne3A_2447, %ne3A_2450 : i1
      %sub3A_2452 = arith.constant 1 : i32
      %sub3A_2453 = arith.subi %div3A_2432, %sub3A_2452 : i32
      %select_n3A_2454 = arith.select %and3A_2451, %sub3A_2453, %div3A_2432 : i32
      %while3A_2455 = arith.constant 0 : i32
      %while3A_2456 = arith.constant 0 : i32
      %while3A_2457 = arith.subi %select_n3A_2454, %while3A_2456 : i32
      %while3A_2458 = arith.addi %while3A_2456, %while3A_2457 : i32
      %while3A_2459 = arith.constant 1 : i32
      %while3A_2460 = arith.divsi %while3A_2457, %while3A_2459 : i32
      %while3A_2461 = arith.muli %while3A_2460, %while3A_2459 : i32
      %while3A_2462 = arith.addi %while3A_2456, %while3A_2461 : i32
      %while3A_2463 = arith.constant 1 : i32
      scf.for %while3A_2465 = %while3A_2456 to %while3A_2462 step %while3A_2463  : i32 {
        %mul3A_2466 = arith.constant 16 : i32
        %mul3A_2467 = arith.muli %while3A_2465, %mul3A_2466 : i32
        %get3A = arith.index_cast %mul3A_2467 : i32 to index
        %get3A_2468 = tpu.vector_load %arg14[%get3A] {strides = array<i32>} : memref<4112xi32, #tpu.memory_space<vmem>>, vector<16xi32>,
        %and3A_2469 = arith.constant 131071 : i32
        %and3A_2470 = vector.broadcast %and3A_2469 : i32 to vector<16xi32>
        %and3A_2471 = arith.andi %get3A_2468, %and3A_2470 : vector<16xi32>
        %shift_right_logical3A = arith.constant 17 : i32
        %shift_right_logical3A_2472 = vector.broadcast %shift_right_logical3A : i32 to vector<16xi32>
        %shift_right_logical3A_2473 = arith.shrui %get3A_2468, %shift_right_logical3A_2472 : vector<16xi32>
        %gather3A = tpu.vector_load_idx %arg12[%and3A_2471] : memref<50080xf32, #tpu.memory_space<vmem>>[vector<16xi32>], vector<16xf32>,
        tpu.vector_store_idx %arg15[%shift_right_logical3A_2473], %gather3A : memref<4112xf32, #tpu.memory_space<vmem>>[vector<16xi32>], vector<16xf32>,
      }
      %while3A_2464 = arith.constant 1 : i32
      scf.for %while3A_2465 = %while3A_2462 to %while3A_2458 step %while3A_2464  : i32 {
        %mul3A_2466 = arith.constant 16 : i32
        %mul3A_2467 = arith.muli %while3A_2465, %mul3A_2466 : i32
        %get3A = arith.index_cast %mul3A_2467 : i32 to index
        %get3A_2468 = tpu.vector_load %arg14[%get3A] {strides = array<i32>} : memref<4112xi32, #tpu.memory_space<vmem>>, vector<16xi32>,
        %and3A_2469 = arith.constant 131071 : i32
        %and3A_2470 = vector.broadcast %and3A_2469 : i32 to vector<16xi32>
        %and3A_2471 = arith.andi %get3A_2468, %and3A_2470 : vector<16xi32>
        %shift_right_logical3A = arith.constant 17 : i32
        %shift_right_logical3A_2472 = vector.broadcast %shift_right_logical3A : i32 to vector<16xi32>
        %shift_right_logical3A_2473 = arith.shrui %get3A_2468, %shift_right_logical3A_2472 : vector<16xi32>
        %gather3A = tpu.vector_load_idx %arg12[%and3A_2471] : memref<50080xf32, #tpu.memory_space<vmem>>[vector<16xi32>], vector<16xf32>,
        tpu.vector_store_idx %arg15[%shift_right_logical3A_2473], %gather3A : memref<4112xf32, #tpu.memory_space<vmem>>[vector<16xi32>], vector<16xf32>,
      }
    } else {
    }
    %lt3A_2407 = arith.constant 16 : i32
    %lt3A_2408 = arith.cmpi slt, %add3A, %lt3A_2407 : i32
    %convert_element_type3A_2409 = arith.extui %lt3A_2408 : i1 to i32
    %cond3A_2410 = arith.constant 0 : i32
    %cond3A_2411 = arith.constant 0 : i32
    %cond3A_2412 = arith.cmpi ne, %convert_element_type3A_2409, %cond3A_2411 : i32
    scf.if %cond3A_2412 {
      %dma_start3A_2429 = arith.constant 0 : i32
      %dma_start3A_2430 = tpu.memref_slice %arg15[%dma_start3A_2429] : memref<4112xf32, #tpu.memory_space<vmem>> -> memref<4096xf32, #tpu.memory_space<vmem>>
      %dma_start3A_2431 = arith.constant 0 : i32
      %dma_start3A_2432 = tpu.memref_slice %arg9[%select_n3A_48, %cond3A_2410, %dma_start3A_2431] : memref<16x1x4096xf32, #tpu.memory_space<hbm>> -> memref<1x1x4096xf32, #tpu.memory_space<hbm>>
      %dma_start3A_2433 = tpu.memref_squeeze %dma_start3A_2432 : memref<1x1x4096xf32, #tpu.memory_space<hbm>> -> memref<4096xf32, #tpu.memory_space<hbm>>
      %dma_start3A_2434 = arith.constant 0 : i32
      %dma_start3A_2435 = tpu.memref_slice %arg9[%select_n3A_48, %cond3A_2410, %dma_start3A_2434] : memref<16x1x4096xf32, #tpu.memory_space<hbm>> -> memref<1x1x4096xf32, #tpu.memory_space<hbm>>
      %dma_start3A_2436 = tpu.memref_squeeze %dma_start3A_2435 : memref<1x1x4096xf32, #tpu.memory_space<hbm>> -> memref<4096xf32, #tpu.memory_space<hbm>>
      %dma_start3A_2437 = arith.constant 0 : i32
      %dma_start3A_2438 = tpu.memref_slice %arg15[%dma_start3A_2437] : memref<4112xf32, #tpu.memory_space<vmem>> -> memref<4096xf32, #tpu.memory_space<vmem>>
      tpu.enqueue_dma source(%dma_start3A_2438 : memref<4096xf32, #tpu.memory_space<vmem>>) target(%dma_start3A_2436 : memref<4096xf32, #tpu.memory_space<hbm>>) target_semaphore(%arg19 : memref<!tpu.dma_semaphore, #tpu.memory_space<semaphore_mem>>)
    } else {
    }
    %dma_wait3A_2413 = arith.constant 0 : i32
    %dma_wait3A_2414 = tpu.memref_slice %arg16[%dma_wait3A_2413] : memref<4112xf32, #tpu.memory_space<vmem>> -> memref<4096xf32, #tpu.memory_space<vmem>>
    %dma_wait3A_2415 = arith.constant 0 : i32
    %dma_wait3A_2416 = tpu.memref_slice %arg7[%select_n3A, %add3A_32, %dma_wait3A_2415] : memref<16x4x4096xf32, #tpu.memory_space<hbm>> -> memref<1x1x4096xf32, #tpu.memory_space<hbm>>
    %dma_wait3A_2417 = tpu.memref_squeeze %dma_wait3A_2416 : memref<1x1x4096xf32, #tpu.memory_space<hbm>> -> memref<4096xf32, #tpu.memory_space<hbm>>
    %dma_wait3A_2418 = arith.constant 0 : i32
    %dma_wait3A_2419 = tpu.memref_slice %arg7[%select_n3A, %add3A_32, %dma_wait3A_2418] : memref<16x4x4096xf32, #tpu.memory_space<hbm>> -> memref<1x1x4096xf32, #tpu.memory_space<hbm>>
    %dma_wait3A_2420 = tpu.memref_squeeze %dma_wait3A_2419 : memref<1x1x4096xf32, #tpu.memory_space<hbm>> -> memref<4096xf32, #tpu.memory_space<hbm>>
    %dma_wait3A_2421 = arith.constant 0 : i32
    %dma_wait3A_2422 = tpu.memref_slice %arg16[%dma_wait3A_2421] : memref<4112xf32, #tpu.memory_space<vmem>> -> memref<4096xf32, #tpu.memory_space<vmem>>
    tpu.wait_dma2 semaphore(%arg20 : memref<!tpu.dma_semaphore, #tpu.memory_space<semaphore_mem>>) src(%dma_wait3A_2422 : memref<4096xf32, #tpu.memory_space<vmem>>) dst(%dma_wait3A_2420 : memref<4096xf32, #tpu.memory_space<hbm>>)
    %lt3A_2423 = arith.constant 16 : i32
    %lt3A_2424 = arith.cmpi slt, %add3A, %lt3A_2423 : i32
    %convert_element_type3A_2425 = arith.extui %lt3A_2424 : i1 to i32
    %cond3A_2426 = arith.constant 0 : i32
    %cond3A_2427 = arith.constant 0 : i32
    %cond3A_2428 = arith.cmpi ne, %convert_element_type3A_2425, %cond3A_2427 : i32
    scf.if %cond3A_2428 {
      %dma_wait3A_2429 = arith.constant 0 : i32
      %dma_wait3A_2430 = tpu.memref_slice %arg15[%dma_wait3A_2429] : memref<4112xf32, #tpu.memory_space<vmem>> -> memref<4096xf32, #tpu.memory_space<vmem>>
      %dma_wait3A_2431 = arith.constant 0 : i32
      %dma_wait3A_2432 = tpu.memref_slice %arg9[%select_n3A_48, %cond3A_2426, %dma_wait3A_2431] : memref<16x1x4096xf32, #tpu.memory_space<hbm>> -> memref<1x1x4096xf32, #tpu.memory_space<hbm>>
      %dma_wait3A_2433 = tpu.memref_squeeze %dma_wait3A_2432 : memref<1x1x4096xf32, #tpu.memory_space<hbm>> -> memref<4096xf32, #tpu.memory_space<hbm>>
      %dma_wait3A_2434 = arith.constant 0 : i32
      %dma_wait3A_2435 = tpu.memref_slice %arg9[%select_n3A_48, %cond3A_2426, %dma_wait3A_2434] : memref<16x1x4096xf32, #tpu.memory_space<hbm>> -> memref<1x1x4096xf32, #tpu.memory_space<hbm>>
      %dma_wait3A_2436 = tpu.memref_squeeze %dma_wait3A_2435 : memref<1x1x4096xf32, #tpu.memory_space<hbm>> -> memref<4096xf32, #tpu.memory_space<hbm>>
      %dma_wait3A_2437 = arith.constant 0 : i32
      %dma_wait3A_2438 = tpu.memref_slice %arg15[%dma_wait3A_2437] : memref<4112xf32, #tpu.memory_space<vmem>> -> memref<4096xf32, #tpu.memory_space<vmem>>
      tpu.wait_dma2 semaphore(%arg19 : memref<!tpu.dma_semaphore, #tpu.memory_space<semaphore_mem>>) src(%dma_wait3A_2438 : memref<4096xf32, #tpu.memory_space<vmem>>) dst(%dma_wait3A_2436 : memref<4096xf32, #tpu.memory_space<hbm>>)
    } else {
    }
    return
  }
}

</mosaic_0001>

<sc_bundles>
// kernel: kernel.3.cloned.1.call-start
scs
__scs_entry_jumppad:
0x0: {  	(pc) =	sbr.rel $0x88, $3  }
0x1: {  	(tag) =	ssettag $0x0;
	lr =	simm.s32 $0x1  }
0x2: {  	[smem:$0x3F9C] =	sst lr;
	_ =	strace $0xD0000000  }
0x3: {  	_ = 	snop  }
0x4: {  	_ = 	snop  }
0x5: {  	_ = 	snop  }
0x6: {  	_ = 	snop  }
0x7: {  	_ = 	snop  }
__scs_overlays_trampoline_lowered:
0x8: {  	[smem:$0x3FAB] =	sst s0  }
0x9: {  	[smem:$0x3FAC] =	sst s1  }
0xa: {  	[smem:$0x3FAD] =	sst s2  }
0xb: {  	[smem:$0x3FAE] =	sst s3  }
0xc: {  	[smem:$0x3FAF] =	sst s4  }
0xd: {  	[smem:$0x3FB0] =	sst s5  }
0xe: {  	[smem:$0x3FB1] =	sst s6  }
0xf: {  	[smem:$0x3FB2] =	sst s7  }
0x10: {  	[smem:$0x3FB3] =	sst s8  }
0x11: {  	[smem:$0x3FB4] =	sst s9;
	s0 =	simm.s32 @!p0 $0x0  }
0x12: {  	s1 =	sld [smem:$0x3F9A];
	s0 =	simm.s32 @p0 $0x1  }
0x13: {  	[smem:$0x3FB5] =	sst s0;
	s0 =	simm.s32 @!p1 $0x0  }
0x14: {  	s2 =	sld [smem:$0x3F99];
	s0 =	simm.s32 @p1 $0x1  }
0x15: {  	[smem:$0x3FB6] =	sst s0;
	s0 =	simm.s32 @!p2 $0x0  }
0x16: {  	s3 =	sld [smem:$0x3FDB];
	s0 =	simm.s32 @p2 $0x1  }
0x17: {  	s4 =	simm.s32 $0x1BF5;
	[smem:$0x3FB8] =	sst s0  }
0x18: {  	s0 =	sld [smem:$0x3F9B];
	_ =	swait.ge [sflag:s4], $0x0  }
0x19: {  	s7 =	sld [smem:$0x3F9C]  }
0x1a: {  	s8 =	sadd.s32 $0xFFFFE003, lr  }
0x1b: {  	s9 =	sadd.s32 $0xFFFFFEF7, lr;
	s5 =	simm.s32 $0xFFFFFFFF;
	p2 =	slt.u32 s8, $0xFFFFF086  }
0x1c: {  	p1 =	slt.u32 s9, $0xF7A;
	s5 =	simm.s32 @!p2 $0x0  }
0x1d: {  	s5 =	simm.s32 @p1 $0x1;
	p0 =	seq.s32 s7, s2  }
0x1e: {  	s7 =	smul.u32 @!p0 $0xF7A, s2;
	p2 =	seq.s32 @!p0 s5, $0x0  }
0x1f: {  	s9 =	smul.u32 $0xF7A, s1;
	s8 =	simm.s32 @!p0 $0x1BF5;
	p2 =	por !p2, p0  }
0x20: {  	[sflag:s8] =	ssyncset.s32 @!p0 $0xFFFFF086;
	s6 =	sadd.s32 @!p0 s3, s7;
	s7 =	simm.s32 @!p0 $0x108  }
0x21: {  	s3 =	sadd.s32 s3, s9;
	s6 =	sadd.s32 @!p0 $0x88, s6;
	s7 =	simm.s32 @p2 $0x1082  }
0x22: {  	[simem:s7], [sflag:s8] =	dma.local @!p0 [hbm:s6], $0xF7A  }
0x23: {  	s9 =	sor.u32 $0xD0000000, s2;
	s6 =	simm.s32 $0x108;
	_ =	swait.ge @!p0 [sflag:s8], $0x0  }
0x24: {  	s3 =	sadd.s32 $0x88, s3;
	s6 =	simm.s32 @!p1 $0x1082;
	[sflag:s4] =	ssyncset.s32 $0xFFFFF086  }
0x25: {  	[simem:s6], [sflag:s4] =	dma.local [hbm:s3], $0xF7A  }
0x26: {  	[smem:$0x3F9C] =	sst s1;
	(tag) =	ssettag s2;
	_ =	strace s9  }
0x27: {  	s1 =	sld [smem:$0x3FAC]  }
0x28: {  	s2 =	sld [smem:$0x3FAD]  }
0x29: {  	s4 =	sld [smem:$0x3FAF]  }
0x2a: {  	p0 =	seq.s32 s5, $0x0;
	s5 =	sld [smem:$0x3FB0]  }
0x2b: {  	s6 =	sld [smem:$0x3FB1]  }
0x2c: {  	s7 =	sld [smem:$0x3FB2]  }
0x2d: {  	s3 =	simm.s32 $0x108;
	s8 =	sld [smem:$0x3FB3]  }
0x2e: {  	s3 =	simm.s32 @!p0 $0x1082;
	s9 =	sld [smem:$0x3FB4]  }
0x2f: {  	lr =	sadd.s32 s0, s3;
	s0 =	sld [smem:$0x3FAB]  }
0x30: {  	s3 =	sld [smem:$0x3FAE]  }
0x31: {  	[smem:$0x3FB7] =	sst s10  }
0x32: {  	s10 =	sld [smem:$0x3FB5];
	_ =	sdelay $0x3  }
0x33: {  	p0 =	seq.s32 s10, $0x1;
	s10 =	sld [smem:$0x3FB7];
	_ =	sdelay $0x3  }
0x34: {  	[smem:$0x3FB7] =	sst s10  }
0x35: {  	s10 =	sld [smem:$0x3FB6];
	_ =	sdelay $0x3  }
0x36: {  	p1 =	seq.s32 s10, $0x1;
	s10 =	sld [smem:$0x3FB7];
	_ =	sdelay $0x3  }
0x37: {  	[smem:$0x3FB7] =	sst s10  }
0x38: {  	s10 =	sld [smem:$0x3FB8]  }
0x39: {  	_ = 	snop;
	(pc) =	sbr.ind lr, $3  }
0x3a: {  	_ = 	snop  }
0x3b: {  	_ = 	snop  }
0x3c: {  	p2 =	seq.s32 s10, $0x1;
	s10 =	sld [smem:$0x3FB7]  }
0x3d: {  	_ =	shalt  }
0x3e: {  	_ =	shalt  }
0x3f: {  	_ =	shalt  }
0x40: {  	_ =	shalt  }
0x41: {  	_ =	shalt  }
0x42: {  	_ =	shalt  }
0x43: {  	_ =	shalt  }
0x44: {  	_ =	shalt  }
0x45: {  	_ =	shalt  }
0x46: {  	_ =	shalt  }
0x47: {  	_ =	shalt  }
0x48: {  	_ =	shalt  }
0x49: {  	_ =	shalt  }
0x4a: {  	_ =	shalt  }
0x4b: {  	_ =	shalt  }
0x4c: {  	_ =	shalt  }
0x4d: {  	_ =	shalt  }
0x4e: {  	_ =	shalt  }
0x4f: {  	_ =	shalt  }
0x50: {  	_ =	shalt  }
0x51: {  	_ =	shalt  }
0x52: {  	_ =	shalt  }
0x53: {  	_ =	shalt  }
0x54: {  	_ =	shalt  }
0x55: {  	_ =	shalt  }
0x56: {  	_ =	shalt  }
0x57: {  	_ =	shalt  }
0x58: {  	_ =	shalt  }
0x59: {  	_ =	shalt  }
0x5a: {  	_ =	shalt  }
0x5b: {  	_ =	shalt  }
0x5c: {  	_ =	shalt  }
0x5d: {  	_ =	shalt  }
0x5e: {  	_ =	shalt  }
0x5f: {  	_ =	shalt  }
0x60: {  	_ =	shalt  }
0x61: {  	_ =	shalt  }
0x62: {  	_ =	shalt  }
0x63: {  	_ =	shalt  }
0x64: {  	_ =	shalt  }
0x65: {  	_ =	shalt  }
0x66: {  	_ =	shalt  }
0x67: {  	_ =	shalt  }
0x68: {  	_ =	shalt  }
0x69: {  	_ =	shalt  }
0x6a: {  	_ =	shalt  }
0x6b: {  	_ =	shalt  }
0x6c: {  	_ =	shalt  }
0x6d: {  	_ =	shalt  }
0x6e: {  	_ =	shalt  }
0x6f: {  	_ =	shalt  }
0x70: {  	_ =	shalt  }
0x71: {  	_ =	shalt  }
0x72: {  	_ =	shalt  }
0x73: {  	_ =	shalt  }
0x74: {  	_ =	shalt  }
0x75: {  	_ =	shalt  }
0x76: {  	_ =	shalt  }
0x77: {  	_ =	shalt  }
0x78: {  	_ =	shalt  }
0x79: {  	_ =	shalt  }
0x7a: {  	_ =	shalt  }
0x7b: {  	_ =	shalt  }
0x7c: {  	_ =	shalt  }
0x7d: {  	_ =	shalt  }
0x7e: {  	_ =	shalt  }
0x7f: {  	_ =	shalt  }
0x80: {  	_ =	shalt  }
0x81: {  	_ =	shalt  }
0x82: {  	_ =	shalt  }
0x83: {  	_ =	shalt  }
0x84: {  	_ =	shalt  }
0x85: {  	_ =	shalt  }
0x86: {  	_ =	shalt  }
0x87: {  	_ =	shalt  }
.Lfunc_end0:
.L_simem_size_0:
called_computation_lowered:
.L_overlay_start_0:
0x88: {  	s2 =	sld [smem:$0x3FD9]  }
0x89: {  	s3 =	sld [smem:$0x3FFE];
	_ =	sdelay $0x1  }
0x8a: {  	s1 =	srdreg.scid  }
0x8b: {  	s0 =	sand.u32 $0x1, s1  }
0x8c: {  	s15 =	sshll.u32 s0, $0xA;
	s2 =	sadd.s32 s3, s2  }
0x8d: {  	s2 =	sadd.s32 s2, s15  }
0x8e: {  	[smem:$0x3FC3] =	sst s2  }
0x8f: {  	_ = 	snop  }
0x90: {  	s2 =	sld [smem:$0x3FC9]  }
0x91: {  	s16 =	sld [smem:$0x3FC8]  }
0x92: {  	s4 =	sld [smem:$0x3FD0]  }
0x93: {  	s5 =	sld [smem:$0x3FC7]  }
0x94: {  	s6 =	sld [smem:$0x3FC6]  }
0x95: {  	s8 =	simm.s32 $0xA;
	s9 =	simm.s32 $0x10;
	s7 =	sld [smem:$0x3FC5]  }
0x96: {  	[smem:s9], [sflag:s8] =	dma.local [hbm:s4], $0x1  }
0x97: {  	_ =	swait.eq [sflag:s8], $0x1  }
0x98: {  	s17 =	sld [smem:$0x10];
	[sflag:s8] =	ssyncset.done $0x0  }
0x99: {  	s18 =	sld [smem:$0x11];
	[sflag:s8] =	ssyncadd.s32 $0xFFFFFFFF  }
0x9a: {  	s19 =	sld [smem:$0x12];
	(tm) =	ssettm $0x1  }
0x9b: {  	s10 =	sld [smem:$0x3FFB];
	_ =	sdelay $0x3  }
0x9c: {  	_ =	strace s10  }
0x9d: {  	s10 =	sld [smem:$0x3FFC];
	_ =	sdelay $0x3  }
0x9e: {  	_ =	strace s10  }
0x9f: {  	s10 =	sld [smem:$0x3FFD];
	_ =	sdelay $0x3  }
0xa0: {  	_ =	strace s10  }
0xa1: {  	_ =	strace $0x8FFFFFFF  }
0xa2: {  	s20 =	sld [smem:$0x3FDB];
	_ =	sdelay $0x1  }
0xa3: {  	s11 =	simm.s32 $_scs_section_size  }
0xa4: {  	s12 =	simm.s32 $_size__tile_overlayer_lowered;
	s13 =	simm.s32 $_tile_overlayer_lowered  }
0xa5: {  	s23 =	simm.s32 $0x1BFF;
	s22 =	sshll.u32 s13, $0x1;
	s10 =	sadd.s32 s11, s20  }
0xa6: {  	s14 =	simm.s32 $0x0;
	s21 =	sshll.u32 s12, $0x1;
	s12 =	sadd.s32 s22, s10  }
0xa7: {  	[timem:s14], [sflag:s23] =	dma.local [hbm:s12], s21  }
0xa8: {  	_ =	swait.ge [sflag:s23], s21  }
0xa9: {  	s11 =	ssub.s32 $0x0, s21;
	[sflag:s23] =	ssyncset.done $0x0  }
0xaa: {  	[sflag:s23] =	ssyncadd.s32 s11;
	_ =	sdelay $0x1  }
0xab: {  	s24 =	simm.s32 $0x1B8B  }
0xac: {  	_ =	swait.ge [sflag:s24], $0x1  }
0xad: {  	[sflag:s24] =	ssyncset.done $0x0  }
0xae: {  	s25 =	simm.s32 $0x1B8E;
	[sflag:s24] =	ssyncadd.s32 $0xFFFFFFFF  }
0xaf: {  	s26 =	simm.s32 $execute0_lowered;
	[smem:$0x3FD2] =	sst s25  }
0xb0: {  	s11 =	sshll.u32 s26, $0x1;
	_ =	strace $0x80000046;
	[dreg:$0x1] =	wrdreg $0xFFFFFFFF  }
0xb1: {  	s28 =	simm.s32 $_size_execute0_lowered;
	s10 =	sadd.s32 s10, s11;
	[dreg:$0x0] =	wrdreg $0x0  }
0xb2: {  	s11 =	sshll.u32 s28, $0x1;
	[dreg:$0x2] =	wrdreg s10  }
0xb3: {  	[dreg:$0x3] =	wrdreg s11  }
0xb4: {  	[dreg:$0x4] =	wrdreg $0xC0  }
0xb5: {  	_ =	task [dreg:s14], $0x5FFFF  }
0xb6: {  	[dreg:$0x1] =	wrdreg $0xFFFFFFFF  }
0xb7: {  	[dreg:$0x0] =	wrdreg $0x60  }
0xb8: {  	[dreg:$0x2] =	wrdreg s2  }
0xb9: {  	[dreg:$0x3] =	wrdreg s16  }
0xba: {  	[dreg:$0x4] =	wrdreg s5  }
0xbb: {  	[dreg:$0x5] =	wrdreg s6  }
0xbc: {  	[dreg:$0x6] =	wrdreg s7  }
0xbd: {  	[dreg:$0x7] =	wrdreg s17  }
0xbe: {  	[dreg:$0x8] =	wrdreg s18  }
0xbf: {  	[dreg:$0x9] =	wrdreg s19  }
0xc0: {  	[dreg:$0xa] =	wrdreg $0x9  }
0xc1: {  	_ =	task.clear_ibuf [dreg:s14], $0xBFFFF;
	_ =	strace $0x90000046  }
0xc2: {  	s29 =	simm.s32 $0x9;
	_ =	strace $0x80000048  }
0xc3: {  	_ =	swait.ge [sflag:s29], $0x1  }
0xc4: {  	[sflag:s29] =	ssyncadd.s32 $0xFFFFFFFF  }
0xc5: {  	_ =	strace $0x90000048  }
0xc6: {  	_ =	sfence  }
0xc7: {  	s30 =	sld [smem:$0x0];
	_ =	sdelay $0x2  }
0xc8: {  	s31 =	sshll.u32 s1, $0xD;
	s1 =	sshrl.u32 s1, $0x2  }
0xc9: {  	s3 =	sand.u32 $0x4000, s31;
	s1 =	sadd.s32 s1, s30  }
0xca: {  	s0 =	sor.u32 s3, s0;
	s1 =	sshll.u32 s1, $0x11  }
0xcb: {  	s0 =	sor.u32 s1, s0  }
0xcc: {  	s0 =	sadd.s32 $0x8F2B, s0  }
0xcd: {  	[sflag:s0] =	ssyncadd.remote.s32 $0x1  }
0xce: {  	_ =	sfence.sel $0xFFFF  }
0xcf: {  	[dreg:$0x0] =	wrdreg $0xFFFFFFFF;
	(pc) =	sbr.abs _section_cstart, $3  }
0xd0: {  	[dreg:$0x1] =	wrdreg $0xFFFFFFFF  }
0xd1: {  	_ =	task.clear_ibuf [dreg:s14], $0x2FFFF;
	_ =	strace $0x9FFFFFFF  }
0xd2: {  	(tm) =	ssettm $0x7FFFFFFF  }
0xd3: {  	_ =	shalt  }
tec
execute0_lowered:
.L_overlay_start_1:
0x0: {  	(tag) =	ssettag $0x1  }
0x1: {  	s0 =	srdreg.scid  }
0x2: {  	s11 =	stileid.u32;
	s2 =	rddreg [dreg:$0x3]  }
0x3: {  	s4 =	rddreg [dreg:$0x6];
	s9 =	simm.s32 $0x1;
	s30 =	simm.s32 $0x80  }
0x4: {  	s31 =	simm.s32 $0x400;
	s3 =	sand.u32 $0x1, s0;
	s21 =	sshll.u32 s11, $0x1  }
0x5: {  	s7 =	sshrl.u32 s11, $0x2;
	s1 =	ssub.s32 $0x2, s3;
	s0 =	sor.u32 s3, s21  }
0x6: {  	p1 =	seq.s32 s3, $0x1;
	s6 =	smul.u32 $0xC3800, s7;
	s7 =	sshll.u32 s7, $0xF  }
0x7: {  	s3 =	sshll.u32 s3, $0x7;
	p0 =	seq.s32 s0, $0x0;
	s8 =	sshll.u32 s0, $0x7  }
0x8: {  	s5 =	sshrl.u32 s1, $0x1;
	p0 =	por !p0, !p1;
	s8 =	sand.u32 $0x380, s8  }
0x9: {  	s1 =	ssub.s32 s1, s5;
	p0 =	por !p0, !p0;
	s6 =	sor.u32 s6, s8  }
0xa: {  	s7 =	sor.u32 s7, s8;
	s9 =	simm.s32 @!p0 $0x0;
	s22 =	sshrl.u32 s6, $0x3  }
0xb: {  	s10 =	sadd.s32 $0x61800, s6;
	s24 =	sadd.s32 $0x30E000, s6;
	s26 =	sadd.s32 $0x36F800, s6  }
0xc: {  	s7 =	sshrl.u32 s7, $0x3;
	s12 =	sadd.s32 $0x61C000, s6;
	s13 =	sadd.s32 $0x67D800, s6  }
0xd: {  	s14 =	sadd.s32 $0x92A000, s6;
	s17 =	sadd.s32 $0x98B800, s6;
	s18 =	sadd.s32 $0xC38000, s6  }
0xe: {  	s19 =	sadd.s32 $0xC99800, s6;
	p0 =	sgt.u32 s11, $0x7;
	s5 =	ssub.s32 s11, s9  }
0xf: {  	s9 =	sadd.s32 s2, s22;
	s23 =	sshrl.u32 s10, $0x3;
	s25 =	sshrl.u32 s24, $0x3  }
0x10: {  	s4 =	sadd.s32 s4, s7;
	s10 =	sshrl.u32 s26, $0x3;
	s16 =	sshrl.u32 s14, $0x3  }
0x11: {  	s21 =	sshrl.u32 s19, $0x3;
	s22 =	sadd.s32 $0xF46000, s6;
	s24 =	sadd.s32 $0x1254000, s6  }
0x12: {  	s14 =	sadd.s32 $0x1870000, s6;
	s19 =	sadd.s32 $0x1BDF800, s6;
	s11 =	simm.s32 $0x100  }
0x13: {  	[dreg:$0x9] =	wrdreg s9;
	s9 =	sadd.s32 s2, s23;
	s8 =	sadd.s32 s2, s25  }
0x14: {  	s7 =	sadd.s32 s2, s10;
	s23 =	sadd.s32 $0xFA7800, s6;
	[dreg:$0xa] =	wrdreg s9  }
0x15: {  	s26 =	sshrl.u32 s24, $0x3;
	s10 =	sadd.s32 $0x15C3800, s6;
	[dreg:$0xb] =	wrdreg s8  }
0x16: {  	s24 =	sadd.s32 $0x219A000, s6;
	s28 =	sadd.s32 $0x3C000, s4;
	[dreg:$0xc] =	wrdreg s7  }
0x17: {  	s7 =	sshrl.u32 s12, $0x3;
	s8 =	sshrl.u32 s13, $0x3;
	s9 =	sadd.s32 $0x1562000, s6  }
0x18: {  	s13 =	sshrl.u32 s10, $0x3;
	s10 =	sadd.s32 $0x2509800, s6;
	s7 =	sadd.s32 s2, s7  }
0x19: {  	s15 =	sadd.s32 s2, s8;
	s8 =	sshrl.u32 s18, $0x3;
	[dreg:$0xd] =	wrdreg s7  }
0x1a: {  	[dreg:$0xe] =	wrdreg s15;
	s7 =	sadd.s32 s2, s16;
	s20 =	sadd.s32 s2, s8  }
0x1b: {  	s8 =	sshrl.u32 s23, $0x3;
	s15 =	sadd.s32 $0x18D1800, s6;
	[dreg:$0xf] =	wrdreg s7  }
0x1c: {  	s16 =	sadd.s32 $0x1B7E000, s6;
	s7 =	sshrl.u32 s17, $0x3;
	[dreg:$0x11] =	wrdreg s20  }
0x1d: {  	s25 =	sadd.s32 s2, s8;
	s8 =	sadd.s32 $0x12B5800, s6;
	s18 =	sshrl.u32 s16, $0x3  }
0x1e: {  	s20 =	sadd.s32 $0x1E8C000, s6;
	s7 =	sadd.s32 s2, s7;
	[dreg:$0x14] =	wrdreg s25  }
0x1f: {  	s16 =	sadd.s32 $0x2AC4000, s6;
	[dreg:$0x10] =	wrdreg s7;
	s7 =	sadd.s32 s2, s21  }
0x20: {  	s21 =	sadd.s32 $0x1EED800, s6;
	[dreg:$0x12] =	wrdreg s7;
	s7 =	sshrl.u32 s22, $0x3  }
0x21: {  	s25 =	sadd.s32 $0x21FB800, s6;
	s23 =	sshrl.u32 s21, $0x3;
	s7 =	sadd.s32 s2, s7  }
0x22: {  	s21 =	smul.u32 $0x30E00, s5;
	[dreg:$0x13] =	wrdreg s7;
	s7 =	sadd.s32 s2, s26  }
0x23: {  	s5 =	sshll.u32 s5, $0xE;
	[dreg:$0x15] =	wrdreg s7;
	s7 =	sshrl.u32 s8, $0x3  }
0x24: {  	s26 =	sadd.s32 $0x24A8000, s6;
	s8 =	sshrl.u32 s9, $0x3;
	s7 =	sadd.s32 s2, s7  }
0x25: {  	s9 =	sshrl.u32 s26, $0x3;
	s12 =	sadd.s32 s2, s8;
	[dreg:$0x16] =	wrdreg s7  }
0x26: {  	s8 =	sshrl.u32 s15, $0x3;
	[dreg:$0x17] =	wrdreg s12;
	s7 =	sadd.s32 s2, s13  }
0x27: {  	s26 =	sand.u32 $0xF, s0;
	s17 =	sadd.s32 s2, s8;
	[dreg:$0x18] =	wrdreg s7  }
0x28: {  	s8 =	sshrl.u32 s20, $0x3;
	s7 =	sshrl.u32 s14, $0x3;
	[dreg:$0x1a] =	wrdreg s17  }
0x29: {  	s22 =	sadd.s32 s2, s8;
	s8 =	sshrl.u32 s25, $0x3;
	s25 =	rddreg [dreg:$0x1]  }
0x2a: {  	s0 =	sshll.u32 s0, $0x9;
	s7 =	sadd.s32 s2, s7;
	[dreg:$0x1d] =	wrdreg s22  }
0x2b: {  	s12 =	sadd.s32 $0x27B6000, s6;
	s8 =	sadd.s32 s2, s8;
	[dreg:$0x19] =	wrdreg s7  }
0x2c: {  	s22 =	sor.u32 s3, s21;
	s3 =	sor.u32 s3, s5;
	[smem:$0x7E6] =	sst s8  }
0x2d: {  	s7 =	sadd.s32 s2, s18;
	s8 =	sshrl.u32 s12, $0x3;
	s12 =	rddreg [dreg:$0x2]  }
0x2e: {  	s5 =	sshrl.u32 s3, $0x3;
	s3 =	simm.s32 $0x0;
	[dreg:$0x1b] =	wrdreg s7  }
0x2f: {  	s17 =	sadd.s32 $0x2B25800, s6;
	s7 =	sshrl.u32 s19, $0x3;
	[smem:$0x7FF] =	sst s3  }
0x30: {  	s14 =	sadd.s32 s2, s8;
	s8 =	sshrl.u32 s17, $0x3;
	s17 =	rddreg [dreg:$0x7]  }
0x31: {  	s13 =	sadd.s32 $0x2817800, s6;
	s7 =	sadd.s32 s2, s7;
	[smem:$0x7E9] =	sst s14  }
0x32: {  	s15 =	sshrl.u32 s13, $0x3;
	s19 =	sadd.s32 s2, s8;
	[dreg:$0x1c] =	wrdreg s7  }
0x33: {  	s13 =	smul.u32 $0x30E0, s26;
	s7 =	sadd.s32 s2, s23;
	[smem:$0x7EC] =	sst s19  }
0x34: {  	s21 =	sadd.s32 $0x8000, s4;
	[dreg:$0x1e] =	wrdreg s7;
	s7 =	sshrl.u32 s24, $0x3  }
0x35: {  	s18 =	sadd.s32 $0x2DD2000, s6;
	s23 =	rddreg [dreg:$0x5];
	s7 =	sadd.s32 s2, s7  }
0x36: {  	s6 =	sadd.s32 $0x2E33800, s6;
	[dreg:$0x1f] =	wrdreg s7;
	s7 =	sadd.s32 s2, s9  }
0x37: {  	s0 =	sadd.s32 s17, s0;
	[smem:$0x7E7] =	sst s7;
	s7 =	sshrl.u32 s10, $0x3  }
0x38: {  	s20 =	sshrl.u32 s18, $0x3;
	[smem:$0x7F4] =	sst s0;
	s7 =	sadd.s32 s2, s7  }
0x39: {  	s6 =	sshrl.u32 s6, $0x3;
	s14 =	smul.u32 $0x18700, s26;
	[smem:$0x7E8] =	sst s7  }
0x3a: {  	s26 =	sadd.s32 $0x1C000, s4;
	s7 =	sadd.s32 s2, s15;
	s15 =	rddreg [dreg:$0x4]  }
0x3b: {  	[smem:$0x7EA] =	sst s7;
	s7 =	sshrl.u32 s16, $0x3;
	s16 =	sadd.s32 s15, s13  }
0x3c: {  	s8 =	simm.s32 $0x1C980;
	s7 =	sadd.s32 s2, s7;
	[smem:$0x7F3] =	sst s16  }
0x3d: {  	s24 =	sadd.s32 $0x18600, s22;
	[smem:$0x7EB] =	sst s7;
	s7 =	sadd.s32 s2, s20  }
0x3e: {  	s2 =	sadd.s32 s2, s6;
	s6 =	sshrl.u32 s24, $0x3;
	[smem:$0x7ED] =	sst s7  }
0x3f: {  	s19 =	smax.u32 s1, $0x1;
	[smem:$0x7EE] =	sst s2;
	s7 =	sadd.s32 s25, s6  }
0x40: {  	s2 =	sshrl.u32 s22, $0x3;
	s6 =	sadd.s32 s12, s6;
	[smem:$0x7F0] =	sst s7  }
0x41: {  	s0 =	simm.s32 $0x1000;
	s10 =	sadd.s32 s25, s2;
	[smem:$0x7F2] =	sst s6  }
0x42: {  	s1 =	simm.s32 $0xD400;
	s2 =	sadd.s32 s12, s2;
	[smem:$0x7EF] =	sst s10  }
0x43: {  	s5 =	sadd.s32 s23, s5;
	s23 =	sadd.s32 $0x10000, s4;
	[smem:$0x7F1] =	sst s2  }
0x44: {  	s20 =	sadd.s32 $0x4000, s4;
	_ =	strace $0x80000047;
	[smem:$0x7F6] =	sst s19  }
0x45: {  	s29 =	sadd.s32 $0x20, s5;
	s9 =	simm.s32 $0x3;
	[smem:$0x7F7] =	sst s20  }
0x46: {  	s13 =	simm.s32 $0x0;
	s22 =	sadd.s32 $0xC000, s4;
	[smem:$0x7F8] =	sst s21  }
0x47: {  	s24 =	sadd.s32 $0x14000, s4;
	s12 =	simm.s32 $0x1;
	[smem:$0x7F9] =	sst s22  }
0x48: {  	s25 =	sadd.s32 $0x18000, s4;
	s6 =	simm.s32 $0x1B900;
	[smem:$0x7FA] =	sst s23  }
0x49: {  	s7 =	simm.s32 $0x2;
	s2 =	sshrl.u32 s14, $0x3;
	[smem:$0x7FB] =	sst s24  }
.Ltmp0:
0x4a: {  	s10 =	simm.s32 $0x4;
	[smem:$0x7FC] =	sst s25;
	(pc) =	sbr.rel .LBB2_1-.Ltmp0, $4  }
0x4b: {  	s2 =	sadd.s32 s15, s2;
	[smem:$0x7FD] =	sst s26;
	s20 =	sadd.s32 $0x20000, s4  }
0x4c: {  	s21 =	sadd.s32 $0x24000, s4;
	s22 =	sadd.s32 $0x28000, s4;
	s23 =	sadd.s32 $0x2C000, s4  }
0x4d: {  	v0 =	vlaneseq.u32;
	s24 =	sadd.s32 $0x30000, s4;
	s25 =	sadd.s32 $0x34000, s4;
	s18 =	sadd.s32 $0x1860, s2  }
0x4e: {  	v1 =	vimm.s32 $0x0;
	v2 =	vimm.s32 $0x20000000;
	v0 =	vmul.u32 $0x20000, v0;
	s26 =	sadd.s32 $0x38000, s4;
	s2 =	simm.s32 $0x5;
	[smem:$0x7F5] =	sst s18  }
.LBB2_148:
0x4f: {  	s14 =	simm.s32 $0x4;
	s15 =	simm.s32 $0x3  }
.LBB2_158:
0x50: {  	_ =	swait.ge [sflag:s15], $0x1000  }
0x51: {  	[sflag:s15] =	ssyncset.done $0x0  }
0x52: {  	[sflag:s15] =	ssyncadd.s32 $0xFFFFF000  }
0x53: {  	_ =	swait.ge [sflag:s14], $0x1000  }
0x54: {  	s19 =	sld [smem:$0x7F6];
	_ =	sdelay $0x1  }
0x55: {  	s13 =	sadd.s32 $0x1, s13  }
0x56: {  	p1 =	sne.s32 s13, s19  }
.Ltmp1:
0x57: {  	_ = 	snop;
	(pc) =	sbr.rel @!p1 .LBB2_159-.Ltmp1, $3  }
0x58: {  	_ =	sdelay $0x1  }
0x59: {  	[sflag:s14] =	ssyncset.done $0x0  }
0x5a: {  	[sflag:s14] =	ssyncadd.s32 $0xFFFFF000  }
.LBB2_1:
0x5b: {  	s14 =	rddreg [dreg:$0x9]  }
0x5c: {  	[tilespmem:s0], [sflag:$0x1] =	stream.strided.gather [hbm4b:s14+s30], $0xC300, s31, s30, $0x38;
	[tilespmem:$0x1DA00] =	vst v63  }
0x5d: {  	s18 =	rddreg [dreg:$0xa]  }
0x5e: {  	[tilespmem:s1], [sflag:$0x2] =	stream.strided.gather [hbm4b:s18+s30], $0xC400, s31, s30, $0x38;
	[tilespmem:$0x1DA00] =	vst v63  }
0x5f: {  	s19 =	rddreg [dreg:$0x0]  }
0x60: {  	[tilespmem:s3], [sflag:$0x5] =	stream.linear.gather [hbm4b:s19+s3], $0x1000, $0x38;
	[tilespmem:$0x1DA00] =	vst v63  }
0x61: {  	_ =	swait.ge [sflag:s2], $0x1000  }
0x62: {  	[sflag:s2] =	ssyncset.done $0x0  }
0x63: {  	[sflag:s2] =	ssyncadd.s32 $0xFFFFF000  }
0x64: {  	v3 =	vld [tilespmem:s3+$0x0];
	_ =	sdelay $0x4  }
0x65: {  	vm0 =	vlt.s32 v3, $0xC300  }
0x66: {  	v4 =	vsel vm0, $0x1, v1  }
0x67: {  	(xrf0) =	vadd.scan.msk.s32 $0xffff, v4;
	_ =	sdelay $0x2  }
0x68: {  	v63 =	vmov s3  }
0x69: {  	v4 =	vshll.u32 v63, $0x11  }
0x6a: {  	v4 =	vor.u32 v0, v4  }
0x6b: {  	v6 =	vadd.s32 $0xFFFF3D00, v3;
	vm1 =	vge.s32 v3, $0xC300;
	v5 =	vor.u32 v4, v3;
	v3, _, _ =	vpop (xrf0)  }
0x6c: {  	(v2sf) =	vpush v3, $0xF  }
0x6d: {  	s16 =	simm.s32 $0x10;
	s15 =	simm.s32 $0x0;
	v4 =	vor.u32 v4, v6;
	[tilespmem:s3+$0x19800] =	vst.msk vm0, v5  }
0x6e: {  	s17 =	simm.s32 $0x0;
	s14 =	simm.s32 $0x10;
	s18 =	simm.s32 $0x20;
	[tilespmem:s3+$0x1A880] =	vst.msk vm1, v4  }
.LBB2_2:
0x6f: {  	p1 =	sne.s32 s18, $0xFF0;
	v3 =	vld [tilespmem:s14+$0x0];
	_ =	sdelay $0x1  }
0x70: {  	v4 =	vmov s16;
	s16 =	smov.u32 s18  }
0x71: {  	v4 =	vshll.u32 v4, $0x11  }
0x72: {  	v4 =	vor.u32 v0, v4  }
0x73: {  	vm0 =	vlt.s32 v3, $0xC300;
	v5 =	vor.u32 v4, v3;
	v6 =	vadd.s32 $0xFFFF3D00, v3  }
0x74: {  	vm1 =	vge.s32 v3, $0xC300;
	v3 =	vsel vm0, $0x1, v1  }
0x75: {  	(xrf0) =	vadd.scan.msk.s32 $0xffff, v3;
	_ =	sdelay $0x4  }
.Ltmp2:
0x76: {  	s19 =	spop (v2sf);
	(pc) =	sbr.rel @p1 .LBB2_2-.Ltmp2, $4  }
0x77: {  	v3, _, _ =	vpop (xrf0);
	s15 =	sadd.s32 s15, s19;
	s17 =	ssub.s32 s17, s19  }
0x78: {  	v4 =	vor.u32 v4, v6;
	[tilespmem:s15+$0x19800] =	vst.msk vm0, v5;
	(v2sf) =	vpush v3, $0xF;
	s17 =	sadd.s32 $0x10, s17  }
0x79: {  	[tilespmem:s17+$0x1A880] =	vst.msk vm1, v4  }
0x7a: {  	s18 =	sadd.s32 $0x10, s18;
	s14 =	sadd.s32 $0x10, s14  }
0x7b: {  	v3 =	vld [tilespmem:s14+$0x0];
	_ =	sdelay $0x4  }
0x7c: {  	vm0 =	vlt.s32 v3, $0xC300  }
0x7d: {  	v4 =	vsel vm0, $0x1, v1  }
0x7e: {  	(xrf0) =	vadd.scan.msk.s32 $0xffff, v4;
	_ =	sdelay $0x5  }
0x7f: {  	v4, _, _ =	vpop (xrf0)  }
0x80: {  	(v2sf) =	vpush v4, $0xF;
	_ =	sdelay $0xd  }
0x81: {  	s18 =	spop (v2sf)  }
0x82: {  	s15 =	sadd.s32 s15, s18;
	s19 =	spop (v2sf)  }
0x83: {  	v63 =	vmov s16;
	s14 =	ssub.s32 s17, s18;
	s17 =	sadd.s32 s15, s19  }
0x84: {  	v4 =	vshll.u32 v63, $0x11;
	s14 =	sadd.s32 $0x10, s14;
	s18 =	sadd.s32 $0xF, s17  }
0x85: {  	v4 =	vor.u32 v0, v4;
	s16 =	ssub.s32 s14, s19;
	s19 =	sand.u32 $0xF, s18  }
0x86: {  	v6 =	vadd.s32 $0xFFFF3D00, v3;
	v5 =	vor.u32 v4, v3;
	p2 =	slt.s32 s18, $0x1;
	p1 =	sne.s32 s19, $0x0;
	s19 =	sshra.s32 s18, $0x1F  }
0x87: {  	vm15 =	vge.s32 v3, $0xC300;
	v3 =	vor.u32 v4, v6;
	[tilespmem:s15+$0x19800] =	vst.msk vm0, v5;
	s15 =	sadd.s32 $0x10, s16;
	s19 =	sshrl.u32 s19, $0x1C;
	p1 =	por !p2, !p1  }
0x88: {  	[tilespmem:s14+$0x1A880] =	vst.msk vm15, v3;
	s16 =	simm.s32 $0x1;
	s14 =	sadd.s32 s19, s18;
	p1 =	por !p1, !p1  }
0x89: {  	s14 =	sshra.s32 s14, $0x4;
	s16 =	simm.s32 @!p1 $0x0  }
0x8a: {  	s14 =	ssub.s32 s14, s16  }
0x8b: {  	p1 =	slt.s32 s14, $0x1  }
.Ltmp3:
0x8c: {  	[tilespmem:s17+$0x19800] =	vst v2;
	(pc) =	sbr.rel @p1 .LBB2_7-.Ltmp3, $4  }
0x8d: {  	[tilespmem:s15+$0x1A880] =	vst v2  }
0x8e: {  	_ =	swait.ge [sflag:s12], $0xC300  }
0x8f: {  	[sflag:s12] =	ssyncset.done $0x0  }
0x90: {  	[sflag:s12] =	ssyncadd.s32 $0xFFFF3D00;
	s16 =	simm.s32 $0x19800  }
0x91: {  	p2 =	sne.s32 s14, $0x1  }
.Ltmp4:
0x92: {  	_ = 	snop;
	(pc) =	sbr.rel @!p2 .LBB2_6-.Ltmp4, $2  }
0x93: {  	_ =	sdelay $0x2  }
0x94: {  	v3 =	vld [tilespmem:s16+$0x0];
	s17 =	sadd.s32 $0xFFFFFFFF, s14  }
.LBB2_5:
0x95: {  	p2 =	sne.s32 s17, $0x1;
	_ =	sdelay $0x3  }
0x96: {  	v4 =	vand.u32 $0x1FFFF, v3;
	_ =	sdelay $0x4  }
0x97: {  	v4 =	vld.idx.msk [tilespmem:v4+s0+$0x0], $0xffff  }
0x98: {  	v3 =	vshrl.u32 v3, $0x11;
	_ =	sdelay $0x1  }
.Ltmp5:
0x99: {  	(pc) =	sbr.rel @p2 .LBB2_5-.Ltmp5, $3  }
0x9a: {  	_ =	sdelay $0x1  }
0x9b: {  	s16 =	sadd.s32 $0x10, s16;
	[tilespmem:v3+s6+$0x0] =	vst.idx.msk $0xffff, v4  }
0x9c: {  	s17 =	sadd.s32 $0xFFFFFFFF, s17;
	v3 =	vld [tilespmem:s16+$0x0]  }
.LBB2_6:
0x9d: {  	_ =	sdelay $0x3  }
0x9e: {  	v4 =	vand.u32 $0x1FFFF, v3;
	_ =	sdelay $0x4  }
0x9f: {  	v3 =	vshrl.u32 v3, $0x11;
	v4 =	vld.idx.msk [tilespmem:v4+s0+$0x0], $0xffff;
	_ =	sdelay $0x4  }
0xa0: {  	[tilespmem:v3+s6+$0x0] =	vst.idx.msk $0xffff, v4  }
.LBB2_7:
0xa1: {  	s16 =	rddreg [dreg:$0xb];
	s15 =	sadd.s32 $0xF, s15  }
0xa2: {  	[tilespmem:s0], [sflag:$0x1] =	stream.strided.gather [hbm4b:s16+s30], $0xC300, s31, s30, $0x38;
	[tilespmem:$0x1DA00] =	vst v63  }
0xa3: {  	s18 =	sand.u32 $0xF, s15  }
0xa4: {  	s19 =	sshra.s32 s15, $0x1F;
	p3 =	slt.s32 s15, $0x1;
	p2 =	sne.s32 s18, $0x0  }
0xa5: {  	s16 =	sshrl.u32 s19, $0x1C;
	p2 =	por !p3, !p2  }
0xa6: {  	s15 =	sadd.s32 s16, s15;
	s16 =	simm.s32 $0x1;
	p2 =	por !p2, !p2  }
0xa7: {  	s15 =	sshra.s32 s15, $0x4;
	s16 =	simm.s32 @!p2 $0x0  }
0xa8: {  	s15 =	ssub.s32 s15, s16  }
0xa9: {  	p2 =	slt.s32 s15, $0x1  }
.Ltmp6:
0xaa: {  	_ = 	snop;
	(pc) =	sbr.rel @p2 .LBB2_11-.Ltmp6, $4  }
0xab: {  	_ = 	snop  }
0xac: {  	_ =	swait.ge [sflag:s7], $0xC400  }
0xad: {  	[sflag:s7] =	ssyncset.done $0x0  }
0xae: {  	s19 =	simm.s32 $0x200;
	[sflag:s7] =	ssyncadd.s32 $0xFFFF3C00;
	s16 =	simm.s32 $0x1A880  }
0xaf: {  	p3 =	sne.s32 s15, $0x1  }
.Ltmp7:
0xb0: {  	_ = 	snop;
	(pc) =	sbr.rel @!p3 .LBB2_10-.Ltmp7, $2  }
0xb1: {  	_ =	sdelay $0x2  }
0xb2: {  	v3 =	vld [tilespmem:s16+$0x0];
	s17 =	sadd.s32 $0xFFFFFFFF, s15  }
.LBB2_9:
0xb3: {  	p3 =	sne.s32 s17, $0x1;
	_ =	sdelay $0x3  }
0xb4: {  	v4 =	vand.u32 $0x1FFFF, v3;
	_ =	sdelay $0x4  }
0xb5: {  	v4 =	vld.idx.msk [tilespmem:v4+s1+$0x0], $0xffff  }
0xb6: {  	v3 =	vshrl.u32 v3, $0x11;
	_ =	sdelay $0x1  }
.Ltmp8:
0xb7: {  	(pc) =	sbr.rel @p3 .LBB2_9-.Ltmp8, $3  }
0xb8: {  	_ =	sdelay $0x1  }
0xb9: {  	s16 =	sadd.s32 $0x10, s16;
	[tilespmem:v3+s6+$0x0] =	vst.idx.msk $0xffff, v4  }
0xba: {  	s17 =	sadd.s32 $0xFFFFFFFF, s17;
	v3 =	vld [tilespmem:s16+$0x0]  }
.LBB2_10:
0xbb: {  	_ =	sdelay $0x3  }
0xbc: {  	v4 =	vand.u32 $0x1FFFF, v3;
	_ =	sdelay $0x4  }
0xbd: {  	v3 =	vshrl.u32 v3, $0x11;
	v4 =	vld.idx.msk [tilespmem:v4+s1+$0x0], $0xffff;
	_ =	sdelay $0x4  }
0xbe: {  	[tilespmem:v3+s6+$0x0] =	vst.idx.msk $0xffff, v4  }
.LBB2_11:
0xbf: {  	[hbm4b:s4+s30] =	stream.strided.scatter [tilespmem:s6], [sflag:$0x3], $0x1000, s31, s30, $0x38;
	[tilespmem:$0x1DA00] =	vst v63  }
.Ltmp9:
0xc0: {  	s16 =	rddreg [dreg:$0xc];
	(pc) =	sbr.rel @p1 .LBB2_15-.Ltmp9, $4  }
0xc1: {  	[tilespmem:s1], [sflag:$0x2] =	stream.strided.gather [hbm4b:s16+s30], $0xC400, s31, s30, $0x38;
	[tilespmem:$0x1DA00] =	vst v63  }
0xc2: {  	_ =	swait.ge [sflag:s12], $0xC300  }
0xc3: {  	[sflag:s12] =	ssyncset.done $0x0  }
0xc4: {  	s16 =	simm.s32 $0x19800;
	[sflag:s12] =	ssyncadd.s32 $0xFFFF3D00  }
0xc5: {  	p3 =	sne.s32 s14, $0x1  }
.Ltmp10:
0xc6: {  	_ = 	snop;
	(pc) =	sbr.rel @!p3 .LBB2_14-.Ltmp10, $2  }
0xc7: {  	_ =	sdelay $0x2  }
0xc8: {  	v3 =	vld [tilespmem:s16+$0x0];
	s17 =	sadd.s32 $0xFFFFFFFF, s14  }
.LBB2_13:
0xc9: {  	p3 =	sne.s32 s17, $0x1;
	_ =	sdelay $0x3  }
0xca: {  	v4 =	vand.u32 $0x1FFFF, v3;
	_ =	sdelay $0x4  }
0xcb: {  	v4 =	vld.idx.msk [tilespmem:v4+s0+$0x0], $0xffff  }
0xcc: {  	v3 =	vshrl.u32 v3, $0x11;
	_ =	sdelay $0x1  }
.Ltmp11:
0xcd: {  	(pc) =	sbr.rel @p3 .LBB2_13-.Ltmp11, $3  }
0xce: {  	_ =	sdelay $0x1  }
0xcf: {  	s16 =	sadd.s32 $0x10, s16;
	[tilespmem:v3+s8+$0x0] =	vst.idx.msk $0xffff, v4  }
0xd0: {  	s17 =	sadd.s32 $0xFFFFFFFF, s17;
	v3 =	vld [tilespmem:s16+$0x0]  }
.LBB2_14:
0xd1: {  	_ =	sdelay $0x3  }
0xd2: {  	v4 =	vand.u32 $0x1FFFF, v3;
	_ =	sdelay $0x4  }
0xd3: {  	v3 =	vshrl.u32 v3, $0x11;
	v4 =	vld.idx.msk [tilespmem:v4+s0+$0x0], $0xffff;
	_ =	sdelay $0x4  }
0xd4: {  	[tilespmem:v3+s8+$0x0] =	vst.idx.msk $0xffff, v4  }
.LBB2_15:
.Ltmp12:
0xd5: {  	s16 =	rddreg [dreg:$0xd];
	(pc) =	sbr.rel @p2 .LBB2_19-.Ltmp12, $4  }
0xd6: {  	[tilespmem:s0], [sflag:$0x1] =	stream.strided.gather [hbm4b:s16+s30], $0xC300, s31, s30, $0x38;
	[tilespmem:$0x1DA00] =	vst v63  }
0xd7: {  	_ =	swait.ge [sflag:s7], $0xC400  }
0xd8: {  	[sflag:s7] =	ssyncset.done $0x0  }
0xd9: {  	s16 =	simm.s32 $0x1A880;
	[sflag:s7] =	ssyncadd.s32 $0xFFFF3C00  }
0xda: {  	p3 =	sne.s32 s15, $0x1  }
.Ltmp13:
0xdb: {  	_ = 	snop;
	(pc) =	sbr.rel @!p3 .LBB2_18-.Ltmp13, $2  }
0xdc: {  	_ =	sdelay $0x2  }
0xdd: {  	v3 =	vld [tilespmem:s16+$0x0];
	s17 =	sadd.s32 $0xFFFFFFFF, s15  }
.LBB2_17:
0xde: {  	p3 =	sne.s32 s17, $0x1;
	_ =	sdelay $0x3  }
0xdf: {  	v4 =	vand.u32 $0x1FFFF, v3;
	_ =	sdelay $0x4  }
0xe0: {  	v4 =	vld.idx.msk [tilespmem:v4+s1+$0x0], $0xffff  }
0xe1: {  	v3 =	vshrl.u32 v3, $0x11;
	_ =	sdelay $0x1  }
.Ltmp14:
0xe2: {  	(pc) =	sbr.rel @p3 .LBB2_17-.Ltmp14, $3  }
0xe3: {  	_ =	sdelay $0x1  }
0xe4: {  	s16 =	sadd.s32 $0x10, s16;
	[tilespmem:v3+s8+$0x0] =	vst.idx.msk $0xffff, v4  }
0xe5: {  	s17 =	sadd.s32 $0xFFFFFFFF, s17;
	v3 =	vld [tilespmem:s16+$0x0]  }
.LBB2_18:
0xe6: {  	_ =	sdelay $0x3  }
0xe7: {  	v4 =	vand.u32 $0x1FFFF, v3;
	_ =	sdelay $0x4  }
0xe8: {  	v3 =	vshrl.u32 v3, $0x11;
	v4 =	vld.idx.msk [tilespmem:v4+s1+$0x0], $0xffff;
	_ =	sdelay $0x4  }
0xe9: {  	[tilespmem:v3+s8+$0x0] =	vst.idx.msk $0xffff, v4  }
.LBB2_19:
0xea: {  	s16 =	sld [smem:$0x7F7];
	_ =	sdelay $0x2  }
0xeb: {  	[hbm4b:s16+s30] =	stream.strided.scatter [tilespmem:s8], [sflag:$0x4], $0x1000, s31, s30, $0x38;
	[tilespmem:$0x1DA00] =	vst v63  }
0xec: {  	s18 =	rddreg [dreg:$0xe]  }
0xed: {  	[tilespmem:s1], [sflag:$0x2] =	stream.strided.gather [hbm4b:s18+s30], $0xC400, s31, s30, $0x38;
	[tilespmem:$0x1DA00] =	vst v63  }
0xee: {  	_ =	swait.ge [sflag:s9], $0x1000  }
.Ltmp15:
0xef: {  	[sflag:s9] =	ssyncset.done $0x0;
	(pc) =	sbr.rel @p1 .LBB2_23-.Ltmp15, $4  }
0xf0: {  	[sflag:s9] =	ssyncadd.s32 $0xFFFFF000  }
0xf1: {  	_ =	swait.ge [sflag:s12], $0xC300  }
0xf2: {  	[sflag:s12] =	ssyncset.done $0x0  }
0xf3: {  	s16 =	simm.s32 $0x19800;
	[sflag:s12] =	ssyncadd.s32 $0xFFFF3D00  }
0xf4: {  	p3 =	sne.s32 s14, $0x1  }
.Ltmp16:
0xf5: {  	_ = 	snop;
	(pc) =	sbr.rel @!p3 .LBB2_22-.Ltmp16, $2  }
0xf6: {  	_ =	sdelay $0x2  }
0xf7: {  	v3 =	vld [tilespmem:s16+$0x0];
	s17 =	sadd.s32 $0xFFFFFFFF, s14  }
.LBB2_21:
0xf8: {  	p3 =	sne.s32 s17, $0x1;
	_ =	sdelay $0x3  }
0xf9: {  	v4 =	vand.u32 $0x1FFFF, v3;
	_ =	sdelay $0x4  }
0xfa: {  	v4 =	vld.idx.msk [tilespmem:v4+s0+$0x0], $0xffff  }
0xfb: {  	v3 =	vshrl.u32 v3, $0x11;
	_ =	sdelay $0x1  }
.Ltmp17:
0xfc: {  	(pc) =	sbr.rel @p3 .LBB2_21-.Ltmp17, $3  }
0xfd: {  	_ =	sdelay $0x1  }
0xfe: {  	s16 =	sadd.s32 $0x10, s16;
	[tilespmem:v3+s6+$0x0] =	vst.idx.msk $0xffff, v4  }
0xff: {  	s17 =	sadd.s32 $0xFFFFFFFF, s17;
	v3 =	vld [tilespmem:s16+$0x0]  }
.LBB2_22:
0x100: {  	_ =	sdelay $0x3  }
0x101: {  	v4 =	vand.u32 $0x1FFFF, v3;
	_ =	sdelay $0x4  }
0x102: {  	v3 =	vshrl.u32 v3, $0x11;
	v4 =	vld.idx.msk [tilespmem:v4+s0+$0x0], $0xffff;
	_ =	sdelay $0x4  }
0x103: {  	[tilespmem:v3+s6+$0x0] =	vst.idx.msk $0xffff, v4  }
.LBB2_23:
.Ltmp18:
0x104: {  	s16 =	rddreg [dreg:$0xf];
	(pc) =	sbr.rel @p2 .LBB2_27-.Ltmp18, $4  }
0x105: {  	[tilespmem:s0], [sflag:$0x1] =	stream.strided.gather [hbm4b:s16+s30], $0xC300, s31, s30, $0x38;
	[tilespmem:$0x1DA00] =	vst v63  }
0x106: {  	_ =	swait.ge [sflag:s7], $0xC400  }
0x107: {  	[sflag:s7] =	ssyncset.done $0x0  }
0x108: {  	s16 =	simm.s32 $0x1A880;
	[sflag:s7] =	ssyncadd.s32 $0xFFFF3C00  }
0x109: {  	p3 =	sne.s32 s15, $0x1  }
.Ltmp19:
0x10a: {  	_ = 	snop;
	(pc) =	sbr.rel @!p3 .LBB2_26-.Ltmp19, $2  }
0x10b: {  	_ =	sdelay $0x2  }
0x10c: {  	v3 =	vld [tilespmem:s16+$0x0];
	s17 =	sadd.s32 $0xFFFFFFFF, s15  }
.LBB2_25:
0x10d: {  	p3 =	sne.s32 s17, $0x1;
	_ =	sdelay $0x3  }
0x10e: {  	v4 =	vand.u32 $0x1FFFF, v3;
	_ =	sdelay $0x4  }
0x10f: {  	v4 =	vld.idx.msk [tilespmem:v4+s1+$0x0], $0xffff  }
0x110: {  	v3 =	vshrl.u32 v3, $0x11;
	_ =	sdelay $0x1  }
.Ltmp20:
0x111: {  	(pc) =	sbr.rel @p3 .LBB2_25-.Ltmp20, $3  }
0x112: {  	_ =	sdelay $0x1  }
0x113: {  	s16 =	sadd.s32 $0x10, s16;
	[tilespmem:v3+s6+$0x0] =	vst.idx.msk $0xffff, v4  }
0x114: {  	s17 =	sadd.s32 $0xFFFFFFFF, s17;
	v3 =	vld [tilespmem:s16+$0x0]  }
.LBB2_26:
0x115: {  	_ =	sdelay $0x3  }
0x116: {  	v4 =	vand.u32 $0x1FFFF, v3;
	_ =	sdelay $0x4  }
0x117: {  	v3 =	vshrl.u32 v3, $0x11;
	v4 =	vld.idx.msk [tilespmem:v4+s1+$0x0], $0xffff;
	_ =	sdelay $0x4  }
0x118: {  	[tilespmem:v3+s6+$0x0] =	vst.idx.msk $0xffff, v4  }
.LBB2_27:
0x119: {  	s16 =	sld [smem:$0x7F8];
	_ =	sdelay $0x2  }
0x11a: {  	[hbm4b:s16+s30] =	stream.strided.scatter [tilespmem:s6], [sflag:$0x3], $0x1000, s31, s30, $0x38;
	[tilespmem:$0x1DA00] =	vst v63  }
0x11b: {  	s18 =	rddreg [dreg:$0x10]  }
0x11c: {  	[tilespmem:s1], [sflag:$0x2] =	stream.strided.gather [hbm4b:s18+s30], $0xC400, s31, s30, $0x38;
	[tilespmem:$0x1DA00] =	vst v63  }
0x11d: {  	_ =	swait.ge [sflag:s10], $0x1000  }
.Ltmp21:
0x11e: {  	[sflag:s10] =	ssyncset.done $0x0;
	(pc) =	sbr.rel @p1 .LBB2_31-.Ltmp21, $4  }
0x11f: {  	[sflag:s10] =	ssyncadd.s32 $0xFFFFF000  }
0x120: {  	_ =	swait.ge [sflag:s12], $0xC300  }
0x121: {  	[sflag:s12] =	ssyncset.done $0x0  }
0x122: {  	s16 =	simm.s32 $0x19800;
	[sflag:s12] =	ssyncadd.s32 $0xFFFF3D00  }
0x123: {  	p3 =	sne.s32 s14, $0x1  }
.Ltmp22:
0x124: {  	_ = 	snop;
	(pc) =	sbr.rel @!p3 .LBB2_30-.Ltmp22, $2  }
0x125: {  	_ =	sdelay $0x2  }
0x126: {  	v3 =	vld [tilespmem:s16+$0x0];
	s17 =	sadd.s32 $0xFFFFFFFF, s14  }
.LBB2_29:
0x127: {  	p3 =	sne.s32 s17, $0x1;
	_ =	sdelay $0x3  }
0x128: {  	v4 =	vand.u32 $0x1FFFF, v3;
	_ =	sdelay $0x4  }
0x129: {  	v4 =	vld.idx.msk [tilespmem:v4+s0+$0x0], $0xffff  }
0x12a: {  	v3 =	vshrl.u32 v3, $0x11;
	_ =	sdelay $0x1  }
.Ltmp23:
0x12b: {  	(pc) =	sbr.rel @p3 .LBB2_29-.Ltmp23, $3  }
0x12c: {  	_ =	sdelay $0x1  }
0x12d: {  	s16 =	sadd.s32 $0x10, s16;
	[tilespmem:v3+s8+$0x0] =	vst.idx.msk $0xffff, v4  }
0x12e: {  	s17 =	sadd.s32 $0xFFFFFFFF, s17;
	v3 =	vld [tilespmem:s16+$0x0]  }
.LBB2_30:
0x12f: {  	_ =	sdelay $0x3  }
0x130: {  	v4 =	vand.u32 $0x1FFFF, v3;
	_ =	sdelay $0x4  }
0x131: {  	v3 =	vshrl.u32 v3, $0x11;
	v4 =	vld.idx.msk [tilespmem:v4+s0+$0x0], $0xffff;
	_ =	sdelay $0x4  }
0x132: {  	[tilespmem:v3+s8+$0x0] =	vst.idx.msk $0xffff, v4  }
.LBB2_31:
.Ltmp24:
0x133: {  	s16 =	rddreg [dreg:$0x11];
	(pc) =	sbr.rel @p2 .LBB2_35-.Ltmp24, $4  }
0x134: {  	[tilespmem:s0], [sflag:$0x1] =	stream.strided.gather [hbm4b:s16+s30], $0xC300, s31, s30, $0x38;
	[tilespmem:$0x1DA00] =	vst v63  }
0x135: {  	_ =	swait.ge [sflag:s7], $0xC400  }
0x136: {  	[sflag:s7] =	ssyncset.done $0x0  }
0x137: {  	s16 =	simm.s32 $0x1A880;
	[sflag:s7] =	ssyncadd.s32 $0xFFFF3C00  }
0x138: {  	p3 =	sne.s32 s15, $0x1  }
.Ltmp25:
0x139: {  	_ = 	snop;
	(pc) =	sbr.rel @!p3 .LBB2_34-.Ltmp25, $2  }
0x13a: {  	_ =	sdelay $0x2  }
0x13b: {  	v3 =	vld [tilespmem:s16+$0x0];
	s17 =	sadd.s32 $0xFFFFFFFF, s15  }
.LBB2_33:
0x13c: {  	p3 =	sne.s32 s17, $0x1;
	_ =	sdelay $0x3  }
0x13d: {  	v4 =	vand.u32 $0x1FFFF, v3;
	_ =	sdelay $0x4  }
0x13e: {  	v4 =	vld.idx.msk [tilespmem:v4+s1+$0x0], $0xffff  }
0x13f: {  	v3 =	vshrl.u32 v3, $0x11;
	_ =	sdelay $0x1  }
.Ltmp26:
0x140: {  	(pc) =	sbr.rel @p3 .LBB2_33-.Ltmp26, $3  }
0x141: {  	_ =	sdelay $0x1  }
0x142: {  	s16 =	sadd.s32 $0x10, s16;
	[tilespmem:v3+s8+$0x0] =	vst.idx.msk $0xffff, v4  }
0x143: {  	s17 =	sadd.s32 $0xFFFFFFFF, s17;
	v3 =	vld [tilespmem:s16+$0x0]  }
.LBB2_34:
0x144: {  	_ =	sdelay $0x3  }
0x145: {  	v4 =	vand.u32 $0x1FFFF, v3;
	_ =	sdelay $0x4  }
0x146: {  	v3 =	vshrl.u32 v3, $0x11;
	v4 =	vld.idx.msk [tilespmem:v4+s1+$0x0], $0xffff;
	_ =	sdelay $0x4  }
0x147: {  	[tilespmem:v3+s8+$0x0] =	vst.idx.msk $0xffff, v4  }
.LBB2_35:
0x148: {  	s16 =	sld [smem:$0x7F9];
	_ =	sdelay $0x2  }
0x149: {  	[hbm4b:s16+s30] =	stream.strided.scatter [tilespmem:s8], [sflag:$0x4], $0x1000, s31, s30, $0x38;
	[tilespmem:$0x1DA00] =	vst v63  }
0x14a: {  	s18 =	rddreg [dreg:$0x12]  }
0x14b: {  	[tilespmem:s1], [sflag:$0x2] =	stream.strided.gather [hbm4b:s18+s30], $0xC400, s31, s30, $0x38;
	[tilespmem:$0x1DA00] =	vst v63  }
0x14c: {  	_ =	swait.ge [sflag:s9], $0x1000  }
.Ltmp27:
0x14d: {  	[sflag:s9] =	ssyncset.done $0x0;
	(pc) =	sbr.rel @p1 .LBB2_39-.Ltmp27, $4  }
0x14e: {  	[sflag:s9] =	ssyncadd.s32 $0xFFFFF000  }
0x14f: {  	_ =	swait.ge [sflag:s12], $0xC300  }
0x150: {  	[sflag:s12] =	ssyncset.done $0x0  }
0x151: {  	s16 =	simm.s32 $0x19800;
	[sflag:s12] =	ssyncadd.s32 $0xFFFF3D00  }
0x152: {  	p3 =	sne.s32 s14, $0x1  }
.Ltmp28:
0x153: {  	_ = 	snop;
	(pc) =	sbr.rel @!p3 .LBB2_38-.Ltmp28, $2  }
0x154: {  	_ =	sdelay $0x2  }
0x155: {  	v3 =	vld [tilespmem:s16+$0x0];
	s17 =	sadd.s32 $0xFFFFFFFF, s14  }
.LBB2_37:
0x156: {  	p3 =	sne.s32 s17, $0x1;
	_ =	sdelay $0x3  }
0x157: {  	v4 =	vand.u32 $0x1FFFF, v3;
	_ =	sdelay $0x4  }
0x158: {  	v4 =	vld.idx.msk [tilespmem:v4+s0+$0x0], $0xffff  }
0x159: {  	v3 =	vshrl.u32 v3, $0x11;
	_ =	sdelay $0x1  }
.Ltmp29:
0x15a: {  	(pc) =	sbr.rel @p3 .LBB2_37-.Ltmp29, $3  }
0x15b: {  	_ =	sdelay $0x1  }
0x15c: {  	s16 =	sadd.s32 $0x10, s16;
	[tilespmem:v3+s6+$0x0] =	vst.idx.msk $0xffff, v4  }
0x15d: {  	s17 =	sadd.s32 $0xFFFFFFFF, s17;
	v3 =	vld [tilespmem:s16+$0x0]  }
.LBB2_38:
0x15e: {  	_ =	sdelay $0x3  }
0x15f: {  	v4 =	vand.u32 $0x1FFFF, v3;
	_ =	sdelay $0x4  }
0x160: {  	v3 =	vshrl.u32 v3, $0x11;
	v4 =	vld.idx.msk [tilespmem:v4+s0+$0x0], $0xffff;
	_ =	sdelay $0x4  }
0x161: {  	[tilespmem:v3+s6+$0x0] =	vst.idx.msk $0xffff, v4  }
.LBB2_39:
.Ltmp30:
0x162: {  	s16 =	rddreg [dreg:$0x13];
	(pc) =	sbr.rel @p2 .LBB2_43-.Ltmp30, $4  }
0x163: {  	[tilespmem:s0], [sflag:$0x1] =	stream.strided.gather [hbm4b:s16+s30], $0xC300, s31, s30, $0x38;
	[tilespmem:$0x1DA00] =	vst v63  }
0x164: {  	_ =	swait.ge [sflag:s7], $0xC400  }
0x165: {  	[sflag:s7] =	ssyncset.done $0x0  }
0x166: {  	s16 =	simm.s32 $0x1A880;
	[sflag:s7] =	ssyncadd.s32 $0xFFFF3C00  }
0x167: {  	p3 =	sne.s32 s15, $0x1  }
.Ltmp31:
0x168: {  	_ = 	snop;
	(pc) =	sbr.rel @!p3 .LBB2_42-.Ltmp31, $2  }
0x169: {  	_ =	sdelay $0x2  }
0x16a: {  	v3 =	vld [tilespmem:s16+$0x0];
	s17 =	sadd.s32 $0xFFFFFFFF, s15  }
.LBB2_41:
0x16b: {  	p3 =	sne.s32 s17, $0x1;
	_ =	sdelay $0x3  }
0x16c: {  	v4 =	vand.u32 $0x1FFFF, v3;
	_ =	sdelay $0x4  }
0x16d: {  	v4 =	vld.idx.msk [tilespmem:v4+s1+$0x0], $0xffff  }
0x16e: {  	v3 =	vshrl.u32 v3, $0x11;
	_ =	sdelay $0x1  }
.Ltmp32:
0x16f: {  	(pc) =	sbr.rel @p3 .LBB2_41-.Ltmp32, $3  }
0x170: {  	_ =	sdelay $0x1  }
0x171: {  	s16 =	sadd.s32 $0x10, s16;
	[tilespmem:v3+s6+$0x0] =	vst.idx.msk $0xffff, v4  }
0x172: {  	s17 =	sadd.s32 $0xFFFFFFFF, s17;
	v3 =	vld [tilespmem:s16+$0x0]  }
.LBB2_42:
0x173: {  	_ =	sdelay $0x3  }
0x174: {  	v4 =	vand.u32 $0x1FFFF, v3;
	_ =	sdelay $0x4  }
0x175: {  	v3 =	vshrl.u32 v3, $0x11;
	v4 =	vld.idx.msk [tilespmem:v4+s1+$0x0], $0xffff;
	_ =	sdelay $0x4  }
0x176: {  	[tilespmem:v3+s6+$0x0] =	vst.idx.msk $0xffff, v4  }
.LBB2_43:
0x177: {  	s16 =	sld [smem:$0x7FA];
	_ =	sdelay $0x2  }
0x178: {  	[hbm4b:s16+s30] =	stream.strided.scatter [tilespmem:s6], [sflag:$0x3], $0x1000, s31, s30, $0x38;
	[tilespmem:$0x1DA00] =	vst v63  }
0x179: {  	s18 =	rddreg [dreg:$0x14]  }
0x17a: {  	[tilespmem:s1], [sflag:$0x2] =	stream.strided.gather [hbm4b:s18+s30], $0xC400, s31, s30, $0x38;
	[tilespmem:$0x1DA00] =	vst v63  }
0x17b: {  	_ =	swait.ge [sflag:s10], $0x1000  }
.Ltmp33:
0x17c: {  	[sflag:s10] =	ssyncset.done $0x0;
	(pc) =	sbr.rel @p1 .LBB2_47-.Ltmp33, $4  }
0x17d: {  	[sflag:s10] =	ssyncadd.s32 $0xFFFFF000  }
0x17e: {  	_ =	swait.ge [sflag:s12], $0xC300  }
0x17f: {  	[sflag:s12] =	ssyncset.done $0x0  }
0x180: {  	s16 =	simm.s32 $0x19800;
	[sflag:s12] =	ssyncadd.s32 $0xFFFF3D00  }
0x181: {  	p3 =	sne.s32 s14, $0x1  }
.Ltmp34:
0x182: {  	_ = 	snop;
	(pc) =	sbr.rel @!p3 .LBB2_46-.Ltmp34, $2  }
0x183: {  	_ =	sdelay $0x2  }
0x184: {  	v3 =	vld [tilespmem:s16+$0x0];
	s17 =	sadd.s32 $0xFFFFFFFF, s14  }
.LBB2_45:
0x185: {  	p3 =	sne.s32 s17, $0x1;
	_ =	sdelay $0x3  }
0x186: {  	v4 =	vand.u32 $0x1FFFF, v3;
	_ =	sdelay $0x4  }
0x187: {  	v4 =	vld.idx.msk [tilespmem:v4+s0+$0x0], $0xffff  }
0x188: {  	v3 =	vshrl.u32 v3, $0x11;
	_ =	sdelay $0x1  }
.Ltmp35:
0x189: {  	(pc) =	sbr.rel @p3 .LBB2_45-.Ltmp35, $3  }
0x18a: {  	_ =	sdelay $0x1  }
0x18b: {  	s16 =	sadd.s32 $0x10, s16;
	[tilespmem:v3+s8+$0x0] =	vst.idx.msk $0xffff, v4  }
0x18c: {  	s17 =	sadd.s32 $0xFFFFFFFF, s17;
	v3 =	vld [tilespmem:s16+$0x0]  }
.LBB2_46:
0x18d: {  	_ =	sdelay $0x3  }
0x18e: {  	v4 =	vand.u32 $0x1FFFF, v3;
	_ =	sdelay $0x4  }
0x18f: {  	v3 =	vshrl.u32 v3, $0x11;
	v4 =	vld.idx.msk [tilespmem:v4+s0+$0x0], $0xffff;
	_ =	sdelay $0x4  }
0x190: {  	[tilespmem:v3+s8+$0x0] =	vst.idx.msk $0xffff, v4  }
.LBB2_47:
.Ltmp36:
0x191: {  	s16 =	rddreg [dreg:$0x15];
	(pc) =	sbr.rel @p2 .LBB2_51-.Ltmp36, $4  }
0x192: {  	[tilespmem:s0], [sflag:$0x1] =	stream.strided.gather [hbm4b:s16+s30], $0xC300, s31, s30, $0x38;
	[tilespmem:$0x1DA00] =	vst v63  }
0x193: {  	_ =	swait.ge [sflag:s7], $0xC400  }
0x194: {  	[sflag:s7] =	ssyncset.done $0x0  }
0x195: {  	s16 =	simm.s32 $0x1A880;
	[sflag:s7] =	ssyncadd.s32 $0xFFFF3C00  }
0x196: {  	p3 =	sne.s32 s15, $0x1  }
.Ltmp37:
0x197: {  	_ = 	snop;
	(pc) =	sbr.rel @!p3 .LBB2_50-.Ltmp37, $2  }
0x198: {  	_ =	sdelay $0x2  }
0x199: {  	v3 =	vld [tilespmem:s16+$0x0];
	s17 =	sadd.s32 $0xFFFFFFFF, s15  }
.LBB2_49:
0x19a: {  	p3 =	sne.s32 s17, $0x1;
	_ =	sdelay $0x3  }
0x19b: {  	v4 =	vand.u32 $0x1FFFF, v3;
	_ =	sdelay $0x4  }
0x19c: {  	v4 =	vld.idx.msk [tilespmem:v4+s1+$0x0], $0xffff  }
0x19d: {  	v3 =	vshrl.u32 v3, $0x11;
	_ =	sdelay $0x1  }
.Ltmp38:
0x19e: {  	(pc) =	sbr.rel @p3 .LBB2_49-.Ltmp38, $3  }
0x19f: {  	_ =	sdelay $0x1  }
0x1a0: {  	s16 =	sadd.s32 $0x10, s16;
	[tilespmem:v3+s8+$0x0] =	vst.idx.msk $0xffff, v4  }
0x1a1: {  	s17 =	sadd.s32 $0xFFFFFFFF, s17;
	v3 =	vld [tilespmem:s16+$0x0]  }
.LBB2_50:
0x1a2: {  	_ =	sdelay $0x3  }
0x1a3: {  	v4 =	vand.u32 $0x1FFFF, v3;
	_ =	sdelay $0x4  }
0x1a4: {  	v3 =	vshrl.u32 v3, $0x11;
	v4 =	vld.idx.msk [tilespmem:v4+s1+$0x0], $0xffff;
	_ =	sdelay $0x4  }
0x1a5: {  	[tilespmem:v3+s8+$0x0] =	vst.idx.msk $0xffff, v4  }
.LBB2_51:
0x1a6: {  	s16 =	sld [smem:$0x7FB];
	_ =	sdelay $0x2  }
0x1a7: {  	[hbm4b:s16+s30] =	stream.strided.scatter [tilespmem:s8], [sflag:$0x4], $0x1000, s31, s30, $0x38;
	[tilespmem:$0x1DA00] =	vst v63  }
0x1a8: {  	s18 =	rddreg [dreg:$0x16]  }
0x1a9: {  	[tilespmem:s1], [sflag:$0x2] =	stream.strided.gather [hbm4b:s18+s30], $0xC400, s31, s30, $0x38;
	[tilespmem:$0x1DA00] =	vst v63  }
0x1aa: {  	_ =	swait.ge [sflag:s9], $0x1000  }
.Ltmp39:
0x1ab: {  	[sflag:s9] =	ssyncset.done $0x0;
	(pc) =	sbr.rel @p1 .LBB2_55-.Ltmp39, $4  }
0x1ac: {  	[sflag:s9] =	ssyncadd.s32 $0xFFFFF000  }
0x1ad: {  	_ =	swait.ge [sflag:s12], $0xC300  }
0x1ae: {  	[sflag:s12] =	ssyncset.done $0x0  }
0x1af: {  	s16 =	simm.s32 $0x19800;
	[sflag:s12] =	ssyncadd.s32 $0xFFFF3D00  }
0x1b0: {  	p3 =	sne.s32 s14, $0x1  }
.Ltmp40:
0x1b1: {  	_ = 	snop;
	(pc) =	sbr.rel @!p3 .LBB2_54-.Ltmp40, $2  }
0x1b2: {  	_ =	sdelay $0x2  }
0x1b3: {  	v3 =	vld [tilespmem:s16+$0x0];
	s17 =	sadd.s32 $0xFFFFFFFF, s14  }
.LBB2_53:
0x1b4: {  	p3 =	sne.s32 s17, $0x1;
	_ =	sdelay $0x3  }
0x1b5: {  	v4 =	vand.u32 $0x1FFFF, v3;
	_ =	sdelay $0x4  }
0x1b6: {  	v4 =	vld.idx.msk [tilespmem:v4+s0+$0x0], $0xffff  }
0x1b7: {  	v3 =	vshrl.u32 v3, $0x11;
	_ =	sdelay $0x1  }
.Ltmp41:
0x1b8: {  	(pc) =	sbr.rel @p3 .LBB2_53-.Ltmp41, $3  }
0x1b9: {  	_ =	sdelay $0x1  }
0x1ba: {  	s16 =	sadd.s32 $0x10, s16;
	[tilespmem:v3+s6+$0x0] =	vst.idx.msk $0xffff, v4  }
0x1bb: {  	s17 =	sadd.s32 $0xFFFFFFFF, s17;
	v3 =	vld [tilespmem:s16+$0x0]  }
.LBB2_54:
0x1bc: {  	_ =	sdelay $0x3  }
0x1bd: {  	v4 =	vand.u32 $0x1FFFF, v3;
	_ =	sdelay $0x4  }
0x1be: {  	v3 =	vshrl.u32 v3, $0x11;
	v4 =	vld.idx.msk [tilespmem:v4+s0+$0x0], $0xffff;
	_ =	sdelay $0x4  }
0x1bf: {  	[tilespmem:v3+s6+$0x0] =	vst.idx.msk $0xffff, v4  }
.LBB2_55:
.Ltmp42:
0x1c0: {  	s16 =	rddreg [dreg:$0x17];
	(pc) =	sbr.rel @p2 .LBB2_59-.Ltmp42, $4  }
0x1c1: {  	[tilespmem:s0], [sflag:$0x1] =	stream.strided.gather [hbm4b:s16+s30], $0xC300, s31, s30, $0x38;
	[tilespmem:$0x1DA00] =	vst v63  }
0x1c2: {  	_ =	swait.ge [sflag:s7], $0xC400  }
0x1c3: {  	[sflag:s7] =	ssyncset.done $0x0  }
0x1c4: {  	s16 =	simm.s32 $0x1A880;
	[sflag:s7] =	ssyncadd.s32 $0xFFFF3C00  }
0x1c5: {  	p3 =	sne.s32 s15, $0x1  }
.Ltmp43:
0x1c6: {  	_ = 	snop;
	(pc) =	sbr.rel @!p3 .LBB2_58-.Ltmp43, $2  }
0x1c7: {  	_ =	sdelay $0x2  }
0x1c8: {  	v3 =	vld [tilespmem:s16+$0x0];
	s17 =	sadd.s32 $0xFFFFFFFF, s15  }
.LBB2_57:
0x1c9: {  	p3 =	sne.s32 s17, $0x1;
	_ =	sdelay $0x3  }
0x1ca: {  	v4 =	vand.u32 $0x1FFFF, v3;
	_ =	sdelay $0x4  }
0x1cb: {  	v4 =	vld.idx.msk [tilespmem:v4+s1+$0x0], $0xffff  }
0x1cc: {  	v3 =	vshrl.u32 v3, $0x11;
	_ =	sdelay $0x1  }
.Ltmp44:
0x1cd: {  	(pc) =	sbr.rel @p3 .LBB2_57-.Ltmp44, $3  }
0x1ce: {  	_ =	sdelay $0x1  }
0x1cf: {  	s16 =	sadd.s32 $0x10, s16;
	[tilespmem:v3+s6+$0x0] =	vst.idx.msk $0xffff, v4  }
0x1d0: {  	s17 =	sadd.s32 $0xFFFFFFFF, s17;
	v3 =	vld [tilespmem:s16+$0x0]  }
.LBB2_58:
0x1d1: {  	_ =	sdelay $0x3  }
0x1d2: {  	v4 =	vand.u32 $0x1FFFF, v3;
	_ =	sdelay $0x4  }
0x1d3: {  	v3 =	vshrl.u32 v3, $0x11;
	v4 =	vld.idx.msk [tilespmem:v4+s1+$0x0], $0xffff;
	_ =	sdelay $0x4  }
0x1d4: {  	[tilespmem:v3+s6+$0x0] =	vst.idx.msk $0xffff, v4  }
.LBB2_59:
0x1d5: {  	s16 =	sld [smem:$0x7FC];
	_ =	sdelay $0x2  }
0x1d6: {  	[hbm4b:s16+s30] =	stream.strided.scatter [tilespmem:s6], [sflag:$0x3], $0x1000, s31, s30, $0x38;
	[tilespmem:$0x1DA00] =	vst v63  }
0x1d7: {  	s18 =	rddreg [dreg:$0x18]  }
0x1d8: {  	[tilespmem:s1], [sflag:$0x2] =	stream.strided.gather [hbm4b:s18+s30], $0xC400, s31, s30, $0x38;
	[tilespmem:$0x1DA00] =	vst v63  }
0x1d9: {  	_ =	swait.ge [sflag:s10], $0x1000  }
.Ltmp45:
0x1da: {  	[sflag:s10] =	ssyncset.done $0x0;
	(pc) =	sbr.rel @p1 .LBB2_63-.Ltmp45, $4  }
0x1db: {  	[sflag:s10] =	ssyncadd.s32 $0xFFFFF000  }
0x1dc: {  	_ =	swait.ge [sflag:s12], $0xC300  }
0x1dd: {  	[sflag:s12] =	ssyncset.done $0x0  }
0x1de: {  	s16 =	simm.s32 $0x19800;
	[sflag:s12] =	ssyncadd.s32 $0xFFFF3D00  }
0x1df: {  	p3 =	sne.s32 s14, $0x1  }
.Ltmp46:
0x1e0: {  	_ = 	snop;
	(pc) =	sbr.rel @!p3 .LBB2_62-.Ltmp46, $2  }
0x1e1: {  	_ =	sdelay $0x2  }
0x1e2: {  	v3 =	vld [tilespmem:s16+$0x0];
	s17 =	sadd.s32 $0xFFFFFFFF, s14  }
.LBB2_61:
0x1e3: {  	p3 =	sne.s32 s17, $0x1;
	_ =	sdelay $0x3  }
0x1e4: {  	v4 =	vand.u32 $0x1FFFF, v3;
	_ =	sdelay $0x4  }
0x1e5: {  	v4 =	vld.idx.msk [tilespmem:v4+s0+$0x0], $0xffff  }
0x1e6: {  	v3 =	vshrl.u32 v3, $0x11;
	_ =	sdelay $0x1  }
.Ltmp47:
0x1e7: {  	(pc) =	sbr.rel @p3 .LBB2_61-.Ltmp47, $3  }
0x1e8: {  	_ =	sdelay $0x1  }
0x1e9: {  	s16 =	sadd.s32 $0x10, s16;
	[tilespmem:v3+s8+$0x0] =	vst.idx.msk $0xffff, v4  }
0x1ea: {  	s17 =	sadd.s32 $0xFFFFFFFF, s17;
	v3 =	vld [tilespmem:s16+$0x0]  }
.LBB2_62:
0x1eb: {  	_ =	sdelay $0x3  }
0x1ec: {  	v4 =	vand.u32 $0x1FFFF, v3;
	_ =	sdelay $0x4  }
0x1ed: {  	v3 =	vshrl.u32 v3, $0x11;
	v4 =	vld.idx.msk [tilespmem:v4+s0+$0x0], $0xffff;
	_ =	sdelay $0x4  }
0x1ee: {  	[tilespmem:v3+s8+$0x0] =	vst.idx.msk $0xffff, v4  }
.LBB2_63:
.Ltmp48:
0x1ef: {  	s16 =	rddreg [dreg:$0x19];
	(pc) =	sbr.rel @p2 .LBB2_67-.Ltmp48, $4  }
0x1f0: {  	[tilespmem:s0], [sflag:$0x1] =	stream.strided.gather [hbm4b:s16+s30], $0xC300, s31, s30, $0x38;
	[tilespmem:$0x1DA00] =	vst v63  }
0x1f1: {  	_ =	swait.ge [sflag:s7], $0xC400  }
0x1f2: {  	[sflag:s7] =	ssyncset.done $0x0  }
0x1f3: {  	s16 =	simm.s32 $0x1A880;
	[sflag:s7] =	ssyncadd.s32 $0xFFFF3C00  }
0x1f4: {  	p3 =	sne.s32 s15, $0x1  }
.Ltmp49:
0x1f5: {  	_ = 	snop;
	(pc) =	sbr.rel @!p3 .LBB2_66-.Ltmp49, $2  }
0x1f6: {  	_ =	sdelay $0x2  }
0x1f7: {  	v3 =	vld [tilespmem:s16+$0x0];
	s17 =	sadd.s32 $0xFFFFFFFF, s15  }
.LBB2_65:
0x1f8: {  	p3 =	sne.s32 s17, $0x1;
	_ =	sdelay $0x3  }
0x1f9: {  	v4 =	vand.u32 $0x1FFFF, v3;
	_ =	sdelay $0x4  }
0x1fa: {  	v4 =	vld.idx.msk [tilespmem:v4+s1+$0x0], $0xffff  }
0x1fb: {  	v3 =	vshrl.u32 v3, $0x11;
	_ =	sdelay $0x1  }
.Ltmp50:
0x1fc: {  	(pc) =	sbr.rel @p3 .LBB2_65-.Ltmp50, $3  }
0x1fd: {  	_ =	sdelay $0x1  }
0x1fe: {  	s16 =	sadd.s32 $0x10, s16;
	[tilespmem:v3+s8+$0x0] =	vst.idx.msk $0xffff, v4  }
0x1ff: {  	s17 =	sadd.s32 $0xFFFFFFFF, s17;
	v3 =	vld [tilespmem:s16+$0x0]  }
.LBB2_66:
0x200: {  	_ =	sdelay $0x3  }
0x201: {  	v4 =	vand.u32 $0x1FFFF, v3;
	_ =	sdelay $0x4  }
0x202: {  	v3 =	vshrl.u32 v3, $0x11;
	v4 =	vld.idx.msk [tilespmem:v4+s1+$0x0], $0xffff;
	_ =	sdelay $0x4  }
0x203: {  	[tilespmem:v3+s8+$0x0] =	vst.idx.msk $0xffff, v4  }
.LBB2_67:
0x204: {  	s16 =	sld [smem:$0x7FD];
	_ =	sdelay $0x2  }
0x205: {  	[hbm4b:s16+s30] =	stream.strided.scatter [tilespmem:s8], [sflag:$0x4], $0x1000, s31, s30, $0x38;
	[tilespmem:$0x1DA00] =	vst v63  }
0x206: {  	s18 =	rddreg [dreg:$0x1a]  }
0x207: {  	[tilespmem:s1], [sflag:$0x2] =	stream.strided.gather [hbm4b:s18+s30], $0xC400, s31, s30, $0x38;
	[tilespmem:$0x1DA00] =	vst v63  }
0x208: {  	_ =	swait.ge [sflag:s9], $0x1000  }
.Ltmp51:
0x209: {  	[sflag:s9] =	ssyncset.done $0x0;
	(pc) =	sbr.rel @p1 .LBB2_71-.Ltmp51, $4  }
0x20a: {  	[sflag:s9] =	ssyncadd.s32 $0xFFFFF000  }
0x20b: {  	_ =	swait.ge [sflag:s12], $0xC300  }
0x20c: {  	[sflag:s12] =	ssyncset.done $0x0  }
0x20d: {  	s16 =	simm.s32 $0x19800;
	[sflag:s12] =	ssyncadd.s32 $0xFFFF3D00  }
0x20e: {  	p3 =	sne.s32 s14, $0x1  }
.Ltmp52:
0x20f: {  	_ = 	snop;
	(pc) =	sbr.rel @!p3 .LBB2_70-.Ltmp52, $2  }
0x210: {  	_ =	sdelay $0x2  }
0x211: {  	v3 =	vld [tilespmem:s16+$0x0];
	s17 =	sadd.s32 $0xFFFFFFFF, s14  }
.LBB2_69:
0x212: {  	p3 =	sne.s32 s17, $0x1;
	_ =	sdelay $0x3  }
0x213: {  	v4 =	vand.u32 $0x1FFFF, v3;
	_ =	sdelay $0x4  }
0x214: {  	v4 =	vld.idx.msk [tilespmem:v4+s0+$0x0], $0xffff  }
0x215: {  	v3 =	vshrl.u32 v3, $0x11;
	_ =	sdelay $0x1  }
.Ltmp53:
0x216: {  	(pc) =	sbr.rel @p3 .LBB2_69-.Ltmp53, $3  }
0x217: {  	_ =	sdelay $0x1  }
0x218: {  	s16 =	sadd.s32 $0x10, s16;
	[tilespmem:v3+s6+$0x0] =	vst.idx.msk $0xffff, v4  }
0x219: {  	s17 =	sadd.s32 $0xFFFFFFFF, s17;
	v3 =	vld [tilespmem:s16+$0x0]  }
.LBB2_70:
0x21a: {  	_ =	sdelay $0x3  }
0x21b: {  	v4 =	vand.u32 $0x1FFFF, v3;
	_ =	sdelay $0x4  }
0x21c: {  	v3 =	vshrl.u32 v3, $0x11;
	v4 =	vld.idx.msk [tilespmem:v4+s0+$0x0], $0xffff;
	_ =	sdelay $0x4  }
0x21d: {  	[tilespmem:v3+s6+$0x0] =	vst.idx.msk $0xffff, v4  }
.LBB2_71:
.Ltmp54:
0x21e: {  	s16 =	rddreg [dreg:$0x1b];
	(pc) =	sbr.rel @p2 .LBB2_75-.Ltmp54, $4  }
0x21f: {  	[tilespmem:s0], [sflag:$0x1] =	stream.strided.gather [hbm4b:s16+s30], $0xC300, s31, s30, $0x38;
	[tilespmem:$0x1DA00] =	vst v63  }
0x220: {  	_ =	swait.ge [sflag:s7], $0xC400  }
0x221: {  	[sflag:s7] =	ssyncset.done $0x0  }
0x222: {  	s16 =	simm.s32 $0x1A880;
	[sflag:s7] =	ssyncadd.s32 $0xFFFF3C00  }
0x223: {  	p3 =	sne.s32 s15, $0x1  }
.Ltmp55:
0x224: {  	_ = 	snop;
	(pc) =	sbr.rel @!p3 .LBB2_74-.Ltmp55, $2  }
0x225: {  	_ =	sdelay $0x2  }
0x226: {  	v3 =	vld [tilespmem:s16+$0x0];
	s17 =	sadd.s32 $0xFFFFFFFF, s15  }
.LBB2_73:
0x227: {  	p3 =	sne.s32 s17, $0x1;
	_ =	sdelay $0x3  }
0x228: {  	v4 =	vand.u32 $0x1FFFF, v3;
	_ =	sdelay $0x4  }
0x229: {  	v4 =	vld.idx.msk [tilespmem:v4+s1+$0x0], $0xffff  }
0x22a: {  	v3 =	vshrl.u32 v3, $0x11;
	_ =	sdelay $0x1  }
.Ltmp56:
0x22b: {  	(pc) =	sbr.rel @p3 .LBB2_73-.Ltmp56, $3  }
0x22c: {  	_ =	sdelay $0x1  }
0x22d: {  	s16 =	sadd.s32 $0x10, s16;
	[tilespmem:v3+s6+$0x0] =	vst.idx.msk $0xffff, v4  }
0x22e: {  	s17 =	sadd.s32 $0xFFFFFFFF, s17;
	v3 =	vld [tilespmem:s16+$0x0]  }
.LBB2_74:
0x22f: {  	_ =	sdelay $0x3  }
0x230: {  	v4 =	vand.u32 $0x1FFFF, v3;
	_ =	sdelay $0x4  }
0x231: {  	v3 =	vshrl.u32 v3, $0x11;
	v4 =	vld.idx.msk [tilespmem:v4+s1+$0x0], $0xffff;
	_ =	sdelay $0x4  }
0x232: {  	[tilespmem:v3+s6+$0x0] =	vst.idx.msk $0xffff, v4  }
.LBB2_75:
0x233: {  	[hbm4b:s20+s30] =	stream.strided.scatter [tilespmem:s6], [sflag:$0x3], $0x1000, s31, s30, $0x38;
	[tilespmem:$0x1DA00] =	vst v63  }
0x234: {  	s16 =	rddreg [dreg:$0x1c]  }
0x235: {  	[tilespmem:s1], [sflag:$0x2] =	stream.strided.gather [hbm4b:s16+s30], $0xC400, s31, s30, $0x38;
	[tilespmem:$0x1DA00] =	vst v63  }
0x236: {  	_ =	swait.ge [sflag:s10], $0x1000  }
.Ltmp57:
0x237: {  	[sflag:s10] =	ssyncset.done $0x0;
	(pc) =	sbr.rel @p1 .LBB2_79-.Ltmp57, $4  }
0x238: {  	[sflag:s10] =	ssyncadd.s32 $0xFFFFF000  }
0x239: {  	_ =	swait.ge [sflag:s12], $0xC300  }
0x23a: {  	[sflag:s12] =	ssyncset.done $0x0  }
0x23b: {  	s16 =	simm.s32 $0x19800;
	[sflag:s12] =	ssyncadd.s32 $0xFFFF3D00  }
0x23c: {  	p3 =	sne.s32 s14, $0x1  }
.Ltmp58:
0x23d: {  	_ = 	snop;
	(pc) =	sbr.rel @!p3 .LBB2_78-.Ltmp58, $2  }
0x23e: {  	_ =	sdelay $0x2  }
0x23f: {  	v3 =	vld [tilespmem:s16+$0x0];
	s17 =	sadd.s32 $0xFFFFFFFF, s14  }
.LBB2_77:
0x240: {  	p3 =	sne.s32 s17, $0x1;
	_ =	sdelay $0x3  }
0x241: {  	v4 =	vand.u32 $0x1FFFF, v3;
	_ =	sdelay $0x4  }
0x242: {  	v4 =	vld.idx.msk [tilespmem:v4+s0+$0x0], $0xffff  }
0x243: {  	v3 =	vshrl.u32 v3, $0x11;
	_ =	sdelay $0x1  }
.Ltmp59:
0x244: {  	(pc) =	sbr.rel @p3 .LBB2_77-.Ltmp59, $3  }
0x245: {  	_ =	sdelay $0x1  }
0x246: {  	s16 =	sadd.s32 $0x10, s16;
	[tilespmem:v3+s8+$0x0] =	vst.idx.msk $0xffff, v4  }
0x247: {  	s17 =	sadd.s32 $0xFFFFFFFF, s17;
	v3 =	vld [tilespmem:s16+$0x0]  }
.LBB2_78:
0x248: {  	_ =	sdelay $0x3  }
0x249: {  	v4 =	vand.u32 $0x1FFFF, v3;
	_ =	sdelay $0x4  }
0x24a: {  	v3 =	vshrl.u32 v3, $0x11;
	v4 =	vld.idx.msk [tilespmem:v4+s0+$0x0], $0xffff;
	_ =	sdelay $0x4  }
0x24b: {  	[tilespmem:v3+s8+$0x0] =	vst.idx.msk $0xffff, v4  }
.LBB2_79:
.Ltmp60:
0x24c: {  	s16 =	rddreg [dreg:$0x1d];
	(pc) =	sbr.rel @p2 .LBB2_83-.Ltmp60, $4  }
0x24d: {  	[tilespmem:s0], [sflag:$0x1] =	stream.strided.gather [hbm4b:s16+s30], $0xC300, s31, s30, $0x38;
	[tilespmem:$0x1DA00] =	vst v63  }
0x24e: {  	_ =	swait.ge [sflag:s7], $0xC400  }
0x24f: {  	[sflag:s7] =	ssyncset.done $0x0  }
0x250: {  	s16 =	simm.s32 $0x1A880;
	[sflag:s7] =	ssyncadd.s32 $0xFFFF3C00  }
0x251: {  	p3 =	sne.s32 s15, $0x1  }
.Ltmp61:
0x252: {  	_ = 	snop;
	(pc) =	sbr.rel @!p3 .LBB2_82-.Ltmp61, $2  }
0x253: {  	_ =	sdelay $0x2  }
0x254: {  	v3 =	vld [tilespmem:s16+$0x0];
	s17 =	sadd.s32 $0xFFFFFFFF, s15  }
.LBB2_81:
0x255: {  	p3 =	sne.s32 s17, $0x1;
	_ =	sdelay $0x3  }
0x256: {  	v4 =	vand.u32 $0x1FFFF, v3;
	_ =	sdelay $0x4  }
0x257: {  	v4 =	vld.idx.msk [tilespmem:v4+s1+$0x0], $0xffff  }
0x258: {  	v3 =	vshrl.u32 v3, $0x11;
	_ =	sdelay $0x1  }
.Ltmp62:
0x259: {  	(pc) =	sbr.rel @p3 .LBB2_81-.Ltmp62, $3  }
0x25a: {  	_ =	sdelay $0x1  }
0x25b: {  	s16 =	sadd.s32 $0x10, s16;
	[tilespmem:v3+s8+$0x0] =	vst.idx.msk $0xffff, v4  }
0x25c: {  	s17 =	sadd.s32 $0xFFFFFFFF, s17;
	v3 =	vld [tilespmem:s16+$0x0]  }
.LBB2_82:
0x25d: {  	_ =	sdelay $0x3  }
0x25e: {  	v4 =	vand.u32 $0x1FFFF, v3;
	_ =	sdelay $0x4  }
0x25f: {  	v3 =	vshrl.u32 v3, $0x11;
	v4 =	vld.idx.msk [tilespmem:v4+s1+$0x0], $0xffff;
	_ =	sdelay $0x4  }
0x260: {  	[tilespmem:v3+s8+$0x0] =	vst.idx.msk $0xffff, v4  }
.LBB2_83:
0x261: {  	[hbm4b:s21+s30] =	stream.strided.scatter [tilespmem:s8], [sflag:$0x4], $0x1000, s31, s30, $0x38;
	[tilespmem:$0x1DA00] =	vst v63  }
0x262: {  	s16 =	rddreg [dreg:$0x1e]  }
0x263: {  	[tilespmem:s1], [sflag:$0x2] =	stream.strided.gather [hbm4b:s16+s30], $0xC400, s31, s30, $0x38;
	[tilespmem:$0x1DA00] =	vst v63  }
0x264: {  	_ =	swait.ge [sflag:s9], $0x1000  }
.Ltmp63:
0x265: {  	[sflag:s9] =	ssyncset.done $0x0;
	(pc) =	sbr.rel @p1 .LBB2_87-.Ltmp63, $4  }
0x266: {  	[sflag:s9] =	ssyncadd.s32 $0xFFFFF000  }
0x267: {  	_ =	swait.ge [sflag:s12], $0xC300  }
0x268: {  	[sflag:s12] =	ssyncset.done $0x0  }
0x269: {  	s16 =	simm.s32 $0x19800;
	[sflag:s12] =	ssyncadd.s32 $0xFFFF3D00  }
0x26a: {  	p3 =	sne.s32 s14, $0x1  }
.Ltmp64:
0x26b: {  	_ = 	snop;
	(pc) =	sbr.rel @!p3 .LBB2_86-.Ltmp64, $2  }
0x26c: {  	_ =	sdelay $0x2  }
0x26d: {  	v3 =	vld [tilespmem:s16+$0x0];
	s17 =	sadd.s32 $0xFFFFFFFF, s14  }
.LBB2_85:
0x26e: {  	p3 =	sne.s32 s17, $0x1;
	_ =	sdelay $0x3  }
0x26f: {  	v4 =	vand.u32 $0x1FFFF, v3;
	_ =	sdelay $0x4  }
0x270: {  	v4 =	vld.idx.msk [tilespmem:v4+s0+$0x0], $0xffff  }
0x271: {  	v3 =	vshrl.u32 v3, $0x11;
	_ =	sdelay $0x1  }
.Ltmp65:
0x272: {  	(pc) =	sbr.rel @p3 .LBB2_85-.Ltmp65, $3  }
0x273: {  	_ =	sdelay $0x1  }
0x274: {  	s16 =	sadd.s32 $0x10, s16;
	[tilespmem:v3+s6+$0x0] =	vst.idx.msk $0xffff, v4  }
0x275: {  	s17 =	sadd.s32 $0xFFFFFFFF, s17;
	v3 =	vld [tilespmem:s16+$0x0]  }
.LBB2_86:
0x276: {  	_ =	sdelay $0x3  }
0x277: {  	v4 =	vand.u32 $0x1FFFF, v3;
	_ =	sdelay $0x4  }
0x278: {  	v3 =	vshrl.u32 v3, $0x11;
	v4 =	vld.idx.msk [tilespmem:v4+s0+$0x0], $0xffff;
	_ =	sdelay $0x4  }
0x279: {  	[tilespmem:v3+s6+$0x0] =	vst.idx.msk $0xffff, v4  }
.LBB2_87:
.Ltmp66:
0x27a: {  	s16 =	rddreg [dreg:$0x1f];
	(pc) =	sbr.rel @p2 .LBB2_91-.Ltmp66, $4  }
0x27b: {  	[tilespmem:s0], [sflag:$0x1] =	stream.strided.gather [hbm4b:s16+s30], $0xC300, s31, s30, $0x38;
	[tilespmem:$0x1DA00] =	vst v63  }
0x27c: {  	_ =	swait.ge [sflag:s7], $0xC400  }
0x27d: {  	[sflag:s7] =	ssyncset.done $0x0  }
0x27e: {  	s16 =	simm.s32 $0x1A880;
	[sflag:s7] =	ssyncadd.s32 $0xFFFF3C00  }
0x27f: {  	p3 =	sne.s32 s15, $0x1  }
.Ltmp67:
0x280: {  	_ = 	snop;
	(pc) =	sbr.rel @!p3 .LBB2_90-.Ltmp67, $2  }
0x281: {  	_ =	sdelay $0x2  }
0x282: {  	v3 =	vld [tilespmem:s16+$0x0];
	s17 =	sadd.s32 $0xFFFFFFFF, s15  }
.LBB2_89:
0x283: {  	p3 =	sne.s32 s17, $0x1;
	_ =	sdelay $0x3  }
0x284: {  	v4 =	vand.u32 $0x1FFFF, v3;
	_ =	sdelay $0x4  }
0x285: {  	v4 =	vld.idx.msk [tilespmem:v4+s1+$0x0], $0xffff  }
0x286: {  	v3 =	vshrl.u32 v3, $0x11;
	_ =	sdelay $0x1  }
.Ltmp68:
0x287: {  	(pc) =	sbr.rel @p3 .LBB2_89-.Ltmp68, $3  }
0x288: {  	_ =	sdelay $0x1  }
0x289: {  	s16 =	sadd.s32 $0x10, s16;
	[tilespmem:v3+s6+$0x0] =	vst.idx.msk $0xffff, v4  }
0x28a: {  	s17 =	sadd.s32 $0xFFFFFFFF, s17;
	v3 =	vld [tilespmem:s16+$0x0]  }
.LBB2_90:
0x28b: {  	_ =	sdelay $0x3  }
0x28c: {  	v4 =	vand.u32 $0x1FFFF, v3;
	_ =	sdelay $0x4  }
0x28d: {  	v3 =	vshrl.u32 v3, $0x11;
	v4 =	vld.idx.msk [tilespmem:v4+s1+$0x0], $0xffff;
	_ =	sdelay $0x4  }
0x28e: {  	[tilespmem:v3+s6+$0x0] =	vst.idx.msk $0xffff, v4  }
.LBB2_91:
0x28f: {  	s16 =	sld [smem:$0x7E6]  }
0x290: {  	[hbm4b:s22+s30] =	stream.strided.scatter [tilespmem:s6], [sflag:$0x3], $0x1000, s31, s30, $0x38;
	[tilespmem:$0x1DA00] =	vst v63  }
0x291: {  	_ = 	snop  }
0x292: {  	[tilespmem:s1], [sflag:$0x2] =	stream.strided.gather [hbm4b:s16+s30], $0xC400, s31, s30, $0x38;
	[tilespmem:$0x1DA00] =	vst v63  }
0x293: {  	_ =	swait.ge [sflag:s10], $0x1000  }
.Ltmp69:
0x294: {  	[sflag:s10] =	ssyncset.done $0x0;
	(pc) =	sbr.rel @p1 .LBB2_95-.Ltmp69, $4  }
0x295: {  	[sflag:s10] =	ssyncadd.s32 $0xFFFFF000  }
0x296: {  	_ =	swait.ge [sflag:s12], $0xC300  }
0x297: {  	[sflag:s12] =	ssyncset.done $0x0  }
0x298: {  	s16 =	simm.s32 $0x19800;
	[sflag:s12] =	ssyncadd.s32 $0xFFFF3D00  }
0x299: {  	p3 =	sne.s32 s14, $0x1  }
.Ltmp70:
0x29a: {  	_ = 	snop;
	(pc) =	sbr.rel @!p3 .LBB2_94-.Ltmp70, $2  }
0x29b: {  	_ =	sdelay $0x2  }
0x29c: {  	v3 =	vld [tilespmem:s16+$0x0];
	s17 =	sadd.s32 $0xFFFFFFFF, s14  }
.LBB2_93:
0x29d: {  	p3 =	sne.s32 s17, $0x1;
	_ =	sdelay $0x3  }
0x29e: {  	v4 =	vand.u32 $0x1FFFF, v3;
	_ =	sdelay $0x4  }
0x29f: {  	v4 =	vld.idx.msk [tilespmem:v4+s0+$0x0], $0xffff  }
0x2a0: {  	v3 =	vshrl.u32 v3, $0x11;
	_ =	sdelay $0x1  }
.Ltmp71:
0x2a1: {  	(pc) =	sbr.rel @p3 .LBB2_93-.Ltmp71, $3  }
0x2a2: {  	_ =	sdelay $0x1  }
0x2a3: {  	s16 =	sadd.s32 $0x10, s16;
	[tilespmem:v3+s8+$0x0] =	vst.idx.msk $0xffff, v4  }
0x2a4: {  	s17 =	sadd.s32 $0xFFFFFFFF, s17;
	v3 =	vld [tilespmem:s16+$0x0]  }
.LBB2_94:
0x2a5: {  	_ =	sdelay $0x3  }
0x2a6: {  	v4 =	vand.u32 $0x1FFFF, v3;
	_ =	sdelay $0x4  }
0x2a7: {  	v3 =	vshrl.u32 v3, $0x11;
	v4 =	vld.idx.msk [tilespmem:v4+s0+$0x0], $0xffff;
	_ =	sdelay $0x4  }
0x2a8: {  	[tilespmem:v3+s8+$0x0] =	vst.idx.msk $0xffff, v4  }
.LBB2_95:
0x2a9: {  	s16 =	sld [smem:$0x7E7];
	_ =	sdelay $0x1  }
.Ltmp72:
0x2aa: {  	_ = 	snop;
	(pc) =	sbr.rel @p2 .LBB2_99-.Ltmp72, $4  }
0x2ab: {  	[tilespmem:s0], [sflag:$0x1] =	stream.strided.gather [hbm4b:s16+s30], $0xC300, s31, s30, $0x38;
	[tilespmem:$0x1DA00] =	vst v63  }
0x2ac: {  	_ =	swait.ge [sflag:s7], $0xC400  }
0x2ad: {  	[sflag:s7] =	ssyncset.done $0x0  }
0x2ae: {  	s16 =	simm.s32 $0x1A880;
	[sflag:s7] =	ssyncadd.s32 $0xFFFF3C00  }
0x2af: {  	p3 =	sne.s32 s15, $0x1  }
.Ltmp73:
0x2b0: {  	_ = 	snop;
	(pc) =	sbr.rel @!p3 .LBB2_98-.Ltmp73, $2  }
0x2b1: {  	_ =	sdelay $0x2  }
0x2b2: {  	v3 =	vld [tilespmem:s16+$0x0];
	s17 =	sadd.s32 $0xFFFFFFFF, s15  }
.LBB2_97:
0x2b3: {  	p3 =	sne.s32 s17, $0x1;
	_ =	sdelay $0x3  }
0x2b4: {  	v4 =	vand.u32 $0x1FFFF, v3;
	_ =	sdelay $0x4  }
0x2b5: {  	v4 =	vld.idx.msk [tilespmem:v4+s1+$0x0], $0xffff  }
0x2b6: {  	v3 =	vshrl.u32 v3, $0x11;
	_ =	sdelay $0x1  }
.Ltmp74:
0x2b7: {  	(pc) =	sbr.rel @p3 .LBB2_97-.Ltmp74, $3  }
0x2b8: {  	_ =	sdelay $0x1  }
0x2b9: {  	s16 =	sadd.s32 $0x10, s16;
	[tilespmem:v3+s8+$0x0] =	vst.idx.msk $0xffff, v4  }
0x2ba: {  	s17 =	sadd.s32 $0xFFFFFFFF, s17;
	v3 =	vld [tilespmem:s16+$0x0]  }
.LBB2_98:
0x2bb: {  	_ =	sdelay $0x3  }
0x2bc: {  	v4 =	vand.u32 $0x1FFFF, v3;
	_ =	sdelay $0x4  }
0x2bd: {  	v3 =	vshrl.u32 v3, $0x11;
	v4 =	vld.idx.msk [tilespmem:v4+s1+$0x0], $0xffff;
	_ =	sdelay $0x4  }
0x2be: {  	[tilespmem:v3+s8+$0x0] =	vst.idx.msk $0xffff, v4  }
.LBB2_99:
0x2bf: {  	s16 =	sld [smem:$0x7E8]  }
0x2c0: {  	[hbm4b:s23+s30] =	stream.strided.scatter [tilespmem:s8], [sflag:$0x4], $0x1000, s31, s30, $0x38;
	[tilespmem:$0x1DA00] =	vst v63  }
0x2c1: {  	_ = 	snop  }
0x2c2: {  	[tilespmem:s1], [sflag:$0x2] =	stream.strided.gather [hbm4b:s16+s30], $0xC400, s31, s30, $0x38;
	[tilespmem:$0x1DA00] =	vst v63  }
0x2c3: {  	_ =	swait.ge [sflag:s9], $0x1000  }
.Ltmp75:
0x2c4: {  	[sflag:s9] =	ssyncset.done $0x0;
	(pc) =	sbr.rel @p1 .LBB2_103-.Ltmp75, $4  }
0x2c5: {  	[sflag:s9] =	ssyncadd.s32 $0xFFFFF000  }
0x2c6: {  	_ =	swait.ge [sflag:s12], $0xC300  }
0x2c7: {  	[sflag:s12] =	ssyncset.done $0x0  }
0x2c8: {  	s16 =	simm.s32 $0x19800;
	[sflag:s12] =	ssyncadd.s32 $0xFFFF3D00  }
0x2c9: {  	p3 =	sne.s32 s14, $0x1  }
.Ltmp76:
0x2ca: {  	_ = 	snop;
	(pc) =	sbr.rel @!p3 .LBB2_102-.Ltmp76, $2  }
0x2cb: {  	_ =	sdelay $0x2  }
0x2cc: {  	v3 =	vld [tilespmem:s16+$0x0];
	s17 =	sadd.s32 $0xFFFFFFFF, s14  }
.LBB2_101:
0x2cd: {  	p3 =	sne.s32 s17, $0x1;
	_ =	sdelay $0x3  }
0x2ce: {  	v4 =	vand.u32 $0x1FFFF, v3;
	_ =	sdelay $0x4  }
0x2cf: {  	v4 =	vld.idx.msk [tilespmem:v4+s0+$0x0], $0xffff  }
0x2d0: {  	v3 =	vshrl.u32 v3, $0x11;
	_ =	sdelay $0x1  }
.Ltmp77:
0x2d1: {  	(pc) =	sbr.rel @p3 .LBB2_101-.Ltmp77, $3  }
0x2d2: {  	_ =	sdelay $0x1  }
0x2d3: {  	s16 =	sadd.s32 $0x10, s16;
	[tilespmem:v3+s6+$0x0] =	vst.idx.msk $0xffff, v4  }
0x2d4: {  	s17 =	sadd.s32 $0xFFFFFFFF, s17;
	v3 =	vld [tilespmem:s16+$0x0]  }
.LBB2_102:
0x2d5: {  	_ =	sdelay $0x3  }
0x2d6: {  	v4 =	vand.u32 $0x1FFFF, v3;
	_ =	sdelay $0x4  }
0x2d7: {  	v3 =	vshrl.u32 v3, $0x11;
	v4 =	vld.idx.msk [tilespmem:v4+s0+$0x0], $0xffff;
	_ =	sdelay $0x4  }
0x2d8: {  	[tilespmem:v3+s6+$0x0] =	vst.idx.msk $0xffff, v4  }
.LBB2_103:
0x2d9: {  	s16 =	sld [smem:$0x7E9];
	_ =	sdelay $0x1  }
.Ltmp78:
0x2da: {  	_ = 	snop;
	(pc) =	sbr.rel @p2 .LBB2_107-.Ltmp78, $4  }
0x2db: {  	[tilespmem:s0], [sflag:$0x1] =	stream.strided.gather [hbm4b:s16+s30], $0xC300, s31, s30, $0x38;
	[tilespmem:$0x1DA00] =	vst v63  }
0x2dc: {  	_ =	swait.ge [sflag:s7], $0xC400  }
0x2dd: {  	[sflag:s7] =	ssyncset.done $0x0  }
0x2de: {  	s16 =	simm.s32 $0x1A880;
	[sflag:s7] =	ssyncadd.s32 $0xFFFF3C00  }
0x2df: {  	p3 =	sne.s32 s15, $0x1  }
.Ltmp79:
0x2e0: {  	_ = 	snop;
	(pc) =	sbr.rel @!p3 .LBB2_106-.Ltmp79, $2  }
0x2e1: {  	_ =	sdelay $0x2  }
0x2e2: {  	v3 =	vld [tilespmem:s16+$0x0];
	s17 =	sadd.s32 $0xFFFFFFFF, s15  }
.LBB2_105:
0x2e3: {  	p3 =	sne.s32 s17, $0x1;
	_ =	sdelay $0x3  }
0x2e4: {  	v4 =	vand.u32 $0x1FFFF, v3;
	_ =	sdelay $0x4  }
0x2e5: {  	v4 =	vld.idx.msk [tilespmem:v4+s1+$0x0], $0xffff  }
0x2e6: {  	v3 =	vshrl.u32 v3, $0x11;
	_ =	sdelay $0x1  }
.Ltmp80:
0x2e7: {  	(pc) =	sbr.rel @p3 .LBB2_105-.Ltmp80, $3  }
0x2e8: {  	_ =	sdelay $0x1  }
0x2e9: {  	s16 =	sadd.s32 $0x10, s16;
	[tilespmem:v3+s6+$0x0] =	vst.idx.msk $0xffff, v4  }
0x2ea: {  	s17 =	sadd.s32 $0xFFFFFFFF, s17;
	v3 =	vld [tilespmem:s16+$0x0]  }
.LBB2_106:
0x2eb: {  	_ =	sdelay $0x3  }
0x2ec: {  	v4 =	vand.u32 $0x1FFFF, v3;
	_ =	sdelay $0x4  }
0x2ed: {  	v3 =	vshrl.u32 v3, $0x11;
	v4 =	vld.idx.msk [tilespmem:v4+s1+$0x0], $0xffff;
	_ =	sdelay $0x4  }
0x2ee: {  	[tilespmem:v3+s6+$0x0] =	vst.idx.msk $0xffff, v4  }
.LBB2_107:
0x2ef: {  	s16 =	sld [smem:$0x7EA]  }
0x2f0: {  	[hbm4b:s24+s30] =	stream.strided.scatter [tilespmem:s6], [sflag:$0x3], $0x1000, s31, s30, $0x38;
	[tilespmem:$0x1DA00] =	vst v63  }
0x2f1: {  	_ = 	snop  }
0x2f2: {  	[tilespmem:s1], [sflag:$0x2] =	stream.strided.gather [hbm4b:s16+s30], $0xC400, s31, s30, $0x38;
	[tilespmem:$0x1DA00] =	vst v63  }
0x2f3: {  	_ =	swait.ge [sflag:s10], $0x1000  }
.Ltmp81:
0x2f4: {  	[sflag:s10] =	ssyncset.done $0x0;
	(pc) =	sbr.rel @p1 .LBB2_111-.Ltmp81, $4  }
0x2f5: {  	[sflag:s10] =	ssyncadd.s32 $0xFFFFF000  }
0x2f6: {  	_ =	swait.ge [sflag:s12], $0xC300  }
0x2f7: {  	[sflag:s12] =	ssyncset.done $0x0  }
0x2f8: {  	s16 =	simm.s32 $0x19800;
	[sflag:s12] =	ssyncadd.s32 $0xFFFF3D00  }
0x2f9: {  	p3 =	sne.s32 s14, $0x1  }
.Ltmp82:
0x2fa: {  	_ = 	snop;
	(pc) =	sbr.rel @!p3 .LBB2_110-.Ltmp82, $2  }
0x2fb: {  	_ =	sdelay $0x2  }
0x2fc: {  	v3 =	vld [tilespmem:s16+$0x0];
	s17 =	sadd.s32 $0xFFFFFFFF, s14  }
.LBB2_109:
0x2fd: {  	p3 =	sne.s32 s17, $0x1;
	_ =	sdelay $0x3  }
0x2fe: {  	v4 =	vand.u32 $0x1FFFF, v3;
	_ =	sdelay $0x4  }
0x2ff: {  	v4 =	vld.idx.msk [tilespmem:v4+s0+$0x0], $0xffff  }
0x300: {  	v3 =	vshrl.u32 v3, $0x11;
	_ =	sdelay $0x1  }
.Ltmp83:
0x301: {  	(pc) =	sbr.rel @p3 .LBB2_109-.Ltmp83, $3  }
0x302: {  	_ =	sdelay $0x1  }
0x303: {  	s16 =	sadd.s32 $0x10, s16;
	[tilespmem:v3+s8+$0x0] =	vst.idx.msk $0xffff, v4  }
0x304: {  	s17 =	sadd.s32 $0xFFFFFFFF, s17;
	v3 =	vld [tilespmem:s16+$0x0]  }
.LBB2_110:
0x305: {  	_ =	sdelay $0x3  }
0x306: {  	v4 =	vand.u32 $0x1FFFF, v3;
	_ =	sdelay $0x4  }
0x307: {  	v3 =	vshrl.u32 v3, $0x11;
	v4 =	vld.idx.msk [tilespmem:v4+s0+$0x0], $0xffff;
	_ =	sdelay $0x4  }
0x308: {  	[tilespmem:v3+s8+$0x0] =	vst.idx.msk $0xffff, v4  }
.LBB2_111:
0x309: {  	s16 =	sld [smem:$0x7EB];
	_ =	sdelay $0x1  }
.Ltmp84:
0x30a: {  	_ = 	snop;
	(pc) =	sbr.rel @p2 .LBB2_115-.Ltmp84, $4  }
0x30b: {  	[tilespmem:s0], [sflag:$0x1] =	stream.strided.gather [hbm4b:s16+s30], $0xC300, s31, s30, $0x38;
	[tilespmem:$0x1DA00] =	vst v63  }
0x30c: {  	_ =	swait.ge [sflag:s7], $0xC400  }
0x30d: {  	[sflag:s7] =	ssyncset.done $0x0  }
0x30e: {  	s16 =	simm.s32 $0x1A880;
	[sflag:s7] =	ssyncadd.s32 $0xFFFF3C00  }
0x30f: {  	p3 =	sne.s32 s15, $0x1  }
.Ltmp85:
0x310: {  	_ = 	snop;
	(pc) =	sbr.rel @!p3 .LBB2_114-.Ltmp85, $2  }
0x311: {  	_ =	sdelay $0x2  }
0x312: {  	v3 =	vld [tilespmem:s16+$0x0];
	s17 =	sadd.s32 $0xFFFFFFFF, s15  }
.LBB2_113:
0x313: {  	p3 =	sne.s32 s17, $0x1;
	_ =	sdelay $0x3  }
0x314: {  	v4 =	vand.u32 $0x1FFFF, v3;
	_ =	sdelay $0x4  }
0x315: {  	v4 =	vld.idx.msk [tilespmem:v4+s1+$0x0], $0xffff  }
0x316: {  	v3 =	vshrl.u32 v3, $0x11;
	_ =	sdelay $0x1  }
.Ltmp86:
0x317: {  	(pc) =	sbr.rel @p3 .LBB2_113-.Ltmp86, $3  }
0x318: {  	_ =	sdelay $0x1  }
0x319: {  	s16 =	sadd.s32 $0x10, s16;
	[tilespmem:v3+s8+$0x0] =	vst.idx.msk $0xffff, v4  }
0x31a: {  	s17 =	sadd.s32 $0xFFFFFFFF, s17;
	v3 =	vld [tilespmem:s16+$0x0]  }
.LBB2_114:
0x31b: {  	_ =	sdelay $0x3  }
0x31c: {  	v4 =	vand.u32 $0x1FFFF, v3;
	_ =	sdelay $0x4  }
0x31d: {  	v3 =	vshrl.u32 v3, $0x11;
	v4 =	vld.idx.msk [tilespmem:v4+s1+$0x0], $0xffff;
	_ =	sdelay $0x4  }
0x31e: {  	[tilespmem:v3+s8+$0x0] =	vst.idx.msk $0xffff, v4  }
.LBB2_115:
0x31f: {  	s16 =	sld [smem:$0x7EC]  }
0x320: {  	[hbm4b:s25+s30] =	stream.strided.scatter [tilespmem:s8], [sflag:$0x4], $0x1000, s31, s30, $0x38;
	[tilespmem:$0x1DA00] =	vst v63  }
0x321: {  	_ = 	snop  }
0x322: {  	[tilespmem:s1], [sflag:$0x2] =	stream.strided.gather [hbm4b:s16+s30], $0xC400, s31, s30, $0x38;
	[tilespmem:$0x1DA00] =	vst v63  }
0x323: {  	_ =	swait.ge [sflag:s9], $0x1000  }
.Ltmp87:
0x324: {  	[sflag:s9] =	ssyncset.done $0x0;
	(pc) =	sbr.rel @p1 .LBB2_119-.Ltmp87, $4  }
0x325: {  	[sflag:s9] =	ssyncadd.s32 $0xFFFFF000  }
0x326: {  	_ =	swait.ge [sflag:s12], $0xC300  }
0x327: {  	[sflag:s12] =	ssyncset.done $0x0  }
0x328: {  	s16 =	simm.s32 $0x19800;
	[sflag:s12] =	ssyncadd.s32 $0xFFFF3D00  }
0x329: {  	p3 =	sne.s32 s14, $0x1  }
.Ltmp88:
0x32a: {  	_ = 	snop;
	(pc) =	sbr.rel @!p3 .LBB2_118-.Ltmp88, $2  }
0x32b: {  	_ =	sdelay $0x2  }
0x32c: {  	v3 =	vld [tilespmem:s16+$0x0];
	s17 =	sadd.s32 $0xFFFFFFFF, s14  }
.LBB2_117:
0x32d: {  	p3 =	sne.s32 s17, $0x1;
	_ =	sdelay $0x3  }
0x32e: {  	v4 =	vand.u32 $0x1FFFF, v3;
	_ =	sdelay $0x4  }
0x32f: {  	v4 =	vld.idx.msk [tilespmem:v4+s0+$0x0], $0xffff  }
0x330: {  	v3 =	vshrl.u32 v3, $0x11;
	_ =	sdelay $0x1  }
.Ltmp89:
0x331: {  	(pc) =	sbr.rel @p3 .LBB2_117-.Ltmp89, $3  }
0x332: {  	_ =	sdelay $0x1  }
0x333: {  	s16 =	sadd.s32 $0x10, s16;
	[tilespmem:v3+s6+$0x0] =	vst.idx.msk $0xffff, v4  }
0x334: {  	s17 =	sadd.s32 $0xFFFFFFFF, s17;
	v3 =	vld [tilespmem:s16+$0x0]  }
.LBB2_118:
0x335: {  	_ =	sdelay $0x3  }
0x336: {  	v4 =	vand.u32 $0x1FFFF, v3;
	_ =	sdelay $0x4  }
0x337: {  	v3 =	vshrl.u32 v3, $0x11;
	v4 =	vld.idx.msk [tilespmem:v4+s0+$0x0], $0xffff;
	_ =	sdelay $0x4  }
0x338: {  	[tilespmem:v3+s6+$0x0] =	vst.idx.msk $0xffff, v4  }
.LBB2_119:
0x339: {  	s16 =	sld [smem:$0x7ED];
	_ =	sdelay $0x1  }
.Ltmp90:
0x33a: {  	_ = 	snop;
	(pc) =	sbr.rel @p2 .LBB2_123-.Ltmp90, $4  }
0x33b: {  	[tilespmem:s0], [sflag:$0x1] =	stream.strided.gather [hbm4b:s16+s30], $0xC300, s31, s30, $0x38;
	[tilespmem:$0x1DA00] =	vst v63  }
0x33c: {  	_ =	swait.ge [sflag:s7], $0xC400  }
0x33d: {  	[sflag:s7] =	ssyncset.done $0x0  }
0x33e: {  	s16 =	simm.s32 $0x1A880;
	[sflag:s7] =	ssyncadd.s32 $0xFFFF3C00  }
0x33f: {  	p3 =	sne.s32 s15, $0x1  }
.Ltmp91:
0x340: {  	_ = 	snop;
	(pc) =	sbr.rel @!p3 .LBB2_122-.Ltmp91, $2  }
0x341: {  	_ =	sdelay $0x2  }
0x342: {  	v3 =	vld [tilespmem:s16+$0x0];
	s17 =	sadd.s32 $0xFFFFFFFF, s15  }
.LBB2_121:
0x343: {  	p3 =	sne.s32 s17, $0x1;
	_ =	sdelay $0x3  }
0x344: {  	v4 =	vand.u32 $0x1FFFF, v3;
	_ =	sdelay $0x4  }
0x345: {  	v4 =	vld.idx.msk [tilespmem:v4+s1+$0x0], $0xffff  }
0x346: {  	v3 =	vshrl.u32 v3, $0x11;
	_ =	sdelay $0x1  }
.Ltmp92:
0x347: {  	(pc) =	sbr.rel @p3 .LBB2_121-.Ltmp92, $3  }
0x348: {  	_ =	sdelay $0x1  }
0x349: {  	s16 =	sadd.s32 $0x10, s16;
	[tilespmem:v3+s6+$0x0] =	vst.idx.msk $0xffff, v4  }
0x34a: {  	s17 =	sadd.s32 $0xFFFFFFFF, s17;
	v3 =	vld [tilespmem:s16+$0x0]  }
.LBB2_122:
0x34b: {  	_ =	sdelay $0x3  }
0x34c: {  	v4 =	vand.u32 $0x1FFFF, v3;
	_ =	sdelay $0x4  }
0x34d: {  	v3 =	vshrl.u32 v3, $0x11;
	v4 =	vld.idx.msk [tilespmem:v4+s1+$0x0], $0xffff;
	_ =	sdelay $0x4  }
0x34e: {  	[tilespmem:v3+s6+$0x0] =	vst.idx.msk $0xffff, v4  }
.LBB2_123:
0x34f: {  	s16 =	sld [smem:$0x7EE]  }
0x350: {  	[hbm4b:s26+s30] =	stream.strided.scatter [tilespmem:s6], [sflag:$0x3], $0x1000, s31, s30, $0x38;
	[tilespmem:$0x1DA00] =	vst v63  }
0x351: {  	_ = 	snop  }
0x352: {  	[tilespmem:s1], [sflag:$0x2] =	stream.strided.gather [hbm4b:s16+s30], $0xC400, s31, s30, $0x38;
	[tilespmem:$0x1DA00] =	vst v63  }
0x353: {  	_ =	swait.ge [sflag:s10], $0x1000  }
.Ltmp93:
0x354: {  	[sflag:s10] =	ssyncset.done $0x0;
	(pc) =	sbr.rel @p1 .LBB2_127-.Ltmp93, $4  }
0x355: {  	[sflag:s10] =	ssyncadd.s32 $0xFFFFF000  }
0x356: {  	_ =	swait.ge [sflag:s12], $0xC300  }
0x357: {  	[sflag:s12] =	ssyncset.done $0x0  }
0x358: {  	s16 =	simm.s32 $0x19800;
	[sflag:s12] =	ssyncadd.s32 $0xFFFF3D00  }
0x359: {  	p3 =	sne.s32 s14, $0x1  }
.Ltmp94:
0x35a: {  	_ = 	snop;
	(pc) =	sbr.rel @!p3 .LBB2_126-.Ltmp94, $2  }
0x35b: {  	_ =	sdelay $0x2  }
0x35c: {  	v3 =	vld [tilespmem:s16+$0x0];
	s17 =	sadd.s32 $0xFFFFFFFF, s14  }
.LBB2_125:
0x35d: {  	p3 =	sne.s32 s17, $0x1;
	_ =	sdelay $0x3  }
0x35e: {  	v4 =	vand.u32 $0x1FFFF, v3;
	_ =	sdelay $0x4  }
0x35f: {  	v4 =	vld.idx.msk [tilespmem:v4+s0+$0x0], $0xffff  }
0x360: {  	v3 =	vshrl.u32 v3, $0x11;
	_ =	sdelay $0x1  }
.Ltmp95:
0x361: {  	(pc) =	sbr.rel @p3 .LBB2_125-.Ltmp95, $3  }
0x362: {  	_ =	sdelay $0x1  }
0x363: {  	s16 =	sadd.s32 $0x10, s16;
	[tilespmem:v3+s8+$0x0] =	vst.idx.msk $0xffff, v4  }
0x364: {  	s17 =	sadd.s32 $0xFFFFFFFF, s17;
	v3 =	vld [tilespmem:s16+$0x0]  }
.LBB2_126:
0x365: {  	_ =	sdelay $0x3  }
0x366: {  	v4 =	vand.u32 $0x1FFFF, v3;
	_ =	sdelay $0x4  }
0x367: {  	v3 =	vshrl.u32 v3, $0x11;
	v4 =	vld.idx.msk [tilespmem:v4+s0+$0x0], $0xffff;
	_ =	sdelay $0x4  }
0x368: {  	[tilespmem:v3+s8+$0x0] =	vst.idx.msk $0xffff, v4  }
.LBB2_127:
0x369: {  	s16 =	sld [smem:$0x7EF];
	_ =	sdelay $0x1  }
.Ltmp96:
0x36a: {  	_ = 	snop;
	(pc) =	sbr.rel @p2 .LBB2_131-.Ltmp96, $4  }
0x36b: {  	[tilespmem:s0], [sflag:$0x1] =	stream.strided.gather [hbm4b:s16+s30], $0xC300, s11, s30, $0x38;
	[tilespmem:$0x1DA00] =	vst v63  }
0x36c: {  	_ =	swait.ge [sflag:s7], $0xC400  }
0x36d: {  	[sflag:s7] =	ssyncset.done $0x0  }
0x36e: {  	s16 =	simm.s32 $0x1A880;
	[sflag:s7] =	ssyncadd.s32 $0xFFFF3C00  }
0x36f: {  	p3 =	sne.s32 s15, $0x1  }
.Ltmp97:
0x370: {  	_ = 	snop;
	(pc) =	sbr.rel @!p3 .LBB2_130-.Ltmp97, $2  }
0x371: {  	_ =	sdelay $0x2  }
0x372: {  	v3 =	vld [tilespmem:s16+$0x0];
	s17 =	sadd.s32 $0xFFFFFFFF, s15  }
.LBB2_129:
0x373: {  	p3 =	sne.s32 s17, $0x1;
	_ =	sdelay $0x3  }
0x374: {  	v4 =	vand.u32 $0x1FFFF, v3;
	_ =	sdelay $0x4  }
0x375: {  	v4 =	vld.idx.msk [tilespmem:v4+s1+$0x0], $0xffff  }
0x376: {  	v3 =	vshrl.u32 v3, $0x11;
	_ =	sdelay $0x1  }
.Ltmp98:
0x377: {  	(pc) =	sbr.rel @p3 .LBB2_129-.Ltmp98, $3  }
0x378: {  	_ =	sdelay $0x1  }
0x379: {  	s16 =	sadd.s32 $0x10, s16;
	[tilespmem:v3+s8+$0x0] =	vst.idx.msk $0xffff, v4  }
0x37a: {  	s17 =	sadd.s32 $0xFFFFFFFF, s17;
	v3 =	vld [tilespmem:s16+$0x0]  }
.LBB2_130:
0x37b: {  	_ =	sdelay $0x3  }
0x37c: {  	v4 =	vand.u32 $0x1FFFF, v3;
	_ =	sdelay $0x4  }
0x37d: {  	v3 =	vshrl.u32 v3, $0x11;
	v4 =	vld.idx.msk [tilespmem:v4+s1+$0x0], $0xffff;
	_ =	sdelay $0x4  }
0x37e: {  	[tilespmem:v3+s8+$0x0] =	vst.idx.msk $0xffff, v4  }
.LBB2_131:
0x37f: {  	s16 =	sld [smem:$0x7F0]  }
0x380: {  	[hbm4b:s28+s30] =	stream.strided.scatter [tilespmem:s8], [sflag:$0x4], $0x1000, s31, s30, $0x38;
	[tilespmem:$0x1DA00] =	vst v63  }
0x381: {  	_ = 	snop  }
0x382: {  	[tilespmem:s1], [sflag:$0x2] =	stream.strided.gather [hbm4b:s16+s30], $0xC400, s11, s30, $0x38;
	[tilespmem:$0x1DA00] =	vst v63  }
0x383: {  	_ =	swait.ge [sflag:s9], $0x1000  }
.Ltmp99:
0x384: {  	[sflag:s9] =	ssyncset.done $0x0;
	(pc) =	sbr.rel @p1 .LBB2_135-.Ltmp99, $4  }
0x385: {  	[sflag:s9] =	ssyncadd.s32 $0xFFFFF000  }
0x386: {  	_ =	swait.ge [sflag:s12], $0xC300  }
0x387: {  	[sflag:s12] =	ssyncset.done $0x0  }
0x388: {  	s16 =	simm.s32 $0x19800;
	[sflag:s12] =	ssyncadd.s32 $0xFFFF3D00  }
0x389: {  	p3 =	sne.s32 s14, $0x1  }
.Ltmp100:
0x38a: {  	_ = 	snop;
	(pc) =	sbr.rel @!p3 .LBB2_134-.Ltmp100, $2  }
0x38b: {  	_ =	sdelay $0x2  }
0x38c: {  	v3 =	vld [tilespmem:s16+$0x0];
	s17 =	sadd.s32 $0xFFFFFFFF, s14  }
.LBB2_133:
0x38d: {  	p3 =	sne.s32 s17, $0x1;
	_ =	sdelay $0x3  }
0x38e: {  	v4 =	vand.u32 $0x1FFFF, v3;
	_ =	sdelay $0x4  }
0x38f: {  	v4 =	vld.idx.msk [tilespmem:v4+s0+$0x0], $0xffff  }
0x390: {  	v3 =	vshrl.u32 v3, $0x11;
	_ =	sdelay $0x1  }
.Ltmp101:
0x391: {  	(pc) =	sbr.rel @p3 .LBB2_133-.Ltmp101, $3  }
0x392: {  	_ =	sdelay $0x1  }
0x393: {  	s16 =	sadd.s32 $0x10, s16;
	[tilespmem:v3+s6+$0x0] =	vst.idx.msk $0xffff, v4  }
0x394: {  	s17 =	sadd.s32 $0xFFFFFFFF, s17;
	v3 =	vld [tilespmem:s16+$0x0]  }
.LBB2_134:
0x395: {  	_ =	sdelay $0x3  }
0x396: {  	v4 =	vand.u32 $0x1FFFF, v3;
	_ =	sdelay $0x4  }
0x397: {  	v3 =	vshrl.u32 v3, $0x11;
	v4 =	vld.idx.msk [tilespmem:v4+s0+$0x0], $0xffff;
	_ =	sdelay $0x4  }
0x398: {  	[tilespmem:v3+s6+$0x0] =	vst.idx.msk $0xffff, v4  }
.LBB2_135:
0x399: {  	s16 =	sld [smem:$0x7F1];
	_ =	sdelay $0x1  }
.Ltmp102:
0x39a: {  	_ = 	snop;
	(pc) =	sbr.rel @p2 .LBB2_139-.Ltmp102, $4  }
0x39b: {  	[tilespmem:s0], [sflag:$0x1] =	stream.strided.gather [hbm4b:s16+s30], $0xC300, s11, s30, $0x38;
	[tilespmem:$0x1DA00] =	vst v63  }
0x39c: {  	_ =	swait.ge [sflag:s7], $0xC400  }
0x39d: {  	[sflag:s7] =	ssyncset.done $0x0  }
0x39e: {  	s16 =	simm.s32 $0x1A880;
	[sflag:s7] =	ssyncadd.s32 $0xFFFF3C00  }
0x39f: {  	p3 =	sne.s32 s15, $0x1  }
.Ltmp103:
0x3a0: {  	_ = 	snop;
	(pc) =	sbr.rel @!p3 .LBB2_138-.Ltmp103, $2  }
0x3a1: {  	_ =	sdelay $0x2  }
0x3a2: {  	v3 =	vld [tilespmem:s16+$0x0];
	s17 =	sadd.s32 $0xFFFFFFFF, s15  }
.LBB2_137:
0x3a3: {  	p3 =	sne.s32 s17, $0x1;
	_ =	sdelay $0x3  }
0x3a4: {  	v4 =	vand.u32 $0x1FFFF, v3;
	_ =	sdelay $0x4  }
0x3a5: {  	v4 =	vld.idx.msk [tilespmem:v4+s1+$0x0], $0xffff  }
0x3a6: {  	v3 =	vshrl.u32 v3, $0x11;
	_ =	sdelay $0x1  }
.Ltmp104:
0x3a7: {  	(pc) =	sbr.rel @p3 .LBB2_137-.Ltmp104, $3  }
0x3a8: {  	_ =	sdelay $0x1  }
0x3a9: {  	s16 =	sadd.s32 $0x10, s16;
	[tilespmem:v3+s6+$0x0] =	vst.idx.msk $0xffff, v4  }
0x3aa: {  	s17 =	sadd.s32 $0xFFFFFFFF, s17;
	v3 =	vld [tilespmem:s16+$0x0]  }
.LBB2_138:
0x3ab: {  	_ =	sdelay $0x3  }
0x3ac: {  	v4 =	vand.u32 $0x1FFFF, v3;
	_ =	sdelay $0x4  }
0x3ad: {  	v3 =	vshrl.u32 v3, $0x11;
	v4 =	vld.idx.msk [tilespmem:v4+s1+$0x0], $0xffff;
	_ =	sdelay $0x4  }
0x3ae: {  	[tilespmem:v3+s6+$0x0] =	vst.idx.msk $0xffff, v4  }
.LBB2_139:
0x3af: {  	s16 =	sld [smem:$0x7F2]  }
0x3b0: {  	[hbm4b:s5+s30] =	stream.strided.scatter [tilespmem:s6], [sflag:$0x3], $0x1000, s19, s30, $0x38;
	[tilespmem:$0x1DA00] =	vst v63  }
0x3b1: {  	_ = 	snop  }
0x3b2: {  	[tilespmem:s1], [sflag:$0x2] =	stream.strided.gather [hbm4b:s16+s30], $0xC400, s11, s30, $0x38;
	[tilespmem:$0x1DA00] =	vst v63  }
0x3b3: {  	_ =	swait.ge [sflag:s10], $0x1000  }
.Ltmp105:
0x3b4: {  	[sflag:s10] =	ssyncset.done $0x0;
	(pc) =	sbr.rel @p1 .LBB2_143-.Ltmp105, $4  }
0x3b5: {  	[sflag:s10] =	ssyncadd.s32 $0xFFFFF000  }
0x3b6: {  	_ =	swait.ge [sflag:s12], $0xC300  }
0x3b7: {  	[sflag:s12] =	ssyncset.done $0x0  }
0x3b8: {  	s16 =	simm.s32 $0x19800;
	[sflag:s12] =	ssyncadd.s32 $0xFFFF3D00  }
0x3b9: {  	p3 =	sne.s32 s14, $0x1  }
.Ltmp106:
0x3ba: {  	_ = 	snop;
	(pc) =	sbr.rel @!p3 .LBB2_142-.Ltmp106, $2  }
0x3bb: {  	_ =	sdelay $0x2  }
0x3bc: {  	v3 =	vld [tilespmem:s16+$0x0];
	s17 =	sadd.s32 $0xFFFFFFFF, s14  }
.LBB2_141:
0x3bd: {  	p3 =	sne.s32 s17, $0x1;
	_ =	sdelay $0x3  }
0x3be: {  	v4 =	vand.u32 $0x1FFFF, v3;
	_ =	sdelay $0x4  }
0x3bf: {  	v4 =	vld.idx.msk [tilespmem:v4+s0+$0x0], $0xffff  }
0x3c0: {  	v3 =	vshrl.u32 v3, $0x11;
	_ =	sdelay $0x1  }
.Ltmp107:
0x3c1: {  	(pc) =	sbr.rel @p3 .LBB2_141-.Ltmp107, $3  }
0x3c2: {  	_ =	sdelay $0x1  }
0x3c3: {  	s16 =	sadd.s32 $0x10, s16;
	[tilespmem:v3+s8+$0x0] =	vst.idx.msk $0xffff, v4  }
0x3c4: {  	s17 =	sadd.s32 $0xFFFFFFFF, s17;
	v3 =	vld [tilespmem:s16+$0x0]  }
.LBB2_142:
0x3c5: {  	_ =	sdelay $0x3  }
0x3c6: {  	v4 =	vand.u32 $0x1FFFF, v3;
	_ =	sdelay $0x4  }
0x3c7: {  	v3 =	vshrl.u32 v3, $0x11;
	v4 =	vld.idx.msk [tilespmem:v4+s0+$0x0], $0xffff;
	_ =	sdelay $0x4  }
0x3c8: {  	[tilespmem:v3+s8+$0x0] =	vst.idx.msk $0xffff, v4  }
.LBB2_143:
0x3c9: {  	s18 =	sld [smem:$0x7F3];
	_ =	sdelay $0x1  }
.Ltmp108:
0x3ca: {  	s16 =	simm.s32 @!p0 $0x0;
	s17 =	simm.s32 @!p0 $0x1000;
	(pc) =	sbr.rel @p2 .LBB2_147-.Ltmp108, $4  }
0x3cb: {  	[tilespmem:s17], [sflag:$0x1] =	stream.linear.gather @!p0 [hbm4b:s18+s16], $0xC300, $0x38;
	[tilespmem:$0x1DA00] =	vst v63  }
0x3cc: {  	_ =	swait.ge [sflag:s7], $0xC400  }
0x3cd: {  	[sflag:s7] =	ssyncset.done $0x0  }
0x3ce: {  	s16 =	simm.s32 $0x1A880;
	[sflag:s7] =	ssyncadd.s32 $0xFFFF3C00  }
0x3cf: {  	p3 =	sne.s32 s15, $0x1  }
.Ltmp109:
0x3d0: {  	_ = 	snop;
	(pc) =	sbr.rel @!p3 .LBB2_146-.Ltmp109, $2  }
0x3d1: {  	_ =	sdelay $0x2  }
0x3d2: {  	v3 =	vld [tilespmem:s16+$0x0];
	s17 =	sadd.s32 $0xFFFFFFFF, s15  }
.LBB2_145:
0x3d3: {  	p3 =	sne.s32 s17, $0x1;
	_ =	sdelay $0x3  }
0x3d4: {  	v4 =	vand.u32 $0x1FFFF, v3;
	_ =	sdelay $0x4  }
0x3d5: {  	v4 =	vld.idx.msk [tilespmem:v4+s1+$0x0], $0xffff  }
0x3d6: {  	v3 =	vshrl.u32 v3, $0x11;
	_ =	sdelay $0x1  }
.Ltmp110:
0x3d7: {  	(pc) =	sbr.rel @p3 .LBB2_145-.Ltmp110, $3  }
0x3d8: {  	_ =	sdelay $0x1  }
0x3d9: {  	s16 =	sadd.s32 $0x10, s16;
	[tilespmem:v3+s8+$0x0] =	vst.idx.msk $0xffff, v4  }
0x3da: {  	s17 =	sadd.s32 $0xFFFFFFFF, s17;
	v3 =	vld [tilespmem:s16+$0x0]  }
.LBB2_146:
0x3db: {  	_ =	sdelay $0x3  }
0x3dc: {  	v4 =	vand.u32 $0x1FFFF, v3;
	_ =	sdelay $0x4  }
0x3dd: {  	v3 =	vshrl.u32 v3, $0x11;
	v4 =	vld.idx.msk [tilespmem:v4+s1+$0x0], $0xffff;
	_ =	sdelay $0x4  }
0x3de: {  	[tilespmem:v3+s8+$0x0] =	vst.idx.msk $0xffff, v4  }
.LBB2_147:
.Ltmp111:
0x3df: {  	(pc) =	sbr.rel @p0 .LBB2_148-.Ltmp111, $2  }
0x3e0: {  	_ =	sdelay $0x2  }
0x3e1: {  	[hbm4b:s29+s30] =	stream.strided.scatter [tilespmem:s8], [sflag:$0x4], $0x1000, s19, s30, $0x38;
	[tilespmem:$0x1DA00] =	vst v63  }
0x3e2: {  	s16 =	sld [smem:$0x7F5];
	_ =	sdelay $0x2  }
0x3e3: {  	[tilespmem:s1], [sflag:$0x2] =	stream.linear.gather [hbm4b:s16+s3], $0xC400, $0x38;
	[tilespmem:$0x1DA00] =	vst v63  }
0x3e4: {  	_ =	swait.ge [sflag:s9], $0x1000  }
.Ltmp112:
0x3e5: {  	[sflag:s9] =	ssyncset.done $0x0;
	(pc) =	sbr.rel @p1 .LBB2_153-.Ltmp112, $4  }
0x3e6: {  	[sflag:s9] =	ssyncadd.s32 $0xFFFFF000  }
0x3e7: {  	_ =	swait.ge [sflag:s12], $0xC300  }
0x3e8: {  	[sflag:s12] =	ssyncset.done $0x0  }
0x3e9: {  	s16 =	simm.s32 $0x19800;
	[sflag:s12] =	ssyncadd.s32 $0xFFFF3D00  }
0x3ea: {  	p1 =	sne.s32 s14, $0x1  }
.Ltmp113:
0x3eb: {  	_ = 	snop;
	(pc) =	sbr.rel @!p1 .LBB2_152-.Ltmp113, $2  }
0x3ec: {  	_ =	sdelay $0x2  }
0x3ed: {  	v3 =	vld [tilespmem:s16+$0x0];
	s14 =	sadd.s32 $0xFFFFFFFF, s14  }
.LBB2_151:
0x3ee: {  	p1 =	sne.s32 s14, $0x1;
	_ =	sdelay $0x3  }
0x3ef: {  	v4 =	vand.u32 $0x1FFFF, v3;
	_ =	sdelay $0x4  }
0x3f0: {  	v4 =	vld.idx.msk [tilespmem:v4+s0+$0x0], $0xffff  }
0x3f1: {  	v3 =	vshrl.u32 v3, $0x11;
	_ =	sdelay $0x1  }
.Ltmp114:
0x3f2: {  	(pc) =	sbr.rel @p1 .LBB2_151-.Ltmp114, $3  }
0x3f3: {  	_ =	sdelay $0x1  }
0x3f4: {  	s16 =	sadd.s32 $0x10, s16;
	[tilespmem:v3+s6+$0x0] =	vst.idx.msk $0xffff, v4  }
0x3f5: {  	s14 =	sadd.s32 $0xFFFFFFFF, s14;
	v3 =	vld [tilespmem:s16+$0x0]  }
.LBB2_152:
0x3f6: {  	_ =	sdelay $0x3  }
0x3f7: {  	v4 =	vand.u32 $0x1FFFF, v3;
	_ =	sdelay $0x4  }
0x3f8: {  	v3 =	vshrl.u32 v3, $0x11;
	v4 =	vld.idx.msk [tilespmem:v4+s0+$0x0], $0xffff;
	_ =	sdelay $0x4  }
0x3f9: {  	[tilespmem:v3+s6+$0x0] =	vst.idx.msk $0xffff, v4  }
.LBB2_153:
.Ltmp115:
0x3fa: {  	(pc) =	sbr.rel @p2 .LBB2_157-.Ltmp115, $4  }
0x3fb: {  	_ = 	snop  }
0x3fc: {  	_ =	swait.ge [sflag:s7], $0xC400  }
0x3fd: {  	[sflag:s7] =	ssyncset.done $0x0  }
0x3fe: {  	s14 =	simm.s32 $0x1A880;
	[sflag:s7] =	ssyncadd.s32 $0xFFFF3C00  }
0x3ff: {  	p1 =	sne.s32 s15, $0x1  }
.Ltmp116:
0x400: {  	_ = 	snop;
	(pc) =	sbr.rel @!p1 .LBB2_156-.Ltmp116, $2  }
0x401: {  	_ =	sdelay $0x2  }
0x402: {  	v3 =	vld [tilespmem:s14+$0x0];
	s15 =	sadd.s32 $0xFFFFFFFF, s15  }
.LBB2_155:
0x403: {  	p1 =	sne.s32 s15, $0x1;
	_ =	sdelay $0x3  }
0x404: {  	v4 =	vand.u32 $0x1FFFF, v3;
	_ =	sdelay $0x4  }
0x405: {  	v4 =	vld.idx.msk [tilespmem:v4+s1+$0x0], $0xffff  }
0x406: {  	v3 =	vshrl.u32 v3, $0x11;
	_ =	sdelay $0x1  }
.Ltmp117:
0x407: {  	(pc) =	sbr.rel @p1 .LBB2_155-.Ltmp117, $3  }
0x408: {  	_ =	sdelay $0x1  }
0x409: {  	s14 =	sadd.s32 $0x10, s14;
	[tilespmem:v3+s6+$0x0] =	vst.idx.msk $0xffff, v4  }
0x40a: {  	s15 =	sadd.s32 $0xFFFFFFFF, s15;
	v3 =	vld [tilespmem:s14+$0x0]  }
.LBB2_156:
0x40b: {  	_ =	sdelay $0x3  }
0x40c: {  	v4 =	vand.u32 $0x1FFFF, v3;
	_ =	sdelay $0x4  }
0x40d: {  	v3 =	vshrl.u32 v3, $0x11;
	v4 =	vld.idx.msk [tilespmem:v4+s1+$0x0], $0xffff;
	_ =	sdelay $0x4  }
0x40e: {  	[tilespmem:v3+s6+$0x0] =	vst.idx.msk $0xffff, v4  }
.LBB2_157:
.Ltmp118:
0x40f: {  	s14 =	sld [smem:$0x7F4];
	(pc) =	sbr.rel .LBB2_158-.Ltmp118, $3  }
0x410: {  	_ =	sdelay $0x1  }
0x411: {  	[hbm4b:s14+s3] =	stream.linear.scatter [tilespmem:s6], [sflag:$0x3], $0x1000, $0x38;
	[tilespmem:$0x1DA00] =	vst v63  }
0x412: {  	s15 =	simm.s32 $0x4;
	s14 =	simm.s32 $0x3  }
.LBB2_159:
0x413: {  	_ =	sfence.sel $0x180000  }
0x414: {  	[bflag:$0x0] =	sbarrier.arrive $0xFFFF  }
0x415: {  	_ =	strace $0x90000047  }
0x416: {  	s0 =	stileid.u32;
	[bflag:$0x2] =	sbarrier.arrive $0xFFFF  }
0x417: {  	p0 =	sne.s32 s0, $0x0;
	s0 =	rddreg [dreg:$0x8]  }
0x418: {  	s0 =	sadd.s32 @!p0 $0x100000, s0  }
0x419: {  	[sflag:s0] =	ssyncadd.tile.s32 @!p0 $0x1;
	_ =	shalt  }
.Lfunc_end2:
_tile_overlayer_lowered:
.L_overlay_start_2:
0x41a: {  	(tag) =	ssettag $0x2  }
0x41b: {  	s0 =	rddreg [dreg:$0x0];
	s2 =	stileid.u32  }
0x41c: {  	s1 =	rddreg [dreg:$0x1];
	p0 =	sne.s32 s2, $0x0  }
0x41d: {  	s3 =	rddreg [dreg:$0x2];
	[bflag:$0x3] =	sbarrier.arrive $0xFFFF;
	s2 =	simm.s32 @!p0 $0x1C05  }
0x41e: {  	[timem:s3], [sflag:s2] =	dma.local @!p0 [hbm:s0], s1  }
0x41f: {  	s0 =	simm.s32 @!p0 $0x5  }
0x420: {  	_ =	swait.ge @!p0 [sflag:s0], s1  }
0x421: {  	s1 =	ssub.s32 @!p0 $0x0, s1;
	[sflag:s0] =	ssyncset.done @!p0 $0x0  }
0x422: {  	[sflag:s0] =	ssyncadd.s32 @!p0 s1  }
0x423: {  	[bflag:$0x3] =	sbarrier.arrive $0xFFFF  }
0x424: {  	_ =	shalt  }

</sc_bundles>
